<compile_context>
chip_gen: v7x
topology: tpu7x:2x2x1
jax: 0.10.2.dev20260603
libtpu: 0.0.44.dev20260713+nightly
codegen_flags: <defaults>
</compile_context>

<pallas_src>
import functools

import jax
import jax.numpy as jnp
from jax import lax
from jax.experimental import pallas as pl
from jax.experimental.pallas import tpu as pltpu
from jax.experimental.pallas import tpu_sc as plsc

B, T, D = 2, 2048, 2048
NC, NS, L = 2, 16, 16
NW = NC * NS
ROWS_PER_W = T // NW
R = 8
N_CHUNKS = ROWS_PER_W // R
NBUF = 2

_mesh = plsc.VectorSubcoreMesh(core_axis_name="c", subcore_axis_name="s")


@functools.partial(
    pl.kernel,
    mesh=_mesh,
    out_type=jax.ShapeDtypeStruct((B * T, D), jnp.float32),
    scratch_types=[
        pltpu.VMEM((NBUF, R, D), jnp.float32),
        pltpu.VMEM((NBUF, R, D), jnp.float32),
        pltpu.VMEM((NBUF, R, D), jnp.float32),
        pltpu.SemaphoreType.DMA,
        pltpu.SemaphoreType.DMA,
        pltpu.SemaphoreType.DMA,
        pltpu.SemaphoreType.DMA,
    ],
)
def _sc_add(x_hbm, pe_hbm, out_hbm, x0_v, x1_v, pe_v,
            in_sem0, in_sem1, out_sem0, out_sem1):
    in_sems = (in_sem0, in_sem1)
    out_sems = (out_sem0, out_sem1)
    wid = lax.axis_index("s") * NC + lax.axis_index("c")
    base = wid * ROWS_PER_W

    def issue_in(ci):
        s = ci % NBUF
        row = base + ci * R
        sem = in_sems[s]
        return (
            pltpu.async_copy(pe_hbm.at[pl.ds(row, R), :], pe_v.at[s], sem),
            pltpu.async_copy(x_hbm.at[pl.ds(row, R), :], x0_v.at[s], sem),
            pltpu.async_copy(x_hbm.at[pl.ds(T + row, R), :], x1_v.at[s], sem),
        )

    def issue_out(ci):
        s = ci % NBUF
        row = base + ci * R
        sem = out_sems[s]
        return (
            pltpu.async_copy(x0_v.at[s], out_hbm.at[pl.ds(row, R), :], sem),
            pltpu.async_copy(x1_v.at[s], out_hbm.at[pl.ds(T + row, R), :], sem),
        )

    in_h = {0: issue_in(0)}
    out_h = {}

    for ci in range(N_CHUNKS):
        s = ci % NBUF
        nxt = ci + 1
        if nxt < N_CHUNKS:
            prev = nxt - NBUF
            if prev >= 0:
                for h in out_h.pop(prev):
                    h.wait()
            in_h[nxt] = issue_in(nxt)

        for h in in_h.pop(ci):
            h.wait()

        @plsc.parallel_loop(0, D, step=L, unroll=2)
        def add_body(i, s=s):
            for r in range(R):
                pe16 = pe_v[s, r, pl.ds(i, L)]
                plsc.addupdate(x0_v.at[s, r, pl.ds(i, L)], pe16)
                plsc.addupdate(x1_v.at[s, r, pl.ds(i, L)], pe16)

        out_h[ci] = issue_out(ci)

    for ci in sorted(out_h):
        for h in out_h[ci]:
            h.wait()


def kernel(x, pe):
    out2 = _sc_add(x.reshape(B * T, D), pe.reshape(T, D))
    return out2.reshape(B, T, D)

# --- scband reference (transcript-rebuilt; emitter-appended) ---
"""Pipeline reference for scband-gptembeddings-73083163508878 (READ-ONLY COPY).

The authoritative reference and input builder live on the scoring server;
editing this copy changes nothing except your own understanding.
"""

import jax, jax.numpy as jnp
import numpy as np

B, T, D = 2, 2048, 2048
HIDDEN = 2048  # config.hidden_size

def setup_inputs(seed: int = 0) -> dict:
    key = jax.random.key(seed)
    k1, k2 = jax.random.split(key)
    x = jax.random.normal(k1, (B, T, D), dtype=jnp.float32)
    # learned positional embedding table, stored as [1, 1, hidden, hidden]
    # (original module creates nn.Embedding(hidden, hidden) and views its weight as [1,1,H,H])
    pe = jax.random.normal(k2, (1, 1, HIDDEN, HIDDEN), dtype=jnp.float32) * 0.02
    return {"x": x, "pe": pe}

def reference(x, pe):
    # out = x + pe[:, :, :T, :T] : adds a learned [T, T(=D)] positional bias to every
    # batch element. The original torch source contains a bug (calling a sliced tensor);
    # the faithful intended math is the broadcast add of the sliced table.
    _, T_, _ = x.shape
    out = x + pe[0, 0, :T_, :T_]
    return out

if __name__ == "__main__":
    import jax
    _d = setup_inputs()
    print(jax.jit(kernel)(*tuple(_d.values())))

</pallas_src>

<mosaic_0001>
#map = affine_map<(d0, d1) -> (0, 0)>
module attributes {stable_mosaic.version = 14 : i64} {
  func.func @_sc_add(%arg0: i32, %arg1: i32, %arg2: memref<4096x2048xf32, #tpu.memory_space<hbm>>, %arg3: memref<2048x2048xf32, #tpu.memory_space<hbm>>, %arg4: memref<4096x2048xf32, #tpu.memory_space<hbm>>, %arg5: memref<2x8x2048xf32, #tpu.memory_space<vmem>>, %arg6: memref<2x8x2048xf32, #tpu.memory_space<vmem>>, %arg7: memref<2x8x2048xf32, #tpu.memory_space<vmem>>, %arg8: memref<!tpu.dma_semaphore, #tpu.memory_space<semaphore_mem>>, %arg9: memref<!tpu.dma_semaphore, #tpu.memory_space<semaphore_mem>>, %arg10: memref<!tpu.dma_semaphore, #tpu.memory_space<semaphore_mem>>, %arg11: memref<!tpu.dma_semaphore, #tpu.memory_space<semaphore_mem>>) attributes {dimension_semantics = [#tpu.dimension_semantics<core_parallel>, #tpu.dimension_semantics<subcore_parallel>], iteration_bounds = array<i64: 2, 16>, scalar_prefetch = 0 : i64, scratch_operands = 7 : i64, tpu.core_type = #tpu.core_type<sc_vector_subcore>, window_params = [{transform_indices = #map}, {transform_indices = #map}, {transform_indices = #map}]} {
    %mul3A = arith.constant 2 : i32
    %mul3A_0 = arith.muli %arg1, %mul3A : i32
    %add3A = arith.addi %mul3A_0, %arg0 : i32
    %mul3A_1 = arith.constant 64 : i32
    %mul3A_2 = arith.muli %add3A, %mul3A_1 : i32
    %add3A_3 = arith.constant 0 : i32
    %add3A_4 = arith.addi %mul3A_2, %add3A_3 : i32
    %dma_start3A = arith.constant 0 : i32
    %dma_start3A_5 = arith.constant 0 : i32
    %dma_start3A_6 = arith.constant 0 : i32
    %dma_start3A_7 = tpu.memref_slice %arg7[%dma_start3A, %dma_start3A_5, %dma_start3A_6] : memref<2x8x2048xf32, #tpu.memory_space<vmem>> -> memref<1x8x2048xf32, #tpu.memory_space<vmem>>
    %dma_start3A_8 = tpu.memref_squeeze %dma_start3A_7 : memref<1x8x2048xf32, #tpu.memory_space<vmem>> -> memref<8x2048xf32, #tpu.memory_space<vmem>>
    %dma_start3A_9 = arith.constant 0 : i32
    %dma_start3A_10 = tpu.memref_slice %arg3[%add3A_4, %dma_start3A_9] : memref<2048x2048xf32, #tpu.memory_space<hbm>> -> memref<8x2048xf32, #tpu.memory_space<hbm>>
    %dma_start3A_11 = arith.constant 0 : i32
    %dma_start3A_12 = arith.constant 0 : i32
    %dma_start3A_13 = tpu.memref_slice %arg7[%dma_start3A, %dma_start3A_11, %dma_start3A_12] : memref<2x8x2048xf32, #tpu.memory_space<vmem>> -> memref<1x8x2048xf32, #tpu.memory_space<vmem>>
    %dma_start3A_14 = tpu.memref_squeeze %dma_start3A_13 : memref<1x8x2048xf32, #tpu.memory_space<vmem>> -> memref<8x2048xf32, #tpu.memory_space<vmem>>
    %dma_start3A_15 = arith.constant 0 : i32
    %dma_start3A_16 = tpu.memref_slice %arg3[%add3A_4, %dma_start3A_15] : memref<2048x2048xf32, #tpu.memory_space<hbm>> -> memref<8x2048xf32, #tpu.memory_space<hbm>>
    tpu.enqueue_dma source(%dma_start3A_16 : memref<8x2048xf32, #tpu.memory_space<hbm>>) target(%dma_start3A_14 : memref<8x2048xf32, #tpu.memory_space<vmem>>) target_semaphore(%arg8 : memref<!tpu.dma_semaphore, #tpu.memory_space<semaphore_mem>>)
    %dma_start3A_17 = arith.constant 0 : i32
    %dma_start3A_18 = arith.constant 0 : i32
    %dma_start3A_19 = arith.constant 0 : i32
    %dma_start3A_20 = tpu.memref_slice %arg5[%dma_start3A_17, %dma_start3A_18, %dma_start3A_19] : memref<2x8x2048xf32, #tpu.memory_space<vmem>> -> memref<1x8x2048xf32, #tpu.memory_space<vmem>>
    %dma_start3A_21 = tpu.memref_squeeze %dma_start3A_20 : memref<1x8x2048xf32, #tpu.memory_space<vmem>> -> memref<8x2048xf32, #tpu.memory_space<vmem>>
    %dma_start3A_22 = arith.constant 0 : i32
    %dma_start3A_23 = tpu.memref_slice %arg2[%add3A_4, %dma_start3A_22] : memref<4096x2048xf32, #tpu.memory_space<hbm>> -> memref<8x2048xf32, #tpu.memory_space<hbm>>
    %dma_start3A_24 = arith.constant 0 : i32
    %dma_start3A_25 = arith.constant 0 : i32
    %dma_start3A_26 = tpu.memref_slice %arg5[%dma_start3A_17, %dma_start3A_24, %dma_start3A_25] : memref<2x8x2048xf32, #tpu.memory_space<vmem>> -> memref<1x8x2048xf32, #tpu.memory_space<vmem>>
    %dma_start3A_27 = tpu.memref_squeeze %dma_start3A_26 : memref<1x8x2048xf32, #tpu.memory_space<vmem>> -> memref<8x2048xf32, #tpu.memory_space<vmem>>
    %dma_start3A_28 = arith.constant 0 : i32
    %dma_start3A_29 = tpu.memref_slice %arg2[%add3A_4, %dma_start3A_28] : memref<4096x2048xf32, #tpu.memory_space<hbm>> -> memref<8x2048xf32, #tpu.memory_space<hbm>>
    tpu.enqueue_dma source(%dma_start3A_29 : memref<8x2048xf32, #tpu.memory_space<hbm>>) target(%dma_start3A_27 : memref<8x2048xf32, #tpu.memory_space<vmem>>) target_semaphore(%arg8 : memref<!tpu.dma_semaphore, #tpu.memory_space<semaphore_mem>>)
    %add3A_30 = arith.constant 2048 : i32
    %add3A_31 = arith.addi %add3A_30, %add3A_4 : i32
    %dma_start3A_32 = arith.constant 0 : i32
    %dma_start3A_33 = arith.constant 0 : i32
    %dma_start3A_34 = arith.constant 0 : i32
    %dma_start3A_35 = tpu.memref_slice %arg6[%dma_start3A_32, %dma_start3A_33, %dma_start3A_34] : memref<2x8x2048xf32, #tpu.memory_space<vmem>> -> memref<1x8x2048xf32, #tpu.memory_space<vmem>>
    %dma_start3A_36 = tpu.memref_squeeze %dma_start3A_35 : memref<1x8x2048xf32, #tpu.memory_space<vmem>> -> memref<8x2048xf32, #tpu.memory_space<vmem>>
    %dma_start3A_37 = arith.constant 0 : i32
    %dma_start3A_38 = tpu.memref_slice %arg2[%add3A_31, %dma_start3A_37] : memref<4096x2048xf32, #tpu.memory_space<hbm>> -> memref<8x2048xf32, #tpu.memory_space<hbm>>
    %dma_start3A_39 = arith.constant 0 : i32
    %dma_start3A_40 = arith.constant 0 : i32
    %dma_start3A_41 = tpu.memref_slice %arg6[%dma_start3A_32, %dma_start3A_39, %dma_start3A_40] : memref<2x8x2048xf32, #tpu.memory_space<vmem>> -> memref<1x8x2048xf32, #tpu.memory_space<vmem>>
    %dma_start3A_42 = tpu.memref_squeeze %dma_start3A_41 : memref<1x8x2048xf32, #tpu.memory_space<vmem>> -> memref<8x2048xf32, #tpu.memory_space<vmem>>
    %dma_start3A_43 = arith.constant 0 : i32
    %dma_start3A_44 = tpu.memref_slice %arg2[%add3A_31, %dma_start3A_43] : memref<4096x2048xf32, #tpu.memory_space<hbm>> -> memref<8x2048xf32, #tpu.memory_space<hbm>>
    tpu.enqueue_dma source(%dma_start3A_44 : memref<8x2048xf32, #tpu.memory_space<hbm>>) target(%dma_start3A_42 : memref<8x2048xf32, #tpu.memory_space<vmem>>) target_semaphore(%arg8 : memref<!tpu.dma_semaphore, #tpu.memory_space<semaphore_mem>>)
    %add3A_45 = arith.constant 8 : i32
    %add3A_46 = arith.addi %mul3A_2, %add3A_45 : i32
    %dma_start3A_47 = arith.constant 1 : i32
    %dma_start3A_48 = arith.constant 0 : i32
    %dma_start3A_49 = arith.constant 0 : i32
    %dma_start3A_50 = tpu.memref_slice %arg7[%dma_start3A_47, %dma_start3A_48, %dma_start3A_49] : memref<2x8x2048xf32, #tpu.memory_space<vmem>> -> memref<1x8x2048xf32, #tpu.memory_space<vmem>>
    %dma_start3A_51 = tpu.memref_squeeze %dma_start3A_50 : memref<1x8x2048xf32, #tpu.memory_space<vmem>> -> memref<8x2048xf32, #tpu.memory_space<vmem>>
    %dma_start3A_52 = arith.constant 0 : i32
    %dma_start3A_53 = tpu.memref_slice %arg3[%add3A_46, %dma_start3A_52] : memref<2048x2048xf32, #tpu.memory_space<hbm>> -> memref<8x2048xf32, #tpu.memory_space<hbm>>
    %dma_start3A_54 = arith.constant 0 : i32
    %dma_start3A_55 = arith.constant 0 : i32
    %dma_start3A_56 = tpu.memref_slice %arg7[%dma_start3A_47, %dma_start3A_54, %dma_start3A_55] : memref<2x8x2048xf32, #tpu.memory_space<vmem>> -> memref<1x8x2048xf32, #tpu.memory_space<vmem>>
    %dma_start3A_57 = tpu.memref_squeeze %dma_start3A_56 : memref<1x8x2048xf32, #tpu.memory_space<vmem>> -> memref<8x2048xf32, #tpu.memory_space<vmem>>
    %dma_start3A_58 = arith.constant 0 : i32
    %dma_start3A_59 = tpu.memref_slice %arg3[%add3A_46, %dma_start3A_58] : memref<2048x2048xf32, #tpu.memory_space<hbm>> -> memref<8x2048xf32, #tpu.memory_space<hbm>>
    tpu.enqueue_dma source(%dma_start3A_59 : memref<8x2048xf32, #tpu.memory_space<hbm>>) target(%dma_start3A_57 : memref<8x2048xf32, #tpu.memory_space<vmem>>) target_semaphore(%arg9 : memref<!tpu.dma_semaphore, #tpu.memory_space<semaphore_mem>>)
    %dma_start3A_60 = arith.constant 1 : i32
    %dma_start3A_61 = arith.constant 0 : i32
    %dma_start3A_62 = arith.constant 0 : i32
    %dma_start3A_63 = tpu.memref_slice %arg5[%dma_start3A_60, %dma_start3A_61, %dma_start3A_62] : memref<2x8x2048xf32, #tpu.memory_space<vmem>> -> memref<1x8x2048xf32, #tpu.memory_space<vmem>>
    %dma_start3A_64 = tpu.memref_squeeze %dma_start3A_63 : memref<1x8x2048xf32, #tpu.memory_space<vmem>> -> memref<8x2048xf32, #tpu.memory_space<vmem>>
    %dma_start3A_65 = arith.constant 0 : i32
    %dma_start3A_66 = tpu.memref_slice %arg2[%add3A_46, %dma_start3A_65] : memref<4096x2048xf32, #tpu.memory_space<hbm>> -> memref<8x2048xf32, #tpu.memory_space<hbm>>
    %dma_start3A_67 = arith.constant 0 : i32
    %dma_start3A_68 = arith.constant 0 : i32
    %dma_start3A_69 = tpu.memref_slice %arg5[%dma_start3A_60, %dma_start3A_67, %dma_start3A_68] : memref<2x8x2048xf32, #tpu.memory_space<vmem>> -> memref<1x8x2048xf32, #tpu.memory_space<vmem>>
    %dma_start3A_70 = tpu.memref_squeeze %dma_start3A_69 : memref<1x8x2048xf32, #tpu.memory_space<vmem>> -> memref<8x2048xf32, #tpu.memory_space<vmem>>
    %dma_start3A_71 = arith.constant 0 : i32
    %dma_start3A_72 = tpu.memref_slice %arg2[%add3A_46, %dma_start3A_71] : memref<4096x2048xf32, #tpu.memory_space<hbm>> -> memref<8x2048xf32, #tpu.memory_space<hbm>>
    tpu.enqueue_dma source(%dma_start3A_72 : memref<8x2048xf32, #tpu.memory_space<hbm>>) target(%dma_start3A_70 : memref<8x2048xf32, #tpu.memory_space<vmem>>) target_semaphore(%arg9 : memref<!tpu.dma_semaphore, #tpu.memory_space<semaphore_mem>>)
    %add3A_73 = arith.constant 2048 : i32
    %add3A_74 = arith.addi %add3A_73, %add3A_46 : i32
    %dma_start3A_75 = arith.constant 1 : i32
    %dma_start3A_76 = arith.constant 0 : i32
    %dma_start3A_77 = arith.constant 0 : i32
    %dma_start3A_78 = tpu.memref_slice %arg6[%dma_start3A_75, %dma_start3A_76, %dma_start3A_77] : memref<2x8x2048xf32, #tpu.memory_space<vmem>> -> memref<1x8x2048xf32, #tpu.memory_space<vmem>>
    %dma_start3A_79 = tpu.memref_squeeze %dma_start3A_78 : memref<1x8x2048xf32, #tpu.memory_space<vmem>> -> memref<8x2048xf32, #tpu.memory_space<vmem>>
    %dma_start3A_80 = arith.constant 0 : i32
    %dma_start3A_81 = tpu.memref_slice %arg2[%add3A_74, %dma_start3A_80] : memref<4096x2048xf32, #tpu.memory_space<hbm>> -> memref<8x2048xf32, #tpu.memory_space<hbm>>
    %dma_start3A_82 = arith.constant 0 : i32
    %dma_start3A_83 = arith.constant 0 : i32
    %dma_start3A_84 = tpu.memref_slice %arg6[%dma_start3A_75, %dma_start3A_82, %dma_start3A_83] : memref<2x8x2048xf32, #tpu.memory_space<vmem>> -> memref<1x8x2048xf32, #tpu.memory_space<vmem>>
    %dma_start3A_85 = tpu.memref_squeeze %dma_start3A_84 : memref<1x8x2048xf32, #tpu.memory_space<vmem>> -> memref<8x2048xf32, #tpu.memory_space<vmem>>
    %dma_start3A_86 = arith.constant 0 : i32
    %dma_start3A_87 = tpu.memref_slice %arg2[%add3A_74, %dma_start3A_86] : memref<4096x2048xf32, #tpu.memory_space<hbm>> -> memref<8x2048xf32, #tpu.memory_space<hbm>>
    tpu.enqueue_dma source(%dma_start3A_87 : memref<8x2048xf32, #tpu.memory_space<hbm>>) target(%dma_start3A_85 : memref<8x2048xf32, #tpu.memory_space<vmem>>) target_semaphore(%arg9 : memref<!tpu.dma_semaphore, #tpu.memory_space<semaphore_mem>>)
    %dma_wait3A = arith.constant 0 : i32
    %dma_wait3A_88 = arith.constant 0 : i32
    %dma_wait3A_89 = arith.constant 0 : i32
    %dma_wait3A_90 = tpu.memref_slice %arg7[%dma_wait3A, %dma_wait3A_88, %dma_wait3A_89] : memref<2x8x2048xf32, #tpu.memory_space<vmem>> -> memref<1x8x2048xf32, #tpu.memory_space<vmem>>
    %dma_wait3A_91 = tpu.memref_squeeze %dma_wait3A_90 : memref<1x8x2048xf32, #tpu.memory_space<vmem>> -> memref<8x2048xf32, #tpu.memory_space<vmem>>
    %dma_wait3A_92 = arith.constant 0 : i32
    %dma_wait3A_93 = tpu.memref_slice %arg3[%add3A_4, %dma_wait3A_92] : memref<2048x2048xf32, #tpu.memory_space<hbm>> -> memref<8x2048xf32, #tpu.memory_space<hbm>>
    %dma_wait3A_94 = arith.constant 0 : i32
    %dma_wait3A_95 = arith.constant 0 : i32
    %dma_wait3A_96 = tpu.memref_slice %arg7[%dma_wait3A, %dma_wait3A_94, %dma_wait3A_95] : memref<2x8x2048xf32, #tpu.memory_space<vmem>> -> memref<1x8x2048xf32, #tpu.memory_space<vmem>>
    %dma_wait3A_97 = tpu.memref_squeeze %dma_wait3A_96 : memref<1x8x2048xf32, #tpu.memory_space<vmem>> -> memref<8x2048xf32, #tpu.memory_space<vmem>>
    %dma_wait3A_98 = arith.constant 0 : i32
    %dma_wait3A_99 = tpu.memref_slice %arg3[%add3A_4, %dma_wait3A_98] : memref<2048x2048xf32, #tpu.memory_space<hbm>> -> memref<8x2048xf32, #tpu.memory_space<hbm>>
    tpu.wait_dma2 semaphore(%arg8 : memref<!tpu.dma_semaphore, #tpu.memory_space<semaphore_mem>>) src(%dma_wait3A_99 : memref<8x2048xf32, #tpu.memory_space<hbm>>) dst(%dma_wait3A_97 : memref<8x2048xf32, #tpu.memory_space<vmem>>)
    %dma_wait3A_100 = arith.constant 0 : i32
    %dma_wait3A_101 = arith.constant 0 : i32
    %dma_wait3A_102 = arith.constant 0 : i32
    %dma_wait3A_103 = tpu.memref_slice %arg5[%dma_wait3A_100, %dma_wait3A_101, %dma_wait3A_102] : memref<2x8x2048xf32, #tpu.memory_space<vmem>> -> memref<1x8x2048xf32, #tpu.memory_space<vmem>>
    %dma_wait3A_104 = tpu.memref_squeeze %dma_wait3A_103 : memref<1x8x2048xf32, #tpu.memory_space<vmem>> -> memref<8x2048xf32, #tpu.memory_space<vmem>>
    %dma_wait3A_105 = arith.constant 0 : i32
    %dma_wait3A_106 = tpu.memref_slice %arg2[%add3A_4, %dma_wait3A_105] : memref<4096x2048xf32, #tpu.memory_space<hbm>> -> memref<8x2048xf32, #tpu.memory_space<hbm>>
    %dma_wait3A_107 = arith.constant 0 : i32
    %dma_wait3A_108 = arith.constant 0 : i32
    %dma_wait3A_109 = tpu.memref_slice %arg5[%dma_wait3A_100, %dma_wait3A_107, %dma_wait3A_108] : memref<2x8x2048xf32, #tpu.memory_space<vmem>> -> memref<1x8x2048xf32, #tpu.memory_space<vmem>>
    %dma_wait3A_110 = tpu.memref_squeeze %dma_wait3A_109 : memref<1x8x2048xf32, #tpu.memory_space<vmem>> -> memref<8x2048xf32, #tpu.memory_space<vmem>>
    %dma_wait3A_111 = arith.constant 0 : i32
    %dma_wait3A_112 = tpu.memref_slice %arg2[%add3A_4, %dma_wait3A_111] : memref<4096x2048xf32, #tpu.memory_space<hbm>> -> memref<8x2048xf32, #tpu.memory_space<hbm>>
    tpu.wait_dma2 semaphore(%arg8 : memref<!tpu.dma_semaphore, #tpu.memory_space<semaphore_mem>>) src(%dma_wait3A_112 : memref<8x2048xf32, #tpu.memory_space<hbm>>) dst(%dma_wait3A_110 : memref<8x2048xf32, #tpu.memory_space<vmem>>)
    %dma_wait3A_113 = arith.constant 0 : i32
    %dma_wait3A_114 = arith.constant 0 : i32
    %dma_wait3A_115 = arith.constant 0 : i32
    %dma_wait3A_116 = tpu.memref_slice %arg6[%dma_wait3A_113, %dma_wait3A_114, %dma_wait3A_115] : memref<2x8x2048xf32, #tpu.memory_space<vmem>> -> memref<1x8x2048xf32, #tpu.memory_space<vmem>>
    %dma_wait3A_117 = tpu.memref_squeeze %dma_wait3A_116 : memref<1x8x2048xf32, #tpu.memory_space<vmem>> -> memref<8x2048xf32, #tpu.memory_space<vmem>>
    %dma_wait3A_118 = arith.constant 0 : i32
    %dma_wait3A_119 = tpu.memref_slice %arg2[%add3A_31, %dma_wait3A_118] : memref<4096x2048xf32, #tpu.memory_space<hbm>> -> memref<8x2048xf32, #tpu.memory_space<hbm>>
    %dma_wait3A_120 = arith.constant 0 : i32
    %dma_wait3A_121 = arith.constant 0 : i32
    %dma_wait3A_122 = tpu.memref_slice %arg6[%dma_wait3A_113, %dma_wait3A_120, %dma_wait3A_121] : memref<2x8x2048xf32, #tpu.memory_space<vmem>> -> memref<1x8x2048xf32, #tpu.memory_space<vmem>>
    %dma_wait3A_123 = tpu.memref_squeeze %dma_wait3A_122 : memref<1x8x2048xf32, #tpu.memory_space<vmem>> -> memref<8x2048xf32, #tpu.memory_space<vmem>>
    %dma_wait3A_124 = arith.constant 0 : i32
    %dma_wait3A_125 = tpu.memref_slice %arg2[%add3A_31, %dma_wait3A_124] : memref<4096x2048xf32, #tpu.memory_space<hbm>> -> memref<8x2048xf32, #tpu.memory_space<hbm>>
    tpu.wait_dma2 semaphore(%arg8 : memref<!tpu.dma_semaphore, #tpu.memory_space<semaphore_mem>>) src(%dma_wait3A_125 : memref<8x2048xf32, #tpu.memory_space<hbm>>) dst(%dma_wait3A_123 : memref<8x2048xf32, #tpu.memory_space<vmem>>)
    %parallel_loop3A = arith.constant 0 : i32
    %parallel_loop3A_126 = arith.constant 2048 : i32
    %parallel_loop3A_127 = arith.constant 16 : i32
    scf.for %parallel_loop3A_1128 = %parallel_loop3A to %parallel_loop3A_126 step %parallel_loop3A_127  : i32 {
      %parallel_loop3A_1129 = arith.constant 0 : i32
      %parallel_loop3A_1130 = arith.constant 0 : i32
      %parallel_loop3A_1131 = arith.index_cast %parallel_loop3A_1129 : i32 to index
      %parallel_loop3A_1132 = arith.index_cast %parallel_loop3A_1130 : i32 to index
      %parallel_loop3A_1133 = arith.index_cast %parallel_loop3A_1128 : i32 to index
      %parallel_loop3A_1134 = tpu.vector_load %arg7[%parallel_loop3A_1131, %parallel_loop3A_1132, %parallel_loop3A_1133] {strides = array<i32>} : memref<2x8x2048xf32, #tpu.memory_space<vmem>>, vector<1x1x16xf32>,
      %parallel_loop3A_1135 = vector.shape_cast %parallel_loop3A_1134 : vector<1x1x16xf32> to vector<16xf32>
      %parallel_loop3A_1136 = arith.constant 0 : i32
      %parallel_loop3A_1137 = arith.constant 0 : i32
      %parallel_loop3A_1138 = arith.index_cast %parallel_loop3A_1136 : i32 to index
      %parallel_loop3A_1139 = arith.index_cast %parallel_loop3A_1137 : i32 to index
      %parallel_loop3A_1140 = arith.index_cast %parallel_loop3A_1128 : i32 to index
      %parallel_loop3A_1141 = tpu.vector_load %arg5[%parallel_loop3A_1138, %parallel_loop3A_1139, %parallel_loop3A_1140] {strides = array<i32>} : memref<2x8x2048xf32, #tpu.memory_space<vmem>>, vector<1x1x16xf32>,
      %parallel_loop3A_1142 = vector.shape_cast %parallel_loop3A_1141 : vector<1x1x16xf32> to vector<16xf32>
      %parallel_loop3A_1143 = vector.shape_cast %parallel_loop3A_1135 : vector<16xf32> to vector<1x1x16xf32>
      tpu.vector_store %arg5[%parallel_loop3A_1138, %parallel_loop3A_1139, %parallel_loop3A_1140], %parallel_loop3A_1143 {add = true, strides = array<i32>} : memref<2x8x2048xf32, #tpu.memory_space<vmem>>, vector<1x1x16xf32>,
      %parallel_loop3A_1144 = arith.constant 0 : i32
      %parallel_loop3A_1145 = arith.constant 0 : i32
      %parallel_loop3A_1146 = arith.index_cast %parallel_loop3A_1144 : i32 to index
      %parallel_loop3A_1147 = arith.index_cast %parallel_loop3A_1145 : i32 to index
      %parallel_loop3A_1148 = arith.index_cast %parallel_loop3A_1128 : i32 to index
      %parallel_loop3A_1149 = tpu.vector_load %arg6[%parallel_loop3A_1146, %parallel_loop3A_1147, %parallel_loop3A_1148] {strides = array<i32>} : memref<2x8x2048xf32, #tpu.memory_space<vmem>>, vector<1x1x16xf32>,
      %parallel_loop3A_1150 = vector.shape_cast %parallel_loop3A_1149 : vector<1x1x16xf32> to vector<16xf32>
      %parallel_loop3A_1151 = vector.shape_cast %parallel_loop3A_1135 : vector<16xf32> to vector<1x1x16xf32>
      tpu.vector_store %arg6[%parallel_loop3A_1146, %parallel_loop3A_1147, %parallel_loop3A_1148], %parallel_loop3A_1151 {add = true, strides = array<i32>} : memref<2x8x2048xf32, #tpu.memory_space<vmem>>, vector<1x1x16xf32>,
      %parallel_loop3A_1152 = arith.constant 0 : i32
      %parallel_loop3A_1153 = arith.constant 1 : i32
      %parallel_loop3A_1154 = arith.index_cast %parallel_loop3A_1152 : i32 to index
      %parallel_loop3A_1155 = arith.index_cast %parallel_loop3A_1153 : i32 to index
      %parallel_loop3A_1156 = arith.index_cast %parallel_loop3A_1128 : i32 to index
      %parallel_loop3A_1157 = tpu.vector_load %arg7[%parallel_loop3A_1154, %parallel_loop3A_1155, %parallel_loop3A_1156] {strides = array<i32>} : memref<2x8x2048xf32, #tpu.memory_space<vmem>>, vector<1x1x16xf32>,
      %parallel_loop3A_1158 = vector.shape_cast %parallel_loop3A_1157 : vector<1x1x16xf32> to vector<16xf32>
      %parallel_loop3A_1159 = arith.constant 0 : i32
      %parallel_loop3A_1160 = arith.constant 1 : i32
      %parallel_loop3A_1161 = arith.index_cast %parallel_loop3A_1159 : i32 to index
      %parallel_loop3A_1162 = arith.index_cast %parallel_loop3A_1160 : i32 to index
      %parallel_loop3A_1163 = arith.index_cast %parallel_loop3A_1128 : i32 to index
      %parallel_loop3A_1164 = tpu.vector_load %arg5[%parallel_loop3A_1161, %parallel_loop3A_1162, %parallel_loop3A_1163] {strides = array<i32>} : memref<2x8x2048xf32, #tpu.memory_space<vmem>>, vector<1x1x16xf32>,
      %parallel_loop3A_1165 = vector.shape_cast %parallel_loop3A_1164 : vector<1x1x16xf32> to vector<16xf32>
      %parallel_loop3A_1166 = vector.shape_cast %parallel_loop3A_1158 : vector<16xf32> to vector<1x1x16xf32>
      tpu.vector_store %arg5[%parallel_loop3A_1161, %parallel_loop3A_1162, %parallel_loop3A_1163], %parallel_loop3A_1166 {add = true, strides = array<i32>} : memref<2x8x2048xf32, #tpu.memory_space<vmem>>, vector<1x1x16xf32>,
      %parallel_loop3A_1167 = arith.constant 0 : i32
      %parallel_loop3A_1168 = arith.constant 1 : i32
      %parallel_loop3A_1169 = arith.index_cast %parallel_loop3A_1167 : i32 to index
      %parallel_loop3A_1170 = arith.index_cast %parallel_loop3A_1168 : i32 to index
      %parallel_loop3A_1171 = arith.index_cast %parallel_loop3A_1128 : i32 to index
      %parallel_loop3A_1172 = tpu.vector_load %arg6[%parallel_loop3A_1169, %parallel_loop3A_1170, %parallel_loop3A_1171] {strides = array<i32>} : memref<2x8x2048xf32, #tpu.memory_space<vmem>>, vector<1x1x16xf32>,
      %parallel_loop3A_1173 = vector.shape_cast %parallel_loop3A_1172 : vector<1x1x16xf32> to vector<16xf32>
      %parallel_loop3A_1174 = vector.shape_cast %parallel_loop3A_1158 : vector<16xf32> to vector<1x1x16xf32>
      tpu.vector_store %arg6[%parallel_loop3A_1169, %parallel_loop3A_1170, %parallel_loop3A_1171], %parallel_loop3A_1174 {add = true, strides = array<i32>} : memref<2x8x2048xf32, #tpu.memory_space<vmem>>, vector<1x1x16xf32>,
      %parallel_loop3A_1175 = arith.constant 0 : i32
      %parallel_loop3A_1176 = arith.constant 2 : i32
      %parallel_loop3A_1177 = arith.index_cast %parallel_loop3A_1175 : i32 to index
      %parallel_loop3A_1178 = arith.index_cast %parallel_loop3A_1176 : i32 to index
      %parallel_loop3A_1179 = arith.index_cast %parallel_loop3A_1128 : i32 to index
      %parallel_loop3A_1180 = tpu.vector_load %arg7[%parallel_loop3A_1177, %parallel_loop3A_1178, %parallel_loop3A_1179] {strides = array<i32>} : memref<2x8x2048xf32, #tpu.memory_space<vmem>>, vector<1x1x16xf32>,
      %parallel_loop3A_1181 = vector.shape_cast %parallel_loop3A_1180 : vector<1x1x16xf32> to vector<16xf32>
      %parallel_loop3A_1182 = arith.constant 0 : i32
      %parallel_loop3A_1183 = arith.constant 2 : i32
      %parallel_loop3A_1184 = arith.index_cast %parallel_loop3A_1182 : i32 to index
      %parallel_loop3A_1185 = arith.index_cast %parallel_loop3A_1183 : i32 to index
      %parallel_loop3A_1186 = arith.index_cast %parallel_loop3A_1128 : i32 to index
      %parallel_loop3A_1187 = tpu.vector_load %arg5[%parallel_loop3A_1184, %parallel_loop3A_1185, %parallel_loop3A_1186] {strides = array<i32>} : memref<2x8x2048xf32, #tpu.memory_space<vmem>>, vector<1x1x16xf32>,
      %parallel_loop3A_1188 = vector.shape_cast %parallel_loop3A_1187 : vector<1x1x16xf32> to vector<16xf32>
      %parallel_loop3A_1189 = vector.shape_cast %parallel_loop3A_1181 : vector<16xf32> to vector<1x1x16xf32>
      tpu.vector_store %arg5[%parallel_loop3A_1184, %parallel_loop3A_1185, %parallel_loop3A_1186], %parallel_loop3A_1189 {add = true, strides = array<i32>} : memref<2x8x2048xf32, #tpu.memory_space<vmem>>, vector<1x1x16xf32>,
      %parallel_loop3A_1190 = arith.constant 0 : i32
      %parallel_loop3A_1191 = arith.constant 2 : i32
      %parallel_loop3A_1192 = arith.index_cast %parallel_loop3A_1190 : i32 to index
      %parallel_loop3A_1193 = arith.index_cast %parallel_loop3A_1191 : i32 to index
      %parallel_loop3A_1194 = arith.index_cast %parallel_loop3A_1128 : i32 to index
      %parallel_loop3A_1195 = tpu.vector_load %arg6[%parallel_loop3A_1192, %parallel_loop3A_1193, %parallel_loop3A_1194] {strides = array<i32>} : memref<2x8x2048xf32, #tpu.memory_space<vmem>>, vector<1x1x16xf32>,
      %parallel_loop3A_1196 = vector.shape_cast %parallel_loop3A_1195 : vector<1x1x16xf32> to vector<16xf32>
      %parallel_loop3A_1197 = vector.shape_cast %parallel_loop3A_1181 : vector<16xf32> to vector<1x1x16xf32>
      tpu.vector_store %arg6[%parallel_loop3A_1192, %parallel_loop3A_1193, %parallel_loop3A_1194], %parallel_loop3A_1197 {add = true, strides = array<i32>} : memref<2x8x2048xf32, #tpu.memory_space<vmem>>, vector<1x1x16xf32>,
      %parallel_loop3A_1198 = arith.constant 0 : i32
      %parallel_loop3A_1199 = arith.constant 3 : i32
      %parallel_loop3A_1200 = arith.index_cast %parallel_loop3A_1198 : i32 to index
      %parallel_loop3A_1201 = arith.index_cast %parallel_loop3A_1199 : i32 to index
      %parallel_loop3A_1202 = arith.index_cast %parallel_loop3A_1128 : i32 to index
      %parallel_loop3A_1203 = tpu.vector_load %arg7[%parallel_loop3A_1200, %parallel_loop3A_1201, %parallel_loop3A_1202] {strides = array<i32>} : memref<2x8x2048xf32, #tpu.memory_space<vmem>>, vector<1x1x16xf32>,
      %parallel_loop3A_1204 = vector.shape_cast %parallel_loop3A_1203 : vector<1x1x16xf32> to vector<16xf32>
      %parallel_loop3A_1205 = arith.constant 0 : i32
      %parallel_loop3A_1206 = arith.constant 3 : i32
      %parallel_loop3A_1207 = arith.index_cast %parallel_loop3A_1205 : i32 to index
      %parallel_loop3A_1208 = arith.index_cast %parallel_loop3A_1206 : i32 to index
      %parallel_loop3A_1209 = arith.index_cast %parallel_loop3A_1128 : i32 to index
      %parallel_loop3A_1210 = tpu.vector_load %arg5[%parallel_loop3A_1207, %parallel_loop3A_1208, %parallel_loop3A_1209] {strides = array<i32>} : memref<2x8x2048xf32, #tpu.memory_space<vmem>>, vector<1x1x16xf32>,
      %parallel_loop3A_1211 = vector.shape_cast %parallel_loop3A_1210 : vector<1x1x16xf32> to vector<16xf32>
      %parallel_loop3A_1212 = vector.shape_cast %parallel_loop3A_1204 : vector<16xf32> to vector<1x1x16xf32>
      tpu.vector_store %arg5[%parallel_loop3A_1207, %parallel_loop3A_1208, %parallel_loop3A_1209], %parallel_loop3A_1212 {add = true, strides = array<i32>} : memref<2x8x2048xf32, #tpu.memory_space<vmem>>, vector<1x1x16xf32>,
      %parallel_loop3A_1213 = arith.constant 0 : i32
      %parallel_loop3A_1214 = arith.constant 3 : i32
      %parallel_loop3A_1215 = arith.index_cast %parallel_loop3A_1213 : i32 to index
      %parallel_loop3A_1216 = arith.index_cast %parallel_loop3A_1214 : i32 to index
      %parallel_loop3A_1217 = arith.index_cast %parallel_loop3A_1128 : i32 to index
      %parallel_loop3A_1218 = tpu.vector_load %arg6[%parallel_loop3A_1215, %parallel_loop3A_1216, %parallel_loop3A_1217] {strides = array<i32>} : memref<2x8x2048xf32, #tpu.memory_space<vmem>>, vector<1x1x16xf32>,
      %parallel_loop3A_1219 = vector.shape_cast %parallel_loop3A_1218 : vector<1x1x16xf32> to vector<16xf32>
      %parallel_loop3A_1220 = vector.shape_cast %parallel_loop3A_1204 : vector<16xf32> to vector<1x1x16xf32>
      tpu.vector_store %arg6[%parallel_loop3A_1215, %parallel_loop3A_1216, %parallel_loop3A_1217], %parallel_loop3A_1220 {add = true, strides = array<i32>} : memref<2x8x2048xf32, #tpu.memory_space<vmem>>, vector<1x1x16xf32>,
      %parallel_loop3A_1221 = arith.constant 0 : i32
      %parallel_loop3A_1222 = arith.constant 4 : i32
      %parallel_loop3A_1223 = arith.index_cast %parallel_loop3A_1221 : i32 to index
      %parallel_loop3A_1224 = arith.index_cast %parallel_loop3A_1222 : i32 to index
      %parallel_loop3A_1225 = arith.index_cast %parallel_loop3A_1128 : i32 to index
      %parallel_loop3A_1226 = tpu.vector_load %arg7[%parallel_loop3A_1223, %parallel_loop3A_1224, %parallel_loop3A_1225] {strides = array<i32>} : memref<2x8x2048xf32, #tpu.memory_space<vmem>>, vector<1x1x16xf32>,
      %parallel_loop3A_1227 = vector.shape_cast %parallel_loop3A_1226 : vector<1x1x16xf32> to vector<16xf32>
      %parallel_loop3A_1228 = arith.constant 0 : i32
      %parallel_loop3A_1229 = arith.constant 4 : i32
      %parallel_loop3A_1230 = arith.index_cast %parallel_loop3A_1228 : i32 to index
      %parallel_loop3A_1231 = arith.index_cast %parallel_loop3A_1229 : i32 to index
      %parallel_loop3A_1232 = arith.index_cast %parallel_loop3A_1128 : i32 to index
      %parallel_loop3A_1233 = tpu.vector_load %arg5[%parallel_loop3A_1230, %parallel_loop3A_1231, %parallel_loop3A_1232] {strides = array<i32>} : memref<2x8x2048xf32, #tpu.memory_space<vmem>>, vector<1x1x16xf32>,
      %parallel_loop3A_1234 = vector.shape_cast %parallel_loop3A_1233 : vector<1x1x16xf32> to vector<16xf32>
      %parallel_loop3A_1235 = vector.shape_cast %parallel_loop3A_1227 : vector<16xf32> to vector<1x1x16xf32>
      tpu.vector_store %arg5[%parallel_loop3A_1230, %parallel_loop3A_1231, %parallel_loop3A_1232], %parallel_loop3A_1235 {add = true, strides = array<i32>} : memref<2x8x2048xf32, #tpu.memory_space<vmem>>, vector<1x1x16xf32>,
      %parallel_loop3A_1236 = arith.constant 0 : i32
      %parallel_loop3A_1237 = arith.constant 4 : i32
      %parallel_loop3A_1238 = arith.index_cast %parallel_loop3A_1236 : i32 to index
      %parallel_loop3A_1239 = arith.index_cast %parallel_loop3A_1237 : i32 to index
      %parallel_loop3A_1240 = arith.index_cast %parallel_loop3A_1128 : i32 to index
      %parallel_loop3A_1241 = tpu.vector_load %arg6[%parallel_loop3A_1238, %parallel_loop3A_1239, %parallel_loop3A_1240] {strides = array<i32>} : memref<2x8x2048xf32, #tpu.memory_space<vmem>>, vector<1x1x16xf32>,
      %parallel_loop3A_1242 = vector.shape_cast %parallel_loop3A_1241 : vector<1x1x16xf32> to vector<16xf32>
      %parallel_loop3A_1243 = vector.shape_cast %parallel_loop3A_1227 : vector<16xf32> to vector<1x1x16xf32>
      tpu.vector_store %arg6[%parallel_loop3A_1238, %parallel_loop3A_1239, %parallel_loop3A_1240], %parallel_loop3A_1243 {add = true, strides = array<i32>} : memref<2x8x2048xf32, #tpu.memory_space<vmem>>, vector<1x1x16xf32>,
      %parallel_loop3A_1244 = arith.constant 0 : i32
      %parallel_loop3A_1245 = arith.constant 5 : i32
      %parallel_loop3A_1246 = arith.index_cast %parallel_loop3A_1244 : i32 to index
      %parallel_loop3A_1247 = arith.index_cast %parallel_loop3A_1245 : i32 to index
      %parallel_loop3A_1248 = arith.index_cast %parallel_loop3A_1128 : i32 to index
      %parallel_loop3A_1249 = tpu.vector_load %arg7[%parallel_loop3A_1246, %parallel_loop3A_1247, %parallel_loop3A_1248] {strides = array<i32>} : memref<2x8x2048xf32, #tpu.memory_space<vmem>>, vector<1x1x16xf32>,
      %parallel_loop3A_1250 = vector.shape_cast %parallel_loop3A_1249 : vector<1x1x16xf32> to vector<16xf32>
      %parallel_loop3A_1251 = arith.constant 0 : i32
      %parallel_loop3A_1252 = arith.constant 5 : i32
      %parallel_loop3A_1253 = arith.index_cast %parallel_loop3A_1251 : i32 to index
      %parallel_loop3A_1254 = arith.index_cast %parallel_loop3A_1252 : i32 to index
      %parallel_loop3A_1255 = arith.index_cast %parallel_loop3A_1128 : i32 to index
      %parallel_loop3A_1256 = tpu.vector_load %arg5[%parallel_loop3A_1253, %parallel_loop3A_1254, %parallel_loop3A_1255] {strides = array<i32>} : memref<2x8x2048xf32, #tpu.memory_space<vmem>>, vector<1x1x16xf32>,
      %parallel_loop3A_1257 = vector.shape_cast %parallel_loop3A_1256 : vector<1x1x16xf32> to vector<16xf32>
      %parallel_loop3A_1258 = vector.shape_cast %parallel_loop3A_1250 : vector<16xf32> to vector<1x1x16xf32>
      tpu.vector_store %arg5[%parallel_loop3A_1253, %parallel_loop3A_1254, %parallel_loop3A_1255], %parallel_loop3A_1258 {add = true, strides = array<i32>} : memref<2x8x2048xf32, #tpu.memory_space<vmem>>, vector<1x1x16xf32>,
      %parallel_loop3A_1259 = arith.constant 0 : i32
      %parallel_loop3A_1260 = arith.constant 5 : i32
      %parallel_loop3A_1261 = arith.index_cast %parallel_loop3A_1259 : i32 to index
      %parallel_loop3A_1262 = arith.index_cast %parallel_loop3A_1260 : i32 to index
      %parallel_loop3A_1263 = arith.index_cast %parallel_loop3A_1128 : i32 to index
      %parallel_loop3A_1264 = tpu.vector_load %arg6[%parallel_loop3A_1261, %parallel_loop3A_1262, %parallel_loop3A_1263] {strides = array<i32>} : memref<2x8x2048xf32, #tpu.memory_space<vmem>>, vector<1x1x16xf32>,
      %parallel_loop3A_1265 = vector.shape_cast %parallel_loop3A_1264 : vector<1x1x16xf32> to vector<16xf32>
      %parallel_loop3A_1266 = vector.shape_cast %parallel_loop3A_1250 : vector<16xf32> to vector<1x1x16xf32>
      tpu.vector_store %arg6[%parallel_loop3A_1261, %parallel_loop3A_1262, %parallel_loop3A_1263], %parallel_loop3A_1266 {add = true, strides = array<i32>} : memref<2x8x2048xf32, #tpu.memory_space<vmem>>, vector<1x1x16xf32>,
      %parallel_loop3A_1267 = arith.constant 0 : i32
      %parallel_loop3A_1268 = arith.constant 6 : i32
      %parallel_loop3A_1269 = arith.index_cast %parallel_loop3A_1267 : i32 to index
      %parallel_loop3A_1270 = arith.index_cast %parallel_loop3A_1268 : i32 to index
      %parallel_loop3A_1271 = arith.index_cast %parallel_loop3A_1128 : i32 to index
      %parallel_loop3A_1272 = tpu.vector_load %arg7[%parallel_loop3A_1269, %parallel_loop3A_1270, %parallel_loop3A_1271] {strides = array<i32>} : memref<2x8x2048xf32, #tpu.memory_space<vmem>>, vector<1x1x16xf32>,
      %parallel_loop3A_1273 = vector.shape_cast %parallel_loop3A_1272 : vector<1x1x16xf32> to vector<16xf32>
      %parallel_loop3A_1274 = arith.constant 0 : i32
      %parallel_loop3A_1275 = arith.constant 6 : i32
      %parallel_loop3A_1276 = arith.index_cast %parallel_loop3A_1274 : i32 to index
      %parallel_loop3A_1277 = arith.index_cast %parallel_loop3A_1275 : i32 to index
      %parallel_loop3A_1278 = arith.index_cast %parallel_loop3A_1128 : i32 to index
      %parallel_loop3A_1279 = tpu.vector_load %arg5[%parallel_loop3A_1276, %parallel_loop3A_1277, %parallel_loop3A_1278] {strides = array<i32>} : memref<2x8x2048xf32, #tpu.memory_space<vmem>>, vector<1x1x16xf32>,
      %parallel_loop3A_1280 = vector.shape_cast %parallel_loop3A_1279 : vector<1x1x16xf32> to vector<16xf32>
      %parallel_loop3A_1281 = vector.shape_cast %parallel_loop3A_1273 : vector<16xf32> to vector<1x1x16xf32>
      tpu.vector_store %arg5[%parallel_loop3A_1276, %parallel_loop3A_1277, %parallel_loop3A_1278], %parallel_loop3A_1281 {add = true, strides = array<i32>} : memref<2x8x2048xf32, #tpu.memory_space<vmem>>, vector<1x1x16xf32>,
      %parallel_loop3A_1282 = arith.constant 0 : i32
      %parallel_loop3A_1283 = arith.constant 6 : i32
      %parallel_loop3A_1284 = arith.index_cast %parallel_loop3A_1282 : i32 to index
      %parallel_loop3A_1285 = arith.index_cast %parallel_loop3A_1283 : i32 to index
      %parallel_loop3A_1286 = arith.index_cast %parallel_loop3A_1128 : i32 to index
      %parallel_loop3A_1287 = tpu.vector_load %arg6[%parallel_loop3A_1284, %parallel_loop3A_1285, %parallel_loop3A_1286] {strides = array<i32>} : memref<2x8x2048xf32, #tpu.memory_space<vmem>>, vector<1x1x16xf32>,
      %parallel_loop3A_1288 = vector.shape_cast %parallel_loop3A_1287 : vector<1x1x16xf32> to vector<16xf32>
      %parallel_loop3A_1289 = vector.shape_cast %parallel_loop3A_1273 : vector<16xf32> to vector<1x1x16xf32>
      tpu.vector_store %arg6[%parallel_loop3A_1284, %parallel_loop3A_1285, %parallel_loop3A_1286], %parallel_loop3A_1289 {add = true, strides = array<i32>} : memref<2x8x2048xf32, #tpu.memory_space<vmem>>, vector<1x1x16xf32>,
      %parallel_loop3A_1290 = arith.constant 0 : i32
      %parallel_loop3A_1291 = arith.constant 7 : i32
      %parallel_loop3A_1292 = arith.index_cast %parallel_loop3A_1290 : i32 to index
      %parallel_loop3A_1293 = arith.index_cast %parallel_loop3A_1291 : i32 to index
      %parallel_loop3A_1294 = arith.index_cast %parallel_loop3A_1128 : i32 to index
      %parallel_loop3A_1295 = tpu.vector_load %arg7[%parallel_loop3A_1292, %parallel_loop3A_1293, %parallel_loop3A_1294] {strides = array<i32>} : memref<2x8x2048xf32, #tpu.memory_space<vmem>>, vector<1x1x16xf32>,
      %parallel_loop3A_1296 = vector.shape_cast %parallel_loop3A_1295 : vector<1x1x16xf32> to vector<16xf32>
      %parallel_loop3A_1297 = arith.constant 0 : i32
      %parallel_loop3A_1298 = arith.constant 7 : i32
      %parallel_loop3A_1299 = arith.index_cast %parallel_loop3A_1297 : i32 to index
      %parallel_loop3A_1300 = arith.index_cast %parallel_loop3A_1298 : i32 to index
      %parallel_loop3A_1301 = arith.index_cast %parallel_loop3A_1128 : i32 to index
      %parallel_loop3A_1302 = tpu.vector_load %arg5[%parallel_loop3A_1299, %parallel_loop3A_1300, %parallel_loop3A_1301] {strides = array<i32>} : memref<2x8x2048xf32, #tpu.memory_space<vmem>>, vector<1x1x16xf32>,
      %parallel_loop3A_1303 = vector.shape_cast %parallel_loop3A_1302 : vector<1x1x16xf32> to vector<16xf32>
      %parallel_loop3A_1304 = vector.shape_cast %parallel_loop3A_1296 : vector<16xf32> to vector<1x1x16xf32>
      tpu.vector_store %arg5[%parallel_loop3A_1299, %parallel_loop3A_1300, %parallel_loop3A_1301], %parallel_loop3A_1304 {add = true, strides = array<i32>} : memref<2x8x2048xf32, #tpu.memory_space<vmem>>, vector<1x1x16xf32>,
      %parallel_loop3A_1305 = arith.constant 0 : i32
      %parallel_loop3A_1306 = arith.constant 7 : i32
      %parallel_loop3A_1307 = arith.index_cast %parallel_loop3A_1305 : i32 to index
      %parallel_loop3A_1308 = arith.index_cast %parallel_loop3A_1306 : i32 to index
      %parallel_loop3A_1309 = arith.index_cast %parallel_loop3A_1128 : i32 to index
      %parallel_loop3A_1310 = tpu.vector_load %arg6[%parallel_loop3A_1307, %parallel_loop3A_1308, %parallel_loop3A_1309] {strides = array<i32>} : memref<2x8x2048xf32, #tpu.memory_space<vmem>>, vector<1x1x16xf32>,
      %parallel_loop3A_1311 = vector.shape_cast %parallel_loop3A_1310 : vector<1x1x16xf32> to vector<16xf32>
      %parallel_loop3A_1312 = vector.shape_cast %parallel_loop3A_1296 : vector<16xf32> to vector<1x1x16xf32>
      tpu.vector_store %arg6[%parallel_loop3A_1307, %parallel_loop3A_1308, %parallel_loop3A_1309], %parallel_loop3A_1312 {add = true, strides = array<i32>} : memref<2x8x2048xf32, #tpu.memory_space<vmem>>, vector<1x1x16xf32>,
    } {sc.loop_unroll_factor = 2 : i64, sc.parallel_access}
    %add3A_128 = arith.constant 0 : i32
    %add3A_129 = arith.addi %mul3A_2, %add3A_128 : i32
    %dma_start3A_130 = arith.constant 0 : i32
    %dma_start3A_131 = arith.constant 0 : i32
    %dma_start3A_132 = arith.constant 0 : i32
    %dma_start3A_133 = tpu.memref_slice %arg5[%dma_start3A_130, %dma_start3A_131, %dma_start3A_132] : memref<2x8x2048xf32, #tpu.memory_space<vmem>> -> memref<1x8x2048xf32, #tpu.memory_space<vmem>>
    %dma_start3A_134 = tpu.memref_squeeze %dma_start3A_133 : memref<1x8x2048xf32, #tpu.memory_space<vmem>> -> memref<8x2048xf32, #tpu.memory_space<vmem>>
    %dma_start3A_135 = arith.constant 0 : i32
    %dma_start3A_136 = tpu.memref_slice %arg4[%add3A_129, %dma_start3A_135] : memref<4096x2048xf32, #tpu.memory_space<hbm>> -> memref<8x2048xf32, #tpu.memory_space<hbm>>
    %dma_start3A_137 = arith.constant 0 : i32
    %dma_start3A_138 = tpu.memref_slice %arg4[%add3A_129, %dma_start3A_137] : memref<4096x2048xf32, #tpu.memory_space<hbm>> -> memref<8x2048xf32, #tpu.memory_space<hbm>>
    %dma_start3A_139 = arith.constant 0 : i32
    %dma_start3A_140 = arith.constant 0 : i32
    %dma_start3A_141 = tpu.memref_slice %arg5[%dma_start3A_130, %dma_start3A_139, %dma_start3A_140] : memref<2x8x2048xf32, #tpu.memory_space<vmem>> -> memref<1x8x2048xf32, #tpu.memory_space<vmem>>
    %dma_start3A_142 = tpu.memref_squeeze %dma_start3A_141 : memref<1x8x2048xf32, #tpu.memory_space<vmem>> -> memref<8x2048xf32, #tpu.memory_space<vmem>>
    tpu.enqueue_dma source(%dma_start3A_142 : memref<8x2048xf32, #tpu.memory_space<vmem>>) target(%dma_start3A_138 : memref<8x2048xf32, #tpu.memory_space<hbm>>) target_semaphore(%arg10 : memref<!tpu.dma_semaphore, #tpu.memory_space<semaphore_mem>>)
    %add3A_143 = arith.constant 2048 : i32
    %add3A_144 = arith.addi %add3A_143, %add3A_129 : i32
    %dma_start3A_145 = arith.constant 0 : i32
    %dma_start3A_146 = arith.constant 0 : i32
    %dma_start3A_147 = arith.constant 0 : i32
    %dma_start3A_148 = tpu.memref_slice %arg6[%dma_start3A_145, %dma_start3A_146, %dma_start3A_147] : memref<2x8x2048xf32, #tpu.memory_space<vmem>> -> memref<1x8x2048xf32, #tpu.memory_space<vmem>>
    %dma_start3A_149 = tpu.memref_squeeze %dma_start3A_148 : memref<1x8x2048xf32, #tpu.memory_space<vmem>> -> memref<8x2048xf32, #tpu.memory_space<vmem>>
    %dma_start3A_150 = arith.constant 0 : i32
    %dma_start3A_151 = tpu.memref_slice %arg4[%add3A_144, %dma_start3A_150] : memref<4096x2048xf32, #tpu.memory_space<hbm>> -> memref<8x2048xf32, #tpu.memory_space<hbm>>
    %dma_start3A_152 = arith.constant 0 : i32
    %dma_start3A_153 = tpu.memref_slice %arg4[%add3A_144, %dma_start3A_152] : memref<4096x2048xf32, #tpu.memory_space<hbm>> -> memref<8x2048xf32, #tpu.memory_space<hbm>>
    %dma_start3A_154 = arith.constant 0 : i32
    %dma_start3A_155 = arith.constant 0 : i32
    %dma_start3A_156 = tpu.memref_slice %arg6[%dma_start3A_145, %dma_start3A_154, %dma_start3A_155] : memref<2x8x2048xf32, #tpu.memory_space<vmem>> -> memref<1x8x2048xf32, #tpu.memory_space<vmem>>
    %dma_start3A_157 = tpu.memref_squeeze %dma_start3A_156 : memref<1x8x2048xf32, #tpu.memory_space<vmem>> -> memref<8x2048xf32, #tpu.memory_space<vmem>>
    tpu.enqueue_dma source(%dma_start3A_157 : memref<8x2048xf32, #tpu.memory_space<vmem>>) target(%dma_start3A_153 : memref<8x2048xf32, #tpu.memory_space<hbm>>) target_semaphore(%arg10 : memref<!tpu.dma_semaphore, #tpu.memory_space<semaphore_mem>>)
    %dma_wait3A_158 = arith.constant 0 : i32
    %dma_wait3A_159 = arith.constant 0 : i32
    %dma_wait3A_160 = arith.constant 0 : i32
    %dma_wait3A_161 = tpu.memref_slice %arg5[%dma_wait3A_158, %dma_wait3A_159, %dma_wait3A_160] : memref<2x8x2048xf32, #tpu.memory_space<vmem>> -> memref<1x8x2048xf32, #tpu.memory_space<vmem>>
    %dma_wait3A_162 = tpu.memref_squeeze %dma_wait3A_161 : memref<1x8x2048xf32, #tpu.memory_space<vmem>> -> memref<8x2048xf32, #tpu.memory_space<vmem>>
    %dma_wait3A_163 = arith.constant 0 : i32
    %dma_wait3A_164 = tpu.memref_slice %arg4[%add3A_129, %dma_wait3A_163] : memref<4096x2048xf32, #tpu.memory_space<hbm>> -> memref<8x2048xf32, #tpu.memory_space<hbm>>
    %dma_wait3A_165 = arith.constant 0 : i32
    %dma_wait3A_166 = tpu.memref_slice %arg4[%add3A_129, %dma_wait3A_165] : memref<4096x2048xf32, #tpu.memory_space<hbm>> -> memref<8x2048xf32, #tpu.memory_space<hbm>>
    %dma_wait3A_167 = arith.constant 0 : i32
    %dma_wait3A_168 = arith.constant 0 : i32
    %dma_wait3A_169 = tpu.memref_slice %arg5[%dma_wait3A_158, %dma_wait3A_167, %dma_wait3A_168] : memref<2x8x2048xf32, #tpu.memory_space<vmem>> -> memref<1x8x2048xf32, #tpu.memory_space<vmem>>
    %dma_wait3A_170 = tpu.memref_squeeze %dma_wait3A_169 : memref<1x8x2048xf32, #tpu.memory_space<vmem>> -> memref<8x2048xf32, #tpu.memory_space<vmem>>
    tpu.wait_dma2 semaphore(%arg10 : memref<!tpu.dma_semaphore, #tpu.memory_space<semaphore_mem>>) src(%dma_wait3A_170 : memref<8x2048xf32, #tpu.memory_space<vmem>>) dst(%dma_wait3A_166 : memref<8x2048xf32, #tpu.memory_space<hbm>>)
    %dma_wait3A_171 = arith.constant 0 : i32
    %dma_wait3A_172 = arith.constant 0 : i32
    %dma_wait3A_173 = arith.constant 0 : i32
    %dma_wait3A_174 = tpu.memref_slice %arg6[%dma_wait3A_171, %dma_wait3A_172, %dma_wait3A_173] : memref<2x8x2048xf32, #tpu.memory_space<vmem>> -> memref<1x8x2048xf32, #tpu.memory_space<vmem>>
    %dma_wait3A_175 = tpu.memref_squeeze %dma_wait3A_174 : memref<1x8x2048xf32, #tpu.memory_space<vmem>> -> memref<8x2048xf32, #tpu.memory_space<vmem>>
    %dma_wait3A_176 = arith.constant 0 : i32
    %dma_wait3A_177 = tpu.memref_slice %arg4[%add3A_144, %dma_wait3A_176] : memref<4096x2048xf32, #tpu.memory_space<hbm>> -> memref<8x2048xf32, #tpu.memory_space<hbm>>
    %dma_wait3A_178 = arith.constant 0 : i32
    %dma_wait3A_179 = tpu.memref_slice %arg4[%add3A_144, %dma_wait3A_178] : memref<4096x2048xf32, #tpu.memory_space<hbm>> -> memref<8x2048xf32, #tpu.memory_space<hbm>>
    %dma_wait3A_180 = arith.constant 0 : i32
    %dma_wait3A_181 = arith.constant 0 : i32
    %dma_wait3A_182 = tpu.memref_slice %arg6[%dma_wait3A_171, %dma_wait3A_180, %dma_wait3A_181] : memref<2x8x2048xf32, #tpu.memory_space<vmem>> -> memref<1x8x2048xf32, #tpu.memory_space<vmem>>
    %dma_wait3A_183 = tpu.memref_squeeze %dma_wait3A_182 : memref<1x8x2048xf32, #tpu.memory_space<vmem>> -> memref<8x2048xf32, #tpu.memory_space<vmem>>
    tpu.wait_dma2 semaphore(%arg10 : memref<!tpu.dma_semaphore, #tpu.memory_space<semaphore_mem>>) src(%dma_wait3A_183 : memref<8x2048xf32, #tpu.memory_space<vmem>>) dst(%dma_wait3A_179 : memref<8x2048xf32, #tpu.memory_space<hbm>>)
    %add3A_184 = arith.constant 16 : i32
    %add3A_185 = arith.addi %mul3A_2, %add3A_184 : i32
    %dma_start3A_186 = arith.constant 0 : i32
    %dma_start3A_187 = arith.constant 0 : i32
    %dma_start3A_188 = arith.constant 0 : i32
    %dma_start3A_189 = tpu.memref_slice %arg7[%dma_start3A_186, %dma_start3A_187, %dma_start3A_188] : memref<2x8x2048xf32, #tpu.memory_space<vmem>> -> memref<1x8x2048xf32, #tpu.memory_space<vmem>>
    %dma_start3A_190 = tpu.memref_squeeze %dma_start3A_189 : memref<1x8x2048xf32, #tpu.memory_space<vmem>> -> memref<8x2048xf32, #tpu.memory_space<vmem>>
    %dma_start3A_191 = arith.constant 0 : i32
    %dma_start3A_192 = tpu.memref_slice %arg3[%add3A_185, %dma_start3A_191] : memref<2048x2048xf32, #tpu.memory_space<hbm>> -> memref<8x2048xf32, #tpu.memory_space<hbm>>
    %dma_start3A_193 = arith.constant 0 : i32
    %dma_start3A_194 = arith.constant 0 : i32
    %dma_start3A_195 = tpu.memref_slice %arg7[%dma_start3A_186, %dma_start3A_193, %dma_start3A_194] : memref<2x8x2048xf32, #tpu.memory_space<vmem>> -> memref<1x8x2048xf32, #tpu.memory_space<vmem>>
    %dma_start3A_196 = tpu.memref_squeeze %dma_start3A_195 : memref<1x8x2048xf32, #tpu.memory_space<vmem>> -> memref<8x2048xf32, #tpu.memory_space<vmem>>
    %dma_start3A_197 = arith.constant 0 : i32
    %dma_start3A_198 = tpu.memref_slice %arg3[%add3A_185, %dma_start3A_197] : memref<2048x2048xf32, #tpu.memory_space<hbm>> -> memref<8x2048xf32, #tpu.memory_space<hbm>>
    tpu.enqueue_dma source(%dma_start3A_198 : memref<8x2048xf32, #tpu.memory_space<hbm>>) target(%dma_start3A_196 : memref<8x2048xf32, #tpu.memory_space<vmem>>) target_semaphore(%arg8 : memref<!tpu.dma_semaphore, #tpu.memory_space<semaphore_mem>>)
    %dma_start3A_199 = arith.constant 0 : i32
    %dma_start3A_200 = arith.constant 0 : i32
    %dma_start3A_201 = arith.constant 0 : i32
    %dma_start3A_202 = tpu.memref_slice %arg5[%dma_start3A_199, %dma_start3A_200, %dma_start3A_201] : memref<2x8x2048xf32, #tpu.memory_space<vmem>> -> memref<1x8x2048xf32, #tpu.memory_space<vmem>>
    %dma_start3A_203 = tpu.memref_squeeze %dma_start3A_202 : memref<1x8x2048xf32, #tpu.memory_space<vmem>> -> memref<8x2048xf32, #tpu.memory_space<vmem>>
    %dma_start3A_204 = arith.constant 0 : i32
    %dma_start3A_205 = tpu.memref_slice %arg2[%add3A_185, %dma_start3A_204] : memref<4096x2048xf32, #tpu.memory_space<hbm>> -> memref<8x2048xf32, #tpu.memory_space<hbm>>
    %dma_start3A_206 = arith.constant 0 : i32
    %dma_start3A_207 = arith.constant 0 : i32
    %dma_start3A_208 = tpu.memref_slice %arg5[%dma_start3A_199, %dma_start3A_206, %dma_start3A_207] : memref<2x8x2048xf32, #tpu.memory_space<vmem>> -> memref<1x8x2048xf32, #tpu.memory_space<vmem>>
    %dma_start3A_209 = tpu.memref_squeeze %dma_start3A_208 : memref<1x8x2048xf32, #tpu.memory_space<vmem>> -> memref<8x2048xf32, #tpu.memory_space<vmem>>
    %dma_start3A_210 = arith.constant 0 : i32
    %dma_start3A_211 = tpu.memref_slice %arg2[%add3A_185, %dma_start3A_210] : memref<4096x2048xf32, #tpu.memory_space<hbm>> -> memref<8x2048xf32, #tpu.memory_space<hbm>>
    tpu.enqueue_dma source(%dma_start3A_211 : memref<8x2048xf32, #tpu.memory_space<hbm>>) target(%dma_start3A_209 : memref<8x2048xf32, #tpu.memory_space<vmem>>) target_semaphore(%arg8 : memref<!tpu.dma_semaphore, #tpu.memory_space<semaphore_mem>>)
    %add3A_212 = arith.constant 2048 : i32
    %add3A_213 = arith.addi %add3A_212, %add3A_185 : i32
    %dma_start3A_214 = arith.constant 0 : i32
    %dma_start3A_215 = arith.constant 0 : i32
    %dma_start3A_216 = arith.constant 0 : i32
    %dma_start3A_217 = tpu.memref_slice %arg6[%dma_start3A_214, %dma_start3A_215, %dma_start3A_216] : memref<2x8x2048xf32, #tpu.memory_space<vmem>> -> memref<1x8x2048xf32, #tpu.memory_space<vmem>>
    %dma_start3A_218 = tpu.memref_squeeze %dma_start3A_217 : memref<1x8x2048xf32, #tpu.memory_space<vmem>> -> memref<8x2048xf32, #tpu.memory_space<vmem>>
    %dma_start3A_219 = arith.constant 0 : i32
    %dma_start3A_220 = tpu.memref_slice %arg2[%add3A_213, %dma_start3A_219] : memref<4096x2048xf32, #tpu.memory_space<hbm>> -> memref<8x2048xf32, #tpu.memory_space<hbm>>
    %dma_start3A_221 = arith.constant 0 : i32
    %dma_start3A_222 = arith.constant 0 : i32
    %dma_start3A_223 = tpu.memref_slice %arg6[%dma_start3A_214, %dma_start3A_221, %dma_start3A_222] : memref<2x8x2048xf32, #tpu.memory_space<vmem>> -> memref<1x8x2048xf32, #tpu.memory_space<vmem>>
    %dma_start3A_224 = tpu.memref_squeeze %dma_start3A_223 : memref<1x8x2048xf32, #tpu.memory_space<vmem>> -> memref<8x2048xf32, #tpu.memory_space<vmem>>
    %dma_start3A_225 = arith.constant 0 : i32
    %dma_start3A_226 = tpu.memref_slice %arg2[%add3A_213, %dma_start3A_225] : memref<4096x2048xf32, #tpu.memory_space<hbm>> -> memref<8x2048xf32, #tpu.memory_space<hbm>>
    tpu.enqueue_dma source(%dma_start3A_226 : memref<8x2048xf32, #tpu.memory_space<hbm>>) target(%dma_start3A_224 : memref<8x2048xf32, #tpu.memory_space<vmem>>) target_semaphore(%arg8 : memref<!tpu.dma_semaphore, #tpu.memory_space<semaphore_mem>>)
    %dma_wait3A_227 = arith.constant 1 : i32
    %dma_wait3A_228 = arith.constant 0 : i32
    %dma_wait3A_229 = arith.constant 0 : i32
    %dma_wait3A_230 = tpu.memref_slice %arg7[%dma_wait3A_227, %dma_wait3A_228, %dma_wait3A_229] : memref<2x8x2048xf32, #tpu.memory_space<vmem>> -> memref<1x8x2048xf32, #tpu.memory_space<vmem>>
    %dma_wait3A_231 = tpu.memref_squeeze %dma_wait3A_230 : memref<1x8x2048xf32, #tpu.memory_space<vmem>> -> memref<8x2048xf32, #tpu.memory_space<vmem>>
    %dma_wait3A_232 = arith.constant 0 : i32
    %dma_wait3A_233 = tpu.memref_slice %arg3[%add3A_46, %dma_wait3A_232] : memref<2048x2048xf32, #tpu.memory_space<hbm>> -> memref<8x2048xf32, #tpu.memory_space<hbm>>
    %dma_wait3A_234 = arith.constant 0 : i32
    %dma_wait3A_235 = arith.constant 0 : i32
    %dma_wait3A_236 = tpu.memref_slice %arg7[%dma_wait3A_227, %dma_wait3A_234, %dma_wait3A_235] : memref<2x8x2048xf32, #tpu.memory_space<vmem>> -> memref<1x8x2048xf32, #tpu.memory_space<vmem>>
    %dma_wait3A_237 = tpu.memref_squeeze %dma_wait3A_236 : memref<1x8x2048xf32, #tpu.memory_space<vmem>> -> memref<8x2048xf32, #tpu.memory_space<vmem>>
    %dma_wait3A_238 = arith.constant 0 : i32
    %dma_wait3A_239 = tpu.memref_slice %arg3[%add3A_46, %dma_wait3A_238] : memref<2048x2048xf32, #tpu.memory_space<hbm>> -> memref<8x2048xf32, #tpu.memory_space<hbm>>
    tpu.wait_dma2 semaphore(%arg9 : memref<!tpu.dma_semaphore, #tpu.memory_space<semaphore_mem>>) src(%dma_wait3A_239 : memref<8x2048xf32, #tpu.memory_space<hbm>>) dst(%dma_wait3A_237 : memref<8x2048xf32, #tpu.memory_space<vmem>>)
    %dma_wait3A_240 = arith.constant 1 : i32
    %dma_wait3A_241 = arith.constant 0 : i32
    %dma_wait3A_242 = arith.constant 0 : i32
    %dma_wait3A_243 = tpu.memref_slice %arg5[%dma_wait3A_240, %dma_wait3A_241, %dma_wait3A_242] : memref<2x8x2048xf32, #tpu.memory_space<vmem>> -> memref<1x8x2048xf32, #tpu.memory_space<vmem>>
    %dma_wait3A_244 = tpu.memref_squeeze %dma_wait3A_243 : memref<1x8x2048xf32, #tpu.memory_space<vmem>> -> memref<8x2048xf32, #tpu.memory_space<vmem>>
    %dma_wait3A_245 = arith.constant 0 : i32
    %dma_wait3A_246 = tpu.memref_slice %arg2[%add3A_46, %dma_wait3A_245] : memref<4096x2048xf32, #tpu.memory_space<hbm>> -> memref<8x2048xf32, #tpu.memory_space<hbm>>
    %dma_wait3A_247 = arith.constant 0 : i32
    %dma_wait3A_248 = arith.constant 0 : i32
    %dma_wait3A_249 = tpu.memref_slice %arg5[%dma_wait3A_240, %dma_wait3A_247, %dma_wait3A_248] : memref<2x8x2048xf32, #tpu.memory_space<vmem>> -> memref<1x8x2048xf32, #tpu.memory_space<vmem>>
    %dma_wait3A_250 = tpu.memref_squeeze %dma_wait3A_249 : memref<1x8x2048xf32, #tpu.memory_space<vmem>> -> memref<8x2048xf32, #tpu.memory_space<vmem>>
    %dma_wait3A_251 = arith.constant 0 : i32
    %dma_wait3A_252 = tpu.memref_slice %arg2[%add3A_46, %dma_wait3A_251] : memref<4096x2048xf32, #tpu.memory_space<hbm>> -> memref<8x2048xf32, #tpu.memory_space<hbm>>
    tpu.wait_dma2 semaphore(%arg9 : memref<!tpu.dma_semaphore, #tpu.memory_space<semaphore_mem>>) src(%dma_wait3A_252 : memref<8x2048xf32, #tpu.memory_space<hbm>>) dst(%dma_wait3A_250 : memref<8x2048xf32, #tpu.memory_space<vmem>>)
    %dma_wait3A_253 = arith.constant 1 : i32
    %dma_wait3A_254 = arith.constant 0 : i32
    %dma_wait3A_255 = arith.constant 0 : i32
    %dma_wait3A_256 = tpu.memref_slice %arg6[%dma_wait3A_253, %dma_wait3A_254, %dma_wait3A_255] : memref<2x8x2048xf32, #tpu.memory_space<vmem>> -> memref<1x8x2048xf32, #tpu.memory_space<vmem>>
    %dma_wait3A_257 = tpu.memref_squeeze %dma_wait3A_256 : memref<1x8x2048xf32, #tpu.memory_space<vmem>> -> memref<8x2048xf32, #tpu.memory_space<vmem>>
    %dma_wait3A_258 = arith.constant 0 : i32
    %dma_wait3A_259 = tpu.memref_slice %arg2[%add3A_74, %dma_wait3A_258] : memref<4096x2048xf32, #tpu.memory_space<hbm>> -> memref<8x2048xf32, #tpu.memory_space<hbm>>
    %dma_wait3A_260 = arith.constant 0 : i32
    %dma_wait3A_261 = arith.constant 0 : i32
    %dma_wait3A_262 = tpu.memref_slice %arg6[%dma_wait3A_253, %dma_wait3A_260, %dma_wait3A_261] : memref<2x8x2048xf32, #tpu.memory_space<vmem>> -> memref<1x8x2048xf32, #tpu.memory_space<vmem>>
    %dma_wait3A_263 = tpu.memref_squeeze %dma_wait3A_262 : memref<1x8x2048xf32, #tpu.memory_space<vmem>> -> memref<8x2048xf32, #tpu.memory_space<vmem>>
    %dma_wait3A_264 = arith.constant 0 : i32
    %dma_wait3A_265 = tpu.memref_slice %arg2[%add3A_74, %dma_wait3A_264] : memref<4096x2048xf32, #tpu.memory_space<hbm>> -> memref<8x2048xf32, #tpu.memory_space<hbm>>
    tpu.wait_dma2 semaphore(%arg9 : memref<!tpu.dma_semaphore, #tpu.memory_space<semaphore_mem>>) src(%dma_wait3A_265 : memref<8x2048xf32, #tpu.memory_space<hbm>>) dst(%dma_wait3A_263 : memref<8x2048xf32, #tpu.memory_space<vmem>>)
    %parallel_loop3A_266 = arith.constant 0 : i32
    %parallel_loop3A_267 = arith.constant 2048 : i32
    %parallel_loop3A_268 = arith.constant 16 : i32
    scf.for %parallel_loop3A_1128 = %parallel_loop3A_266 to %parallel_loop3A_267 step %parallel_loop3A_268  : i32 {
      %parallel_loop3A_1129 = arith.constant 1 : i32
      %parallel_loop3A_1130 = arith.constant 0 : i32
      %parallel_loop3A_1131 = arith.index_cast %parallel_loop3A_1129 : i32 to index
      %parallel_loop3A_1132 = arith.index_cast %parallel_loop3A_1130 : i32 to index
      %parallel_loop3A_1133 = arith.index_cast %parallel_loop3A_1128 : i32 to index
      %parallel_loop3A_1134 = tpu.vector_load %arg7[%parallel_loop3A_1131, %parallel_loop3A_1132, %parallel_loop3A_1133] {strides = array<i32>} : memref<2x8x2048xf32, #tpu.memory_space<vmem>>, vector<1x1x16xf32>,
      %parallel_loop3A_1135 = vector.shape_cast %parallel_loop3A_1134 : vector<1x1x16xf32> to vector<16xf32>
      %parallel_loop3A_1136 = arith.constant 1 : i32
      %parallel_loop3A_1137 = arith.constant 0 : i32
      %parallel_loop3A_1138 = arith.index_cast %parallel_loop3A_1136 : i32 to index
      %parallel_loop3A_1139 = arith.index_cast %parallel_loop3A_1137 : i32 to index
      %parallel_loop3A_1140 = arith.index_cast %parallel_loop3A_1128 : i32 to index
      %parallel_loop3A_1141 = tpu.vector_load %arg5[%parallel_loop3A_1138, %parallel_loop3A_1139, %parallel_loop3A_1140] {strides = array<i32>} : memref<2x8x2048xf32, #tpu.memory_space<vmem>>, vector<1x1x16xf32>,
      %parallel_loop3A_1142 = vector.shape_cast %parallel_loop3A_1141 : vector<1x1x16xf32> to vector<16xf32>
      %parallel_loop3A_1143 = vector.shape_cast %parallel_loop3A_1135 : vector<16xf32> to vector<1x1x16xf32>
      tpu.vector_store %arg5[%parallel_loop3A_1138, %parallel_loop3A_1139, %parallel_loop3A_1140], %parallel_loop3A_1143 {add = true, strides = array<i32>} : memref<2x8x2048xf32, #tpu.memory_space<vmem>>, vector<1x1x16xf32>,
      %parallel_loop3A_1144 = arith.constant 1 : i32
      %parallel_loop3A_1145 = arith.constant 0 : i32
      %parallel_loop3A_1146 = arith.index_cast %parallel_loop3A_1144 : i32 to index
      %parallel_loop3A_1147 = arith.index_cast %parallel_loop3A_1145 : i32 to index
      %parallel_loop3A_1148 = arith.index_cast %parallel_loop3A_1128 : i32 to index
      %parallel_loop3A_1149 = tpu.vector_load %arg6[%parallel_loop3A_1146, %parallel_loop3A_1147, %parallel_loop3A_1148] {strides = array<i32>} : memref<2x8x2048xf32, #tpu.memory_space<vmem>>, vector<1x1x16xf32>,
      %parallel_loop3A_1150 = vector.shape_cast %parallel_loop3A_1149 : vector<1x1x16xf32> to vector<16xf32>
      %parallel_loop3A_1151 = vector.shape_cast %parallel_loop3A_1135 : vector<16xf32> to vector<1x1x16xf32>
      tpu.vector_store %arg6[%parallel_loop3A_1146, %parallel_loop3A_1147, %parallel_loop3A_1148], %parallel_loop3A_1151 {add = true, strides = array<i32>} : memref<2x8x2048xf32, #tpu.memory_space<vmem>>, vector<1x1x16xf32>,
      %parallel_loop3A_1152 = arith.constant 1 : i32
      %parallel_loop3A_1153 = arith.constant 1 : i32
      %parallel_loop3A_1154 = arith.index_cast %parallel_loop3A_1152 : i32 to index
      %parallel_loop3A_1155 = arith.index_cast %parallel_loop3A_1153 : i32 to index
      %parallel_loop3A_1156 = arith.index_cast %parallel_loop3A_1128 : i32 to index
      %parallel_loop3A_1157 = tpu.vector_load %arg7[%parallel_loop3A_1154, %parallel_loop3A_1155, %parallel_loop3A_1156] {strides = array<i32>} : memref<2x8x2048xf32, #tpu.memory_space<vmem>>, vector<1x1x16xf32>,
      %parallel_loop3A_1158 = vector.shape_cast %parallel_loop3A_1157 : vector<1x1x16xf32> to vector<16xf32>
      %parallel_loop3A_1159 = arith.constant 1 : i32
      %parallel_loop3A_1160 = arith.constant 1 : i32
      %parallel_loop3A_1161 = arith.index_cast %parallel_loop3A_1159 : i32 to index
      %parallel_loop3A_1162 = arith.index_cast %parallel_loop3A_1160 : i32 to index
      %parallel_loop3A_1163 = arith.index_cast %parallel_loop3A_1128 : i32 to index
      %parallel_loop3A_1164 = tpu.vector_load %arg5[%parallel_loop3A_1161, %parallel_loop3A_1162, %parallel_loop3A_1163] {strides = array<i32>} : memref<2x8x2048xf32, #tpu.memory_space<vmem>>, vector<1x1x16xf32>,
      %parallel_loop3A_1165 = vector.shape_cast %parallel_loop3A_1164 : vector<1x1x16xf32> to vector<16xf32>
      %parallel_loop3A_1166 = vector.shape_cast %parallel_loop3A_1158 : vector<16xf32> to vector<1x1x16xf32>
      tpu.vector_store %arg5[%parallel_loop3A_1161, %parallel_loop3A_1162, %parallel_loop3A_1163], %parallel_loop3A_1166 {add = true, strides = array<i32>} : memref<2x8x2048xf32, #tpu.memory_space<vmem>>, vector<1x1x16xf32>,
      %parallel_loop3A_1167 = arith.constant 1 : i32
      %parallel_loop3A_1168 = arith.constant 1 : i32
      %parallel_loop3A_1169 = arith.index_cast %parallel_loop3A_1167 : i32 to index
      %parallel_loop3A_1170 = arith.index_cast %parallel_loop3A_1168 : i32 to index
      %parallel_loop3A_1171 = arith.index_cast %parallel_loop3A_1128 : i32 to index
      %parallel_loop3A_1172 = tpu.vector_load %arg6[%parallel_loop3A_1169, %parallel_loop3A_1170, %parallel_loop3A_1171] {strides = array<i32>} : memref<2x8x2048xf32, #tpu.memory_space<vmem>>, vector<1x1x16xf32>,
      %parallel_loop3A_1173 = vector.shape_cast %parallel_loop3A_1172 : vector<1x1x16xf32> to vector<16xf32>
      %parallel_loop3A_1174 = vector.shape_cast %parallel_loop3A_1158 : vector<16xf32> to vector<1x1x16xf32>
      tpu.vector_store %arg6[%parallel_loop3A_1169, %parallel_loop3A_1170, %parallel_loop3A_1171], %parallel_loop3A_1174 {add = true, strides = array<i32>} : memref<2x8x2048xf32, #tpu.memory_space<vmem>>, vector<1x1x16xf32>,
      %parallel_loop3A_1175 = arith.constant 1 : i32
      %parallel_loop3A_1176 = arith.constant 2 : i32
      %parallel_loop3A_1177 = arith.index_cast %parallel_loop3A_1175 : i32 to index
      %parallel_loop3A_1178 = arith.index_cast %parallel_loop3A_1176 : i32 to index
      %parallel_loop3A_1179 = arith.index_cast %parallel_loop3A_1128 : i32 to index
      %parallel_loop3A_1180 = tpu.vector_load %arg7[%parallel_loop3A_1177, %parallel_loop3A_1178, %parallel_loop3A_1179] {strides = array<i32>} : memref<2x8x2048xf32, #tpu.memory_space<vmem>>, vector<1x1x16xf32>,
      %parallel_loop3A_1181 = vector.shape_cast %parallel_loop3A_1180 : vector<1x1x16xf32> to vector<16xf32>
      %parallel_loop3A_1182 = arith.constant 1 : i32
      %parallel_loop3A_1183 = arith.constant 2 : i32
      %parallel_loop3A_1184 = arith.index_cast %parallel_loop3A_1182 : i32 to index
      %parallel_loop3A_1185 = arith.index_cast %parallel_loop3A_1183 : i32 to index
      %parallel_loop3A_1186 = arith.index_cast %parallel_loop3A_1128 : i32 to index
      %parallel_loop3A_1187 = tpu.vector_load %arg5[%parallel_loop3A_1184, %parallel_loop3A_1185, %parallel_loop3A_1186] {strides = array<i32>} : memref<2x8x2048xf32, #tpu.memory_space<vmem>>, vector<1x1x16xf32>,
      %parallel_loop3A_1188 = vector.shape_cast %parallel_loop3A_1187 : vector<1x1x16xf32> to vector<16xf32>
      %parallel_loop3A_1189 = vector.shape_cast %parallel_loop3A_1181 : vector<16xf32> to vector<1x1x16xf32>
      tpu.vector_store %arg5[%parallel_loop3A_1184, %parallel_loop3A_1185, %parallel_loop3A_1186], %parallel_loop3A_1189 {add = true, strides = array<i32>} : memref<2x8x2048xf32, #tpu.memory_space<vmem>>, vector<1x1x16xf32>,
      %parallel_loop3A_1190 = arith.constant 1 : i32
      %parallel_loop3A_1191 = arith.constant 2 : i32
      %parallel_loop3A_1192 = arith.index_cast %parallel_loop3A_1190 : i32 to index
      %parallel_loop3A_1193 = arith.index_cast %parallel_loop3A_1191 : i32 to index
      %parallel_loop3A_1194 = arith.index_cast %parallel_loop3A_1128 : i32 to index
      %parallel_loop3A_1195 = tpu.vector_load %arg6[%parallel_loop3A_1192, %parallel_loop3A_1193, %parallel_loop3A_1194] {strides = array<i32>} : memref<2x8x2048xf32, #tpu.memory_space<vmem>>, vector<1x1x16xf32>,
      %parallel_loop3A_1196 = vector.shape_cast %parallel_loop3A_1195 : vector<1x1x16xf32> to vector<16xf32>
      %parallel_loop3A_1197 = vector.shape_cast %parallel_loop3A_1181 : vector<16xf32> to vector<1x1x16xf32>
      tpu.vector_store %arg6[%parallel_loop3A_1192, %parallel_loop3A_1193, %parallel_loop3A_1194], %parallel_loop3A_1197 {add = true, strides = array<i32>} : memref<2x8x2048xf32, #tpu.memory_space<vmem>>, vector<1x1x16xf32>,
      %parallel_loop3A_1198 = arith.constant 1 : i32
      %parallel_loop3A_1199 = arith.constant 3 : i32
      %parallel_loop3A_1200 = arith.index_cast %parallel_loop3A_1198 : i32 to index
      %parallel_loop3A_1201 = arith.index_cast %parallel_loop3A_1199 : i32 to index
      %parallel_loop3A_1202 = arith.index_cast %parallel_loop3A_1128 : i32 to index
      %parallel_loop3A_1203 = tpu.vector_load %arg7[%parallel_loop3A_1200, %parallel_loop3A_1201, %parallel_loop3A_1202] {strides = array<i32>} : memref<2x8x2048xf32, #tpu.memory_space<vmem>>, vector<1x1x16xf32>,
      %parallel_loop3A_1204 = vector.shape_cast %parallel_loop3A_1203 : vector<1x1x16xf32> to vector<16xf32>
      %parallel_loop3A_1205 = arith.constant 1 : i32
      %parallel_loop3A_1206 = arith.constant 3 : i32
      %parallel_loop3A_1207 = arith.index_cast %parallel_loop3A_1205 : i32 to index
      %parallel_loop3A_1208 = arith.index_cast %parallel_loop3A_1206 : i32 to index
      %parallel_loop3A_1209 = arith.index_cast %parallel_loop3A_1128 : i32 to index
      %parallel_loop3A_1210 = tpu.vector_load %arg5[%parallel_loop3A_1207, %parallel_loop3A_1208, %parallel_loop3A_1209] {strides = array<i32>} : memref<2x8x2048xf32, #tpu.memory_space<vmem>>, vector<1x1x16xf32>,
      %parallel_loop3A_1211 = vector.shape_cast %parallel_loop3A_1210 : vector<1x1x16xf32> to vector<16xf32>
      %parallel_loop3A_1212 = vector.shape_cast %parallel_loop3A_1204 : vector<16xf32> to vector<1x1x16xf32>
      tpu.vector_store %arg5[%parallel_loop3A_1207, %parallel_loop3A_1208, %parallel_loop3A_1209], %parallel_loop3A_1212 {add = true, strides = array<i32>} : memref<2x8x2048xf32, #tpu.memory_space<vmem>>, vector<1x1x16xf32>,
      %parallel_loop3A_1213 = arith.constant 1 : i32
      %parallel_loop3A_1214 = arith.constant 3 : i32
      %parallel_loop3A_1215 = arith.index_cast %parallel_loop3A_1213 : i32 to index
      %parallel_loop3A_1216 = arith.index_cast %parallel_loop3A_1214 : i32 to index
      %parallel_loop3A_1217 = arith.index_cast %parallel_loop3A_1128 : i32 to index
      %parallel_loop3A_1218 = tpu.vector_load %arg6[%parallel_loop3A_1215, %parallel_loop3A_1216, %parallel_loop3A_1217] {strides = array<i32>} : memref<2x8x2048xf32, #tpu.memory_space<vmem>>, vector<1x1x16xf32>,
      %parallel_loop3A_1219 = vector.shape_cast %parallel_loop3A_1218 : vector<1x1x16xf32> to vector<16xf32>
      %parallel_loop3A_1220 = vector.shape_cast %parallel_loop3A_1204 : vector<16xf32> to vector<1x1x16xf32>
      tpu.vector_store %arg6[%parallel_loop3A_1215, %parallel_loop3A_1216, %parallel_loop3A_1217], %parallel_loop3A_1220 {add = true, strides = array<i32>} : memref<2x8x2048xf32, #tpu.memory_space<vmem>>, vector<1x1x16xf32>,
      %parallel_loop3A_1221 = arith.constant 1 : i32
      %parallel_loop3A_1222 = arith.constant 4 : i32
      %parallel_loop3A_1223 = arith.index_cast %parallel_loop3A_1221 : i32 to index
      %parallel_loop3A_1224 = arith.index_cast %parallel_loop3A_1222 : i32 to index
      %parallel_loop3A_1225 = arith.index_cast %parallel_loop3A_1128 : i32 to index
      %parallel_loop3A_1226 = tpu.vector_load %arg7[%parallel_loop3A_1223, %parallel_loop3A_1224, %parallel_loop3A_1225] {strides = array<i32>} : memref<2x8x2048xf32, #tpu.memory_space<vmem>>, vector<1x1x16xf32>,
      %parallel_loop3A_1227 = vector.shape_cast %parallel_loop3A_1226 : vector<1x1x16xf32> to vector<16xf32>
      %parallel_loop3A_1228 = arith.constant 1 : i32
      %parallel_loop3A_1229 = arith.constant 4 : i32
      %parallel_loop3A_1230 = arith.index_cast %parallel_loop3A_1228 : i32 to index
      %parallel_loop3A_1231 = arith.index_cast %parallel_loop3A_1229 : i32 to index
      %parallel_loop3A_1232 = arith.index_cast %parallel_loop3A_1128 : i32 to index
      %parallel_loop3A_1233 = tpu.vector_load %arg5[%parallel_loop3A_1230, %parallel_loop3A_1231, %parallel_loop3A_1232] {strides = array<i32>} : memref<2x8x2048xf32, #tpu.memory_space<vmem>>, vector<1x1x16xf32>,
      %parallel_loop3A_1234 = vector.shape_cast %parallel_loop3A_1233 : vector<1x1x16xf32> to vector<16xf32>
      %parallel_loop3A_1235 = vector.shape_cast %parallel_loop3A_1227 : vector<16xf32> to vector<1x1x16xf32>
      tpu.vector_store %arg5[%parallel_loop3A_1230, %parallel_loop3A_1231, %parallel_loop3A_1232], %parallel_loop3A_1235 {add = true, strides = array<i32>} : memref<2x8x2048xf32, #tpu.memory_space<vmem>>, vector<1x1x16xf32>,
      %parallel_loop3A_1236 = arith.constant 1 : i32
      %parallel_loop3A_1237 = arith.constant 4 : i32
      %parallel_loop3A_1238 = arith.index_cast %parallel_loop3A_1236 : i32 to index
      %parallel_loop3A_1239 = arith.index_cast %parallel_loop3A_1237 : i32 to index
      %parallel_loop3A_1240 = arith.index_cast %parallel_loop3A_1128 : i32 to index
      %parallel_loop3A_1241 = tpu.vector_load %arg6[%parallel_loop3A_1238, %parallel_loop3A_1239, %parallel_loop3A_1240] {strides = array<i32>} : memref<2x8x2048xf32, #tpu.memory_space<vmem>>, vector<1x1x16xf32>,
      %parallel_loop3A_1242 = vector.shape_cast %parallel_loop3A_1241 : vector<1x1x16xf32> to vector<16xf32>
      %parallel_loop3A_1243 = vector.shape_cast %parallel_loop3A_1227 : vector<16xf32> to vector<1x1x16xf32>
      tpu.vector_store %arg6[%parallel_loop3A_1238, %parallel_loop3A_1239, %parallel_loop3A_1240], %parallel_loop3A_1243 {add = true, strides = array<i32>} : memref<2x8x2048xf32, #tpu.memory_space<vmem>>, vector<1x1x16xf32>,
      %parallel_loop3A_1244 = arith.constant 1 : i32
      %parallel_loop3A_1245 = arith.constant 5 : i32
      %parallel_loop3A_1246 = arith.index_cast %parallel_loop3A_1244 : i32 to index
      %parallel_loop3A_1247 = arith.index_cast %parallel_loop3A_1245 : i32 to index
      %parallel_loop3A_1248 = arith.index_cast %parallel_loop3A_1128 : i32 to index
      %parallel_loop3A_1249 = tpu.vector_load %arg7[%parallel_loop3A_1246, %parallel_loop3A_1247, %parallel_loop3A_1248] {strides = array<i32>} : memref<2x8x2048xf32, #tpu.memory_space<vmem>>, vector<1x1x16xf32>,
      %parallel_loop3A_1250 = vector.shape_cast %parallel_loop3A_1249 : vector<1x1x16xf32> to vector<16xf32>
      %parallel_loop3A_1251 = arith.constant 1 : i32
      %parallel_loop3A_1252 = arith.constant 5 : i32
      %parallel_loop3A_1253 = arith.index_cast %parallel_loop3A_1251 : i32 to index
      %parallel_loop3A_1254 = arith.index_cast %parallel_loop3A_1252 : i32 to index
      %parallel_loop3A_1255 = arith.index_cast %parallel_loop3A_1128 : i32 to index
      %parallel_loop3A_1256 = tpu.vector_load %arg5[%parallel_loop3A_1253, %parallel_loop3A_1254, %parallel_loop3A_1255] {strides = array<i32>} : memref<2x8x2048xf32, #tpu.memory_space<vmem>>, vector<1x1x16xf32>,
      %parallel_loop3A_1257 = vector.shape_cast %parallel_loop3A_1256 : vector<1x1x16xf32> to vector<16xf32>
      %parallel_loop3A_1258 = vector.shape_cast %parallel_loop3A_1250 : vector<16xf32> to vector<1x1x16xf32>
      tpu.vector_store %arg5[%parallel_loop3A_1253, %parallel_loop3A_1254, %parallel_loop3A_1255], %parallel_loop3A_1258 {add = true, strides = array<i32>} : memref<2x8x2048xf32, #tpu.memory_space<vmem>>, vector<1x1x16xf32>,
      %parallel_loop3A_1259 = arith.constant 1 : i32
      %parallel_loop3A_1260 = arith.constant 5 : i32
      %parallel_loop3A_1261 = arith.index_cast %parallel_loop3A_1259 : i32 to index
      %parallel_loop3A_1262 = arith.index_cast %parallel_loop3A_1260 : i32 to index
      %parallel_loop3A_1263 = arith.index_cast %parallel_loop3A_1128 : i32 to index
      %parallel_loop3A_1264 = tpu.vector_load %arg6[%parallel_loop3A_1261, %parallel_loop3A_1262, %parallel_loop3A_1263] {strides = array<i32>} : memref<2x8x2048xf32, #tpu.memory_space<vmem>>, vector<1x1x16xf32>,
      %parallel_loop3A_1265 = vector.shape_cast %parallel_loop3A_1264 : vector<1x1x16xf32> to vector<16xf32>
      %parallel_loop3A_1266 = vector.shape_cast %parallel_loop3A_1250 : vector<16xf32> to vector<1x1x16xf32>
      tpu.vector_store %arg6[%parallel_loop3A_1261, %parallel_loop3A_1262, %parallel_loop3A_1263], %parallel_loop3A_1266 {add = true, strides = array<i32>} : memref<2x8x2048xf32, #tpu.memory_space<vmem>>, vector<1x1x16xf32>,
      %parallel_loop3A_1267 = arith.constant 1 : i32
      %parallel_loop3A_1268 = arith.constant 6 : i32
      %parallel_loop3A_1269 = arith.index_cast %parallel_loop3A_1267 : i32 to index
      %parallel_loop3A_1270 = arith.index_cast %parallel_loop3A_1268 : i32 to index
      %parallel_loop3A_1271 = arith.index_cast %parallel_loop3A_1128 : i32 to index
      %parallel_loop3A_1272 = tpu.vector_load %arg7[%parallel_loop3A_1269, %parallel_loop3A_1270, %parallel_loop3A_1271] {strides = array<i32>} : memref<2x8x2048xf32, #tpu.memory_space<vmem>>, vector<1x1x16xf32>,
      %parallel_loop3A_1273 = vector.shape_cast %parallel_loop3A_1272 : vector<1x1x16xf32> to vector<16xf32>
      %parallel_loop3A_1274 = arith.constant 1 : i32
      %parallel_loop3A_1275 = arith.constant 6 : i32
      %parallel_loop3A_1276 = arith.index_cast %parallel_loop3A_1274 : i32 to index
      %parallel_loop3A_1277 = arith.index_cast %parallel_loop3A_1275 : i32 to index
      %parallel_loop3A_1278 = arith.index_cast %parallel_loop3A_1128 : i32 to index
      %parallel_loop3A_1279 = tpu.vector_load %arg5[%parallel_loop3A_1276, %parallel_loop3A_1277, %parallel_loop3A_1278] {strides = array<i32>} : memref<2x8x2048xf32, #tpu.memory_space<vmem>>, vector<1x1x16xf32>,
      %parallel_loop3A_1280 = vector.shape_cast %parallel_loop3A_1279 : vector<1x1x16xf32> to vector<16xf32>
      %parallel_loop3A_1281 = vector.shape_cast %parallel_loop3A_1273 : vector<16xf32> to vector<1x1x16xf32>
      tpu.vector_store %arg5[%parallel_loop3A_1276, %parallel_loop3A_1277, %parallel_loop3A_1278], %parallel_loop3A_1281 {add = true, strides = array<i32>} : memref<2x8x2048xf32, #tpu.memory_space<vmem>>, vector<1x1x16xf32>,
      %parallel_loop3A_1282 = arith.constant 1 : i32
      %parallel_loop3A_1283 = arith.constant 6 : i32
      %parallel_loop3A_1284 = arith.index_cast %parallel_loop3A_1282 : i32 to index
      %parallel_loop3A_1285 = arith.index_cast %parallel_loop3A_1283 : i32 to index
      %parallel_loop3A_1286 = arith.index_cast %parallel_loop3A_1128 : i32 to index
      %parallel_loop3A_1287 = tpu.vector_load %arg6[%parallel_loop3A_1284, %parallel_loop3A_1285, %parallel_loop3A_1286] {strides = array<i32>} : memref<2x8x2048xf32, #tpu.memory_space<vmem>>, vector<1x1x16xf32>,
      %parallel_loop3A_1288 = vector.shape_cast %parallel_loop3A_1287 : vector<1x1x16xf32> to vector<16xf32>
      %parallel_loop3A_1289 = vector.shape_cast %parallel_loop3A_1273 : vector<16xf32> to vector<1x1x16xf32>
      tpu.vector_store %arg6[%parallel_loop3A_1284, %parallel_loop3A_1285, %parallel_loop3A_1286], %parallel_loop3A_1289 {add = true, strides = array<i32>} : memref<2x8x2048xf32, #tpu.memory_space<vmem>>, vector<1x1x16xf32>,
      %parallel_loop3A_1290 = arith.constant 1 : i32
      %parallel_loop3A_1291 = arith.constant 7 : i32
      %parallel_loop3A_1292 = arith.index_cast %parallel_loop3A_1290 : i32 to index
      %parallel_loop3A_1293 = arith.index_cast %parallel_loop3A_1291 : i32 to index
      %parallel_loop3A_1294 = arith.index_cast %parallel_loop3A_1128 : i32 to index
      %parallel_loop3A_1295 = tpu.vector_load %arg7[%parallel_loop3A_1292, %parallel_loop3A_1293, %parallel_loop3A_1294] {strides = array<i32>} : memref<2x8x2048xf32, #tpu.memory_space<vmem>>, vector<1x1x16xf32>,
      %parallel_loop3A_1296 = vector.shape_cast %parallel_loop3A_1295 : vector<1x1x16xf32> to vector<16xf32>
      %parallel_loop3A_1297 = arith.constant 1 : i32
      %parallel_loop3A_1298 = arith.constant 7 : i32
      %parallel_loop3A_1299 = arith.index_cast %parallel_loop3A_1297 : i32 to index
      %parallel_loop3A_1300 = arith.index_cast %parallel_loop3A_1298 : i32 to index
      %parallel_loop3A_1301 = arith.index_cast %parallel_loop3A_1128 : i32 to index
      %parallel_loop3A_1302 = tpu.vector_load %arg5[%parallel_loop3A_1299, %parallel_loop3A_1300, %parallel_loop3A_1301] {strides = array<i32>} : memref<2x8x2048xf32, #tpu.memory_space<vmem>>, vector<1x1x16xf32>,
      %parallel_loop3A_1303 = vector.shape_cast %parallel_loop3A_1302 : vector<1x1x16xf32> to vector<16xf32>
      %parallel_loop3A_1304 = vector.shape_cast %parallel_loop3A_1296 : vector<16xf32> to vector<1x1x16xf32>
      tpu.vector_store %arg5[%parallel_loop3A_1299, %parallel_loop3A_1300, %parallel_loop3A_1301], %parallel_loop3A_1304 {add = true, strides = array<i32>} : memref<2x8x2048xf32, #tpu.memory_space<vmem>>, vector<1x1x16xf32>,
      %parallel_loop3A_1305 = arith.constant 1 : i32
      %parallel_loop3A_1306 = arith.constant 7 : i32
      %parallel_loop3A_1307 = arith.index_cast %parallel_loop3A_1305 : i32 to index
      %parallel_loop3A_1308 = arith.index_cast %parallel_loop3A_1306 : i32 to index
      %parallel_loop3A_1309 = arith.index_cast %parallel_loop3A_1128 : i32 to index
      %parallel_loop3A_1310 = tpu.vector_load %arg6[%parallel_loop3A_1307, %parallel_loop3A_1308, %parallel_loop3A_1309] {strides = array<i32>} : memref<2x8x2048xf32, #tpu.memory_space<vmem>>, vector<1x1x16xf32>,
      %parallel_loop3A_1311 = vector.shape_cast %parallel_loop3A_1310 : vector<1x1x16xf32> to vector<16xf32>
      %parallel_loop3A_1312 = vector.shape_cast %parallel_loop3A_1296 : vector<16xf32> to vector<1x1x16xf32>
      tpu.vector_store %arg6[%parallel_loop3A_1307, %parallel_loop3A_1308, %parallel_loop3A_1309], %parallel_loop3A_1312 {add = true, strides = array<i32>} : memref<2x8x2048xf32, #tpu.memory_space<vmem>>, vector<1x1x16xf32>,
    } {sc.loop_unroll_factor = 2 : i64, sc.parallel_access}
    %add3A_269 = arith.constant 8 : i32
    %add3A_270 = arith.addi %mul3A_2, %add3A_269 : i32
    %dma_start3A_271 = arith.constant 1 : i32
    %dma_start3A_272 = arith.constant 0 : i32
    %dma_start3A_273 = arith.constant 0 : i32
    %dma_start3A_274 = tpu.memref_slice %arg5[%dma_start3A_271, %dma_start3A_272, %dma_start3A_273] : memref<2x8x2048xf32, #tpu.memory_space<vmem>> -> memref<1x8x2048xf32, #tpu.memory_space<vmem>>
    %dma_start3A_275 = tpu.memref_squeeze %dma_start3A_274 : memref<1x8x2048xf32, #tpu.memory_space<vmem>> -> memref<8x2048xf32, #tpu.memory_space<vmem>>
    %dma_start3A_276 = arith.constant 0 : i32
    %dma_start3A_277 = tpu.memref_slice %arg4[%add3A_270, %dma_start3A_276] : memref<4096x2048xf32, #tpu.memory_space<hbm>> -> memref<8x2048xf32, #tpu.memory_space<hbm>>
    %dma_start3A_278 = arith.constant 0 : i32
    %dma_start3A_279 = tpu.memref_slice %arg4[%add3A_270, %dma_start3A_278] : memref<4096x2048xf32, #tpu.memory_space<hbm>> -> memref<8x2048xf32, #tpu.memory_space<hbm>>
    %dma_start3A_280 = arith.constant 0 : i32
    %dma_start3A_281 = arith.constant 0 : i32
    %dma_start3A_282 = tpu.memref_slice %arg5[%dma_start3A_271, %dma_start3A_280, %dma_start3A_281] : memref<2x8x2048xf32, #tpu.memory_space<vmem>> -> memref<1x8x2048xf32, #tpu.memory_space<vmem>>
    %dma_start3A_283 = tpu.memref_squeeze %dma_start3A_282 : memref<1x8x2048xf32, #tpu.memory_space<vmem>> -> memref<8x2048xf32, #tpu.memory_space<vmem>>
    tpu.enqueue_dma source(%dma_start3A_283 : memref<8x2048xf32, #tpu.memory_space<vmem>>) target(%dma_start3A_279 : memref<8x2048xf32, #tpu.memory_space<hbm>>) target_semaphore(%arg11 : memref<!tpu.dma_semaphore, #tpu.memory_space<semaphore_mem>>)
    %add3A_284 = arith.constant 2048 : i32
    %add3A_285 = arith.addi %add3A_284, %add3A_270 : i32
    %dma_start3A_286 = arith.constant 1 : i32
    %dma_start3A_287 = arith.constant 0 : i32
    %dma_start3A_288 = arith.constant 0 : i32
    %dma_start3A_289 = tpu.memref_slice %arg6[%dma_start3A_286, %dma_start3A_287, %dma_start3A_288] : memref<2x8x2048xf32, #tpu.memory_space<vmem>> -> memref<1x8x2048xf32, #tpu.memory_space<vmem>>
    %dma_start3A_290 = tpu.memref_squeeze %dma_start3A_289 : memref<1x8x2048xf32, #tpu.memory_space<vmem>> -> memref<8x2048xf32, #tpu.memory_space<vmem>>
    %dma_start3A_291 = arith.constant 0 : i32
    %dma_start3A_292 = tpu.memref_slice %arg4[%add3A_285, %dma_start3A_291] : memref<4096x2048xf32, #tpu.memory_space<hbm>> -> memref<8x2048xf32, #tpu.memory_space<hbm>>
    %dma_start3A_293 = arith.constant 0 : i32
    %dma_start3A_294 = tpu.memref_slice %arg4[%add3A_285, %dma_start3A_293] : memref<4096x2048xf32, #tpu.memory_space<hbm>> -> memref<8x2048xf32, #tpu.memory_space<hbm>>
    %dma_start3A_295 = arith.constant 0 : i32
    %dma_start3A_296 = arith.constant 0 : i32
    %dma_start3A_297 = tpu.memref_slice %arg6[%dma_start3A_286, %dma_start3A_295, %dma_start3A_296] : memref<2x8x2048xf32, #tpu.memory_space<vmem>> -> memref<1x8x2048xf32, #tpu.memory_space<vmem>>
    %dma_start3A_298 = tpu.memref_squeeze %dma_start3A_297 : memref<1x8x2048xf32, #tpu.memory_space<vmem>> -> memref<8x2048xf32, #tpu.memory_space<vmem>>
    tpu.enqueue_dma source(%dma_start3A_298 : memref<8x2048xf32, #tpu.memory_space<vmem>>) target(%dma_start3A_294 : memref<8x2048xf32, #tpu.memory_space<hbm>>) target_semaphore(%arg11 : memref<!tpu.dma_semaphore, #tpu.memory_space<semaphore_mem>>)
    %dma_wait3A_299 = arith.constant 1 : i32
    %dma_wait3A_300 = arith.constant 0 : i32
    %dma_wait3A_301 = arith.constant 0 : i32
    %dma_wait3A_302 = tpu.memref_slice %arg5[%dma_wait3A_299, %dma_wait3A_300, %dma_wait3A_301] : memref<2x8x2048xf32, #tpu.memory_space<vmem>> -> memref<1x8x2048xf32, #tpu.memory_space<vmem>>
    %dma_wait3A_303 = tpu.memref_squeeze %dma_wait3A_302 : memref<1x8x2048xf32, #tpu.memory_space<vmem>> -> memref<8x2048xf32, #tpu.memory_space<vmem>>
    %dma_wait3A_304 = arith.constant 0 : i32
    %dma_wait3A_305 = tpu.memref_slice %arg4[%add3A_270, %dma_wait3A_304] : memref<4096x2048xf32, #tpu.memory_space<hbm>> -> memref<8x2048xf32, #tpu.memory_space<hbm>>
    %dma_wait3A_306 = arith.constant 0 : i32
    %dma_wait3A_307 = tpu.memref_slice %arg4[%add3A_270, %dma_wait3A_306] : memref<4096x2048xf32, #tpu.memory_space<hbm>> -> memref<8x2048xf32, #tpu.memory_space<hbm>>
    %dma_wait3A_308 = arith.constant 0 : i32
    %dma_wait3A_309 = arith.constant 0 : i32
    %dma_wait3A_310 = tpu.memref_slice %arg5[%dma_wait3A_299, %dma_wait3A_308, %dma_wait3A_309] : memref<2x8x2048xf32, #tpu.memory_space<vmem>> -> memref<1x8x2048xf32, #tpu.memory_space<vmem>>
    %dma_wait3A_311 = tpu.memref_squeeze %dma_wait3A_310 : memref<1x8x2048xf32, #tpu.memory_space<vmem>> -> memref<8x2048xf32, #tpu.memory_space<vmem>>
    tpu.wait_dma2 semaphore(%arg11 : memref<!tpu.dma_semaphore, #tpu.memory_space<semaphore_mem>>) src(%dma_wait3A_311 : memref<8x2048xf32, #tpu.memory_space<vmem>>) dst(%dma_wait3A_307 : memref<8x2048xf32, #tpu.memory_space<hbm>>)
    %dma_wait3A_312 = arith.constant 1 : i32
    %dma_wait3A_313 = arith.constant 0 : i32
    %dma_wait3A_314 = arith.constant 0 : i32
    %dma_wait3A_315 = tpu.memref_slice %arg6[%dma_wait3A_312, %dma_wait3A_313, %dma_wait3A_314] : memref<2x8x2048xf32, #tpu.memory_space<vmem>> -> memref<1x8x2048xf32, #tpu.memory_space<vmem>>
    %dma_wait3A_316 = tpu.memref_squeeze %dma_wait3A_315 : memref<1x8x2048xf32, #tpu.memory_space<vmem>> -> memref<8x2048xf32, #tpu.memory_space<vmem>>
    %dma_wait3A_317 = arith.constant 0 : i32
    %dma_wait3A_318 = tpu.memref_slice %arg4[%add3A_285, %dma_wait3A_317] : memref<4096x2048xf32, #tpu.memory_space<hbm>> -> memref<8x2048xf32, #tpu.memory_space<hbm>>
    %dma_wait3A_319 = arith.constant 0 : i32
    %dma_wait3A_320 = tpu.memref_slice %arg4[%add3A_285, %dma_wait3A_319] : memref<4096x2048xf32, #tpu.memory_space<hbm>> -> memref<8x2048xf32, #tpu.memory_space<hbm>>
    %dma_wait3A_321 = arith.constant 0 : i32
    %dma_wait3A_322 = arith.constant 0 : i32
    %dma_wait3A_323 = tpu.memref_slice %arg6[%dma_wait3A_312, %dma_wait3A_321, %dma_wait3A_322] : memref<2x8x2048xf32, #tpu.memory_space<vmem>> -> memref<1x8x2048xf32, #tpu.memory_space<vmem>>
    %dma_wait3A_324 = tpu.memref_squeeze %dma_wait3A_323 : memref<1x8x2048xf32, #tpu.memory_space<vmem>> -> memref<8x2048xf32, #tpu.memory_space<vmem>>
    tpu.wait_dma2 semaphore(%arg11 : memref<!tpu.dma_semaphore, #tpu.memory_space<semaphore_mem>>) src(%dma_wait3A_324 : memref<8x2048xf32, #tpu.memory_space<vmem>>) dst(%dma_wait3A_320 : memref<8x2048xf32, #tpu.memory_space<hbm>>)
    %add3A_325 = arith.constant 24 : i32
    %add3A_326 = arith.addi %mul3A_2, %add3A_325 : i32
    %dma_start3A_327 = arith.constant 1 : i32
    %dma_start3A_328 = arith.constant 0 : i32
    %dma_start3A_329 = arith.constant 0 : i32
    %dma_start3A_330 = tpu.memref_slice %arg7[%dma_start3A_327, %dma_start3A_328, %dma_start3A_329] : memref<2x8x2048xf32, #tpu.memory_space<vmem>> -> memref<1x8x2048xf32, #tpu.memory_space<vmem>>
    %dma_start3A_331 = tpu.memref_squeeze %dma_start3A_330 : memref<1x8x2048xf32, #tpu.memory_space<vmem>> -> memref<8x2048xf32, #tpu.memory_space<vmem>>
    %dma_start3A_332 = arith.constant 0 : i32
    %dma_start3A_333 = tpu.memref_slice %arg3[%add3A_326, %dma_start3A_332] : memref<2048x2048xf32, #tpu.memory_space<hbm>> -> memref<8x2048xf32, #tpu.memory_space<hbm>>
    %dma_start3A_334 = arith.constant 0 : i32
    %dma_start3A_335 = arith.constant 0 : i32
    %dma_start3A_336 = tpu.memref_slice %arg7[%dma_start3A_327, %dma_start3A_334, %dma_start3A_335] : memref<2x8x2048xf32, #tpu.memory_space<vmem>> -> memref<1x8x2048xf32, #tpu.memory_space<vmem>>
    %dma_start3A_337 = tpu.memref_squeeze %dma_start3A_336 : memref<1x8x2048xf32, #tpu.memory_space<vmem>> -> memref<8x2048xf32, #tpu.memory_space<vmem>>
    %dma_start3A_338 = arith.constant 0 : i32
    %dma_start3A_339 = tpu.memref_slice %arg3[%add3A_326, %dma_start3A_338] : memref<2048x2048xf32, #tpu.memory_space<hbm>> -> memref<8x2048xf32, #tpu.memory_space<hbm>>
    tpu.enqueue_dma source(%dma_start3A_339 : memref<8x2048xf32, #tpu.memory_space<hbm>>) target(%dma_start3A_337 : memref<8x2048xf32, #tpu.memory_space<vmem>>) target_semaphore(%arg9 : memref<!tpu.dma_semaphore, #tpu.memory_space<semaphore_mem>>)
    %dma_start3A_340 = arith.constant 1 : i32
    %dma_start3A_341 = arith.constant 0 : i32
    %dma_start3A_342 = arith.constant 0 : i32
    %dma_start3A_343 = tpu.memref_slice %arg5[%dma_start3A_340, %dma_start3A_341, %dma_start3A_342] : memref<2x8x2048xf32, #tpu.memory_space<vmem>> -> memref<1x8x2048xf32, #tpu.memory_space<vmem>>
    %dma_start3A_344 = tpu.memref_squeeze %dma_start3A_343 : memref<1x8x2048xf32, #tpu.memory_space<vmem>> -> memref<8x2048xf32, #tpu.memory_space<vmem>>
    %dma_start3A_345 = arith.constant 0 : i32
    %dma_start3A_346 = tpu.memref_slice %arg2[%add3A_326, %dma_start3A_345] : memref<4096x2048xf32, #tpu.memory_space<hbm>> -> memref<8x2048xf32, #tpu.memory_space<hbm>>
    %dma_start3A_347 = arith.constant 0 : i32
    %dma_start3A_348 = arith.constant 0 : i32
    %dma_start3A_349 = tpu.memref_slice %arg5[%dma_start3A_340, %dma_start3A_347, %dma_start3A_348] : memref<2x8x2048xf32, #tpu.memory_space<vmem>> -> memref<1x8x2048xf32, #tpu.memory_space<vmem>>
    %dma_start3A_350 = tpu.memref_squeeze %dma_start3A_349 : memref<1x8x2048xf32, #tpu.memory_space<vmem>> -> memref<8x2048xf32, #tpu.memory_space<vmem>>
    %dma_start3A_351 = arith.constant 0 : i32
    %dma_start3A_352 = tpu.memref_slice %arg2[%add3A_326, %dma_start3A_351] : memref<4096x2048xf32, #tpu.memory_space<hbm>> -> memref<8x2048xf32, #tpu.memory_space<hbm>>
    tpu.enqueue_dma source(%dma_start3A_352 : memref<8x2048xf32, #tpu.memory_space<hbm>>) target(%dma_start3A_350 : memref<8x2048xf32, #tpu.memory_space<vmem>>) target_semaphore(%arg9 : memref<!tpu.dma_semaphore, #tpu.memory_space<semaphore_mem>>)
    %add3A_353 = arith.constant 2048 : i32
    %add3A_354 = arith.addi %add3A_353, %add3A_326 : i32
    %dma_start3A_355 = arith.constant 1 : i32
    %dma_start3A_356 = arith.constant 0 : i32
    %dma_start3A_357 = arith.constant 0 : i32
    %dma_start3A_358 = tpu.memref_slice %arg6[%dma_start3A_355, %dma_start3A_356, %dma_start3A_357] : memref<2x8x2048xf32, #tpu.memory_space<vmem>> -> memref<1x8x2048xf32, #tpu.memory_space<vmem>>
    %dma_start3A_359 = tpu.memref_squeeze %dma_start3A_358 : memref<1x8x2048xf32, #tpu.memory_space<vmem>> -> memref<8x2048xf32, #tpu.memory_space<vmem>>
    %dma_start3A_360 = arith.constant 0 : i32
    %dma_start3A_361 = tpu.memref_slice %arg2[%add3A_354, %dma_start3A_360] : memref<4096x2048xf32, #tpu.memory_space<hbm>> -> memref<8x2048xf32, #tpu.memory_space<hbm>>
    %dma_start3A_362 = arith.constant 0 : i32
    %dma_start3A_363 = arith.constant 0 : i32
    %dma_start3A_364 = tpu.memref_slice %arg6[%dma_start3A_355, %dma_start3A_362, %dma_start3A_363] : memref<2x8x2048xf32, #tpu.memory_space<vmem>> -> memref<1x8x2048xf32, #tpu.memory_space<vmem>>
    %dma_start3A_365 = tpu.memref_squeeze %dma_start3A_364 : memref<1x8x2048xf32, #tpu.memory_space<vmem>> -> memref<8x2048xf32, #tpu.memory_space<vmem>>
    %dma_start3A_366 = arith.constant 0 : i32
    %dma_start3A_367 = tpu.memref_slice %arg2[%add3A_354, %dma_start3A_366] : memref<4096x2048xf32, #tpu.memory_space<hbm>> -> memref<8x2048xf32, #tpu.memory_space<hbm>>
    tpu.enqueue_dma source(%dma_start3A_367 : memref<8x2048xf32, #tpu.memory_space<hbm>>) target(%dma_start3A_365 : memref<8x2048xf32, #tpu.memory_space<vmem>>) target_semaphore(%arg9 : memref<!tpu.dma_semaphore, #tpu.memory_space<semaphore_mem>>)
    %dma_wait3A_368 = arith.constant 0 : i32
    %dma_wait3A_369 = arith.constant 0 : i32
    %dma_wait3A_370 = arith.constant 0 : i32
    %dma_wait3A_371 = tpu.memref_slice %arg7[%dma_wait3A_368, %dma_wait3A_369, %dma_wait3A_370] : memref<2x8x2048xf32, #tpu.memory_space<vmem>> -> memref<1x8x2048xf32, #tpu.memory_space<vmem>>
    %dma_wait3A_372 = tpu.memref_squeeze %dma_wait3A_371 : memref<1x8x2048xf32, #tpu.memory_space<vmem>> -> memref<8x2048xf32, #tpu.memory_space<vmem>>
    %dma_wait3A_373 = arith.constant 0 : i32
    %dma_wait3A_374 = tpu.memref_slice %arg3[%add3A_185, %dma_wait3A_373] : memref<2048x2048xf32, #tpu.memory_space<hbm>> -> memref<8x2048xf32, #tpu.memory_space<hbm>>
    %dma_wait3A_375 = arith.constant 0 : i32
    %dma_wait3A_376 = arith.constant 0 : i32
    %dma_wait3A_377 = tpu.memref_slice %arg7[%dma_wait3A_368, %dma_wait3A_375, %dma_wait3A_376] : memref<2x8x2048xf32, #tpu.memory_space<vmem>> -> memref<1x8x2048xf32, #tpu.memory_space<vmem>>
    %dma_wait3A_378 = tpu.memref_squeeze %dma_wait3A_377 : memref<1x8x2048xf32, #tpu.memory_space<vmem>> -> memref<8x2048xf32, #tpu.memory_space<vmem>>
    %dma_wait3A_379 = arith.constant 0 : i32
    %dma_wait3A_380 = tpu.memref_slice %arg3[%add3A_185, %dma_wait3A_379] : memref<2048x2048xf32, #tpu.memory_space<hbm>> -> memref<8x2048xf32, #tpu.memory_space<hbm>>
    tpu.wait_dma2 semaphore(%arg8 : memref<!tpu.dma_semaphore, #tpu.memory_space<semaphore_mem>>) src(%dma_wait3A_380 : memref<8x2048xf32, #tpu.memory_space<hbm>>) dst(%dma_wait3A_378 : memref<8x2048xf32, #tpu.memory_space<vmem>>)
    %dma_wait3A_381 = arith.constant 0 : i32
    %dma_wait3A_382 = arith.constant 0 : i32
    %dma_wait3A_383 = arith.constant 0 : i32
    %dma_wait3A_384 = tpu.memref_slice %arg5[%dma_wait3A_381, %dma_wait3A_382, %dma_wait3A_383] : memref<2x8x2048xf32, #tpu.memory_space<vmem>> -> memref<1x8x2048xf32, #tpu.memory_space<vmem>>
    %dma_wait3A_385 = tpu.memref_squeeze %dma_wait3A_384 : memref<1x8x2048xf32, #tpu.memory_space<vmem>> -> memref<8x2048xf32, #tpu.memory_space<vmem>>
    %dma_wait3A_386 = arith.constant 0 : i32
    %dma_wait3A_387 = tpu.memref_slice %arg2[%add3A_185, %dma_wait3A_386] : memref<4096x2048xf32, #tpu.memory_space<hbm>> -> memref<8x2048xf32, #tpu.memory_space<hbm>>
    %dma_wait3A_388 = arith.constant 0 : i32
    %dma_wait3A_389 = arith.constant 0 : i32
    %dma_wait3A_390 = tpu.memref_slice %arg5[%dma_wait3A_381, %dma_wait3A_388, %dma_wait3A_389] : memref<2x8x2048xf32, #tpu.memory_space<vmem>> -> memref<1x8x2048xf32, #tpu.memory_space<vmem>>
    %dma_wait3A_391 = tpu.memref_squeeze %dma_wait3A_390 : memref<1x8x2048xf32, #tpu.memory_space<vmem>> -> memref<8x2048xf32, #tpu.memory_space<vmem>>
    %dma_wait3A_392 = arith.constant 0 : i32
    %dma_wait3A_393 = tpu.memref_slice %arg2[%add3A_185, %dma_wait3A_392] : memref<4096x2048xf32, #tpu.memory_space<hbm>> -> memref<8x2048xf32, #tpu.memory_space<hbm>>
    tpu.wait_dma2 semaphore(%arg8 : memref<!tpu.dma_semaphore, #tpu.memory_space<semaphore_mem>>) src(%dma_wait3A_393 : memref<8x2048xf32, #tpu.memory_space<hbm>>) dst(%dma_wait3A_391 : memref<8x2048xf32, #tpu.memory_space<vmem>>)
    %dma_wait3A_394 = arith.constant 0 : i32
    %dma_wait3A_395 = arith.constant 0 : i32
    %dma_wait3A_396 = arith.constant 0 : i32
    %dma_wait3A_397 = tpu.memref_slice %arg6[%dma_wait3A_394, %dma_wait3A_395, %dma_wait3A_396] : memref<2x8x2048xf32, #tpu.memory_space<vmem>> -> memref<1x8x2048xf32, #tpu.memory_space<vmem>>
    %dma_wait3A_398 = tpu.memref_squeeze %dma_wait3A_397 : memref<1x8x2048xf32, #tpu.memory_space<vmem>> -> memref<8x2048xf32, #tpu.memory_space<vmem>>
    %dma_wait3A_399 = arith.constant 0 : i32
    %dma_wait3A_400 = tpu.memref_slice %arg2[%add3A_213, %dma_wait3A_399] : memref<4096x2048xf32, #tpu.memory_space<hbm>> -> memref<8x2048xf32, #tpu.memory_space<hbm>>
    %dma_wait3A_401 = arith.constant 0 : i32
    %dma_wait3A_402 = arith.constant 0 : i32
    %dma_wait3A_403 = tpu.memref_slice %arg6[%dma_wait3A_394, %dma_wait3A_401, %dma_wait3A_402] : memref<2x8x2048xf32, #tpu.memory_space<vmem>> -> memref<1x8x2048xf32, #tpu.memory_space<vmem>>
    %dma_wait3A_404 = tpu.memref_squeeze %dma_wait3A_403 : memref<1x8x2048xf32, #tpu.memory_space<vmem>> -> memref<8x2048xf32, #tpu.memory_space<vmem>>
    %dma_wait3A_405 = arith.constant 0 : i32
    %dma_wait3A_406 = tpu.memref_slice %arg2[%add3A_213, %dma_wait3A_405] : memref<4096x2048xf32, #tpu.memory_space<hbm>> -> memref<8x2048xf32, #tpu.memory_space<hbm>>
    tpu.wait_dma2 semaphore(%arg8 : memref<!tpu.dma_semaphore, #tpu.memory_space<semaphore_mem>>) src(%dma_wait3A_406 : memref<8x2048xf32, #tpu.memory_space<hbm>>) dst(%dma_wait3A_404 : memref<8x2048xf32, #tpu.memory_space<vmem>>)
    %parallel_loop3A_407 = arith.constant 0 : i32
    %parallel_loop3A_408 = arith.constant 2048 : i32
    %parallel_loop3A_409 = arith.constant 16 : i32
    scf.for %parallel_loop3A_1128 = %parallel_loop3A_407 to %parallel_loop3A_408 step %parallel_loop3A_409  : i32 {
      %parallel_loop3A_1129 = arith.constant 0 : i32
      %parallel_loop3A_1130 = arith.constant 0 : i32
      %parallel_loop3A_1131 = arith.index_cast %parallel_loop3A_1129 : i32 to index
      %parallel_loop3A_1132 = arith.index_cast %parallel_loop3A_1130 : i32 to index
      %parallel_loop3A_1133 = arith.index_cast %parallel_loop3A_1128 : i32 to index
      %parallel_loop3A_1134 = tpu.vector_load %arg7[%parallel_loop3A_1131, %parallel_loop3A_1132, %parallel_loop3A_1133] {strides = array<i32>} : memref<2x8x2048xf32, #tpu.memory_space<vmem>>, vector<1x1x16xf32>,
      %parallel_loop3A_1135 = vector.shape_cast %parallel_loop3A_1134 : vector<1x1x16xf32> to vector<16xf32>
      %parallel_loop3A_1136 = arith.constant 0 : i32
      %parallel_loop3A_1137 = arith.constant 0 : i32
      %parallel_loop3A_1138 = arith.index_cast %parallel_loop3A_1136 : i32 to index
      %parallel_loop3A_1139 = arith.index_cast %parallel_loop3A_1137 : i32 to index
      %parallel_loop3A_1140 = arith.index_cast %parallel_loop3A_1128 : i32 to index
      %parallel_loop3A_1141 = tpu.vector_load %arg5[%parallel_loop3A_1138, %parallel_loop3A_1139, %parallel_loop3A_1140] {strides = array<i32>} : memref<2x8x2048xf32, #tpu.memory_space<vmem>>, vector<1x1x16xf32>,
      %parallel_loop3A_1142 = vector.shape_cast %parallel_loop3A_1141 : vector<1x1x16xf32> to vector<16xf32>
      %parallel_loop3A_1143 = vector.shape_cast %parallel_loop3A_1135 : vector<16xf32> to vector<1x1x16xf32>
      tpu.vector_store %arg5[%parallel_loop3A_1138, %parallel_loop3A_1139, %parallel_loop3A_1140], %parallel_loop3A_1143 {add = true, strides = array<i32>} : memref<2x8x2048xf32, #tpu.memory_space<vmem>>, vector<1x1x16xf32>,
      %parallel_loop3A_1144 = arith.constant 0 : i32
      %parallel_loop3A_1145 = arith.constant 0 : i32
      %parallel_loop3A_1146 = arith.index_cast %parallel_loop3A_1144 : i32 to index
      %parallel_loop3A_1147 = arith.index_cast %parallel_loop3A_1145 : i32 to index
      %parallel_loop3A_1148 = arith.index_cast %parallel_loop3A_1128 : i32 to index
      %parallel_loop3A_1149 = tpu.vector_load %arg6[%parallel_loop3A_1146, %parallel_loop3A_1147, %parallel_loop3A_1148] {strides = array<i32>} : memref<2x8x2048xf32, #tpu.memory_space<vmem>>, vector<1x1x16xf32>,
      %parallel_loop3A_1150 = vector.shape_cast %parallel_loop3A_1149 : vector<1x1x16xf32> to vector<16xf32>
      %parallel_loop3A_1151 = vector.shape_cast %parallel_loop3A_1135 : vector<16xf32> to vector<1x1x16xf32>
      tpu.vector_store %arg6[%parallel_loop3A_1146, %parallel_loop3A_1147, %parallel_loop3A_1148], %parallel_loop3A_1151 {add = true, strides = array<i32>} : memref<2x8x2048xf32, #tpu.memory_space<vmem>>, vector<1x1x16xf32>,
      %parallel_loop3A_1152 = arith.constant 0 : i32
      %parallel_loop3A_1153 = arith.constant 1 : i32
      %parallel_loop3A_1154 = arith.index_cast %parallel_loop3A_1152 : i32 to index
      %parallel_loop3A_1155 = arith.index_cast %parallel_loop3A_1153 : i32 to index
      %parallel_loop3A_1156 = arith.index_cast %parallel_loop3A_1128 : i32 to index
      %parallel_loop3A_1157 = tpu.vector_load %arg7[%parallel_loop3A_1154, %parallel_loop3A_1155, %parallel_loop3A_1156] {strides = array<i32>} : memref<2x8x2048xf32, #tpu.memory_space<vmem>>, vector<1x1x16xf32>,
      %parallel_loop3A_1158 = vector.shape_cast %parallel_loop3A_1157 : vector<1x1x16xf32> to vector<16xf32>
      %parallel_loop3A_1159 = arith.constant 0 : i32
      %parallel_loop3A_1160 = arith.constant 1 : i32
      %parallel_loop3A_1161 = arith.index_cast %parallel_loop3A_1159 : i32 to index
      %parallel_loop3A_1162 = arith.index_cast %parallel_loop3A_1160 : i32 to index
      %parallel_loop3A_1163 = arith.index_cast %parallel_loop3A_1128 : i32 to index
      %parallel_loop3A_1164 = tpu.vector_load %arg5[%parallel_loop3A_1161, %parallel_loop3A_1162, %parallel_loop3A_1163] {strides = array<i32>} : memref<2x8x2048xf32, #tpu.memory_space<vmem>>, vector<1x1x16xf32>,
      %parallel_loop3A_1165 = vector.shape_cast %parallel_loop3A_1164 : vector<1x1x16xf32> to vector<16xf32>
      %parallel_loop3A_1166 = vector.shape_cast %parallel_loop3A_1158 : vector<16xf32> to vector<1x1x16xf32>
      tpu.vector_store %arg5[%parallel_loop3A_1161, %parallel_loop3A_1162, %parallel_loop3A_1163], %parallel_loop3A_1166 {add = true, strides = array<i32>} : memref<2x8x2048xf32, #tpu.memory_space<vmem>>, vector<1x1x16xf32>,
      %parallel_loop3A_1167 = arith.constant 0 : i32
      %parallel_loop3A_1168 = arith.constant 1 : i32
      %parallel_loop3A_1169 = arith.index_cast %parallel_loop3A_1167 : i32 to index
      %parallel_loop3A_1170 = arith.index_cast %parallel_loop3A_1168 : i32 to index
      %parallel_loop3A_1171 = arith.index_cast %parallel_loop3A_1128 : i32 to index
      %parallel_loop3A_1172 = tpu.vector_load %arg6[%parallel_loop3A_1169, %parallel_loop3A_1170, %parallel_loop3A_1171] {strides = array<i32>} : memref<2x8x2048xf32, #tpu.memory_space<vmem>>, vector<1x1x16xf32>,
      %parallel_loop3A_1173 = vector.shape_cast %parallel_loop3A_1172 : vector<1x1x16xf32> to vector<16xf32>
      %parallel_loop3A_1174 = vector.shape_cast %parallel_loop3A_1158 : vector<16xf32> to vector<1x1x16xf32>
      tpu.vector_store %arg6[%parallel_loop3A_1169, %parallel_loop3A_1170, %parallel_loop3A_1171], %parallel_loop3A_1174 {add = true, strides = array<i32>} : memref<2x8x2048xf32, #tpu.memory_space<vmem>>, vector<1x1x16xf32>,
      %parallel_loop3A_1175 = arith.constant 0 : i32
      %parallel_loop3A_1176 = arith.constant 2 : i32
      %parallel_loop3A_1177 = arith.index_cast %parallel_loop3A_1175 : i32 to index
      %parallel_loop3A_1178 = arith.index_cast %parallel_loop3A_1176 : i32 to index
      %parallel_loop3A_1179 = arith.index_cast %parallel_loop3A_1128 : i32 to index
      %parallel_loop3A_1180 = tpu.vector_load %arg7[%parallel_loop3A_1177, %parallel_loop3A_1178, %parallel_loop3A_1179] {strides = array<i32>} : memref<2x8x2048xf32, #tpu.memory_space<vmem>>, vector<1x1x16xf32>,
      %parallel_loop3A_1181 = vector.shape_cast %parallel_loop3A_1180 : vector<1x1x16xf32> to vector<16xf32>
      %parallel_loop3A_1182 = arith.constant 0 : i32
      %parallel_loop3A_1183 = arith.constant 2 : i32
      %parallel_loop3A_1184 = arith.index_cast %parallel_loop3A_1182 : i32 to index
      %parallel_loop3A_1185 = arith.index_cast %parallel_loop3A_1183 : i32 to index
      %parallel_loop3A_1186 = arith.index_cast %parallel_loop3A_1128 : i32 to index
      %parallel_loop3A_1187 = tpu.vector_load %arg5[%parallel_loop3A_1184, %parallel_loop3A_1185, %parallel_loop3A_1186] {strides = array<i32>} : memref<2x8x2048xf32, #tpu.memory_space<vmem>>, vector<1x1x16xf32>,
      %parallel_loop3A_1188 = vector.shape_cast %parallel_loop3A_1187 : vector<1x1x16xf32> to vector<16xf32>
      %parallel_loop3A_1189 = vector.shape_cast %parallel_loop3A_1181 : vector<16xf32> to vector<1x1x16xf32>
      tpu.vector_store %arg5[%parallel_loop3A_1184, %parallel_loop3A_1185, %parallel_loop3A_1186], %parallel_loop3A_1189 {add = true, strides = array<i32>} : memref<2x8x2048xf32, #tpu.memory_space<vmem>>, vector<1x1x16xf32>,
      %parallel_loop3A_1190 = arith.constant 0 : i32
      %parallel_loop3A_1191 = arith.constant 2 : i32
      %parallel_loop3A_1192 = arith.index_cast %parallel_loop3A_1190 : i32 to index
      %parallel_loop3A_1193 = arith.index_cast %parallel_loop3A_1191 : i32 to index
      %parallel_loop3A_1194 = arith.index_cast %parallel_loop3A_1128 : i32 to index
      %parallel_loop3A_1195 = tpu.vector_load %arg6[%parallel_loop3A_1192, %parallel_loop3A_1193, %parallel_loop3A_1194] {strides = array<i32>} : memref<2x8x2048xf32, #tpu.memory_space<vmem>>, vector<1x1x16xf32>,
      %parallel_loop3A_1196 = vector.shape_cast %parallel_loop3A_1195 : vector<1x1x16xf32> to vector<16xf32>
      %parallel_loop3A_1197 = vector.shape_cast %parallel_loop3A_1181 : vector<16xf32> to vector<1x1x16xf32>
      tpu.vector_store %arg6[%parallel_loop3A_1192, %parallel_loop3A_1193, %parallel_loop3A_1194], %parallel_loop3A_1197 {add = true, strides = array<i32>} : memref<2x8x2048xf32, #tpu.memory_space<vmem>>, vector<1x1x16xf32>,
      %parallel_loop3A_1198 = arith.constant 0 : i32
      %parallel_loop3A_1199 = arith.constant 3 : i32
      %parallel_loop3A_1200 = arith.index_cast %parallel_loop3A_1198 : i32 to index
      %parallel_loop3A_1201 = arith.index_cast %parallel_loop3A_1199 : i32 to index
      %parallel_loop3A_1202 = arith.index_cast %parallel_loop3A_1128 : i32 to index
      %parallel_loop3A_1203 = tpu.vector_load %arg7[%parallel_loop3A_1200, %parallel_loop3A_1201, %parallel_loop3A_1202] {strides = array<i32>} : memref<2x8x2048xf32, #tpu.memory_space<vmem>>, vector<1x1x16xf32>,
      %parallel_loop3A_1204 = vector.shape_cast %parallel_loop3A_1203 : vector<1x1x16xf32> to vector<16xf32>
      %parallel_loop3A_1205 = arith.constant 0 : i32
      %parallel_loop3A_1206 = arith.constant 3 : i32
      %parallel_loop3A_1207 = arith.index_cast %parallel_loop3A_1205 : i32 to index
      %parallel_loop3A_1208 = arith.index_cast %parallel_loop3A_1206 : i32 to index
      %parallel_loop3A_1209 = arith.index_cast %parallel_loop3A_1128 : i32 to index
      %parallel_loop3A_1210 = tpu.vector_load %arg5[%parallel_loop3A_1207, %parallel_loop3A_1208, %parallel_loop3A_1209] {strides = array<i32>} : memref<2x8x2048xf32, #tpu.memory_space<vmem>>, vector<1x1x16xf32>,
      %parallel_loop3A_1211 = vector.shape_cast %parallel_loop3A_1210 : vector<1x1x16xf32> to vector<16xf32>
      %parallel_loop3A_1212 = vector.shape_cast %parallel_loop3A_1204 : vector<16xf32> to vector<1x1x16xf32>
      tpu.vector_store %arg5[%parallel_loop3A_1207, %parallel_loop3A_1208, %parallel_loop3A_1209], %parallel_loop3A_1212 {add = true, strides = array<i32>} : memref<2x8x2048xf32, #tpu.memory_space<vmem>>, vector<1x1x16xf32>,
      %parallel_loop3A_1213 = arith.constant 0 : i32
      %parallel_loop3A_1214 = arith.constant 3 : i32
      %parallel_loop3A_1215 = arith.index_cast %parallel_loop3A_1213 : i32 to index
      %parallel_loop3A_1216 = arith.index_cast %parallel_loop3A_1214 : i32 to index
      %parallel_loop3A_1217 = arith.index_cast %parallel_loop3A_1128 : i32 to index
      %parallel_loop3A_1218 = tpu.vector_load %arg6[%parallel_loop3A_1215, %parallel_loop3A_1216, %parallel_loop3A_1217] {strides = array<i32>} : memref<2x8x2048xf32, #tpu.memory_space<vmem>>, vector<1x1x16xf32>,
      %parallel_loop3A_1219 = vector.shape_cast %parallel_loop3A_1218 : vector<1x1x16xf32> to vector<16xf32>
      %parallel_loop3A_1220 = vector.shape_cast %parallel_loop3A_1204 : vector<16xf32> to vector<1x1x16xf32>
      tpu.vector_store %arg6[%parallel_loop3A_1215, %parallel_loop3A_1216, %parallel_loop3A_1217], %parallel_loop3A_1220 {add = true, strides = array<i32>} : memref<2x8x2048xf32, #tpu.memory_space<vmem>>, vector<1x1x16xf32>,
      %parallel_loop3A_1221 = arith.constant 0 : i32
      %parallel_loop3A_1222 = arith.constant 4 : i32
      %parallel_loop3A_1223 = arith.index_cast %parallel_loop3A_1221 : i32 to index
      %parallel_loop3A_1224 = arith.index_cast %parallel_loop3A_1222 : i32 to index
      %parallel_loop3A_1225 = arith.index_cast %parallel_loop3A_1128 : i32 to index
      %parallel_loop3A_1226 = tpu.vector_load %arg7[%parallel_loop3A_1223, %parallel_loop3A_1224, %parallel_loop3A_1225] {strides = array<i32>} : memref<2x8x2048xf32, #tpu.memory_space<vmem>>, vector<1x1x16xf32>,
      %parallel_loop3A_1227 = vector.shape_cast %parallel_loop3A_1226 : vector<1x1x16xf32> to vector<16xf32>
      %parallel_loop3A_1228 = arith.constant 0 : i32
      %parallel_loop3A_1229 = arith.constant 4 : i32
      %parallel_loop3A_1230 = arith.index_cast %parallel_loop3A_1228 : i32 to index
      %parallel_loop3A_1231 = arith.index_cast %parallel_loop3A_1229 : i32 to index
      %parallel_loop3A_1232 = arith.index_cast %parallel_loop3A_1128 : i32 to index
      %parallel_loop3A_1233 = tpu.vector_load %arg5[%parallel_loop3A_1230, %parallel_loop3A_1231, %parallel_loop3A_1232] {strides = array<i32>} : memref<2x8x2048xf32, #tpu.memory_space<vmem>>, vector<1x1x16xf32>,
      %parallel_loop3A_1234 = vector.shape_cast %parallel_loop3A_1233 : vector<1x1x16xf32> to vector<16xf32>
      %parallel_loop3A_1235 = vector.shape_cast %parallel_loop3A_1227 : vector<16xf32> to vector<1x1x16xf32>
      tpu.vector_store %arg5[%parallel_loop3A_1230, %parallel_loop3A_1231, %parallel_loop3A_1232], %parallel_loop3A_1235 {add = true, strides = array<i32>} : memref<2x8x2048xf32, #tpu.memory_space<vmem>>, vector<1x1x16xf32>,
      %parallel_loop3A_1236 = arith.constant 0 : i32
      %parallel_loop3A_1237 = arith.constant 4 : i32
      %parallel_loop3A_1238 = arith.index_cast %parallel_loop3A_1236 : i32 to index
      %parallel_loop3A_1239 = arith.index_cast %parallel_loop3A_1237 : i32 to index
      %parallel_loop3A_1240 = arith.index_cast %parallel_loop3A_1128 : i32 to index
      %parallel_loop3A_1241 = tpu.vector_load %arg6[%parallel_loop3A_1238, %parallel_loop3A_1239, %parallel_loop3A_1240] {strides = array<i32>} : memref<2x8x2048xf32, #tpu.memory_space<vmem>>, vector<1x1x16xf32>,
      %parallel_loop3A_1242 = vector.shape_cast %parallel_loop3A_1241 : vector<1x1x16xf32> to vector<16xf32>
      %parallel_loop3A_1243 = vector.shape_cast %parallel_loop3A_1227 : vector<16xf32> to vector<1x1x16xf32>
      tpu.vector_store %arg6[%parallel_loop3A_1238, %parallel_loop3A_1239, %parallel_loop3A_1240], %parallel_loop3A_1243 {add = true, strides = array<i32>} : memref<2x8x2048xf32, #tpu.memory_space<vmem>>, vector<1x1x16xf32>,
      %parallel_loop3A_1244 = arith.constant 0 : i32
      %parallel_loop3A_1245 = arith.constant 5 : i32
      %parallel_loop3A_1246 = arith.index_cast %parallel_loop3A_1244 : i32 to index
      %parallel_loop3A_1247 = arith.index_cast %parallel_loop3A_1245 : i32 to index
      %parallel_loop3A_1248 = arith.index_cast %parallel_loop3A_1128 : i32 to index
      %parallel_loop3A_1249 = tpu.vector_load %arg7[%parallel_loop3A_1246, %parallel_loop3A_1247, %parallel_loop3A_1248] {strides = array<i32>} : memref<2x8x2048xf32, #tpu.memory_space<vmem>>, vector<1x1x16xf32>,
      %parallel_loop3A_1250 = vector.shape_cast %parallel_loop3A_1249 : vector<1x1x16xf32> to vector<16xf32>
      %parallel_loop3A_1251 = arith.constant 0 : i32
      %parallel_loop3A_1252 = arith.constant 5 : i32
      %parallel_loop3A_1253 = arith.index_cast %parallel_loop3A_1251 : i32 to index
      %parallel_loop3A_1254 = arith.index_cast %parallel_loop3A_1252 : i32 to index
      %parallel_loop3A_1255 = arith.index_cast %parallel_loop3A_1128 : i32 to index
      %parallel_loop3A_1256 = tpu.vector_load %arg5[%parallel_loop3A_1253, %parallel_loop3A_1254, %parallel_loop3A_1255] {strides = array<i32>} : memref<2x8x2048xf32, #tpu.memory_space<vmem>>, vector<1x1x16xf32>,
      %parallel_loop3A_1257 = vector.shape_cast %parallel_loop3A_1256 : vector<1x1x16xf32> to vector<16xf32>
      %parallel_loop3A_1258 = vector.shape_cast %parallel_loop3A_1250 : vector<16xf32> to vector<1x1x16xf32>
      tpu.vector_store %arg5[%parallel_loop3A_1253, %parallel_loop3A_1254, %parallel_loop3A_1255], %parallel_loop3A_1258 {add = true, strides = array<i32>} : memref<2x8x2048xf32, #tpu.memory_space<vmem>>, vector<1x1x16xf32>,
      %parallel_loop3A_1259 = arith.constant 0 : i32
      %parallel_loop3A_1260 = arith.constant 5 : i32
      %parallel_loop3A_1261 = arith.index_cast %parallel_loop3A_1259 : i32 to index
      %parallel_loop3A_1262 = arith.index_cast %parallel_loop3A_1260 : i32 to index
      %parallel_loop3A_1263 = arith.index_cast %parallel_loop3A_1128 : i32 to index
      %parallel_loop3A_1264 = tpu.vector_load %arg6[%parallel_loop3A_1261, %parallel_loop3A_1262, %parallel_loop3A_1263] {strides = array<i32>} : memref<2x8x2048xf32, #tpu.memory_space<vmem>>, vector<1x1x16xf32>,
      %parallel_loop3A_1265 = vector.shape_cast %parallel_loop3A_1264 : vector<1x1x16xf32> to vector<16xf32>
      %parallel_loop3A_1266 = vector.shape_cast %parallel_loop3A_1250 : vector<16xf32> to vector<1x1x16xf32>
      tpu.vector_store %arg6[%parallel_loop3A_1261, %parallel_loop3A_1262, %parallel_loop3A_1263], %parallel_loop3A_1266 {add = true, strides = array<i32>} : memref<2x8x2048xf32, #tpu.memory_space<vmem>>, vector<1x1x16xf32>,
      %parallel_loop3A_1267 = arith.constant 0 : i32
      %parallel_loop3A_1268 = arith.constant 6 : i32
      %parallel_loop3A_1269 = arith.index_cast %parallel_loop3A_1267 : i32 to index
      %parallel_loop3A_1270 = arith.index_cast %parallel_loop3A_1268 : i32 to index
      %parallel_loop3A_1271 = arith.index_cast %parallel_loop3A_1128 : i32 to index
      %parallel_loop3A_1272 = tpu.vector_load %arg7[%parallel_loop3A_1269, %parallel_loop3A_1270, %parallel_loop3A_1271] {strides = array<i32>} : memref<2x8x2048xf32, #tpu.memory_space<vmem>>, vector<1x1x16xf32>,
      %parallel_loop3A_1273 = vector.shape_cast %parallel_loop3A_1272 : vector<1x1x16xf32> to vector<16xf32>
      %parallel_loop3A_1274 = arith.constant 0 : i32
      %parallel_loop3A_1275 = arith.constant 6 : i32
      %parallel_loop3A_1276 = arith.index_cast %parallel_loop3A_1274 : i32 to index
      %parallel_loop3A_1277 = arith.index_cast %parallel_loop3A_1275 : i32 to index
      %parallel_loop3A_1278 = arith.index_cast %parallel_loop3A_1128 : i32 to index
      %parallel_loop3A_1279 = tpu.vector_load %arg5[%parallel_loop3A_1276, %parallel_loop3A_1277, %parallel_loop3A_1278] {strides = array<i32>} : memref<2x8x2048xf32, #tpu.memory_space<vmem>>, vector<1x1x16xf32>,
      %parallel_loop3A_1280 = vector.shape_cast %parallel_loop3A_1279 : vector<1x1x16xf32> to vector<16xf32>
      %parallel_loop3A_1281 = vector.shape_cast %parallel_loop3A_1273 : vector<16xf32> to vector<1x1x16xf32>
      tpu.vector_store %arg5[%parallel_loop3A_1276, %parallel_loop3A_1277, %parallel_loop3A_1278], %parallel_loop3A_1281 {add = true, strides = array<i32>} : memref<2x8x2048xf32, #tpu.memory_space<vmem>>, vector<1x1x16xf32>,
      %parallel_loop3A_1282 = arith.constant 0 : i32
      %parallel_loop3A_1283 = arith.constant 6 : i32
      %parallel_loop3A_1284 = arith.index_cast %parallel_loop3A_1282 : i32 to index
      %parallel_loop3A_1285 = arith.index_cast %parallel_loop3A_1283 : i32 to index
      %parallel_loop3A_1286 = arith.index_cast %parallel_loop3A_1128 : i32 to index
      %parallel_loop3A_1287 = tpu.vector_load %arg6[%parallel_loop3A_1284, %parallel_loop3A_1285, %parallel_loop3A_1286] {strides = array<i32>} : memref<2x8x2048xf32, #tpu.memory_space<vmem>>, vector<1x1x16xf32>,
      %parallel_loop3A_1288 = vector.shape_cast %parallel_loop3A_1287 : vector<1x1x16xf32> to vector<16xf32>
      %parallel_loop3A_1289 = vector.shape_cast %parallel_loop3A_1273 : vector<16xf32> to vector<1x1x16xf32>
      tpu.vector_store %arg6[%parallel_loop3A_1284, %parallel_loop3A_1285, %parallel_loop3A_1286], %parallel_loop3A_1289 {add = true, strides = array<i32>} : memref<2x8x2048xf32, #tpu.memory_space<vmem>>, vector<1x1x16xf32>,
      %parallel_loop3A_1290 = arith.constant 0 : i32
      %parallel_loop3A_1291 = arith.constant 7 : i32
      %parallel_loop3A_1292 = arith.index_cast %parallel_loop3A_1290 : i32 to index
      %parallel_loop3A_1293 = arith.index_cast %parallel_loop3A_1291 : i32 to index
      %parallel_loop3A_1294 = arith.index_cast %parallel_loop3A_1128 : i32 to index
      %parallel_loop3A_1295 = tpu.vector_load %arg7[%parallel_loop3A_1292, %parallel_loop3A_1293, %parallel_loop3A_1294] {strides = array<i32>} : memref<2x8x2048xf32, #tpu.memory_space<vmem>>, vector<1x1x16xf32>,
      %parallel_loop3A_1296 = vector.shape_cast %parallel_loop3A_1295 : vector<1x1x16xf32> to vector<16xf32>
      %parallel_loop3A_1297 = arith.constant 0 : i32
      %parallel_loop3A_1298 = arith.constant 7 : i32
      %parallel_loop3A_1299 = arith.index_cast %parallel_loop3A_1297 : i32 to index
      %parallel_loop3A_1300 = arith.index_cast %parallel_loop3A_1298 : i32 to index
      %parallel_loop3A_1301 = arith.index_cast %parallel_loop3A_1128 : i32 to index
      %parallel_loop3A_1302 = tpu.vector_load %arg5[%parallel_loop3A_1299, %parallel_loop3A_1300, %parallel_loop3A_1301] {strides = array<i32>} : memref<2x8x2048xf32, #tpu.memory_space<vmem>>, vector<1x1x16xf32>,
      %parallel_loop3A_1303 = vector.shape_cast %parallel_loop3A_1302 : vector<1x1x16xf32> to vector<16xf32>
      %parallel_loop3A_1304 = vector.shape_cast %parallel_loop3A_1296 : vector<16xf32> to vector<1x1x16xf32>
      tpu.vector_store %arg5[%parallel_loop3A_1299, %parallel_loop3A_1300, %parallel_loop3A_1301], %parallel_loop3A_1304 {add = true, strides = array<i32>} : memref<2x8x2048xf32, #tpu.memory_space<vmem>>, vector<1x1x16xf32>,
      %parallel_loop3A_1305 = arith.constant 0 : i32
      %parallel_loop3A_1306 = arith.constant 7 : i32
      %parallel_loop3A_1307 = arith.index_cast %parallel_loop3A_1305 : i32 to index
      %parallel_loop3A_1308 = arith.index_cast %parallel_loop3A_1306 : i32 to index
      %parallel_loop3A_1309 = arith.index_cast %parallel_loop3A_1128 : i32 to index
      %parallel_loop3A_1310 = tpu.vector_load %arg6[%parallel_loop3A_1307, %parallel_loop3A_1308, %parallel_loop3A_1309] {strides = array<i32>} : memref<2x8x2048xf32, #tpu.memory_space<vmem>>, vector<1x1x16xf32>,
      %parallel_loop3A_1311 = vector.shape_cast %parallel_loop3A_1310 : vector<1x1x16xf32> to vector<16xf32>
      %parallel_loop3A_1312 = vector.shape_cast %parallel_loop3A_1296 : vector<16xf32> to vector<1x1x16xf32>
      tpu.vector_store %arg6[%parallel_loop3A_1307, %parallel_loop3A_1308, %parallel_loop3A_1309], %parallel_loop3A_1312 {add = true, strides = array<i32>} : memref<2x8x2048xf32, #tpu.memory_space<vmem>>, vector<1x1x16xf32>,
    } {sc.loop_unroll_factor = 2 : i64, sc.parallel_access}
    %add3A_410 = arith.constant 16 : i32
    %add3A_411 = arith.addi %mul3A_2, %add3A_410 : i32
    %dma_start3A_412 = arith.constant 0 : i32
    %dma_start3A_413 = arith.constant 0 : i32
    %dma_start3A_414 = arith.constant 0 : i32
    %dma_start3A_415 = tpu.memref_slice %arg5[%dma_start3A_412, %dma_start3A_413, %dma_start3A_414] : memref<2x8x2048xf32, #tpu.memory_space<vmem>> -> memref<1x8x2048xf32, #tpu.memory_space<vmem>>
    %dma_start3A_416 = tpu.memref_squeeze %dma_start3A_415 : memref<1x8x2048xf32, #tpu.memory_space<vmem>> -> memref<8x2048xf32, #tpu.memory_space<vmem>>
    %dma_start3A_417 = arith.constant 0 : i32
    %dma_start3A_418 = tpu.memref_slice %arg4[%add3A_411, %dma_start3A_417] : memref<4096x2048xf32, #tpu.memory_space<hbm>> -> memref<8x2048xf32, #tpu.memory_space<hbm>>
    %dma_start3A_419 = arith.constant 0 : i32
    %dma_start3A_420 = tpu.memref_slice %arg4[%add3A_411, %dma_start3A_419] : memref<4096x2048xf32, #tpu.memory_space<hbm>> -> memref<8x2048xf32, #tpu.memory_space<hbm>>
    %dma_start3A_421 = arith.constant 0 : i32
    %dma_start3A_422 = arith.constant 0 : i32
    %dma_start3A_423 = tpu.memref_slice %arg5[%dma_start3A_412, %dma_start3A_421, %dma_start3A_422] : memref<2x8x2048xf32, #tpu.memory_space<vmem>> -> memref<1x8x2048xf32, #tpu.memory_space<vmem>>
    %dma_start3A_424 = tpu.memref_squeeze %dma_start3A_423 : memref<1x8x2048xf32, #tpu.memory_space<vmem>> -> memref<8x2048xf32, #tpu.memory_space<vmem>>
    tpu.enqueue_dma source(%dma_start3A_424 : memref<8x2048xf32, #tpu.memory_space<vmem>>) target(%dma_start3A_420 : memref<8x2048xf32, #tpu.memory_space<hbm>>) target_semaphore(%arg10 : memref<!tpu.dma_semaphore, #tpu.memory_space<semaphore_mem>>)
    %add3A_425 = arith.constant 2048 : i32
    %add3A_426 = arith.addi %add3A_425, %add3A_411 : i32
    %dma_start3A_427 = arith.constant 0 : i32
    %dma_start3A_428 = arith.constant 0 : i32
    %dma_start3A_429 = arith.constant 0 : i32
    %dma_start3A_430 = tpu.memref_slice %arg6[%dma_start3A_427, %dma_start3A_428, %dma_start3A_429] : memref<2x8x2048xf32, #tpu.memory_space<vmem>> -> memref<1x8x2048xf32, #tpu.memory_space<vmem>>
    %dma_start3A_431 = tpu.memref_squeeze %dma_start3A_430 : memref<1x8x2048xf32, #tpu.memory_space<vmem>> -> memref<8x2048xf32, #tpu.memory_space<vmem>>
    %dma_start3A_432 = arith.constant 0 : i32
    %dma_start3A_433 = tpu.memref_slice %arg4[%add3A_426, %dma_start3A_432] : memref<4096x2048xf32, #tpu.memory_space<hbm>> -> memref<8x2048xf32, #tpu.memory_space<hbm>>
    %dma_start3A_434 = arith.constant 0 : i32
    %dma_start3A_435 = tpu.memref_slice %arg4[%add3A_426, %dma_start3A_434] : memref<4096x2048xf32, #tpu.memory_space<hbm>> -> memref<8x2048xf32, #tpu.memory_space<hbm>>
    %dma_start3A_436 = arith.constant 0 : i32
    %dma_start3A_437 = arith.constant 0 : i32
    %dma_start3A_438 = tpu.memref_slice %arg6[%dma_start3A_427, %dma_start3A_436, %dma_start3A_437] : memref<2x8x2048xf32, #tpu.memory_space<vmem>> -> memref<1x8x2048xf32, #tpu.memory_space<vmem>>
    %dma_start3A_439 = tpu.memref_squeeze %dma_start3A_438 : memref<1x8x2048xf32, #tpu.memory_space<vmem>> -> memref<8x2048xf32, #tpu.memory_space<vmem>>
    tpu.enqueue_dma source(%dma_start3A_439 : memref<8x2048xf32, #tpu.memory_space<vmem>>) target(%dma_start3A_435 : memref<8x2048xf32, #tpu.memory_space<hbm>>) target_semaphore(%arg10 : memref<!tpu.dma_semaphore, #tpu.memory_space<semaphore_mem>>)
    %dma_wait3A_440 = arith.constant 0 : i32
    %dma_wait3A_441 = arith.constant 0 : i32
    %dma_wait3A_442 = arith.constant 0 : i32
    %dma_wait3A_443 = tpu.memref_slice %arg5[%dma_wait3A_440, %dma_wait3A_441, %dma_wait3A_442] : memref<2x8x2048xf32, #tpu.memory_space<vmem>> -> memref<1x8x2048xf32, #tpu.memory_space<vmem>>
    %dma_wait3A_444 = tpu.memref_squeeze %dma_wait3A_443 : memref<1x8x2048xf32, #tpu.memory_space<vmem>> -> memref<8x2048xf32, #tpu.memory_space<vmem>>
    %dma_wait3A_445 = arith.constant 0 : i32
    %dma_wait3A_446 = tpu.memref_slice %arg4[%add3A_411, %dma_wait3A_445] : memref<4096x2048xf32, #tpu.memory_space<hbm>> -> memref<8x2048xf32, #tpu.memory_space<hbm>>
    %dma_wait3A_447 = arith.constant 0 : i32
    %dma_wait3A_448 = tpu.memref_slice %arg4[%add3A_411, %dma_wait3A_447] : memref<4096x2048xf32, #tpu.memory_space<hbm>> -> memref<8x2048xf32, #tpu.memory_space<hbm>>
    %dma_wait3A_449 = arith.constant 0 : i32
    %dma_wait3A_450 = arith.constant 0 : i32
    %dma_wait3A_451 = tpu.memref_slice %arg5[%dma_wait3A_440, %dma_wait3A_449, %dma_wait3A_450] : memref<2x8x2048xf32, #tpu.memory_space<vmem>> -> memref<1x8x2048xf32, #tpu.memory_space<vmem>>
    %dma_wait3A_452 = tpu.memref_squeeze %dma_wait3A_451 : memref<1x8x2048xf32, #tpu.memory_space<vmem>> -> memref<8x2048xf32, #tpu.memory_space<vmem>>
    tpu.wait_dma2 semaphore(%arg10 : memref<!tpu.dma_semaphore, #tpu.memory_space<semaphore_mem>>) src(%dma_wait3A_452 : memref<8x2048xf32, #tpu.memory_space<vmem>>) dst(%dma_wait3A_448 : memref<8x2048xf32, #tpu.memory_space<hbm>>)
    %dma_wait3A_453 = arith.constant 0 : i32
    %dma_wait3A_454 = arith.constant 0 : i32
    %dma_wait3A_455 = arith.constant 0 : i32
    %dma_wait3A_456 = tpu.memref_slice %arg6[%dma_wait3A_453, %dma_wait3A_454, %dma_wait3A_455] : memref<2x8x2048xf32, #tpu.memory_space<vmem>> -> memref<1x8x2048xf32, #tpu.memory_space<vmem>>
    %dma_wait3A_457 = tpu.memref_squeeze %dma_wait3A_456 : memref<1x8x2048xf32, #tpu.memory_space<vmem>> -> memref<8x2048xf32, #tpu.memory_space<vmem>>
    %dma_wait3A_458 = arith.constant 0 : i32
    %dma_wait3A_459 = tpu.memref_slice %arg4[%add3A_426, %dma_wait3A_458] : memref<4096x2048xf32, #tpu.memory_space<hbm>> -> memref<8x2048xf32, #tpu.memory_space<hbm>>
    %dma_wait3A_460 = arith.constant 0 : i32
    %dma_wait3A_461 = tpu.memref_slice %arg4[%add3A_426, %dma_wait3A_460] : memref<4096x2048xf32, #tpu.memory_space<hbm>> -> memref<8x2048xf32, #tpu.memory_space<hbm>>
    %dma_wait3A_462 = arith.constant 0 : i32
    %dma_wait3A_463 = arith.constant 0 : i32
    %dma_wait3A_464 = tpu.memref_slice %arg6[%dma_wait3A_453, %dma_wait3A_462, %dma_wait3A_463] : memref<2x8x2048xf32, #tpu.memory_space<vmem>> -> memref<1x8x2048xf32, #tpu.memory_space<vmem>>
    %dma_wait3A_465 = tpu.memref_squeeze %dma_wait3A_464 : memref<1x8x2048xf32, #tpu.memory_space<vmem>> -> memref<8x2048xf32, #tpu.memory_space<vmem>>
    tpu.wait_dma2 semaphore(%arg10 : memref<!tpu.dma_semaphore, #tpu.memory_space<semaphore_mem>>) src(%dma_wait3A_465 : memref<8x2048xf32, #tpu.memory_space<vmem>>) dst(%dma_wait3A_461 : memref<8x2048xf32, #tpu.memory_space<hbm>>)
    %add3A_466 = arith.constant 32 : i32
    %add3A_467 = arith.addi %mul3A_2, %add3A_466 : i32
    %dma_start3A_468 = arith.constant 0 : i32
    %dma_start3A_469 = arith.constant 0 : i32
    %dma_start3A_470 = arith.constant 0 : i32
    %dma_start3A_471 = tpu.memref_slice %arg7[%dma_start3A_468, %dma_start3A_469, %dma_start3A_470] : memref<2x8x2048xf32, #tpu.memory_space<vmem>> -> memref<1x8x2048xf32, #tpu.memory_space<vmem>>
    %dma_start3A_472 = tpu.memref_squeeze %dma_start3A_471 : memref<1x8x2048xf32, #tpu.memory_space<vmem>> -> memref<8x2048xf32, #tpu.memory_space<vmem>>
    %dma_start3A_473 = arith.constant 0 : i32
    %dma_start3A_474 = tpu.memref_slice %arg3[%add3A_467, %dma_start3A_473] : memref<2048x2048xf32, #tpu.memory_space<hbm>> -> memref<8x2048xf32, #tpu.memory_space<hbm>>
    %dma_start3A_475 = arith.constant 0 : i32
    %dma_start3A_476 = arith.constant 0 : i32
    %dma_start3A_477 = tpu.memref_slice %arg7[%dma_start3A_468, %dma_start3A_475, %dma_start3A_476] : memref<2x8x2048xf32, #tpu.memory_space<vmem>> -> memref<1x8x2048xf32, #tpu.memory_space<vmem>>
    %dma_start3A_478 = tpu.memref_squeeze %dma_start3A_477 : memref<1x8x2048xf32, #tpu.memory_space<vmem>> -> memref<8x2048xf32, #tpu.memory_space<vmem>>
    %dma_start3A_479 = arith.constant 0 : i32
    %dma_start3A_480 = tpu.memref_slice %arg3[%add3A_467, %dma_start3A_479] : memref<2048x2048xf32, #tpu.memory_space<hbm>> -> memref<8x2048xf32, #tpu.memory_space<hbm>>
    tpu.enqueue_dma source(%dma_start3A_480 : memref<8x2048xf32, #tpu.memory_space<hbm>>) target(%dma_start3A_478 : memref<8x2048xf32, #tpu.memory_space<vmem>>) target_semaphore(%arg8 : memref<!tpu.dma_semaphore, #tpu.memory_space<semaphore_mem>>)
    %dma_start3A_481 = arith.constant 0 : i32
    %dma_start3A_482 = arith.constant 0 : i32
    %dma_start3A_483 = arith.constant 0 : i32
    %dma_start3A_484 = tpu.memref_slice %arg5[%dma_start3A_481, %dma_start3A_482, %dma_start3A_483] : memref<2x8x2048xf32, #tpu.memory_space<vmem>> -> memref<1x8x2048xf32, #tpu.memory_space<vmem>>
    %dma_start3A_485 = tpu.memref_squeeze %dma_start3A_484 : memref<1x8x2048xf32, #tpu.memory_space<vmem>> -> memref<8x2048xf32, #tpu.memory_space<vmem>>
    %dma_start3A_486 = arith.constant 0 : i32
    %dma_start3A_487 = tpu.memref_slice %arg2[%add3A_467, %dma_start3A_486] : memref<4096x2048xf32, #tpu.memory_space<hbm>> -> memref<8x2048xf32, #tpu.memory_space<hbm>>
    %dma_start3A_488 = arith.constant 0 : i32
    %dma_start3A_489 = arith.constant 0 : i32
    %dma_start3A_490 = tpu.memref_slice %arg5[%dma_start3A_481, %dma_start3A_488, %dma_start3A_489] : memref<2x8x2048xf32, #tpu.memory_space<vmem>> -> memref<1x8x2048xf32, #tpu.memory_space<vmem>>
    %dma_start3A_491 = tpu.memref_squeeze %dma_start3A_490 : memref<1x8x2048xf32, #tpu.memory_space<vmem>> -> memref<8x2048xf32, #tpu.memory_space<vmem>>
    %dma_start3A_492 = arith.constant 0 : i32
    %dma_start3A_493 = tpu.memref_slice %arg2[%add3A_467, %dma_start3A_492] : memref<4096x2048xf32, #tpu.memory_space<hbm>> -> memref<8x2048xf32, #tpu.memory_space<hbm>>
    tpu.enqueue_dma source(%dma_start3A_493 : memref<8x2048xf32, #tpu.memory_space<hbm>>) target(%dma_start3A_491 : memref<8x2048xf32, #tpu.memory_space<vmem>>) target_semaphore(%arg8 : memref<!tpu.dma_semaphore, #tpu.memory_space<semaphore_mem>>)
    %add3A_494 = arith.constant 2048 : i32
    %add3A_495 = arith.addi %add3A_494, %add3A_467 : i32
    %dma_start3A_496 = arith.constant 0 : i32
    %dma_start3A_497 = arith.constant 0 : i32
    %dma_start3A_498 = arith.constant 0 : i32
    %dma_start3A_499 = tpu.memref_slice %arg6[%dma_start3A_496, %dma_start3A_497, %dma_start3A_498] : memref<2x8x2048xf32, #tpu.memory_space<vmem>> -> memref<1x8x2048xf32, #tpu.memory_space<vmem>>
    %dma_start3A_500 = tpu.memref_squeeze %dma_start3A_499 : memref<1x8x2048xf32, #tpu.memory_space<vmem>> -> memref<8x2048xf32, #tpu.memory_space<vmem>>
    %dma_start3A_501 = arith.constant 0 : i32
    %dma_start3A_502 = tpu.memref_slice %arg2[%add3A_495, %dma_start3A_501] : memref<4096x2048xf32, #tpu.memory_space<hbm>> -> memref<8x2048xf32, #tpu.memory_space<hbm>>
    %dma_start3A_503 = arith.constant 0 : i32
    %dma_start3A_504 = arith.constant 0 : i32
    %dma_start3A_505 = tpu.memref_slice %arg6[%dma_start3A_496, %dma_start3A_503, %dma_start3A_504] : memref<2x8x2048xf32, #tpu.memory_space<vmem>> -> memref<1x8x2048xf32, #tpu.memory_space<vmem>>
    %dma_start3A_506 = tpu.memref_squeeze %dma_start3A_505 : memref<1x8x2048xf32, #tpu.memory_space<vmem>> -> memref<8x2048xf32, #tpu.memory_space<vmem>>
    %dma_start3A_507 = arith.constant 0 : i32
    %dma_start3A_508 = tpu.memref_slice %arg2[%add3A_495, %dma_start3A_507] : memref<4096x2048xf32, #tpu.memory_space<hbm>> -> memref<8x2048xf32, #tpu.memory_space<hbm>>
    tpu.enqueue_dma source(%dma_start3A_508 : memref<8x2048xf32, #tpu.memory_space<hbm>>) target(%dma_start3A_506 : memref<8x2048xf32, #tpu.memory_space<vmem>>) target_semaphore(%arg8 : memref<!tpu.dma_semaphore, #tpu.memory_space<semaphore_mem>>)
    %dma_wait3A_509 = arith.constant 1 : i32
    %dma_wait3A_510 = arith.constant 0 : i32
    %dma_wait3A_511 = arith.constant 0 : i32
    %dma_wait3A_512 = tpu.memref_slice %arg7[%dma_wait3A_509, %dma_wait3A_510, %dma_wait3A_511] : memref<2x8x2048xf32, #tpu.memory_space<vmem>> -> memref<1x8x2048xf32, #tpu.memory_space<vmem>>
    %dma_wait3A_513 = tpu.memref_squeeze %dma_wait3A_512 : memref<1x8x2048xf32, #tpu.memory_space<vmem>> -> memref<8x2048xf32, #tpu.memory_space<vmem>>
    %dma_wait3A_514 = arith.constant 0 : i32
    %dma_wait3A_515 = tpu.memref_slice %arg3[%add3A_326, %dma_wait3A_514] : memref<2048x2048xf32, #tpu.memory_space<hbm>> -> memref<8x2048xf32, #tpu.memory_space<hbm>>
    %dma_wait3A_516 = arith.constant 0 : i32
    %dma_wait3A_517 = arith.constant 0 : i32
    %dma_wait3A_518 = tpu.memref_slice %arg7[%dma_wait3A_509, %dma_wait3A_516, %dma_wait3A_517] : memref<2x8x2048xf32, #tpu.memory_space<vmem>> -> memref<1x8x2048xf32, #tpu.memory_space<vmem>>
    %dma_wait3A_519 = tpu.memref_squeeze %dma_wait3A_518 : memref<1x8x2048xf32, #tpu.memory_space<vmem>> -> memref<8x2048xf32, #tpu.memory_space<vmem>>
    %dma_wait3A_520 = arith.constant 0 : i32
    %dma_wait3A_521 = tpu.memref_slice %arg3[%add3A_326, %dma_wait3A_520] : memref<2048x2048xf32, #tpu.memory_space<hbm>> -> memref<8x2048xf32, #tpu.memory_space<hbm>>
    tpu.wait_dma2 semaphore(%arg9 : memref<!tpu.dma_semaphore, #tpu.memory_space<semaphore_mem>>) src(%dma_wait3A_521 : memref<8x2048xf32, #tpu.memory_space<hbm>>) dst(%dma_wait3A_519 : memref<8x2048xf32, #tpu.memory_space<vmem>>)
    %dma_wait3A_522 = arith.constant 1 : i32
    %dma_wait3A_523 = arith.constant 0 : i32
    %dma_wait3A_524 = arith.constant 0 : i32
    %dma_wait3A_525 = tpu.memref_slice %arg5[%dma_wait3A_522, %dma_wait3A_523, %dma_wait3A_524] : memref<2x8x2048xf32, #tpu.memory_space<vmem>> -> memref<1x8x2048xf32, #tpu.memory_space<vmem>>
    %dma_wait3A_526 = tpu.memref_squeeze %dma_wait3A_525 : memref<1x8x2048xf32, #tpu.memory_space<vmem>> -> memref<8x2048xf32, #tpu.memory_space<vmem>>
    %dma_wait3A_527 = arith.constant 0 : i32
    %dma_wait3A_528 = tpu.memref_slice %arg2[%add3A_326, %dma_wait3A_527] : memref<4096x2048xf32, #tpu.memory_space<hbm>> -> memref<8x2048xf32, #tpu.memory_space<hbm>>
    %dma_wait3A_529 = arith.constant 0 : i32
    %dma_wait3A_530 = arith.constant 0 : i32
    %dma_wait3A_531 = tpu.memref_slice %arg5[%dma_wait3A_522, %dma_wait3A_529, %dma_wait3A_530] : memref<2x8x2048xf32, #tpu.memory_space<vmem>> -> memref<1x8x2048xf32, #tpu.memory_space<vmem>>
    %dma_wait3A_532 = tpu.memref_squeeze %dma_wait3A_531 : memref<1x8x2048xf32, #tpu.memory_space<vmem>> -> memref<8x2048xf32, #tpu.memory_space<vmem>>
    %dma_wait3A_533 = arith.constant 0 : i32
    %dma_wait3A_534 = tpu.memref_slice %arg2[%add3A_326, %dma_wait3A_533] : memref<4096x2048xf32, #tpu.memory_space<hbm>> -> memref<8x2048xf32, #tpu.memory_space<hbm>>
    tpu.wait_dma2 semaphore(%arg9 : memref<!tpu.dma_semaphore, #tpu.memory_space<semaphore_mem>>) src(%dma_wait3A_534 : memref<8x2048xf32, #tpu.memory_space<hbm>>) dst(%dma_wait3A_532 : memref<8x2048xf32, #tpu.memory_space<vmem>>)
    %dma_wait3A_535 = arith.constant 1 : i32
    %dma_wait3A_536 = arith.constant 0 : i32
    %dma_wait3A_537 = arith.constant 0 : i32
    %dma_wait3A_538 = tpu.memref_slice %arg6[%dma_wait3A_535, %dma_wait3A_536, %dma_wait3A_537] : memref<2x8x2048xf32, #tpu.memory_space<vmem>> -> memref<1x8x2048xf32, #tpu.memory_space<vmem>>
    %dma_wait3A_539 = tpu.memref_squeeze %dma_wait3A_538 : memref<1x8x2048xf32, #tpu.memory_space<vmem>> -> memref<8x2048xf32, #tpu.memory_space<vmem>>
    %dma_wait3A_540 = arith.constant 0 : i32
    %dma_wait3A_541 = tpu.memref_slice %arg2[%add3A_354, %dma_wait3A_540] : memref<4096x2048xf32, #tpu.memory_space<hbm>> -> memref<8x2048xf32, #tpu.memory_space<hbm>>
    %dma_wait3A_542 = arith.constant 0 : i32
    %dma_wait3A_543 = arith.constant 0 : i32
    %dma_wait3A_544 = tpu.memref_slice %arg6[%dma_wait3A_535, %dma_wait3A_542, %dma_wait3A_543] : memref<2x8x2048xf32, #tpu.memory_space<vmem>> -> memref<1x8x2048xf32, #tpu.memory_space<vmem>>
    %dma_wait3A_545 = tpu.memref_squeeze %dma_wait3A_544 : memref<1x8x2048xf32, #tpu.memory_space<vmem>> -> memref<8x2048xf32, #tpu.memory_space<vmem>>
    %dma_wait3A_546 = arith.constant 0 : i32
    %dma_wait3A_547 = tpu.memref_slice %arg2[%add3A_354, %dma_wait3A_546] : memref<4096x2048xf32, #tpu.memory_space<hbm>> -> memref<8x2048xf32, #tpu.memory_space<hbm>>
    tpu.wait_dma2 semaphore(%arg9 : memref<!tpu.dma_semaphore, #tpu.memory_space<semaphore_mem>>) src(%dma_wait3A_547 : memref<8x2048xf32, #tpu.memory_space<hbm>>) dst(%dma_wait3A_545 : memref<8x2048xf32, #tpu.memory_space<vmem>>)
    %parallel_loop3A_548 = arith.constant 0 : i32
    %parallel_loop3A_549 = arith.constant 2048 : i32
    %parallel_loop3A_550 = arith.constant 16 : i32
    scf.for %parallel_loop3A_1128 = %parallel_loop3A_548 to %parallel_loop3A_549 step %parallel_loop3A_550  : i32 {
      %parallel_loop3A_1129 = arith.constant 1 : i32
      %parallel_loop3A_1130 = arith.constant 0 : i32
      %parallel_loop3A_1131 = arith.index_cast %parallel_loop3A_1129 : i32 to index
      %parallel_loop3A_1132 = arith.index_cast %parallel_loop3A_1130 : i32 to index
      %parallel_loop3A_1133 = arith.index_cast %parallel_loop3A_1128 : i32 to index
      %parallel_loop3A_1134 = tpu.vector_load %arg7[%parallel_loop3A_1131, %parallel_loop3A_1132, %parallel_loop3A_1133] {strides = array<i32>} : memref<2x8x2048xf32, #tpu.memory_space<vmem>>, vector<1x1x16xf32>,
      %parallel_loop3A_1135 = vector.shape_cast %parallel_loop3A_1134 : vector<1x1x16xf32> to vector<16xf32>
      %parallel_loop3A_1136 = arith.constant 1 : i32
      %parallel_loop3A_1137 = arith.constant 0 : i32
      %parallel_loop3A_1138 = arith.index_cast %parallel_loop3A_1136 : i32 to index
      %parallel_loop3A_1139 = arith.index_cast %parallel_loop3A_1137 : i32 to index
      %parallel_loop3A_1140 = arith.index_cast %parallel_loop3A_1128 : i32 to index
      %parallel_loop3A_1141 = tpu.vector_load %arg5[%parallel_loop3A_1138, %parallel_loop3A_1139, %parallel_loop3A_1140] {strides = array<i32>} : memref<2x8x2048xf32, #tpu.memory_space<vmem>>, vector<1x1x16xf32>,
      %parallel_loop3A_1142 = vector.shape_cast %parallel_loop3A_1141 : vector<1x1x16xf32> to vector<16xf32>
      %parallel_loop3A_1143 = vector.shape_cast %parallel_loop3A_1135 : vector<16xf32> to vector<1x1x16xf32>
      tpu.vector_store %arg5[%parallel_loop3A_1138, %parallel_loop3A_1139, %parallel_loop3A_1140], %parallel_loop3A_1143 {add = true, strides = array<i32>} : memref<2x8x2048xf32, #tpu.memory_space<vmem>>, vector<1x1x16xf32>,
      %parallel_loop3A_1144 = arith.constant 1 : i32
      %parallel_loop3A_1145 = arith.constant 0 : i32
      %parallel_loop3A_1146 = arith.index_cast %parallel_loop3A_1144 : i32 to index
      %parallel_loop3A_1147 = arith.index_cast %parallel_loop3A_1145 : i32 to index
      %parallel_loop3A_1148 = arith.index_cast %parallel_loop3A_1128 : i32 to index
      %parallel_loop3A_1149 = tpu.vector_load %arg6[%parallel_loop3A_1146, %parallel_loop3A_1147, %parallel_loop3A_1148] {strides = array<i32>} : memref<2x8x2048xf32, #tpu.memory_space<vmem>>, vector<1x1x16xf32>,
      %parallel_loop3A_1150 = vector.shape_cast %parallel_loop3A_1149 : vector<1x1x16xf32> to vector<16xf32>
      %parallel_loop3A_1151 = vector.shape_cast %parallel_loop3A_1135 : vector<16xf32> to vector<1x1x16xf32>
      tpu.vector_store %arg6[%parallel_loop3A_1146, %parallel_loop3A_1147, %parallel_loop3A_1148], %parallel_loop3A_1151 {add = true, strides = array<i32>} : memref<2x8x2048xf32, #tpu.memory_space<vmem>>, vector<1x1x16xf32>,
      %parallel_loop3A_1152 = arith.constant 1 : i32
      %parallel_loop3A_1153 = arith.constant 1 : i32
      %parallel_loop3A_1154 = arith.index_cast %parallel_loop3A_1152 : i32 to index
      %parallel_loop3A_1155 = arith.index_cast %parallel_loop3A_1153 : i32 to index
      %parallel_loop3A_1156 = arith.index_cast %parallel_loop3A_1128 : i32 to index
      %parallel_loop3A_1157 = tpu.vector_load %arg7[%parallel_loop3A_1154, %parallel_loop3A_1155, %parallel_loop3A_1156] {strides = array<i32>} : memref<2x8x2048xf32, #tpu.memory_space<vmem>>, vector<1x1x16xf32>,
      %parallel_loop3A_1158 = vector.shape_cast %parallel_loop3A_1157 : vector<1x1x16xf32> to vector<16xf32>
      %parallel_loop3A_1159 = arith.constant 1 : i32
      %parallel_loop3A_1160 = arith.constant 1 : i32
      %parallel_loop3A_1161 = arith.index_cast %parallel_loop3A_1159 : i32 to index
      %parallel_loop3A_1162 = arith.index_cast %parallel_loop3A_1160 : i32 to index
      %parallel_loop3A_1163 = arith.index_cast %parallel_loop3A_1128 : i32 to index
      %parallel_loop3A_1164 = tpu.vector_load %arg5[%parallel_loop3A_1161, %parallel_loop3A_1162, %parallel_loop3A_1163] {strides = array<i32>} : memref<2x8x2048xf32, #tpu.memory_space<vmem>>, vector<1x1x16xf32>,
      %parallel_loop3A_1165 = vector.shape_cast %parallel_loop3A_1164 : vector<1x1x16xf32> to vector<16xf32>
      %parallel_loop3A_1166 = vector.shape_cast %parallel_loop3A_1158 : vector<16xf32> to vector<1x1x16xf32>
      tpu.vector_store %arg5[%parallel_loop3A_1161, %parallel_loop3A_1162, %parallel_loop3A_1163], %parallel_loop3A_1166 {add = true, strides = array<i32>} : memref<2x8x2048xf32, #tpu.memory_space<vmem>>, vector<1x1x16xf32>,
      %parallel_loop3A_1167 = arith.constant 1 : i32
      %parallel_loop3A_1168 = arith.constant 1 : i32
      %parallel_loop3A_1169 = arith.index_cast %parallel_loop3A_1167 : i32 to index
      %parallel_loop3A_1170 = arith.index_cast %parallel_loop3A_1168 : i32 to index
      %parallel_loop3A_1171 = arith.index_cast %parallel_loop3A_1128 : i32 to index
      %parallel_loop3A_1172 = tpu.vector_load %arg6[%parallel_loop3A_1169, %parallel_loop3A_1170, %parallel_loop3A_1171] {strides = array<i32>} : memref<2x8x2048xf32, #tpu.memory_space<vmem>>, vector<1x1x16xf32>,
      %parallel_loop3A_1173 = vector.shape_cast %parallel_loop3A_1172 : vector<1x1x16xf32> to vector<16xf32>
      %parallel_loop3A_1174 = vector.shape_cast %parallel_loop3A_1158 : vector<16xf32> to vector<1x1x16xf32>
      tpu.vector_store %arg6[%parallel_loop3A_1169, %parallel_loop3A_1170, %parallel_loop3A_1171], %parallel_loop3A_1174 {add = true, strides = array<i32>} : memref<2x8x2048xf32, #tpu.memory_space<vmem>>, vector<1x1x16xf32>,
      %parallel_loop3A_1175 = arith.constant 1 : i32
      %parallel_loop3A_1176 = arith.constant 2 : i32
      %parallel_loop3A_1177 = arith.index_cast %parallel_loop3A_1175 : i32 to index
      %parallel_loop3A_1178 = arith.index_cast %parallel_loop3A_1176 : i32 to index
      %parallel_loop3A_1179 = arith.index_cast %parallel_loop3A_1128 : i32 to index
      %parallel_loop3A_1180 = tpu.vector_load %arg7[%parallel_loop3A_1177, %parallel_loop3A_1178, %parallel_loop3A_1179] {strides = array<i32>} : memref<2x8x2048xf32, #tpu.memory_space<vmem>>, vector<1x1x16xf32>,
      %parallel_loop3A_1181 = vector.shape_cast %parallel_loop3A_1180 : vector<1x1x16xf32> to vector<16xf32>
      %parallel_loop3A_1182 = arith.constant 1 : i32
      %parallel_loop3A_1183 = arith.constant 2 : i32
      %parallel_loop3A_1184 = arith.index_cast %parallel_loop3A_1182 : i32 to index
      %parallel_loop3A_1185 = arith.index_cast %parallel_loop3A_1183 : i32 to index
      %parallel_loop3A_1186 = arith.index_cast %parallel_loop3A_1128 : i32 to index
      %parallel_loop3A_1187 = tpu.vector_load %arg5[%parallel_loop3A_1184, %parallel_loop3A_1185, %parallel_loop3A_1186] {strides = array<i32>} : memref<2x8x2048xf32, #tpu.memory_space<vmem>>, vector<1x1x16xf32>,
      %parallel_loop3A_1188 = vector.shape_cast %parallel_loop3A_1187 : vector<1x1x16xf32> to vector<16xf32>
      %parallel_loop3A_1189 = vector.shape_cast %parallel_loop3A_1181 : vector<16xf32> to vector<1x1x16xf32>
      tpu.vector_store %arg5[%parallel_loop3A_1184, %parallel_loop3A_1185, %parallel_loop3A_1186], %parallel_loop3A_1189 {add = true, strides = array<i32>} : memref<2x8x2048xf32, #tpu.memory_space<vmem>>, vector<1x1x16xf32>,
      %parallel_loop3A_1190 = arith.constant 1 : i32
      %parallel_loop3A_1191 = arith.constant 2 : i32
      %parallel_loop3A_1192 = arith.index_cast %parallel_loop3A_1190 : i32 to index
      %parallel_loop3A_1193 = arith.index_cast %parallel_loop3A_1191 : i32 to index
      %parallel_loop3A_1194 = arith.index_cast %parallel_loop3A_1128 : i32 to index
      %parallel_loop3A_1195 = tpu.vector_load %arg6[%parallel_loop3A_1192, %parallel_loop3A_1193, %parallel_loop3A_1194] {strides = array<i32>} : memref<2x8x2048xf32, #tpu.memory_space<vmem>>, vector<1x1x16xf32>,
      %parallel_loop3A_1196 = vector.shape_cast %parallel_loop3A_1195 : vector<1x1x16xf32> to vector<16xf32>
      %parallel_loop3A_1197 = vector.shape_cast %parallel_loop3A_1181 : vector<16xf32> to vector<1x1x16xf32>
      tpu.vector_store %arg6[%parallel_loop3A_1192, %parallel_loop3A_1193, %parallel_loop3A_1194], %parallel_loop3A_1197 {add = true, strides = array<i32>} : memref<2x8x2048xf32, #tpu.memory_space<vmem>>, vector<1x1x16xf32>,
      %parallel_loop3A_1198 = arith.constant 1 : i32
      %parallel_loop3A_1199 = arith.constant 3 : i32
      %parallel_loop3A_1200 = arith.index_cast %parallel_loop3A_1198 : i32 to index
      %parallel_loop3A_1201 = arith.index_cast %parallel_loop3A_1199 : i32 to index
      %parallel_loop3A_1202 = arith.index_cast %parallel_loop3A_1128 : i32 to index
      %parallel_loop3A_1203 = tpu.vector_load %arg7[%parallel_loop3A_1200, %parallel_loop3A_1201, %parallel_loop3A_1202] {strides = array<i32>} : memref<2x8x2048xf32, #tpu.memory_space<vmem>>, vector<1x1x16xf32>,
      %parallel_loop3A_1204 = vector.shape_cast %parallel_loop3A_1203 : vector<1x1x16xf32> to vector<16xf32>
      %parallel_loop3A_1205 = arith.constant 1 : i32
      %parallel_loop3A_1206 = arith.constant 3 : i32
      %parallel_loop3A_1207 = arith.index_cast %parallel_loop3A_1205 : i32 to index
      %parallel_loop3A_1208 = arith.index_cast %parallel_loop3A_1206 : i32 to index
      %parallel_loop3A_1209 = arith.index_cast %parallel_loop3A_1128 : i32 to index
      %parallel_loop3A_1210 = tpu.vector_load %arg5[%parallel_loop3A_1207, %parallel_loop3A_1208, %parallel_loop3A_1209] {strides = array<i32>} : memref<2x8x2048xf32, #tpu.memory_space<vmem>>, vector<1x1x16xf32>,
      %parallel_loop3A_1211 = vector.shape_cast %parallel_loop3A_1210 : vector<1x1x16xf32> to vector<16xf32>
      %parallel_loop3A_1212 = vector.shape_cast %parallel_loop3A_1204 : vector<16xf32> to vector<1x1x16xf32>
      tpu.vector_store %arg5[%parallel_loop3A_1207, %parallel_loop3A_1208, %parallel_loop3A_1209], %parallel_loop3A_1212 {add = true, strides = array<i32>} : memref<2x8x2048xf32, #tpu.memory_space<vmem>>, vector<1x1x16xf32>,
      %parallel_loop3A_1213 = arith.constant 1 : i32
      %parallel_loop3A_1214 = arith.constant 3 : i32
      %parallel_loop3A_1215 = arith.index_cast %parallel_loop3A_1213 : i32 to index
      %parallel_loop3A_1216 = arith.index_cast %parallel_loop3A_1214 : i32 to index
      %parallel_loop3A_1217 = arith.index_cast %parallel_loop3A_1128 : i32 to index
      %parallel_loop3A_1218 = tpu.vector_load %arg6[%parallel_loop3A_1215, %parallel_loop3A_1216, %parallel_loop3A_1217] {strides = array<i32>} : memref<2x8x2048xf32, #tpu.memory_space<vmem>>, vector<1x1x16xf32>,
      %parallel_loop3A_1219 = vector.shape_cast %parallel_loop3A_1218 : vector<1x1x16xf32> to vector<16xf32>
      %parallel_loop3A_1220 = vector.shape_cast %parallel_loop3A_1204 : vector<16xf32> to vector<1x1x16xf32>
      tpu.vector_store %arg6[%parallel_loop3A_1215, %parallel_loop3A_1216, %parallel_loop3A_1217], %parallel_loop3A_1220 {add = true, strides = array<i32>} : memref<2x8x2048xf32, #tpu.memory_space<vmem>>, vector<1x1x16xf32>,
      %parallel_loop3A_1221 = arith.constant 1 : i32
      %parallel_loop3A_1222 = arith.constant 4 : i32
      %parallel_loop3A_1223 = arith.index_cast %parallel_loop3A_1221 : i32 to index
      %parallel_loop3A_1224 = arith.index_cast %parallel_loop3A_1222 : i32 to index
      %parallel_loop3A_1225 = arith.index_cast %parallel_loop3A_1128 : i32 to index
      %parallel_loop3A_1226 = tpu.vector_load %arg7[%parallel_loop3A_1223, %parallel_loop3A_1224, %parallel_loop3A_1225] {strides = array<i32>} : memref<2x8x2048xf32, #tpu.memory_space<vmem>>, vector<1x1x16xf32>,
      %parallel_loop3A_1227 = vector.shape_cast %parallel_loop3A_1226 : vector<1x1x16xf32> to vector<16xf32>
      %parallel_loop3A_1228 = arith.constant 1 : i32
      %parallel_loop3A_1229 = arith.constant 4 : i32
      %parallel_loop3A_1230 = arith.index_cast %parallel_loop3A_1228 : i32 to index
      %parallel_loop3A_1231 = arith.index_cast %parallel_loop3A_1229 : i32 to index
      %parallel_loop3A_1232 = arith.index_cast %parallel_loop3A_1128 : i32 to index
      %parallel_loop3A_1233 = tpu.vector_load %arg5[%parallel_loop3A_1230, %parallel_loop3A_1231, %parallel_loop3A_1232] {strides = array<i32>} : memref<2x8x2048xf32, #tpu.memory_space<vmem>>, vector<1x1x16xf32>,
      %parallel_loop3A_1234 = vector.shape_cast %parallel_loop3A_1233 : vector<1x1x16xf32> to vector<16xf32>
      %parallel_loop3A_1235 = vector.shape_cast %parallel_loop3A_1227 : vector<16xf32> to vector<1x1x16xf32>
      tpu.vector_store %arg5[%parallel_loop3A_1230, %parallel_loop3A_1231, %parallel_loop3A_1232], %parallel_loop3A_1235 {add = true, strides = array<i32>} : memref<2x8x2048xf32, #tpu.memory_space<vmem>>, vector<1x1x16xf32>,
      %parallel_loop3A_1236 = arith.constant 1 : i32
      %parallel_loop3A_1237 = arith.constant 4 : i32
      %parallel_loop3A_1238 = arith.index_cast %parallel_loop3A_1236 : i32 to index
      %parallel_loop3A_1239 = arith.index_cast %parallel_loop3A_1237 : i32 to index
      %parallel_loop3A_1240 = arith.index_cast %parallel_loop3A_1128 : i32 to index
      %parallel_loop3A_1241 = tpu.vector_load %arg6[%parallel_loop3A_1238, %parallel_loop3A_1239, %parallel_loop3A_1240] {strides = array<i32>} : memref<2x8x2048xf32, #tpu.memory_space<vmem>>, vector<1x1x16xf32>,
      %parallel_loop3A_1242 = vector.shape_cast %parallel_loop3A_1241 : vector<1x1x16xf32> to vector<16xf32>
      %parallel_loop3A_1243 = vector.shape_cast %parallel_loop3A_1227 : vector<16xf32> to vector<1x1x16xf32>
      tpu.vector_store %arg6[%parallel_loop3A_1238, %parallel_loop3A_1239, %parallel_loop3A_1240], %parallel_loop3A_1243 {add = true, strides = array<i32>} : memref<2x8x2048xf32, #tpu.memory_space<vmem>>, vector<1x1x16xf32>,
      %parallel_loop3A_1244 = arith.constant 1 : i32
      %parallel_loop3A_1245 = arith.constant 5 : i32
      %parallel_loop3A_1246 = arith.index_cast %parallel_loop3A_1244 : i32 to index
      %parallel_loop3A_1247 = arith.index_cast %parallel_loop3A_1245 : i32 to index
      %parallel_loop3A_1248 = arith.index_cast %parallel_loop3A_1128 : i32 to index
      %parallel_loop3A_1249 = tpu.vector_load %arg7[%parallel_loop3A_1246, %parallel_loop3A_1247, %parallel_loop3A_1248] {strides = array<i32>} : memref<2x8x2048xf32, #tpu.memory_space<vmem>>, vector<1x1x16xf32>,
      %parallel_loop3A_1250 = vector.shape_cast %parallel_loop3A_1249 : vector<1x1x16xf32> to vector<16xf32>
      %parallel_loop3A_1251 = arith.constant 1 : i32
      %parallel_loop3A_1252 = arith.constant 5 : i32
      %parallel_loop3A_1253 = arith.index_cast %parallel_loop3A_1251 : i32 to index
      %parallel_loop3A_1254 = arith.index_cast %parallel_loop3A_1252 : i32 to index
      %parallel_loop3A_1255 = arith.index_cast %parallel_loop3A_1128 : i32 to index
      %parallel_loop3A_1256 = tpu.vector_load %arg5[%parallel_loop3A_1253, %parallel_loop3A_1254, %parallel_loop3A_1255] {strides = array<i32>} : memref<2x8x2048xf32, #tpu.memory_space<vmem>>, vector<1x1x16xf32>,
      %parallel_loop3A_1257 = vector.shape_cast %parallel_loop3A_1256 : vector<1x1x16xf32> to vector<16xf32>
      %parallel_loop3A_1258 = vector.shape_cast %parallel_loop3A_1250 : vector<16xf32> to vector<1x1x16xf32>
      tpu.vector_store %arg5[%parallel_loop3A_1253, %parallel_loop3A_1254, %parallel_loop3A_1255], %parallel_loop3A_1258 {add = true, strides = array<i32>} : memref<2x8x2048xf32, #tpu.memory_space<vmem>>, vector<1x1x16xf32>,
      %parallel_loop3A_1259 = arith.constant 1 : i32
      %parallel_loop3A_1260 = arith.constant 5 : i32
      %parallel_loop3A_1261 = arith.index_cast %parallel_loop3A_1259 : i32 to index
      %parallel_loop3A_1262 = arith.index_cast %parallel_loop3A_1260 : i32 to index
      %parallel_loop3A_1263 = arith.index_cast %parallel_loop3A_1128 : i32 to index
      %parallel_loop3A_1264 = tpu.vector_load %arg6[%parallel_loop3A_1261, %parallel_loop3A_1262, %parallel_loop3A_1263] {strides = array<i32>} : memref<2x8x2048xf32, #tpu.memory_space<vmem>>, vector<1x1x16xf32>,
      %parallel_loop3A_1265 = vector.shape_cast %parallel_loop3A_1264 : vector<1x1x16xf32> to vector<16xf32>
      %parallel_loop3A_1266 = vector.shape_cast %parallel_loop3A_1250 : vector<16xf32> to vector<1x1x16xf32>
      tpu.vector_store %arg6[%parallel_loop3A_1261, %parallel_loop3A_1262, %parallel_loop3A_1263], %parallel_loop3A_1266 {add = true, strides = array<i32>} : memref<2x8x2048xf32, #tpu.memory_space<vmem>>, vector<1x1x16xf32>,
      %parallel_loop3A_1267 = arith.constant 1 : i32
      %parallel_loop3A_1268 = arith.constant 6 : i32
      %parallel_loop3A_1269 = arith.index_cast %parallel_loop3A_1267 : i32 to index
      %parallel_loop3A_1270 = arith.index_cast %parallel_loop3A_1268 : i32 to index
      %parallel_loop3A_1271 = arith.index_cast %parallel_loop3A_1128 : i32 to index
      %parallel_loop3A_1272 = tpu.vector_load %arg7[%parallel_loop3A_1269, %parallel_loop3A_1270, %parallel_loop3A_1271] {strides = array<i32>} : memref<2x8x2048xf32, #tpu.memory_space<vmem>>, vector<1x1x16xf32>,
      %parallel_loop3A_1273 = vector.shape_cast %parallel_loop3A_1272 : vector<1x1x16xf32> to vector<16xf32>
      %parallel_loop3A_1274 = arith.constant 1 : i32
      %parallel_loop3A_1275 = arith.constant 6 : i32
      %parallel_loop3A_1276 = arith.index_cast %parallel_loop3A_1274 : i32 to index
      %parallel_loop3A_1277 = arith.index_cast %parallel_loop3A_1275 : i32 to index
      %parallel_loop3A_1278 = arith.index_cast %parallel_loop3A_1128 : i32 to index
      %parallel_loop3A_1279 = tpu.vector_load %arg5[%parallel_loop3A_1276, %parallel_loop3A_1277, %parallel_loop3A_1278] {strides = array<i32>} : memref<2x8x2048xf32, #tpu.memory_space<vmem>>, vector<1x1x16xf32>,
      %parallel_loop3A_1280 = vector.shape_cast %parallel_loop3A_1279 : vector<1x1x16xf32> to vector<16xf32>
      %parallel_loop3A_1281 = vector.shape_cast %parallel_loop3A_1273 : vector<16xf32> to vector<1x1x16xf32>
      tpu.vector_store %arg5[%parallel_loop3A_1276, %parallel_loop3A_1277, %parallel_loop3A_1278], %parallel_loop3A_1281 {add = true, strides = array<i32>} : memref<2x8x2048xf32, #tpu.memory_space<vmem>>, vector<1x1x16xf32>,
      %parallel_loop3A_1282 = arith.constant 1 : i32
      %parallel_loop3A_1283 = arith.constant 6 : i32
      %parallel_loop3A_1284 = arith.index_cast %parallel_loop3A_1282 : i32 to index
      %parallel_loop3A_1285 = arith.index_cast %parallel_loop3A_1283 : i32 to index
      %parallel_loop3A_1286 = arith.index_cast %parallel_loop3A_1128 : i32 to index
      %parallel_loop3A_1287 = tpu.vector_load %arg6[%parallel_loop3A_1284, %parallel_loop3A_1285, %parallel_loop3A_1286] {strides = array<i32>} : memref<2x8x2048xf32, #tpu.memory_space<vmem>>, vector<1x1x16xf32>,
      %parallel_loop3A_1288 = vector.shape_cast %parallel_loop3A_1287 : vector<1x1x16xf32> to vector<16xf32>
      %parallel_loop3A_1289 = vector.shape_cast %parallel_loop3A_1273 : vector<16xf32> to vector<1x1x16xf32>
      tpu.vector_store %arg6[%parallel_loop3A_1284, %parallel_loop3A_1285, %parallel_loop3A_1286], %parallel_loop3A_1289 {add = true, strides = array<i32>} : memref<2x8x2048xf32, #tpu.memory_space<vmem>>, vector<1x1x16xf32>,
      %parallel_loop3A_1290 = arith.constant 1 : i32
      %parallel_loop3A_1291 = arith.constant 7 : i32
      %parallel_loop3A_1292 = arith.index_cast %parallel_loop3A_1290 : i32 to index
      %parallel_loop3A_1293 = arith.index_cast %parallel_loop3A_1291 : i32 to index
      %parallel_loop3A_1294 = arith.index_cast %parallel_loop3A_1128 : i32 to index
      %parallel_loop3A_1295 = tpu.vector_load %arg7[%parallel_loop3A_1292, %parallel_loop3A_1293, %parallel_loop3A_1294] {strides = array<i32>} : memref<2x8x2048xf32, #tpu.memory_space<vmem>>, vector<1x1x16xf32>,
      %parallel_loop3A_1296 = vector.shape_cast %parallel_loop3A_1295 : vector<1x1x16xf32> to vector<16xf32>
      %parallel_loop3A_1297 = arith.constant 1 : i32
      %parallel_loop3A_1298 = arith.constant 7 : i32
      %parallel_loop3A_1299 = arith.index_cast %parallel_loop3A_1297 : i32 to index
      %parallel_loop3A_1300 = arith.index_cast %parallel_loop3A_1298 : i32 to index
      %parallel_loop3A_1301 = arith.index_cast %parallel_loop3A_1128 : i32 to index
      %parallel_loop3A_1302 = tpu.vector_load %arg5[%parallel_loop3A_1299, %parallel_loop3A_1300, %parallel_loop3A_1301] {strides = array<i32>} : memref<2x8x2048xf32, #tpu.memory_space<vmem>>, vector<1x1x16xf32>,
      %parallel_loop3A_1303 = vector.shape_cast %parallel_loop3A_1302 : vector<1x1x16xf32> to vector<16xf32>
      %parallel_loop3A_1304 = vector.shape_cast %parallel_loop3A_1296 : vector<16xf32> to vector<1x1x16xf32>
      tpu.vector_store %arg5[%parallel_loop3A_1299, %parallel_loop3A_1300, %parallel_loop3A_1301], %parallel_loop3A_1304 {add = true, strides = array<i32>} : memref<2x8x2048xf32, #tpu.memory_space<vmem>>, vector<1x1x16xf32>,
      %parallel_loop3A_1305 = arith.constant 1 : i32
      %parallel_loop3A_1306 = arith.constant 7 : i32
      %parallel_loop3A_1307 = arith.index_cast %parallel_loop3A_1305 : i32 to index
      %parallel_loop3A_1308 = arith.index_cast %parallel_loop3A_1306 : i32 to index
      %parallel_loop3A_1309 = arith.index_cast %parallel_loop3A_1128 : i32 to index
      %parallel_loop3A_1310 = tpu.vector_load %arg6[%parallel_loop3A_1307, %parallel_loop3A_1308, %parallel_loop3A_1309] {strides = array<i32>} : memref<2x8x2048xf32, #tpu.memory_space<vmem>>, vector<1x1x16xf32>,
      %parallel_loop3A_1311 = vector.shape_cast %parallel_loop3A_1310 : vector<1x1x16xf32> to vector<16xf32>
      %parallel_loop3A_1312 = vector.shape_cast %parallel_loop3A_1296 : vector<16xf32> to vector<1x1x16xf32>
      tpu.vector_store %arg6[%parallel_loop3A_1307, %parallel_loop3A_1308, %parallel_loop3A_1309], %parallel_loop3A_1312 {add = true, strides = array<i32>} : memref<2x8x2048xf32, #tpu.memory_space<vmem>>, vector<1x1x16xf32>,
    } {sc.loop_unroll_factor = 2 : i64, sc.parallel_access}
    %add3A_551 = arith.constant 24 : i32
    %add3A_552 = arith.addi %mul3A_2, %add3A_551 : i32
    %dma_start3A_553 = arith.constant 1 : i32
    %dma_start3A_554 = arith.constant 0 : i32
    %dma_start3A_555 = arith.constant 0 : i32
    %dma_start3A_556 = tpu.memref_slice %arg5[%dma_start3A_553, %dma_start3A_554, %dma_start3A_555] : memref<2x8x2048xf32, #tpu.memory_space<vmem>> -> memref<1x8x2048xf32, #tpu.memory_space<vmem>>
    %dma_start3A_557 = tpu.memref_squeeze %dma_start3A_556 : memref<1x8x2048xf32, #tpu.memory_space<vmem>> -> memref<8x2048xf32, #tpu.memory_space<vmem>>
    %dma_start3A_558 = arith.constant 0 : i32
    %dma_start3A_559 = tpu.memref_slice %arg4[%add3A_552, %dma_start3A_558] : memref<4096x2048xf32, #tpu.memory_space<hbm>> -> memref<8x2048xf32, #tpu.memory_space<hbm>>
    %dma_start3A_560 = arith.constant 0 : i32
    %dma_start3A_561 = tpu.memref_slice %arg4[%add3A_552, %dma_start3A_560] : memref<4096x2048xf32, #tpu.memory_space<hbm>> -> memref<8x2048xf32, #tpu.memory_space<hbm>>
    %dma_start3A_562 = arith.constant 0 : i32
    %dma_start3A_563 = arith.constant 0 : i32
    %dma_start3A_564 = tpu.memref_slice %arg5[%dma_start3A_553, %dma_start3A_562, %dma_start3A_563] : memref<2x8x2048xf32, #tpu.memory_space<vmem>> -> memref<1x8x2048xf32, #tpu.memory_space<vmem>>
    %dma_start3A_565 = tpu.memref_squeeze %dma_start3A_564 : memref<1x8x2048xf32, #tpu.memory_space<vmem>> -> memref<8x2048xf32, #tpu.memory_space<vmem>>
    tpu.enqueue_dma source(%dma_start3A_565 : memref<8x2048xf32, #tpu.memory_space<vmem>>) target(%dma_start3A_561 : memref<8x2048xf32, #tpu.memory_space<hbm>>) target_semaphore(%arg11 : memref<!tpu.dma_semaphore, #tpu.memory_space<semaphore_mem>>)
    %add3A_566 = arith.constant 2048 : i32
    %add3A_567 = arith.addi %add3A_566, %add3A_552 : i32
    %dma_start3A_568 = arith.constant 1 : i32
    %dma_start3A_569 = arith.constant 0 : i32
    %dma_start3A_570 = arith.constant 0 : i32
    %dma_start3A_571 = tpu.memref_slice %arg6[%dma_start3A_568, %dma_start3A_569, %dma_start3A_570] : memref<2x8x2048xf32, #tpu.memory_space<vmem>> -> memref<1x8x2048xf32, #tpu.memory_space<vmem>>
    %dma_start3A_572 = tpu.memref_squeeze %dma_start3A_571 : memref<1x8x2048xf32, #tpu.memory_space<vmem>> -> memref<8x2048xf32, #tpu.memory_space<vmem>>
    %dma_start3A_573 = arith.constant 0 : i32
    %dma_start3A_574 = tpu.memref_slice %arg4[%add3A_567, %dma_start3A_573] : memref<4096x2048xf32, #tpu.memory_space<hbm>> -> memref<8x2048xf32, #tpu.memory_space<hbm>>
    %dma_start3A_575 = arith.constant 0 : i32
    %dma_start3A_576 = tpu.memref_slice %arg4[%add3A_567, %dma_start3A_575] : memref<4096x2048xf32, #tpu.memory_space<hbm>> -> memref<8x2048xf32, #tpu.memory_space<hbm>>
    %dma_start3A_577 = arith.constant 0 : i32
    %dma_start3A_578 = arith.constant 0 : i32
    %dma_start3A_579 = tpu.memref_slice %arg6[%dma_start3A_568, %dma_start3A_577, %dma_start3A_578] : memref<2x8x2048xf32, #tpu.memory_space<vmem>> -> memref<1x8x2048xf32, #tpu.memory_space<vmem>>
    %dma_start3A_580 = tpu.memref_squeeze %dma_start3A_579 : memref<1x8x2048xf32, #tpu.memory_space<vmem>> -> memref<8x2048xf32, #tpu.memory_space<vmem>>
    tpu.enqueue_dma source(%dma_start3A_580 : memref<8x2048xf32, #tpu.memory_space<vmem>>) target(%dma_start3A_576 : memref<8x2048xf32, #tpu.memory_space<hbm>>) target_semaphore(%arg11 : memref<!tpu.dma_semaphore, #tpu.memory_space<semaphore_mem>>)
    %dma_wait3A_581 = arith.constant 1 : i32
    %dma_wait3A_582 = arith.constant 0 : i32
    %dma_wait3A_583 = arith.constant 0 : i32
    %dma_wait3A_584 = tpu.memref_slice %arg5[%dma_wait3A_581, %dma_wait3A_582, %dma_wait3A_583] : memref<2x8x2048xf32, #tpu.memory_space<vmem>> -> memref<1x8x2048xf32, #tpu.memory_space<vmem>>
    %dma_wait3A_585 = tpu.memref_squeeze %dma_wait3A_584 : memref<1x8x2048xf32, #tpu.memory_space<vmem>> -> memref<8x2048xf32, #tpu.memory_space<vmem>>
    %dma_wait3A_586 = arith.constant 0 : i32
    %dma_wait3A_587 = tpu.memref_slice %arg4[%add3A_552, %dma_wait3A_586] : memref<4096x2048xf32, #tpu.memory_space<hbm>> -> memref<8x2048xf32, #tpu.memory_space<hbm>>
    %dma_wait3A_588 = arith.constant 0 : i32
    %dma_wait3A_589 = tpu.memref_slice %arg4[%add3A_552, %dma_wait3A_588] : memref<4096x2048xf32, #tpu.memory_space<hbm>> -> memref<8x2048xf32, #tpu.memory_space<hbm>>
    %dma_wait3A_590 = arith.constant 0 : i32
    %dma_wait3A_591 = arith.constant 0 : i32
    %dma_wait3A_592 = tpu.memref_slice %arg5[%dma_wait3A_581, %dma_wait3A_590, %dma_wait3A_591] : memref<2x8x2048xf32, #tpu.memory_space<vmem>> -> memref<1x8x2048xf32, #tpu.memory_space<vmem>>
    %dma_wait3A_593 = tpu.memref_squeeze %dma_wait3A_592 : memref<1x8x2048xf32, #tpu.memory_space<vmem>> -> memref<8x2048xf32, #tpu.memory_space<vmem>>
    tpu.wait_dma2 semaphore(%arg11 : memref<!tpu.dma_semaphore, #tpu.memory_space<semaphore_mem>>) src(%dma_wait3A_593 : memref<8x2048xf32, #tpu.memory_space<vmem>>) dst(%dma_wait3A_589 : memref<8x2048xf32, #tpu.memory_space<hbm>>)
    %dma_wait3A_594 = arith.constant 1 : i32
    %dma_wait3A_595 = arith.constant 0 : i32
    %dma_wait3A_596 = arith.constant 0 : i32
    %dma_wait3A_597 = tpu.memref_slice %arg6[%dma_wait3A_594, %dma_wait3A_595, %dma_wait3A_596] : memref<2x8x2048xf32, #tpu.memory_space<vmem>> -> memref<1x8x2048xf32, #tpu.memory_space<vmem>>
    %dma_wait3A_598 = tpu.memref_squeeze %dma_wait3A_597 : memref<1x8x2048xf32, #tpu.memory_space<vmem>> -> memref<8x2048xf32, #tpu.memory_space<vmem>>
    %dma_wait3A_599 = arith.constant 0 : i32
    %dma_wait3A_600 = tpu.memref_slice %arg4[%add3A_567, %dma_wait3A_599] : memref<4096x2048xf32, #tpu.memory_space<hbm>> -> memref<8x2048xf32, #tpu.memory_space<hbm>>
    %dma_wait3A_601 = arith.constant 0 : i32
    %dma_wait3A_602 = tpu.memref_slice %arg4[%add3A_567, %dma_wait3A_601] : memref<4096x2048xf32, #tpu.memory_space<hbm>> -> memref<8x2048xf32, #tpu.memory_space<hbm>>
    %dma_wait3A_603 = arith.constant 0 : i32
    %dma_wait3A_604 = arith.constant 0 : i32
    %dma_wait3A_605 = tpu.memref_slice %arg6[%dma_wait3A_594, %dma_wait3A_603, %dma_wait3A_604] : memref<2x8x2048xf32, #tpu.memory_space<vmem>> -> memref<1x8x2048xf32, #tpu.memory_space<vmem>>
    %dma_wait3A_606 = tpu.memref_squeeze %dma_wait3A_605 : memref<1x8x2048xf32, #tpu.memory_space<vmem>> -> memref<8x2048xf32, #tpu.memory_space<vmem>>
    tpu.wait_dma2 semaphore(%arg11 : memref<!tpu.dma_semaphore, #tpu.memory_space<semaphore_mem>>) src(%dma_wait3A_606 : memref<8x2048xf32, #tpu.memory_space<vmem>>) dst(%dma_wait3A_602 : memref<8x2048xf32, #tpu.memory_space<hbm>>)
    %add3A_607 = arith.constant 40 : i32
    %add3A_608 = arith.addi %mul3A_2, %add3A_607 : i32
    %dma_start3A_609 = arith.constant 1 : i32
    %dma_start3A_610 = arith.constant 0 : i32
    %dma_start3A_611 = arith.constant 0 : i32
    %dma_start3A_612 = tpu.memref_slice %arg7[%dma_start3A_609, %dma_start3A_610, %dma_start3A_611] : memref<2x8x2048xf32, #tpu.memory_space<vmem>> -> memref<1x8x2048xf32, #tpu.memory_space<vmem>>
    %dma_start3A_613 = tpu.memref_squeeze %dma_start3A_612 : memref<1x8x2048xf32, #tpu.memory_space<vmem>> -> memref<8x2048xf32, #tpu.memory_space<vmem>>
    %dma_start3A_614 = arith.constant 0 : i32
    %dma_start3A_615 = tpu.memref_slice %arg3[%add3A_608, %dma_start3A_614] : memref<2048x2048xf32, #tpu.memory_space<hbm>> -> memref<8x2048xf32, #tpu.memory_space<hbm>>
    %dma_start3A_616 = arith.constant 0 : i32
    %dma_start3A_617 = arith.constant 0 : i32
    %dma_start3A_618 = tpu.memref_slice %arg7[%dma_start3A_609, %dma_start3A_616, %dma_start3A_617] : memref<2x8x2048xf32, #tpu.memory_space<vmem>> -> memref<1x8x2048xf32, #tpu.memory_space<vmem>>
    %dma_start3A_619 = tpu.memref_squeeze %dma_start3A_618 : memref<1x8x2048xf32, #tpu.memory_space<vmem>> -> memref<8x2048xf32, #tpu.memory_space<vmem>>
    %dma_start3A_620 = arith.constant 0 : i32
    %dma_start3A_621 = tpu.memref_slice %arg3[%add3A_608, %dma_start3A_620] : memref<2048x2048xf32, #tpu.memory_space<hbm>> -> memref<8x2048xf32, #tpu.memory_space<hbm>>
    tpu.enqueue_dma source(%dma_start3A_621 : memref<8x2048xf32, #tpu.memory_space<hbm>>) target(%dma_start3A_619 : memref<8x2048xf32, #tpu.memory_space<vmem>>) target_semaphore(%arg9 : memref<!tpu.dma_semaphore, #tpu.memory_space<semaphore_mem>>)
    %dma_start3A_622 = arith.constant 1 : i32
    %dma_start3A_623 = arith.constant 0 : i32
    %dma_start3A_624 = arith.constant 0 : i32
    %dma_start3A_625 = tpu.memref_slice %arg5[%dma_start3A_622, %dma_start3A_623, %dma_start3A_624] : memref<2x8x2048xf32, #tpu.memory_space<vmem>> -> memref<1x8x2048xf32, #tpu.memory_space<vmem>>
    %dma_start3A_626 = tpu.memref_squeeze %dma_start3A_625 : memref<1x8x2048xf32, #tpu.memory_space<vmem>> -> memref<8x2048xf32, #tpu.memory_space<vmem>>
    %dma_start3A_627 = arith.constant 0 : i32
    %dma_start3A_628 = tpu.memref_slice %arg2[%add3A_608, %dma_start3A_627] : memref<4096x2048xf32, #tpu.memory_space<hbm>> -> memref<8x2048xf32, #tpu.memory_space<hbm>>
    %dma_start3A_629 = arith.constant 0 : i32
    %dma_start3A_630 = arith.constant 0 : i32
    %dma_start3A_631 = tpu.memref_slice %arg5[%dma_start3A_622, %dma_start3A_629, %dma_start3A_630] : memref<2x8x2048xf32, #tpu.memory_space<vmem>> -> memref<1x8x2048xf32, #tpu.memory_space<vmem>>
    %dma_start3A_632 = tpu.memref_squeeze %dma_start3A_631 : memref<1x8x2048xf32, #tpu.memory_space<vmem>> -> memref<8x2048xf32, #tpu.memory_space<vmem>>
    %dma_start3A_633 = arith.constant 0 : i32
    %dma_start3A_634 = tpu.memref_slice %arg2[%add3A_608, %dma_start3A_633] : memref<4096x2048xf32, #tpu.memory_space<hbm>> -> memref<8x2048xf32, #tpu.memory_space<hbm>>
    tpu.enqueue_dma source(%dma_start3A_634 : memref<8x2048xf32, #tpu.memory_space<hbm>>) target(%dma_start3A_632 : memref<8x2048xf32, #tpu.memory_space<vmem>>) target_semaphore(%arg9 : memref<!tpu.dma_semaphore, #tpu.memory_space<semaphore_mem>>)
    %add3A_635 = arith.constant 2048 : i32
    %add3A_636 = arith.addi %add3A_635, %add3A_608 : i32
    %dma_start3A_637 = arith.constant 1 : i32
    %dma_start3A_638 = arith.constant 0 : i32
    %dma_start3A_639 = arith.constant 0 : i32
    %dma_start3A_640 = tpu.memref_slice %arg6[%dma_start3A_637, %dma_start3A_638, %dma_start3A_639] : memref<2x8x2048xf32, #tpu.memory_space<vmem>> -> memref<1x8x2048xf32, #tpu.memory_space<vmem>>
    %dma_start3A_641 = tpu.memref_squeeze %dma_start3A_640 : memref<1x8x2048xf32, #tpu.memory_space<vmem>> -> memref<8x2048xf32, #tpu.memory_space<vmem>>
    %dma_start3A_642 = arith.constant 0 : i32
    %dma_start3A_643 = tpu.memref_slice %arg2[%add3A_636, %dma_start3A_642] : memref<4096x2048xf32, #tpu.memory_space<hbm>> -> memref<8x2048xf32, #tpu.memory_space<hbm>>
    %dma_start3A_644 = arith.constant 0 : i32
    %dma_start3A_645 = arith.constant 0 : i32
    %dma_start3A_646 = tpu.memref_slice %arg6[%dma_start3A_637, %dma_start3A_644, %dma_start3A_645] : memref<2x8x2048xf32, #tpu.memory_space<vmem>> -> memref<1x8x2048xf32, #tpu.memory_space<vmem>>
    %dma_start3A_647 = tpu.memref_squeeze %dma_start3A_646 : memref<1x8x2048xf32, #tpu.memory_space<vmem>> -> memref<8x2048xf32, #tpu.memory_space<vmem>>
    %dma_start3A_648 = arith.constant 0 : i32
    %dma_start3A_649 = tpu.memref_slice %arg2[%add3A_636, %dma_start3A_648] : memref<4096x2048xf32, #tpu.memory_space<hbm>> -> memref<8x2048xf32, #tpu.memory_space<hbm>>
    tpu.enqueue_dma source(%dma_start3A_649 : memref<8x2048xf32, #tpu.memory_space<hbm>>) target(%dma_start3A_647 : memref<8x2048xf32, #tpu.memory_space<vmem>>) target_semaphore(%arg9 : memref<!tpu.dma_semaphore, #tpu.memory_space<semaphore_mem>>)
    %dma_wait3A_650 = arith.constant 0 : i32
    %dma_wait3A_651 = arith.constant 0 : i32
    %dma_wait3A_652 = arith.constant 0 : i32
    %dma_wait3A_653 = tpu.memref_slice %arg7[%dma_wait3A_650, %dma_wait3A_651, %dma_wait3A_652] : memref<2x8x2048xf32, #tpu.memory_space<vmem>> -> memref<1x8x2048xf32, #tpu.memory_space<vmem>>
    %dma_wait3A_654 = tpu.memref_squeeze %dma_wait3A_653 : memref<1x8x2048xf32, #tpu.memory_space<vmem>> -> memref<8x2048xf32, #tpu.memory_space<vmem>>
    %dma_wait3A_655 = arith.constant 0 : i32
    %dma_wait3A_656 = tpu.memref_slice %arg3[%add3A_467, %dma_wait3A_655] : memref<2048x2048xf32, #tpu.memory_space<hbm>> -> memref<8x2048xf32, #tpu.memory_space<hbm>>
    %dma_wait3A_657 = arith.constant 0 : i32
    %dma_wait3A_658 = arith.constant 0 : i32
    %dma_wait3A_659 = tpu.memref_slice %arg7[%dma_wait3A_650, %dma_wait3A_657, %dma_wait3A_658] : memref<2x8x2048xf32, #tpu.memory_space<vmem>> -> memref<1x8x2048xf32, #tpu.memory_space<vmem>>
    %dma_wait3A_660 = tpu.memref_squeeze %dma_wait3A_659 : memref<1x8x2048xf32, #tpu.memory_space<vmem>> -> memref<8x2048xf32, #tpu.memory_space<vmem>>
    %dma_wait3A_661 = arith.constant 0 : i32
    %dma_wait3A_662 = tpu.memref_slice %arg3[%add3A_467, %dma_wait3A_661] : memref<2048x2048xf32, #tpu.memory_space<hbm>> -> memref<8x2048xf32, #tpu.memory_space<hbm>>
    tpu.wait_dma2 semaphore(%arg8 : memref<!tpu.dma_semaphore, #tpu.memory_space<semaphore_mem>>) src(%dma_wait3A_662 : memref<8x2048xf32, #tpu.memory_space<hbm>>) dst(%dma_wait3A_660 : memref<8x2048xf32, #tpu.memory_space<vmem>>)
    %dma_wait3A_663 = arith.constant 0 : i32
    %dma_wait3A_664 = arith.constant 0 : i32
    %dma_wait3A_665 = arith.constant 0 : i32
    %dma_wait3A_666 = tpu.memref_slice %arg5[%dma_wait3A_663, %dma_wait3A_664, %dma_wait3A_665] : memref<2x8x2048xf32, #tpu.memory_space<vmem>> -> memref<1x8x2048xf32, #tpu.memory_space<vmem>>
    %dma_wait3A_667 = tpu.memref_squeeze %dma_wait3A_666 : memref<1x8x2048xf32, #tpu.memory_space<vmem>> -> memref<8x2048xf32, #tpu.memory_space<vmem>>
    %dma_wait3A_668 = arith.constant 0 : i32
    %dma_wait3A_669 = tpu.memref_slice %arg2[%add3A_467, %dma_wait3A_668] : memref<4096x2048xf32, #tpu.memory_space<hbm>> -> memref<8x2048xf32, #tpu.memory_space<hbm>>
    %dma_wait3A_670 = arith.constant 0 : i32
    %dma_wait3A_671 = arith.constant 0 : i32
    %dma_wait3A_672 = tpu.memref_slice %arg5[%dma_wait3A_663, %dma_wait3A_670, %dma_wait3A_671] : memref<2x8x2048xf32, #tpu.memory_space<vmem>> -> memref<1x8x2048xf32, #tpu.memory_space<vmem>>
    %dma_wait3A_673 = tpu.memref_squeeze %dma_wait3A_672 : memref<1x8x2048xf32, #tpu.memory_space<vmem>> -> memref<8x2048xf32, #tpu.memory_space<vmem>>
    %dma_wait3A_674 = arith.constant 0 : i32
    %dma_wait3A_675 = tpu.memref_slice %arg2[%add3A_467, %dma_wait3A_674] : memref<4096x2048xf32, #tpu.memory_space<hbm>> -> memref<8x2048xf32, #tpu.memory_space<hbm>>
    tpu.wait_dma2 semaphore(%arg8 : memref<!tpu.dma_semaphore, #tpu.memory_space<semaphore_mem>>) src(%dma_wait3A_675 : memref<8x2048xf32, #tpu.memory_space<hbm>>) dst(%dma_wait3A_673 : memref<8x2048xf32, #tpu.memory_space<vmem>>)
    %dma_wait3A_676 = arith.constant 0 : i32
    %dma_wait3A_677 = arith.constant 0 : i32
    %dma_wait3A_678 = arith.constant 0 : i32
    %dma_wait3A_679 = tpu.memref_slice %arg6[%dma_wait3A_676, %dma_wait3A_677, %dma_wait3A_678] : memref<2x8x2048xf32, #tpu.memory_space<vmem>> -> memref<1x8x2048xf32, #tpu.memory_space<vmem>>
    %dma_wait3A_680 = tpu.memref_squeeze %dma_wait3A_679 : memref<1x8x2048xf32, #tpu.memory_space<vmem>> -> memref<8x2048xf32, #tpu.memory_space<vmem>>
    %dma_wait3A_681 = arith.constant 0 : i32
    %dma_wait3A_682 = tpu.memref_slice %arg2[%add3A_495, %dma_wait3A_681] : memref<4096x2048xf32, #tpu.memory_space<hbm>> -> memref<8x2048xf32, #tpu.memory_space<hbm>>
    %dma_wait3A_683 = arith.constant 0 : i32
    %dma_wait3A_684 = arith.constant 0 : i32
    %dma_wait3A_685 = tpu.memref_slice %arg6[%dma_wait3A_676, %dma_wait3A_683, %dma_wait3A_684] : memref<2x8x2048xf32, #tpu.memory_space<vmem>> -> memref<1x8x2048xf32, #tpu.memory_space<vmem>>
    %dma_wait3A_686 = tpu.memref_squeeze %dma_wait3A_685 : memref<1x8x2048xf32, #tpu.memory_space<vmem>> -> memref<8x2048xf32, #tpu.memory_space<vmem>>
    %dma_wait3A_687 = arith.constant 0 : i32
    %dma_wait3A_688 = tpu.memref_slice %arg2[%add3A_495, %dma_wait3A_687] : memref<4096x2048xf32, #tpu.memory_space<hbm>> -> memref<8x2048xf32, #tpu.memory_space<hbm>>
    tpu.wait_dma2 semaphore(%arg8 : memref<!tpu.dma_semaphore, #tpu.memory_space<semaphore_mem>>) src(%dma_wait3A_688 : memref<8x2048xf32, #tpu.memory_space<hbm>>) dst(%dma_wait3A_686 : memref<8x2048xf32, #tpu.memory_space<vmem>>)
    %parallel_loop3A_689 = arith.constant 0 : i32
    %parallel_loop3A_690 = arith.constant 2048 : i32
    %parallel_loop3A_691 = arith.constant 16 : i32
    scf.for %parallel_loop3A_1128 = %parallel_loop3A_689 to %parallel_loop3A_690 step %parallel_loop3A_691  : i32 {
      %parallel_loop3A_1129 = arith.constant 0 : i32
      %parallel_loop3A_1130 = arith.constant 0 : i32
      %parallel_loop3A_1131 = arith.index_cast %parallel_loop3A_1129 : i32 to index
      %parallel_loop3A_1132 = arith.index_cast %parallel_loop3A_1130 : i32 to index
      %parallel_loop3A_1133 = arith.index_cast %parallel_loop3A_1128 : i32 to index
      %parallel_loop3A_1134 = tpu.vector_load %arg7[%parallel_loop3A_1131, %parallel_loop3A_1132, %parallel_loop3A_1133] {strides = array<i32>} : memref<2x8x2048xf32, #tpu.memory_space<vmem>>, vector<1x1x16xf32>,
      %parallel_loop3A_1135 = vector.shape_cast %parallel_loop3A_1134 : vector<1x1x16xf32> to vector<16xf32>
      %parallel_loop3A_1136 = arith.constant 0 : i32
      %parallel_loop3A_1137 = arith.constant 0 : i32
      %parallel_loop3A_1138 = arith.index_cast %parallel_loop3A_1136 : i32 to index
      %parallel_loop3A_1139 = arith.index_cast %parallel_loop3A_1137 : i32 to index
      %parallel_loop3A_1140 = arith.index_cast %parallel_loop3A_1128 : i32 to index
      %parallel_loop3A_1141 = tpu.vector_load %arg5[%parallel_loop3A_1138, %parallel_loop3A_1139, %parallel_loop3A_1140] {strides = array<i32>} : memref<2x8x2048xf32, #tpu.memory_space<vmem>>, vector<1x1x16xf32>,
      %parallel_loop3A_1142 = vector.shape_cast %parallel_loop3A_1141 : vector<1x1x16xf32> to vector<16xf32>
      %parallel_loop3A_1143 = vector.shape_cast %parallel_loop3A_1135 : vector<16xf32> to vector<1x1x16xf32>
      tpu.vector_store %arg5[%parallel_loop3A_1138, %parallel_loop3A_1139, %parallel_loop3A_1140], %parallel_loop3A_1143 {add = true, strides = array<i32>} : memref<2x8x2048xf32, #tpu.memory_space<vmem>>, vector<1x1x16xf32>,
      %parallel_loop3A_1144 = arith.constant 0 : i32
      %parallel_loop3A_1145 = arith.constant 0 : i32
      %parallel_loop3A_1146 = arith.index_cast %parallel_loop3A_1144 : i32 to index
      %parallel_loop3A_1147 = arith.index_cast %parallel_loop3A_1145 : i32 to index
      %parallel_loop3A_1148 = arith.index_cast %parallel_loop3A_1128 : i32 to index
      %parallel_loop3A_1149 = tpu.vector_load %arg6[%parallel_loop3A_1146, %parallel_loop3A_1147, %parallel_loop3A_1148] {strides = array<i32>} : memref<2x8x2048xf32, #tpu.memory_space<vmem>>, vector<1x1x16xf32>,
      %parallel_loop3A_1150 = vector.shape_cast %parallel_loop3A_1149 : vector<1x1x16xf32> to vector<16xf32>
      %parallel_loop3A_1151 = vector.shape_cast %parallel_loop3A_1135 : vector<16xf32> to vector<1x1x16xf32>
      tpu.vector_store %arg6[%parallel_loop3A_1146, %parallel_loop3A_1147, %parallel_loop3A_1148], %parallel_loop3A_1151 {add = true, strides = array<i32>} : memref<2x8x2048xf32, #tpu.memory_space<vmem>>, vector<1x1x16xf32>,
      %parallel_loop3A_1152 = arith.constant 0 : i32
      %parallel_loop3A_1153 = arith.constant 1 : i32
      %parallel_loop3A_1154 = arith.index_cast %parallel_loop3A_1152 : i32 to index
      %parallel_loop3A_1155 = arith.index_cast %parallel_loop3A_1153 : i32 to index
      %parallel_loop3A_1156 = arith.index_cast %parallel_loop3A_1128 : i32 to index
      %parallel_loop3A_1157 = tpu.vector_load %arg7[%parallel_loop3A_1154, %parallel_loop3A_1155, %parallel_loop3A_1156] {strides = array<i32>} : memref<2x8x2048xf32, #tpu.memory_space<vmem>>, vector<1x1x16xf32>,
      %parallel_loop3A_1158 = vector.shape_cast %parallel_loop3A_1157 : vector<1x1x16xf32> to vector<16xf32>
      %parallel_loop3A_1159 = arith.constant 0 : i32
      %parallel_loop3A_1160 = arith.constant 1 : i32
      %parallel_loop3A_1161 = arith.index_cast %parallel_loop3A_1159 : i32 to index
      %parallel_loop3A_1162 = arith.index_cast %parallel_loop3A_1160 : i32 to index
      %parallel_loop3A_1163 = arith.index_cast %parallel_loop3A_1128 : i32 to index
      %parallel_loop3A_1164 = tpu.vector_load %arg5[%parallel_loop3A_1161, %parallel_loop3A_1162, %parallel_loop3A_1163] {strides = array<i32>} : memref<2x8x2048xf32, #tpu.memory_space<vmem>>, vector<1x1x16xf32>,
      %parallel_loop3A_1165 = vector.shape_cast %parallel_loop3A_1164 : vector<1x1x16xf32> to vector<16xf32>
      %parallel_loop3A_1166 = vector.shape_cast %parallel_loop3A_1158 : vector<16xf32> to vector<1x1x16xf32>
      tpu.vector_store %arg5[%parallel_loop3A_1161, %parallel_loop3A_1162, %parallel_loop3A_1163], %parallel_loop3A_1166 {add = true, strides = array<i32>} : memref<2x8x2048xf32, #tpu.memory_space<vmem>>, vector<1x1x16xf32>,
      %parallel_loop3A_1167 = arith.constant 0 : i32
      %parallel_loop3A_1168 = arith.constant 1 : i32
      %parallel_loop3A_1169 = arith.index_cast %parallel_loop3A_1167 : i32 to index
      %parallel_loop3A_1170 = arith.index_cast %parallel_loop3A_1168 : i32 to index
      %parallel_loop3A_1171 = arith.index_cast %parallel_loop3A_1128 : i32 to index
      %parallel_loop3A_1172 = tpu.vector_load %arg6[%parallel_loop3A_1169, %parallel_loop3A_1170, %parallel_loop3A_1171] {strides = array<i32>} : memref<2x8x2048xf32, #tpu.memory_space<vmem>>, vector<1x1x16xf32>,
      %parallel_loop3A_1173 = vector.shape_cast %parallel_loop3A_1172 : vector<1x1x16xf32> to vector<16xf32>
      %parallel_loop3A_1174 = vector.shape_cast %parallel_loop3A_1158 : vector<16xf32> to vector<1x1x16xf32>
      tpu.vector_store %arg6[%parallel_loop3A_1169, %parallel_loop3A_1170, %parallel_loop3A_1171], %parallel_loop3A_1174 {add = true, strides = array<i32>} : memref<2x8x2048xf32, #tpu.memory_space<vmem>>, vector<1x1x16xf32>,
      %parallel_loop3A_1175 = arith.constant 0 : i32
      %parallel_loop3A_1176 = arith.constant 2 : i32
      %parallel_loop3A_1177 = arith.index_cast %parallel_loop3A_1175 : i32 to index
      %parallel_loop3A_1178 = arith.index_cast %parallel_loop3A_1176 : i32 to index
      %parallel_loop3A_1179 = arith.index_cast %parallel_loop3A_1128 : i32 to index
      %parallel_loop3A_1180 = tpu.vector_load %arg7[%parallel_loop3A_1177, %parallel_loop3A_1178, %parallel_loop3A_1179] {strides = array<i32>} : memref<2x8x2048xf32, #tpu.memory_space<vmem>>, vector<1x1x16xf32>,
      %parallel_loop3A_1181 = vector.shape_cast %parallel_loop3A_1180 : vector<1x1x16xf32> to vector<16xf32>
      %parallel_loop3A_1182 = arith.constant 0 : i32
      %parallel_loop3A_1183 = arith.constant 2 : i32
      %parallel_loop3A_1184 = arith.index_cast %parallel_loop3A_1182 : i32 to index
      %parallel_loop3A_1185 = arith.index_cast %parallel_loop3A_1183 : i32 to index
      %parallel_loop3A_1186 = arith.index_cast %parallel_loop3A_1128 : i32 to index
      %parallel_loop3A_1187 = tpu.vector_load %arg5[%parallel_loop3A_1184, %parallel_loop3A_1185, %parallel_loop3A_1186] {strides = array<i32>} : memref<2x8x2048xf32, #tpu.memory_space<vmem>>, vector<1x1x16xf32>,
      %parallel_loop3A_1188 = vector.shape_cast %parallel_loop3A_1187 : vector<1x1x16xf32> to vector<16xf32>
      %parallel_loop3A_1189 = vector.shape_cast %parallel_loop3A_1181 : vector<16xf32> to vector<1x1x16xf32>
      tpu.vector_store %arg5[%parallel_loop3A_1184, %parallel_loop3A_1185, %parallel_loop3A_1186], %parallel_loop3A_1189 {add = true, strides = array<i32>} : memref<2x8x2048xf32, #tpu.memory_space<vmem>>, vector<1x1x16xf32>,
      %parallel_loop3A_1190 = arith.constant 0 : i32
      %parallel_loop3A_1191 = arith.constant 2 : i32
      %parallel_loop3A_1192 = arith.index_cast %parallel_loop3A_1190 : i32 to index
      %parallel_loop3A_1193 = arith.index_cast %parallel_loop3A_1191 : i32 to index
      %parallel_loop3A_1194 = arith.index_cast %parallel_loop3A_1128 : i32 to index
      %parallel_loop3A_1195 = tpu.vector_load %arg6[%parallel_loop3A_1192, %parallel_loop3A_1193, %parallel_loop3A_1194] {strides = array<i32>} : memref<2x8x2048xf32, #tpu.memory_space<vmem>>, vector<1x1x16xf32>,
      %parallel_loop3A_1196 = vector.shape_cast %parallel_loop3A_1195 : vector<1x1x16xf32> to vector<16xf32>
      %parallel_loop3A_1197 = vector.shape_cast %parallel_loop3A_1181 : vector<16xf32> to vector<1x1x16xf32>
      tpu.vector_store %arg6[%parallel_loop3A_1192, %parallel_loop3A_1193, %parallel_loop3A_1194], %parallel_loop3A_1197 {add = true, strides = array<i32>} : memref<2x8x2048xf32, #tpu.memory_space<vmem>>, vector<1x1x16xf32>,
      %parallel_loop3A_1198 = arith.constant 0 : i32
      %parallel_loop3A_1199 = arith.constant 3 : i32
      %parallel_loop3A_1200 = arith.index_cast %parallel_loop3A_1198 : i32 to index
      %parallel_loop3A_1201 = arith.index_cast %parallel_loop3A_1199 : i32 to index
      %parallel_loop3A_1202 = arith.index_cast %parallel_loop3A_1128 : i32 to index
      %parallel_loop3A_1203 = tpu.vector_load %arg7[%parallel_loop3A_1200, %parallel_loop3A_1201, %parallel_loop3A_1202] {strides = array<i32>} : memref<2x8x2048xf32, #tpu.memory_space<vmem>>, vector<1x1x16xf32>,
      %parallel_loop3A_1204 = vector.shape_cast %parallel_loop3A_1203 : vector<1x1x16xf32> to vector<16xf32>
      %parallel_loop3A_1205 = arith.constant 0 : i32
      %parallel_loop3A_1206 = arith.constant 3 : i32
      %parallel_loop3A_1207 = arith.index_cast %parallel_loop3A_1205 : i32 to index
      %parallel_loop3A_1208 = arith.index_cast %parallel_loop3A_1206 : i32 to index
      %parallel_loop3A_1209 = arith.index_cast %parallel_loop3A_1128 : i32 to index
      %parallel_loop3A_1210 = tpu.vector_load %arg5[%parallel_loop3A_1207, %parallel_loop3A_1208, %parallel_loop3A_1209] {strides = array<i32>} : memref<2x8x2048xf32, #tpu.memory_space<vmem>>, vector<1x1x16xf32>,
      %parallel_loop3A_1211 = vector.shape_cast %parallel_loop3A_1210 : vector<1x1x16xf32> to vector<16xf32>
      %parallel_loop3A_1212 = vector.shape_cast %parallel_loop3A_1204 : vector<16xf32> to vector<1x1x16xf32>
      tpu.vector_store %arg5[%parallel_loop3A_1207, %parallel_loop3A_1208, %parallel_loop3A_1209], %parallel_loop3A_1212 {add = true, strides = array<i32>} : memref<2x8x2048xf32, #tpu.memory_space<vmem>>, vector<1x1x16xf32>,
      %parallel_loop3A_1213 = arith.constant 0 : i32
      %parallel_loop3A_1214 = arith.constant 3 : i32
      %parallel_loop3A_1215 = arith.index_cast %parallel_loop3A_1213 : i32 to index
      %parallel_loop3A_1216 = arith.index_cast %parallel_loop3A_1214 : i32 to index
      %parallel_loop3A_1217 = arith.index_cast %parallel_loop3A_1128 : i32 to index
      %parallel_loop3A_1218 = tpu.vector_load %arg6[%parallel_loop3A_1215, %parallel_loop3A_1216, %parallel_loop3A_1217] {strides = array<i32>} : memref<2x8x2048xf32, #tpu.memory_space<vmem>>, vector<1x1x16xf32>,
      %parallel_loop3A_1219 = vector.shape_cast %parallel_loop3A_1218 : vector<1x1x16xf32> to vector<16xf32>
      %parallel_loop3A_1220 = vector.shape_cast %parallel_loop3A_1204 : vector<16xf32> to vector<1x1x16xf32>
      tpu.vector_store %arg6[%parallel_loop3A_1215, %parallel_loop3A_1216, %parallel_loop3A_1217], %parallel_loop3A_1220 {add = true, strides = array<i32>} : memref<2x8x2048xf32, #tpu.memory_space<vmem>>, vector<1x1x16xf32>,
      %parallel_loop3A_1221 = arith.constant 0 : i32
      %parallel_loop3A_1222 = arith.constant 4 : i32
      %parallel_loop3A_1223 = arith.index_cast %parallel_loop3A_1221 : i32 to index
      %parallel_loop3A_1224 = arith.index_cast %parallel_loop3A_1222 : i32 to index
      %parallel_loop3A_1225 = arith.index_cast %parallel_loop3A_1128 : i32 to index
      %parallel_loop3A_1226 = tpu.vector_load %arg7[%parallel_loop3A_1223, %parallel_loop3A_1224, %parallel_loop3A_1225] {strides = array<i32>} : memref<2x8x2048xf32, #tpu.memory_space<vmem>>, vector<1x1x16xf32>,
      %parallel_loop3A_1227 = vector.shape_cast %parallel_loop3A_1226 : vector<1x1x16xf32> to vector<16xf32>
      %parallel_loop3A_1228 = arith.constant 0 : i32
      %parallel_loop3A_1229 = arith.constant 4 : i32
      %parallel_loop3A_1230 = arith.index_cast %parallel_loop3A_1228 : i32 to index
      %parallel_loop3A_1231 = arith.index_cast %parallel_loop3A_1229 : i32 to index
      %parallel_loop3A_1232 = arith.index_cast %parallel_loop3A_1128 : i32 to index
      %parallel_loop3A_1233 = tpu.vector_load %arg5[%parallel_loop3A_1230, %parallel_loop3A_1231, %parallel_loop3A_1232] {strides = array<i32>} : memref<2x8x2048xf32, #tpu.memory_space<vmem>>, vector<1x1x16xf32>,
      %parallel_loop3A_1234 = vector.shape_cast %parallel_loop3A_1233 : vector<1x1x16xf32> to vector<16xf32>
      %parallel_loop3A_1235 = vector.shape_cast %parallel_loop3A_1227 : vector<16xf32> to vector<1x1x16xf32>
      tpu.vector_store %arg5[%parallel_loop3A_1230, %parallel_loop3A_1231, %parallel_loop3A_1232], %parallel_loop3A_1235 {add = true, strides = array<i32>} : memref<2x8x2048xf32, #tpu.memory_space<vmem>>, vector<1x1x16xf32>,
      %parallel_loop3A_1236 = arith.constant 0 : i32
      %parallel_loop3A_1237 = arith.constant 4 : i32
      %parallel_loop3A_1238 = arith.index_cast %parallel_loop3A_1236 : i32 to index
      %parallel_loop3A_1239 = arith.index_cast %parallel_loop3A_1237 : i32 to index
      %parallel_loop3A_1240 = arith.index_cast %parallel_loop3A_1128 : i32 to index
      %parallel_loop3A_1241 = tpu.vector_load %arg6[%parallel_loop3A_1238, %parallel_loop3A_1239, %parallel_loop3A_1240] {strides = array<i32>} : memref<2x8x2048xf32, #tpu.memory_space<vmem>>, vector<1x1x16xf32>,
      %parallel_loop3A_1242 = vector.shape_cast %parallel_loop3A_1241 : vector<1x1x16xf32> to vector<16xf32>
      %parallel_loop3A_1243 = vector.shape_cast %parallel_loop3A_1227 : vector<16xf32> to vector<1x1x16xf32>
      tpu.vector_store %arg6[%parallel_loop3A_1238, %parallel_loop3A_1239, %parallel_loop3A_1240], %parallel_loop3A_1243 {add = true, strides = array<i32>} : memref<2x8x2048xf32, #tpu.memory_space<vmem>>, vector<1x1x16xf32>,
      %parallel_loop3A_1244 = arith.constant 0 : i32
      %parallel_loop3A_1245 = arith.constant 5 : i32
      %parallel_loop3A_1246 = arith.index_cast %parallel_loop3A_1244 : i32 to index
      %parallel_loop3A_1247 = arith.index_cast %parallel_loop3A_1245 : i32 to index
      %parallel_loop3A_1248 = arith.index_cast %parallel_loop3A_1128 : i32 to index
      %parallel_loop3A_1249 = tpu.vector_load %arg7[%parallel_loop3A_1246, %parallel_loop3A_1247, %parallel_loop3A_1248] {strides = array<i32>} : memref<2x8x2048xf32, #tpu.memory_space<vmem>>, vector<1x1x16xf32>,
      %parallel_loop3A_1250 = vector.shape_cast %parallel_loop3A_1249 : vector<1x1x16xf32> to vector<16xf32>
      %parallel_loop3A_1251 = arith.constant 0 : i32
      %parallel_loop3A_1252 = arith.constant 5 : i32
      %parallel_loop3A_1253 = arith.index_cast %parallel_loop3A_1251 : i32 to index
      %parallel_loop3A_1254 = arith.index_cast %parallel_loop3A_1252 : i32 to index
      %parallel_loop3A_1255 = arith.index_cast %parallel_loop3A_1128 : i32 to index
      %parallel_loop3A_1256 = tpu.vector_load %arg5[%parallel_loop3A_1253, %parallel_loop3A_1254, %parallel_loop3A_1255] {strides = array<i32>} : memref<2x8x2048xf32, #tpu.memory_space<vmem>>, vector<1x1x16xf32>,
      %parallel_loop3A_1257 = vector.shape_cast %parallel_loop3A_1256 : vector<1x1x16xf32> to vector<16xf32>
      %parallel_loop3A_1258 = vector.shape_cast %parallel_loop3A_1250 : vector<16xf32> to vector<1x1x16xf32>
      tpu.vector_store %arg5[%parallel_loop3A_1253, %parallel_loop3A_1254, %parallel_loop3A_1255], %parallel_loop3A_1258 {add = true, strides = array<i32>} : memref<2x8x2048xf32, #tpu.memory_space<vmem>>, vector<1x1x16xf32>,
      %parallel_loop3A_1259 = arith.constant 0 : i32
      %parallel_loop3A_1260 = arith.constant 5 : i32
      %parallel_loop3A_1261 = arith.index_cast %parallel_loop3A_1259 : i32 to index
      %parallel_loop3A_1262 = arith.index_cast %parallel_loop3A_1260 : i32 to index
      %parallel_loop3A_1263 = arith.index_cast %parallel_loop3A_1128 : i32 to index
      %parallel_loop3A_1264 = tpu.vector_load %arg6[%parallel_loop3A_1261, %parallel_loop3A_1262, %parallel_loop3A_1263] {strides = array<i32>} : memref<2x8x2048xf32, #tpu.memory_space<vmem>>, vector<1x1x16xf32>,
      %parallel_loop3A_1265 = vector.shape_cast %parallel_loop3A_1264 : vector<1x1x16xf32> to vector<16xf32>
      %parallel_loop3A_1266 = vector.shape_cast %parallel_loop3A_1250 : vector<16xf32> to vector<1x1x16xf32>
      tpu.vector_store %arg6[%parallel_loop3A_1261, %parallel_loop3A_1262, %parallel_loop3A_1263], %parallel_loop3A_1266 {add = true, strides = array<i32>} : memref<2x8x2048xf32, #tpu.memory_space<vmem>>, vector<1x1x16xf32>,
      %parallel_loop3A_1267 = arith.constant 0 : i32
      %parallel_loop3A_1268 = arith.constant 6 : i32
      %parallel_loop3A_1269 = arith.index_cast %parallel_loop3A_1267 : i32 to index
      %parallel_loop3A_1270 = arith.index_cast %parallel_loop3A_1268 : i32 to index
      %parallel_loop3A_1271 = arith.index_cast %parallel_loop3A_1128 : i32 to index
      %parallel_loop3A_1272 = tpu.vector_load %arg7[%parallel_loop3A_1269, %parallel_loop3A_1270, %parallel_loop3A_1271] {strides = array<i32>} : memref<2x8x2048xf32, #tpu.memory_space<vmem>>, vector<1x1x16xf32>,
      %parallel_loop3A_1273 = vector.shape_cast %parallel_loop3A_1272 : vector<1x1x16xf32> to vector<16xf32>
      %parallel_loop3A_1274 = arith.constant 0 : i32
      %parallel_loop3A_1275 = arith.constant 6 : i32
      %parallel_loop3A_1276 = arith.index_cast %parallel_loop3A_1274 : i32 to index
      %parallel_loop3A_1277 = arith.index_cast %parallel_loop3A_1275 : i32 to index
      %parallel_loop3A_1278 = arith.index_cast %parallel_loop3A_1128 : i32 to index
      %parallel_loop3A_1279 = tpu.vector_load %arg5[%parallel_loop3A_1276, %parallel_loop3A_1277, %parallel_loop3A_1278] {strides = array<i32>} : memref<2x8x2048xf32, #tpu.memory_space<vmem>>, vector<1x1x16xf32>,
      %parallel_loop3A_1280 = vector.shape_cast %parallel_loop3A_1279 : vector<1x1x16xf32> to vector<16xf32>
      %parallel_loop3A_1281 = vector.shape_cast %parallel_loop3A_1273 : vector<16xf32> to vector<1x1x16xf32>
      tpu.vector_store %arg5[%parallel_loop3A_1276, %parallel_loop3A_1277, %parallel_loop3A_1278], %parallel_loop3A_1281 {add = true, strides = array<i32>} : memref<2x8x2048xf32, #tpu.memory_space<vmem>>, vector<1x1x16xf32>,
      %parallel_loop3A_1282 = arith.constant 0 : i32
      %parallel_loop3A_1283 = arith.constant 6 : i32
      %parallel_loop3A_1284 = arith.index_cast %parallel_loop3A_1282 : i32 to index
      %parallel_loop3A_1285 = arith.index_cast %parallel_loop3A_1283 : i32 to index
      %parallel_loop3A_1286 = arith.index_cast %parallel_loop3A_1128 : i32 to index
      %parallel_loop3A_1287 = tpu.vector_load %arg6[%parallel_loop3A_1284, %parallel_loop3A_1285, %parallel_loop3A_1286] {strides = array<i32>} : memref<2x8x2048xf32, #tpu.memory_space<vmem>>, vector<1x1x16xf32>,
      %parallel_loop3A_1288 = vector.shape_cast %parallel_loop3A_1287 : vector<1x1x16xf32> to vector<16xf32>
      %parallel_loop3A_1289 = vector.shape_cast %parallel_loop3A_1273 : vector<16xf32> to vector<1x1x16xf32>
      tpu.vector_store %arg6[%parallel_loop3A_1284, %parallel_loop3A_1285, %parallel_loop3A_1286], %parallel_loop3A_1289 {add = true, strides = array<i32>} : memref<2x8x2048xf32, #tpu.memory_space<vmem>>, vector<1x1x16xf32>,
      %parallel_loop3A_1290 = arith.constant 0 : i32
      %parallel_loop3A_1291 = arith.constant 7 : i32
      %parallel_loop3A_1292 = arith.index_cast %parallel_loop3A_1290 : i32 to index
      %parallel_loop3A_1293 = arith.index_cast %parallel_loop3A_1291 : i32 to index
      %parallel_loop3A_1294 = arith.index_cast %parallel_loop3A_1128 : i32 to index
      %parallel_loop3A_1295 = tpu.vector_load %arg7[%parallel_loop3A_1292, %parallel_loop3A_1293, %parallel_loop3A_1294] {strides = array<i32>} : memref<2x8x2048xf32, #tpu.memory_space<vmem>>, vector<1x1x16xf32>,
      %parallel_loop3A_1296 = vector.shape_cast %parallel_loop3A_1295 : vector<1x1x16xf32> to vector<16xf32>
      %parallel_loop3A_1297 = arith.constant 0 : i32
      %parallel_loop3A_1298 = arith.constant 7 : i32
      %parallel_loop3A_1299 = arith.index_cast %parallel_loop3A_1297 : i32 to index
      %parallel_loop3A_1300 = arith.index_cast %parallel_loop3A_1298 : i32 to index
      %parallel_loop3A_1301 = arith.index_cast %parallel_loop3A_1128 : i32 to index
      %parallel_loop3A_1302 = tpu.vector_load %arg5[%parallel_loop3A_1299, %parallel_loop3A_1300, %parallel_loop3A_1301] {strides = array<i32>} : memref<2x8x2048xf32, #tpu.memory_space<vmem>>, vector<1x1x16xf32>,
      %parallel_loop3A_1303 = vector.shape_cast %parallel_loop3A_1302 : vector<1x1x16xf32> to vector<16xf32>
      %parallel_loop3A_1304 = vector.shape_cast %parallel_loop3A_1296 : vector<16xf32> to vector<1x1x16xf32>
      tpu.vector_store %arg5[%parallel_loop3A_1299, %parallel_loop3A_1300, %parallel_loop3A_1301], %parallel_loop3A_1304 {add = true, strides = array<i32>} : memref<2x8x2048xf32, #tpu.memory_space<vmem>>, vector<1x1x16xf32>,
      %parallel_loop3A_1305 = arith.constant 0 : i32
      %parallel_loop3A_1306 = arith.constant 7 : i32
      %parallel_loop3A_1307 = arith.index_cast %parallel_loop3A_1305 : i32 to index
      %parallel_loop3A_1308 = arith.index_cast %parallel_loop3A_1306 : i32 to index
      %parallel_loop3A_1309 = arith.index_cast %parallel_loop3A_1128 : i32 to index
      %parallel_loop3A_1310 = tpu.vector_load %arg6[%parallel_loop3A_1307, %parallel_loop3A_1308, %parallel_loop3A_1309] {strides = array<i32>} : memref<2x8x2048xf32, #tpu.memory_space<vmem>>, vector<1x1x16xf32>,
      %parallel_loop3A_1311 = vector.shape_cast %parallel_loop3A_1310 : vector<1x1x16xf32> to vector<16xf32>
      %parallel_loop3A_1312 = vector.shape_cast %parallel_loop3A_1296 : vector<16xf32> to vector<1x1x16xf32>
      tpu.vector_store %arg6[%parallel_loop3A_1307, %parallel_loop3A_1308, %parallel_loop3A_1309], %parallel_loop3A_1312 {add = true, strides = array<i32>} : memref<2x8x2048xf32, #tpu.memory_space<vmem>>, vector<1x1x16xf32>,
    } {sc.loop_unroll_factor = 2 : i64, sc.parallel_access}
    %add3A_692 = arith.constant 32 : i32
    %add3A_693 = arith.addi %mul3A_2, %add3A_692 : i32
    %dma_start3A_694 = arith.constant 0 : i32
    %dma_start3A_695 = arith.constant 0 : i32
    %dma_start3A_696 = arith.constant 0 : i32
    %dma_start3A_697 = tpu.memref_slice %arg5[%dma_start3A_694, %dma_start3A_695, %dma_start3A_696] : memref<2x8x2048xf32, #tpu.memory_space<vmem>> -> memref<1x8x2048xf32, #tpu.memory_space<vmem>>
    %dma_start3A_698 = tpu.memref_squeeze %dma_start3A_697 : memref<1x8x2048xf32, #tpu.memory_space<vmem>> -> memref<8x2048xf32, #tpu.memory_space<vmem>>
    %dma_start3A_699 = arith.constant 0 : i32
    %dma_start3A_700 = tpu.memref_slice %arg4[%add3A_693, %dma_start3A_699] : memref<4096x2048xf32, #tpu.memory_space<hbm>> -> memref<8x2048xf32, #tpu.memory_space<hbm>>
    %dma_start3A_701 = arith.constant 0 : i32
    %dma_start3A_702 = tpu.memref_slice %arg4[%add3A_693, %dma_start3A_701] : memref<4096x2048xf32, #tpu.memory_space<hbm>> -> memref<8x2048xf32, #tpu.memory_space<hbm>>
    %dma_start3A_703 = arith.constant 0 : i32
    %dma_start3A_704 = arith.constant 0 : i32
    %dma_start3A_705 = tpu.memref_slice %arg5[%dma_start3A_694, %dma_start3A_703, %dma_start3A_704] : memref<2x8x2048xf32, #tpu.memory_space<vmem>> -> memref<1x8x2048xf32, #tpu.memory_space<vmem>>
    %dma_start3A_706 = tpu.memref_squeeze %dma_start3A_705 : memref<1x8x2048xf32, #tpu.memory_space<vmem>> -> memref<8x2048xf32, #tpu.memory_space<vmem>>
    tpu.enqueue_dma source(%dma_start3A_706 : memref<8x2048xf32, #tpu.memory_space<vmem>>) target(%dma_start3A_702 : memref<8x2048xf32, #tpu.memory_space<hbm>>) target_semaphore(%arg10 : memref<!tpu.dma_semaphore, #tpu.memory_space<semaphore_mem>>)
    %add3A_707 = arith.constant 2048 : i32
    %add3A_708 = arith.addi %add3A_707, %add3A_693 : i32
    %dma_start3A_709 = arith.constant 0 : i32
    %dma_start3A_710 = arith.constant 0 : i32
    %dma_start3A_711 = arith.constant 0 : i32
    %dma_start3A_712 = tpu.memref_slice %arg6[%dma_start3A_709, %dma_start3A_710, %dma_start3A_711] : memref<2x8x2048xf32, #tpu.memory_space<vmem>> -> memref<1x8x2048xf32, #tpu.memory_space<vmem>>
    %dma_start3A_713 = tpu.memref_squeeze %dma_start3A_712 : memref<1x8x2048xf32, #tpu.memory_space<vmem>> -> memref<8x2048xf32, #tpu.memory_space<vmem>>
    %dma_start3A_714 = arith.constant 0 : i32
    %dma_start3A_715 = tpu.memref_slice %arg4[%add3A_708, %dma_start3A_714] : memref<4096x2048xf32, #tpu.memory_space<hbm>> -> memref<8x2048xf32, #tpu.memory_space<hbm>>
    %dma_start3A_716 = arith.constant 0 : i32
    %dma_start3A_717 = tpu.memref_slice %arg4[%add3A_708, %dma_start3A_716] : memref<4096x2048xf32, #tpu.memory_space<hbm>> -> memref<8x2048xf32, #tpu.memory_space<hbm>>
    %dma_start3A_718 = arith.constant 0 : i32
    %dma_start3A_719 = arith.constant 0 : i32
    %dma_start3A_720 = tpu.memref_slice %arg6[%dma_start3A_709, %dma_start3A_718, %dma_start3A_719] : memref<2x8x2048xf32, #tpu.memory_space<vmem>> -> memref<1x8x2048xf32, #tpu.memory_space<vmem>>
    %dma_start3A_721 = tpu.memref_squeeze %dma_start3A_720 : memref<1x8x2048xf32, #tpu.memory_space<vmem>> -> memref<8x2048xf32, #tpu.memory_space<vmem>>
    tpu.enqueue_dma source(%dma_start3A_721 : memref<8x2048xf32, #tpu.memory_space<vmem>>) target(%dma_start3A_717 : memref<8x2048xf32, #tpu.memory_space<hbm>>) target_semaphore(%arg10 : memref<!tpu.dma_semaphore, #tpu.memory_space<semaphore_mem>>)
    %dma_wait3A_722 = arith.constant 0 : i32
    %dma_wait3A_723 = arith.constant 0 : i32
    %dma_wait3A_724 = arith.constant 0 : i32
    %dma_wait3A_725 = tpu.memref_slice %arg5[%dma_wait3A_722, %dma_wait3A_723, %dma_wait3A_724] : memref<2x8x2048xf32, #tpu.memory_space<vmem>> -> memref<1x8x2048xf32, #tpu.memory_space<vmem>>
    %dma_wait3A_726 = tpu.memref_squeeze %dma_wait3A_725 : memref<1x8x2048xf32, #tpu.memory_space<vmem>> -> memref<8x2048xf32, #tpu.memory_space<vmem>>
    %dma_wait3A_727 = arith.constant 0 : i32
    %dma_wait3A_728 = tpu.memref_slice %arg4[%add3A_693, %dma_wait3A_727] : memref<4096x2048xf32, #tpu.memory_space<hbm>> -> memref<8x2048xf32, #tpu.memory_space<hbm>>
    %dma_wait3A_729 = arith.constant 0 : i32
    %dma_wait3A_730 = tpu.memref_slice %arg4[%add3A_693, %dma_wait3A_729] : memref<4096x2048xf32, #tpu.memory_space<hbm>> -> memref<8x2048xf32, #tpu.memory_space<hbm>>
    %dma_wait3A_731 = arith.constant 0 : i32
    %dma_wait3A_732 = arith.constant 0 : i32
    %dma_wait3A_733 = tpu.memref_slice %arg5[%dma_wait3A_722, %dma_wait3A_731, %dma_wait3A_732] : memref<2x8x2048xf32, #tpu.memory_space<vmem>> -> memref<1x8x2048xf32, #tpu.memory_space<vmem>>
    %dma_wait3A_734 = tpu.memref_squeeze %dma_wait3A_733 : memref<1x8x2048xf32, #tpu.memory_space<vmem>> -> memref<8x2048xf32, #tpu.memory_space<vmem>>
    tpu.wait_dma2 semaphore(%arg10 : memref<!tpu.dma_semaphore, #tpu.memory_space<semaphore_mem>>) src(%dma_wait3A_734 : memref<8x2048xf32, #tpu.memory_space<vmem>>) dst(%dma_wait3A_730 : memref<8x2048xf32, #tpu.memory_space<hbm>>)
    %dma_wait3A_735 = arith.constant 0 : i32
    %dma_wait3A_736 = arith.constant 0 : i32
    %dma_wait3A_737 = arith.constant 0 : i32
    %dma_wait3A_738 = tpu.memref_slice %arg6[%dma_wait3A_735, %dma_wait3A_736, %dma_wait3A_737] : memref<2x8x2048xf32, #tpu.memory_space<vmem>> -> memref<1x8x2048xf32, #tpu.memory_space<vmem>>
    %dma_wait3A_739 = tpu.memref_squeeze %dma_wait3A_738 : memref<1x8x2048xf32, #tpu.memory_space<vmem>> -> memref<8x2048xf32, #tpu.memory_space<vmem>>
    %dma_wait3A_740 = arith.constant 0 : i32
    %dma_wait3A_741 = tpu.memref_slice %arg4[%add3A_708, %dma_wait3A_740] : memref<4096x2048xf32, #tpu.memory_space<hbm>> -> memref<8x2048xf32, #tpu.memory_space<hbm>>
    %dma_wait3A_742 = arith.constant 0 : i32
    %dma_wait3A_743 = tpu.memref_slice %arg4[%add3A_708, %dma_wait3A_742] : memref<4096x2048xf32, #tpu.memory_space<hbm>> -> memref<8x2048xf32, #tpu.memory_space<hbm>>
    %dma_wait3A_744 = arith.constant 0 : i32
    %dma_wait3A_745 = arith.constant 0 : i32
    %dma_wait3A_746 = tpu.memref_slice %arg6[%dma_wait3A_735, %dma_wait3A_744, %dma_wait3A_745] : memref<2x8x2048xf32, #tpu.memory_space<vmem>> -> memref<1x8x2048xf32, #tpu.memory_space<vmem>>
    %dma_wait3A_747 = tpu.memref_squeeze %dma_wait3A_746 : memref<1x8x2048xf32, #tpu.memory_space<vmem>> -> memref<8x2048xf32, #tpu.memory_space<vmem>>
    tpu.wait_dma2 semaphore(%arg10 : memref<!tpu.dma_semaphore, #tpu.memory_space<semaphore_mem>>) src(%dma_wait3A_747 : memref<8x2048xf32, #tpu.memory_space<vmem>>) dst(%dma_wait3A_743 : memref<8x2048xf32, #tpu.memory_space<hbm>>)
    %add3A_748 = arith.constant 48 : i32
    %add3A_749 = arith.addi %mul3A_2, %add3A_748 : i32
    %dma_start3A_750 = arith.constant 0 : i32
    %dma_start3A_751 = arith.constant 0 : i32
    %dma_start3A_752 = arith.constant 0 : i32
    %dma_start3A_753 = tpu.memref_slice %arg7[%dma_start3A_750, %dma_start3A_751, %dma_start3A_752] : memref<2x8x2048xf32, #tpu.memory_space<vmem>> -> memref<1x8x2048xf32, #tpu.memory_space<vmem>>
    %dma_start3A_754 = tpu.memref_squeeze %dma_start3A_753 : memref<1x8x2048xf32, #tpu.memory_space<vmem>> -> memref<8x2048xf32, #tpu.memory_space<vmem>>
    %dma_start3A_755 = arith.constant 0 : i32
    %dma_start3A_756 = tpu.memref_slice %arg3[%add3A_749, %dma_start3A_755] : memref<2048x2048xf32, #tpu.memory_space<hbm>> -> memref<8x2048xf32, #tpu.memory_space<hbm>>
    %dma_start3A_757 = arith.constant 0 : i32
    %dma_start3A_758 = arith.constant 0 : i32
    %dma_start3A_759 = tpu.memref_slice %arg7[%dma_start3A_750, %dma_start3A_757, %dma_start3A_758] : memref<2x8x2048xf32, #tpu.memory_space<vmem>> -> memref<1x8x2048xf32, #tpu.memory_space<vmem>>
    %dma_start3A_760 = tpu.memref_squeeze %dma_start3A_759 : memref<1x8x2048xf32, #tpu.memory_space<vmem>> -> memref<8x2048xf32, #tpu.memory_space<vmem>>
    %dma_start3A_761 = arith.constant 0 : i32
    %dma_start3A_762 = tpu.memref_slice %arg3[%add3A_749, %dma_start3A_761] : memref<2048x2048xf32, #tpu.memory_space<hbm>> -> memref<8x2048xf32, #tpu.memory_space<hbm>>
    tpu.enqueue_dma source(%dma_start3A_762 : memref<8x2048xf32, #tpu.memory_space<hbm>>) target(%dma_start3A_760 : memref<8x2048xf32, #tpu.memory_space<vmem>>) target_semaphore(%arg8 : memref<!tpu.dma_semaphore, #tpu.memory_space<semaphore_mem>>)
    %dma_start3A_763 = arith.constant 0 : i32
    %dma_start3A_764 = arith.constant 0 : i32
    %dma_start3A_765 = arith.constant 0 : i32
    %dma_start3A_766 = tpu.memref_slice %arg5[%dma_start3A_763, %dma_start3A_764, %dma_start3A_765] : memref<2x8x2048xf32, #tpu.memory_space<vmem>> -> memref<1x8x2048xf32, #tpu.memory_space<vmem>>
    %dma_start3A_767 = tpu.memref_squeeze %dma_start3A_766 : memref<1x8x2048xf32, #tpu.memory_space<vmem>> -> memref<8x2048xf32, #tpu.memory_space<vmem>>
    %dma_start3A_768 = arith.constant 0 : i32
    %dma_start3A_769 = tpu.memref_slice %arg2[%add3A_749, %dma_start3A_768] : memref<4096x2048xf32, #tpu.memory_space<hbm>> -> memref<8x2048xf32, #tpu.memory_space<hbm>>
    %dma_start3A_770 = arith.constant 0 : i32
    %dma_start3A_771 = arith.constant 0 : i32
    %dma_start3A_772 = tpu.memref_slice %arg5[%dma_start3A_763, %dma_start3A_770, %dma_start3A_771] : memref<2x8x2048xf32, #tpu.memory_space<vmem>> -> memref<1x8x2048xf32, #tpu.memory_space<vmem>>
    %dma_start3A_773 = tpu.memref_squeeze %dma_start3A_772 : memref<1x8x2048xf32, #tpu.memory_space<vmem>> -> memref<8x2048xf32, #tpu.memory_space<vmem>>
    %dma_start3A_774 = arith.constant 0 : i32
    %dma_start3A_775 = tpu.memref_slice %arg2[%add3A_749, %dma_start3A_774] : memref<4096x2048xf32, #tpu.memory_space<hbm>> -> memref<8x2048xf32, #tpu.memory_space<hbm>>
    tpu.enqueue_dma source(%dma_start3A_775 : memref<8x2048xf32, #tpu.memory_space<hbm>>) target(%dma_start3A_773 : memref<8x2048xf32, #tpu.memory_space<vmem>>) target_semaphore(%arg8 : memref<!tpu.dma_semaphore, #tpu.memory_space<semaphore_mem>>)
    %add3A_776 = arith.constant 2048 : i32
    %add3A_777 = arith.addi %add3A_776, %add3A_749 : i32
    %dma_start3A_778 = arith.constant 0 : i32
    %dma_start3A_779 = arith.constant 0 : i32
    %dma_start3A_780 = arith.constant 0 : i32
    %dma_start3A_781 = tpu.memref_slice %arg6[%dma_start3A_778, %dma_start3A_779, %dma_start3A_780] : memref<2x8x2048xf32, #tpu.memory_space<vmem>> -> memref<1x8x2048xf32, #tpu.memory_space<vmem>>
    %dma_start3A_782 = tpu.memref_squeeze %dma_start3A_781 : memref<1x8x2048xf32, #tpu.memory_space<vmem>> -> memref<8x2048xf32, #tpu.memory_space<vmem>>
    %dma_start3A_783 = arith.constant 0 : i32
    %dma_start3A_784 = tpu.memref_slice %arg2[%add3A_777, %dma_start3A_783] : memref<4096x2048xf32, #tpu.memory_space<hbm>> -> memref<8x2048xf32, #tpu.memory_space<hbm>>
    %dma_start3A_785 = arith.constant 0 : i32
    %dma_start3A_786 = arith.constant 0 : i32
    %dma_start3A_787 = tpu.memref_slice %arg6[%dma_start3A_778, %dma_start3A_785, %dma_start3A_786] : memref<2x8x2048xf32, #tpu.memory_space<vmem>> -> memref<1x8x2048xf32, #tpu.memory_space<vmem>>
    %dma_start3A_788 = tpu.memref_squeeze %dma_start3A_787 : memref<1x8x2048xf32, #tpu.memory_space<vmem>> -> memref<8x2048xf32, #tpu.memory_space<vmem>>
    %dma_start3A_789 = arith.constant 0 : i32
    %dma_start3A_790 = tpu.memref_slice %arg2[%add3A_777, %dma_start3A_789] : memref<4096x2048xf32, #tpu.memory_space<hbm>> -> memref<8x2048xf32, #tpu.memory_space<hbm>>
    tpu.enqueue_dma source(%dma_start3A_790 : memref<8x2048xf32, #tpu.memory_space<hbm>>) target(%dma_start3A_788 : memref<8x2048xf32, #tpu.memory_space<vmem>>) target_semaphore(%arg8 : memref<!tpu.dma_semaphore, #tpu.memory_space<semaphore_mem>>)
    %dma_wait3A_791 = arith.constant 1 : i32
    %dma_wait3A_792 = arith.constant 0 : i32
    %dma_wait3A_793 = arith.constant 0 : i32
    %dma_wait3A_794 = tpu.memref_slice %arg7[%dma_wait3A_791, %dma_wait3A_792, %dma_wait3A_793] : memref<2x8x2048xf32, #tpu.memory_space<vmem>> -> memref<1x8x2048xf32, #tpu.memory_space<vmem>>
    %dma_wait3A_795 = tpu.memref_squeeze %dma_wait3A_794 : memref<1x8x2048xf32, #tpu.memory_space<vmem>> -> memref<8x2048xf32, #tpu.memory_space<vmem>>
    %dma_wait3A_796 = arith.constant 0 : i32
    %dma_wait3A_797 = tpu.memref_slice %arg3[%add3A_608, %dma_wait3A_796] : memref<2048x2048xf32, #tpu.memory_space<hbm>> -> memref<8x2048xf32, #tpu.memory_space<hbm>>
    %dma_wait3A_798 = arith.constant 0 : i32
    %dma_wait3A_799 = arith.constant 0 : i32
    %dma_wait3A_800 = tpu.memref_slice %arg7[%dma_wait3A_791, %dma_wait3A_798, %dma_wait3A_799] : memref<2x8x2048xf32, #tpu.memory_space<vmem>> -> memref<1x8x2048xf32, #tpu.memory_space<vmem>>
    %dma_wait3A_801 = tpu.memref_squeeze %dma_wait3A_800 : memref<1x8x2048xf32, #tpu.memory_space<vmem>> -> memref<8x2048xf32, #tpu.memory_space<vmem>>
    %dma_wait3A_802 = arith.constant 0 : i32
    %dma_wait3A_803 = tpu.memref_slice %arg3[%add3A_608, %dma_wait3A_802] : memref<2048x2048xf32, #tpu.memory_space<hbm>> -> memref<8x2048xf32, #tpu.memory_space<hbm>>
    tpu.wait_dma2 semaphore(%arg9 : memref<!tpu.dma_semaphore, #tpu.memory_space<semaphore_mem>>) src(%dma_wait3A_803 : memref<8x2048xf32, #tpu.memory_space<hbm>>) dst(%dma_wait3A_801 : memref<8x2048xf32, #tpu.memory_space<vmem>>)
    %dma_wait3A_804 = arith.constant 1 : i32
    %dma_wait3A_805 = arith.constant 0 : i32
    %dma_wait3A_806 = arith.constant 0 : i32
    %dma_wait3A_807 = tpu.memref_slice %arg5[%dma_wait3A_804, %dma_wait3A_805, %dma_wait3A_806] : memref<2x8x2048xf32, #tpu.memory_space<vmem>> -> memref<1x8x2048xf32, #tpu.memory_space<vmem>>
    %dma_wait3A_808 = tpu.memref_squeeze %dma_wait3A_807 : memref<1x8x2048xf32, #tpu.memory_space<vmem>> -> memref<8x2048xf32, #tpu.memory_space<vmem>>
    %dma_wait3A_809 = arith.constant 0 : i32
    %dma_wait3A_810 = tpu.memref_slice %arg2[%add3A_608, %dma_wait3A_809] : memref<4096x2048xf32, #tpu.memory_space<hbm>> -> memref<8x2048xf32, #tpu.memory_space<hbm>>
    %dma_wait3A_811 = arith.constant 0 : i32
    %dma_wait3A_812 = arith.constant 0 : i32
    %dma_wait3A_813 = tpu.memref_slice %arg5[%dma_wait3A_804, %dma_wait3A_811, %dma_wait3A_812] : memref<2x8x2048xf32, #tpu.memory_space<vmem>> -> memref<1x8x2048xf32, #tpu.memory_space<vmem>>
    %dma_wait3A_814 = tpu.memref_squeeze %dma_wait3A_813 : memref<1x8x2048xf32, #tpu.memory_space<vmem>> -> memref<8x2048xf32, #tpu.memory_space<vmem>>
    %dma_wait3A_815 = arith.constant 0 : i32
    %dma_wait3A_816 = tpu.memref_slice %arg2[%add3A_608, %dma_wait3A_815] : memref<4096x2048xf32, #tpu.memory_space<hbm>> -> memref<8x2048xf32, #tpu.memory_space<hbm>>
    tpu.wait_dma2 semaphore(%arg9 : memref<!tpu.dma_semaphore, #tpu.memory_space<semaphore_mem>>) src(%dma_wait3A_816 : memref<8x2048xf32, #tpu.memory_space<hbm>>) dst(%dma_wait3A_814 : memref<8x2048xf32, #tpu.memory_space<vmem>>)
    %dma_wait3A_817 = arith.constant 1 : i32
    %dma_wait3A_818 = arith.constant 0 : i32
    %dma_wait3A_819 = arith.constant 0 : i32
    %dma_wait3A_820 = tpu.memref_slice %arg6[%dma_wait3A_817, %dma_wait3A_818, %dma_wait3A_819] : memref<2x8x2048xf32, #tpu.memory_space<vmem>> -> memref<1x8x2048xf32, #tpu.memory_space<vmem>>
    %dma_wait3A_821 = tpu.memref_squeeze %dma_wait3A_820 : memref<1x8x2048xf32, #tpu.memory_space<vmem>> -> memref<8x2048xf32, #tpu.memory_space<vmem>>
    %dma_wait3A_822 = arith.constant 0 : i32
    %dma_wait3A_823 = tpu.memref_slice %arg2[%add3A_636, %dma_wait3A_822] : memref<4096x2048xf32, #tpu.memory_space<hbm>> -> memref<8x2048xf32, #tpu.memory_space<hbm>>
    %dma_wait3A_824 = arith.constant 0 : i32
    %dma_wait3A_825 = arith.constant 0 : i32
    %dma_wait3A_826 = tpu.memref_slice %arg6[%dma_wait3A_817, %dma_wait3A_824, %dma_wait3A_825] : memref<2x8x2048xf32, #tpu.memory_space<vmem>> -> memref<1x8x2048xf32, #tpu.memory_space<vmem>>
    %dma_wait3A_827 = tpu.memref_squeeze %dma_wait3A_826 : memref<1x8x2048xf32, #tpu.memory_space<vmem>> -> memref<8x2048xf32, #tpu.memory_space<vmem>>
    %dma_wait3A_828 = arith.constant 0 : i32
    %dma_wait3A_829 = tpu.memref_slice %arg2[%add3A_636, %dma_wait3A_828] : memref<4096x2048xf32, #tpu.memory_space<hbm>> -> memref<8x2048xf32, #tpu.memory_space<hbm>>
    tpu.wait_dma2 semaphore(%arg9 : memref<!tpu.dma_semaphore, #tpu.memory_space<semaphore_mem>>) src(%dma_wait3A_829 : memref<8x2048xf32, #tpu.memory_space<hbm>>) dst(%dma_wait3A_827 : memref<8x2048xf32, #tpu.memory_space<vmem>>)
    %parallel_loop3A_830 = arith.constant 0 : i32
    %parallel_loop3A_831 = arith.constant 2048 : i32
    %parallel_loop3A_832 = arith.constant 16 : i32
    scf.for %parallel_loop3A_1128 = %parallel_loop3A_830 to %parallel_loop3A_831 step %parallel_loop3A_832  : i32 {
      %parallel_loop3A_1129 = arith.constant 1 : i32
      %parallel_loop3A_1130 = arith.constant 0 : i32
      %parallel_loop3A_1131 = arith.index_cast %parallel_loop3A_1129 : i32 to index
      %parallel_loop3A_1132 = arith.index_cast %parallel_loop3A_1130 : i32 to index
      %parallel_loop3A_1133 = arith.index_cast %parallel_loop3A_1128 : i32 to index
      %parallel_loop3A_1134 = tpu.vector_load %arg7[%parallel_loop3A_1131, %parallel_loop3A_1132, %parallel_loop3A_1133] {strides = array<i32>} : memref<2x8x2048xf32, #tpu.memory_space<vmem>>, vector<1x1x16xf32>,
      %parallel_loop3A_1135 = vector.shape_cast %parallel_loop3A_1134 : vector<1x1x16xf32> to vector<16xf32>
      %parallel_loop3A_1136 = arith.constant 1 : i32
      %parallel_loop3A_1137 = arith.constant 0 : i32
      %parallel_loop3A_1138 = arith.index_cast %parallel_loop3A_1136 : i32 to index
      %parallel_loop3A_1139 = arith.index_cast %parallel_loop3A_1137 : i32 to index
      %parallel_loop3A_1140 = arith.index_cast %parallel_loop3A_1128 : i32 to index
      %parallel_loop3A_1141 = tpu.vector_load %arg5[%parallel_loop3A_1138, %parallel_loop3A_1139, %parallel_loop3A_1140] {strides = array<i32>} : memref<2x8x2048xf32, #tpu.memory_space<vmem>>, vector<1x1x16xf32>,
      %parallel_loop3A_1142 = vector.shape_cast %parallel_loop3A_1141 : vector<1x1x16xf32> to vector<16xf32>
      %parallel_loop3A_1143 = vector.shape_cast %parallel_loop3A_1135 : vector<16xf32> to vector<1x1x16xf32>
      tpu.vector_store %arg5[%parallel_loop3A_1138, %parallel_loop3A_1139, %parallel_loop3A_1140], %parallel_loop3A_1143 {add = true, strides = array<i32>} : memref<2x8x2048xf32, #tpu.memory_space<vmem>>, vector<1x1x16xf32>,
      %parallel_loop3A_1144 = arith.constant 1 : i32
      %parallel_loop3A_1145 = arith.constant 0 : i32
      %parallel_loop3A_1146 = arith.index_cast %parallel_loop3A_1144 : i32 to index
      %parallel_loop3A_1147 = arith.index_cast %parallel_loop3A_1145 : i32 to index
      %parallel_loop3A_1148 = arith.index_cast %parallel_loop3A_1128 : i32 to index
      %parallel_loop3A_1149 = tpu.vector_load %arg6[%parallel_loop3A_1146, %parallel_loop3A_1147, %parallel_loop3A_1148] {strides = array<i32>} : memref<2x8x2048xf32, #tpu.memory_space<vmem>>, vector<1x1x16xf32>,
      %parallel_loop3A_1150 = vector.shape_cast %parallel_loop3A_1149 : vector<1x1x16xf32> to vector<16xf32>
      %parallel_loop3A_1151 = vector.shape_cast %parallel_loop3A_1135 : vector<16xf32> to vector<1x1x16xf32>
      tpu.vector_store %arg6[%parallel_loop3A_1146, %parallel_loop3A_1147, %parallel_loop3A_1148], %parallel_loop3A_1151 {add = true, strides = array<i32>} : memref<2x8x2048xf32, #tpu.memory_space<vmem>>, vector<1x1x16xf32>,
      %parallel_loop3A_1152 = arith.constant 1 : i32
      %parallel_loop3A_1153 = arith.constant 1 : i32
      %parallel_loop3A_1154 = arith.index_cast %parallel_loop3A_1152 : i32 to index
      %parallel_loop3A_1155 = arith.index_cast %parallel_loop3A_1153 : i32 to index
      %parallel_loop3A_1156 = arith.index_cast %parallel_loop3A_1128 : i32 to index
      %parallel_loop3A_1157 = tpu.vector_load %arg7[%parallel_loop3A_1154, %parallel_loop3A_1155, %parallel_loop3A_1156] {strides = array<i32>} : memref<2x8x2048xf32, #tpu.memory_space<vmem>>, vector<1x1x16xf32>,
      %parallel_loop3A_1158 = vector.shape_cast %parallel_loop3A_1157 : vector<1x1x16xf32> to vector<16xf32>
      %parallel_loop3A_1159 = arith.constant 1 : i32
      %parallel_loop3A_1160 = arith.constant 1 : i32
      %parallel_loop3A_1161 = arith.index_cast %parallel_loop3A_1159 : i32 to index
      %parallel_loop3A_1162 = arith.index_cast %parallel_loop3A_1160 : i32 to index
      %parallel_loop3A_1163 = arith.index_cast %parallel_loop3A_1128 : i32 to index
      %parallel_loop3A_1164 = tpu.vector_load %arg5[%parallel_loop3A_1161, %parallel_loop3A_1162, %parallel_loop3A_1163] {strides = array<i32>} : memref<2x8x2048xf32, #tpu.memory_space<vmem>>, vector<1x1x16xf32>,
      %parallel_loop3A_1165 = vector.shape_cast %parallel_loop3A_1164 : vector<1x1x16xf32> to vector<16xf32>
      %parallel_loop3A_1166 = vector.shape_cast %parallel_loop3A_1158 : vector<16xf32> to vector<1x1x16xf32>
      tpu.vector_store %arg5[%parallel_loop3A_1161, %parallel_loop3A_1162, %parallel_loop3A_1163], %parallel_loop3A_1166 {add = true, strides = array<i32>} : memref<2x8x2048xf32, #tpu.memory_space<vmem>>, vector<1x1x16xf32>,
      %parallel_loop3A_1167 = arith.constant 1 : i32
      %parallel_loop3A_1168 = arith.constant 1 : i32
      %parallel_loop3A_1169 = arith.index_cast %parallel_loop3A_1167 : i32 to index
      %parallel_loop3A_1170 = arith.index_cast %parallel_loop3A_1168 : i32 to index
      %parallel_loop3A_1171 = arith.index_cast %parallel_loop3A_1128 : i32 to index
      %parallel_loop3A_1172 = tpu.vector_load %arg6[%parallel_loop3A_1169, %parallel_loop3A_1170, %parallel_loop3A_1171] {strides = array<i32>} : memref<2x8x2048xf32, #tpu.memory_space<vmem>>, vector<1x1x16xf32>,
      %parallel_loop3A_1173 = vector.shape_cast %parallel_loop3A_1172 : vector<1x1x16xf32> to vector<16xf32>
      %parallel_loop3A_1174 = vector.shape_cast %parallel_loop3A_1158 : vector<16xf32> to vector<1x1x16xf32>
      tpu.vector_store %arg6[%parallel_loop3A_1169, %parallel_loop3A_1170, %parallel_loop3A_1171], %parallel_loop3A_1174 {add = true, strides = array<i32>} : memref<2x8x2048xf32, #tpu.memory_space<vmem>>, vector<1x1x16xf32>,
      %parallel_loop3A_1175 = arith.constant 1 : i32
      %parallel_loop3A_1176 = arith.constant 2 : i32
      %parallel_loop3A_1177 = arith.index_cast %parallel_loop3A_1175 : i32 to index
      %parallel_loop3A_1178 = arith.index_cast %parallel_loop3A_1176 : i32 to index
      %parallel_loop3A_1179 = arith.index_cast %parallel_loop3A_1128 : i32 to index
      %parallel_loop3A_1180 = tpu.vector_load %arg7[%parallel_loop3A_1177, %parallel_loop3A_1178, %parallel_loop3A_1179] {strides = array<i32>} : memref<2x8x2048xf32, #tpu.memory_space<vmem>>, vector<1x1x16xf32>,
      %parallel_loop3A_1181 = vector.shape_cast %parallel_loop3A_1180 : vector<1x1x16xf32> to vector<16xf32>
      %parallel_loop3A_1182 = arith.constant 1 : i32
      %parallel_loop3A_1183 = arith.constant 2 : i32
      %parallel_loop3A_1184 = arith.index_cast %parallel_loop3A_1182 : i32 to index
      %parallel_loop3A_1185 = arith.index_cast %parallel_loop3A_1183 : i32 to index
      %parallel_loop3A_1186 = arith.index_cast %parallel_loop3A_1128 : i32 to index
      %parallel_loop3A_1187 = tpu.vector_load %arg5[%parallel_loop3A_1184, %parallel_loop3A_1185, %parallel_loop3A_1186] {strides = array<i32>} : memref<2x8x2048xf32, #tpu.memory_space<vmem>>, vector<1x1x16xf32>,
      %parallel_loop3A_1188 = vector.shape_cast %parallel_loop3A_1187 : vector<1x1x16xf32> to vector<16xf32>
      %parallel_loop3A_1189 = vector.shape_cast %parallel_loop3A_1181 : vector<16xf32> to vector<1x1x16xf32>
      tpu.vector_store %arg5[%parallel_loop3A_1184, %parallel_loop3A_1185, %parallel_loop3A_1186], %parallel_loop3A_1189 {add = true, strides = array<i32>} : memref<2x8x2048xf32, #tpu.memory_space<vmem>>, vector<1x1x16xf32>,
      %parallel_loop3A_1190 = arith.constant 1 : i32
      %parallel_loop3A_1191 = arith.constant 2 : i32
      %parallel_loop3A_1192 = arith.index_cast %parallel_loop3A_1190 : i32 to index
      %parallel_loop3A_1193 = arith.index_cast %parallel_loop3A_1191 : i32 to index
      %parallel_loop3A_1194 = arith.index_cast %parallel_loop3A_1128 : i32 to index
      %parallel_loop3A_1195 = tpu.vector_load %arg6[%parallel_loop3A_1192, %parallel_loop3A_1193, %parallel_loop3A_1194] {strides = array<i32>} : memref<2x8x2048xf32, #tpu.memory_space<vmem>>, vector<1x1x16xf32>,
      %parallel_loop3A_1196 = vector.shape_cast %parallel_loop3A_1195 : vector<1x1x16xf32> to vector<16xf32>
      %parallel_loop3A_1197 = vector.shape_cast %parallel_loop3A_1181 : vector<16xf32> to vector<1x1x16xf32>
      tpu.vector_store %arg6[%parallel_loop3A_1192, %parallel_loop3A_1193, %parallel_loop3A_1194], %parallel_loop3A_1197 {add = true, strides = array<i32>} : memref<2x8x2048xf32, #tpu.memory_space<vmem>>, vector<1x1x16xf32>,
      %parallel_loop3A_1198 = arith.constant 1 : i32
      %parallel_loop3A_1199 = arith.constant 3 : i32
      %parallel_loop3A_1200 = arith.index_cast %parallel_loop3A_1198 : i32 to index
      %parallel_loop3A_1201 = arith.index_cast %parallel_loop3A_1199 : i32 to index
      %parallel_loop3A_1202 = arith.index_cast %parallel_loop3A_1128 : i32 to index
      %parallel_loop3A_1203 = tpu.vector_load %arg7[%parallel_loop3A_1200, %parallel_loop3A_1201, %parallel_loop3A_1202] {strides = array<i32>} : memref<2x8x2048xf32, #tpu.memory_space<vmem>>, vector<1x1x16xf32>,
      %parallel_loop3A_1204 = vector.shape_cast %parallel_loop3A_1203 : vector<1x1x16xf32> to vector<16xf32>
      %parallel_loop3A_1205 = arith.constant 1 : i32
      %parallel_loop3A_1206 = arith.constant 3 : i32
      %parallel_loop3A_1207 = arith.index_cast %parallel_loop3A_1205 : i32 to index
      %parallel_loop3A_1208 = arith.index_cast %parallel_loop3A_1206 : i32 to index
      %parallel_loop3A_1209 = arith.index_cast %parallel_loop3A_1128 : i32 to index
      %parallel_loop3A_1210 = tpu.vector_load %arg5[%parallel_loop3A_1207, %parallel_loop3A_1208, %parallel_loop3A_1209] {strides = array<i32>} : memref<2x8x2048xf32, #tpu.memory_space<vmem>>, vector<1x1x16xf32>,
      %parallel_loop3A_1211 = vector.shape_cast %parallel_loop3A_1210 : vector<1x1x16xf32> to vector<16xf32>
      %parallel_loop3A_1212 = vector.shape_cast %parallel_loop3A_1204 : vector<16xf32> to vector<1x1x16xf32>
      tpu.vector_store %arg5[%parallel_loop3A_1207, %parallel_loop3A_1208, %parallel_loop3A_1209], %parallel_loop3A_1212 {add = true, strides = array<i32>} : memref<2x8x2048xf32, #tpu.memory_space<vmem>>, vector<1x1x16xf32>,
      %parallel_loop3A_1213 = arith.constant 1 : i32
      %parallel_loop3A_1214 = arith.constant 3 : i32
      %parallel_loop3A_1215 = arith.index_cast %parallel_loop3A_1213 : i32 to index
      %parallel_loop3A_1216 = arith.index_cast %parallel_loop3A_1214 : i32 to index
      %parallel_loop3A_1217 = arith.index_cast %parallel_loop3A_1128 : i32 to index
      %parallel_loop3A_1218 = tpu.vector_load %arg6[%parallel_loop3A_1215, %parallel_loop3A_1216, %parallel_loop3A_1217] {strides = array<i32>} : memref<2x8x2048xf32, #tpu.memory_space<vmem>>, vector<1x1x16xf32>,
      %parallel_loop3A_1219 = vector.shape_cast %parallel_loop3A_1218 : vector<1x1x16xf32> to vector<16xf32>
      %parallel_loop3A_1220 = vector.shape_cast %parallel_loop3A_1204 : vector<16xf32> to vector<1x1x16xf32>
      tpu.vector_store %arg6[%parallel_loop3A_1215, %parallel_loop3A_1216, %parallel_loop3A_1217], %parallel_loop3A_1220 {add = true, strides = array<i32>} : memref<2x8x2048xf32, #tpu.memory_space<vmem>>, vector<1x1x16xf32>,
      %parallel_loop3A_1221 = arith.constant 1 : i32
      %parallel_loop3A_1222 = arith.constant 4 : i32
      %parallel_loop3A_1223 = arith.index_cast %parallel_loop3A_1221 : i32 to index
      %parallel_loop3A_1224 = arith.index_cast %parallel_loop3A_1222 : i32 to index
      %parallel_loop3A_1225 = arith.index_cast %parallel_loop3A_1128 : i32 to index
      %parallel_loop3A_1226 = tpu.vector_load %arg7[%parallel_loop3A_1223, %parallel_loop3A_1224, %parallel_loop3A_1225] {strides = array<i32>} : memref<2x8x2048xf32, #tpu.memory_space<vmem>>, vector<1x1x16xf32>,
      %parallel_loop3A_1227 = vector.shape_cast %parallel_loop3A_1226 : vector<1x1x16xf32> to vector<16xf32>
      %parallel_loop3A_1228 = arith.constant 1 : i32
      %parallel_loop3A_1229 = arith.constant 4 : i32
      %parallel_loop3A_1230 = arith.index_cast %parallel_loop3A_1228 : i32 to index
      %parallel_loop3A_1231 = arith.index_cast %parallel_loop3A_1229 : i32 to index
      %parallel_loop3A_1232 = arith.index_cast %parallel_loop3A_1128 : i32 to index
      %parallel_loop3A_1233 = tpu.vector_load %arg5[%parallel_loop3A_1230, %parallel_loop3A_1231, %parallel_loop3A_1232] {strides = array<i32>} : memref<2x8x2048xf32, #tpu.memory_space<vmem>>, vector<1x1x16xf32>,
      %parallel_loop3A_1234 = vector.shape_cast %parallel_loop3A_1233 : vector<1x1x16xf32> to vector<16xf32>
      %parallel_loop3A_1235 = vector.shape_cast %parallel_loop3A_1227 : vector<16xf32> to vector<1x1x16xf32>
      tpu.vector_store %arg5[%parallel_loop3A_1230, %parallel_loop3A_1231, %parallel_loop3A_1232], %parallel_loop3A_1235 {add = true, strides = array<i32>} : memref<2x8x2048xf32, #tpu.memory_space<vmem>>, vector<1x1x16xf32>,
      %parallel_loop3A_1236 = arith.constant 1 : i32
      %parallel_loop3A_1237 = arith.constant 4 : i32
      %parallel_loop3A_1238 = arith.index_cast %parallel_loop3A_1236 : i32 to index
      %parallel_loop3A_1239 = arith.index_cast %parallel_loop3A_1237 : i32 to index
      %parallel_loop3A_1240 = arith.index_cast %parallel_loop3A_1128 : i32 to index
      %parallel_loop3A_1241 = tpu.vector_load %arg6[%parallel_loop3A_1238, %parallel_loop3A_1239, %parallel_loop3A_1240] {strides = array<i32>} : memref<2x8x2048xf32, #tpu.memory_space<vmem>>, vector<1x1x16xf32>,
      %parallel_loop3A_1242 = vector.shape_cast %parallel_loop3A_1241 : vector<1x1x16xf32> to vector<16xf32>
      %parallel_loop3A_1243 = vector.shape_cast %parallel_loop3A_1227 : vector<16xf32> to vector<1x1x16xf32>
      tpu.vector_store %arg6[%parallel_loop3A_1238, %parallel_loop3A_1239, %parallel_loop3A_1240], %parallel_loop3A_1243 {add = true, strides = array<i32>} : memref<2x8x2048xf32, #tpu.memory_space<vmem>>, vector<1x1x16xf32>,
      %parallel_loop3A_1244 = arith.constant 1 : i32
      %parallel_loop3A_1245 = arith.constant 5 : i32
      %parallel_loop3A_1246 = arith.index_cast %parallel_loop3A_1244 : i32 to index
      %parallel_loop3A_1247 = arith.index_cast %parallel_loop3A_1245 : i32 to index
      %parallel_loop3A_1248 = arith.index_cast %parallel_loop3A_1128 : i32 to index
      %parallel_loop3A_1249 = tpu.vector_load %arg7[%parallel_loop3A_1246, %parallel_loop3A_1247, %parallel_loop3A_1248] {strides = array<i32>} : memref<2x8x2048xf32, #tpu.memory_space<vmem>>, vector<1x1x16xf32>,
      %parallel_loop3A_1250 = vector.shape_cast %parallel_loop3A_1249 : vector<1x1x16xf32> to vector<16xf32>
      %parallel_loop3A_1251 = arith.constant 1 : i32
      %parallel_loop3A_1252 = arith.constant 5 : i32
      %parallel_loop3A_1253 = arith.index_cast %parallel_loop3A_1251 : i32 to index
      %parallel_loop3A_1254 = arith.index_cast %parallel_loop3A_1252 : i32 to index
      %parallel_loop3A_1255 = arith.index_cast %parallel_loop3A_1128 : i32 to index
      %parallel_loop3A_1256 = tpu.vector_load %arg5[%parallel_loop3A_1253, %parallel_loop3A_1254, %parallel_loop3A_1255] {strides = array<i32>} : memref<2x8x2048xf32, #tpu.memory_space<vmem>>, vector<1x1x16xf32>,
      %parallel_loop3A_1257 = vector.shape_cast %parallel_loop3A_1256 : vector<1x1x16xf32> to vector<16xf32>
      %parallel_loop3A_1258 = vector.shape_cast %parallel_loop3A_1250 : vector<16xf32> to vector<1x1x16xf32>
      tpu.vector_store %arg5[%parallel_loop3A_1253, %parallel_loop3A_1254, %parallel_loop3A_1255], %parallel_loop3A_1258 {add = true, strides = array<i32>} : memref<2x8x2048xf32, #tpu.memory_space<vmem>>, vector<1x1x16xf32>,
      %parallel_loop3A_1259 = arith.constant 1 : i32
      %parallel_loop3A_1260 = arith.constant 5 : i32
      %parallel_loop3A_1261 = arith.index_cast %parallel_loop3A_1259 : i32 to index
      %parallel_loop3A_1262 = arith.index_cast %parallel_loop3A_1260 : i32 to index
      %parallel_loop3A_1263 = arith.index_cast %parallel_loop3A_1128 : i32 to index
      %parallel_loop3A_1264 = tpu.vector_load %arg6[%parallel_loop3A_1261, %parallel_loop3A_1262, %parallel_loop3A_1263] {strides = array<i32>} : memref<2x8x2048xf32, #tpu.memory_space<vmem>>, vector<1x1x16xf32>,
      %parallel_loop3A_1265 = vector.shape_cast %parallel_loop3A_1264 : vector<1x1x16xf32> to vector<16xf32>
      %parallel_loop3A_1266 = vector.shape_cast %parallel_loop3A_1250 : vector<16xf32> to vector<1x1x16xf32>
      tpu.vector_store %arg6[%parallel_loop3A_1261, %parallel_loop3A_1262, %parallel_loop3A_1263], %parallel_loop3A_1266 {add = true, strides = array<i32>} : memref<2x8x2048xf32, #tpu.memory_space<vmem>>, vector<1x1x16xf32>,
      %parallel_loop3A_1267 = arith.constant 1 : i32
      %parallel_loop3A_1268 = arith.constant 6 : i32
      %parallel_loop3A_1269 = arith.index_cast %parallel_loop3A_1267 : i32 to index
      %parallel_loop3A_1270 = arith.index_cast %parallel_loop3A_1268 : i32 to index
      %parallel_loop3A_1271 = arith.index_cast %parallel_loop3A_1128 : i32 to index
      %parallel_loop3A_1272 = tpu.vector_load %arg7[%parallel_loop3A_1269, %parallel_loop3A_1270, %parallel_loop3A_1271] {strides = array<i32>} : memref<2x8x2048xf32, #tpu.memory_space<vmem>>, vector<1x1x16xf32>,
      %parallel_loop3A_1273 = vector.shape_cast %parallel_loop3A_1272 : vector<1x1x16xf32> to vector<16xf32>
      %parallel_loop3A_1274 = arith.constant 1 : i32
      %parallel_loop3A_1275 = arith.constant 6 : i32
      %parallel_loop3A_1276 = arith.index_cast %parallel_loop3A_1274 : i32 to index
      %parallel_loop3A_1277 = arith.index_cast %parallel_loop3A_1275 : i32 to index
      %parallel_loop3A_1278 = arith.index_cast %parallel_loop3A_1128 : i32 to index
      %parallel_loop3A_1279 = tpu.vector_load %arg5[%parallel_loop3A_1276, %parallel_loop3A_1277, %parallel_loop3A_1278] {strides = array<i32>} : memref<2x8x2048xf32, #tpu.memory_space<vmem>>, vector<1x1x16xf32>,
      %parallel_loop3A_1280 = vector.shape_cast %parallel_loop3A_1279 : vector<1x1x16xf32> to vector<16xf32>
      %parallel_loop3A_1281 = vector.shape_cast %parallel_loop3A_1273 : vector<16xf32> to vector<1x1x16xf32>
      tpu.vector_store %arg5[%parallel_loop3A_1276, %parallel_loop3A_1277, %parallel_loop3A_1278], %parallel_loop3A_1281 {add = true, strides = array<i32>} : memref<2x8x2048xf32, #tpu.memory_space<vmem>>, vector<1x1x16xf32>,
      %parallel_loop3A_1282 = arith.constant 1 : i32
      %parallel_loop3A_1283 = arith.constant 6 : i32
      %parallel_loop3A_1284 = arith.index_cast %parallel_loop3A_1282 : i32 to index
      %parallel_loop3A_1285 = arith.index_cast %parallel_loop3A_1283 : i32 to index
      %parallel_loop3A_1286 = arith.index_cast %parallel_loop3A_1128 : i32 to index
      %parallel_loop3A_1287 = tpu.vector_load %arg6[%parallel_loop3A_1284, %parallel_loop3A_1285, %parallel_loop3A_1286] {strides = array<i32>} : memref<2x8x2048xf32, #tpu.memory_space<vmem>>, vector<1x1x16xf32>,
      %parallel_loop3A_1288 = vector.shape_cast %parallel_loop3A_1287 : vector<1x1x16xf32> to vector<16xf32>
      %parallel_loop3A_1289 = vector.shape_cast %parallel_loop3A_1273 : vector<16xf32> to vector<1x1x16xf32>
      tpu.vector_store %arg6[%parallel_loop3A_1284, %parallel_loop3A_1285, %parallel_loop3A_1286], %parallel_loop3A_1289 {add = true, strides = array<i32>} : memref<2x8x2048xf32, #tpu.memory_space<vmem>>, vector<1x1x16xf32>,
      %parallel_loop3A_1290 = arith.constant 1 : i32
      %parallel_loop3A_1291 = arith.constant 7 : i32
      %parallel_loop3A_1292 = arith.index_cast %parallel_loop3A_1290 : i32 to index
      %parallel_loop3A_1293 = arith.index_cast %parallel_loop3A_1291 : i32 to index
      %parallel_loop3A_1294 = arith.index_cast %parallel_loop3A_1128 : i32 to index
      %parallel_loop3A_1295 = tpu.vector_load %arg7[%parallel_loop3A_1292, %parallel_loop3A_1293, %parallel_loop3A_1294] {strides = array<i32>} : memref<2x8x2048xf32, #tpu.memory_space<vmem>>, vector<1x1x16xf32>,
      %parallel_loop3A_1296 = vector.shape_cast %parallel_loop3A_1295 : vector<1x1x16xf32> to vector<16xf32>
      %parallel_loop3A_1297 = arith.constant 1 : i32
      %parallel_loop3A_1298 = arith.constant 7 : i32
      %parallel_loop3A_1299 = arith.index_cast %parallel_loop3A_1297 : i32 to index
      %parallel_loop3A_1300 = arith.index_cast %parallel_loop3A_1298 : i32 to index
      %parallel_loop3A_1301 = arith.index_cast %parallel_loop3A_1128 : i32 to index
      %parallel_loop3A_1302 = tpu.vector_load %arg5[%parallel_loop3A_1299, %parallel_loop3A_1300, %parallel_loop3A_1301] {strides = array<i32>} : memref<2x8x2048xf32, #tpu.memory_space<vmem>>, vector<1x1x16xf32>,
      %parallel_loop3A_1303 = vector.shape_cast %parallel_loop3A_1302 : vector<1x1x16xf32> to vector<16xf32>
      %parallel_loop3A_1304 = vector.shape_cast %parallel_loop3A_1296 : vector<16xf32> to vector<1x1x16xf32>
      tpu.vector_store %arg5[%parallel_loop3A_1299, %parallel_loop3A_1300, %parallel_loop3A_1301], %parallel_loop3A_1304 {add = true, strides = array<i32>} : memref<2x8x2048xf32, #tpu.memory_space<vmem>>, vector<1x1x16xf32>,
      %parallel_loop3A_1305 = arith.constant 1 : i32
      %parallel_loop3A_1306 = arith.constant 7 : i32
      %parallel_loop3A_1307 = arith.index_cast %parallel_loop3A_1305 : i32 to index
      %parallel_loop3A_1308 = arith.index_cast %parallel_loop3A_1306 : i32 to index
      %parallel_loop3A_1309 = arith.index_cast %parallel_loop3A_1128 : i32 to index
      %parallel_loop3A_1310 = tpu.vector_load %arg6[%parallel_loop3A_1307, %parallel_loop3A_1308, %parallel_loop3A_1309] {strides = array<i32>} : memref<2x8x2048xf32, #tpu.memory_space<vmem>>, vector<1x1x16xf32>,
      %parallel_loop3A_1311 = vector.shape_cast %parallel_loop3A_1310 : vector<1x1x16xf32> to vector<16xf32>
      %parallel_loop3A_1312 = vector.shape_cast %parallel_loop3A_1296 : vector<16xf32> to vector<1x1x16xf32>
      tpu.vector_store %arg6[%parallel_loop3A_1307, %parallel_loop3A_1308, %parallel_loop3A_1309], %parallel_loop3A_1312 {add = true, strides = array<i32>} : memref<2x8x2048xf32, #tpu.memory_space<vmem>>, vector<1x1x16xf32>,
    } {sc.loop_unroll_factor = 2 : i64, sc.parallel_access}
    %add3A_833 = arith.constant 40 : i32
    %add3A_834 = arith.addi %mul3A_2, %add3A_833 : i32
    %dma_start3A_835 = arith.constant 1 : i32
    %dma_start3A_836 = arith.constant 0 : i32
    %dma_start3A_837 = arith.constant 0 : i32
    %dma_start3A_838 = tpu.memref_slice %arg5[%dma_start3A_835, %dma_start3A_836, %dma_start3A_837] : memref<2x8x2048xf32, #tpu.memory_space<vmem>> -> memref<1x8x2048xf32, #tpu.memory_space<vmem>>
    %dma_start3A_839 = tpu.memref_squeeze %dma_start3A_838 : memref<1x8x2048xf32, #tpu.memory_space<vmem>> -> memref<8x2048xf32, #tpu.memory_space<vmem>>
    %dma_start3A_840 = arith.constant 0 : i32
    %dma_start3A_841 = tpu.memref_slice %arg4[%add3A_834, %dma_start3A_840] : memref<4096x2048xf32, #tpu.memory_space<hbm>> -> memref<8x2048xf32, #tpu.memory_space<hbm>>
    %dma_start3A_842 = arith.constant 0 : i32
    %dma_start3A_843 = tpu.memref_slice %arg4[%add3A_834, %dma_start3A_842] : memref<4096x2048xf32, #tpu.memory_space<hbm>> -> memref<8x2048xf32, #tpu.memory_space<hbm>>
    %dma_start3A_844 = arith.constant 0 : i32
    %dma_start3A_845 = arith.constant 0 : i32
    %dma_start3A_846 = tpu.memref_slice %arg5[%dma_start3A_835, %dma_start3A_844, %dma_start3A_845] : memref<2x8x2048xf32, #tpu.memory_space<vmem>> -> memref<1x8x2048xf32, #tpu.memory_space<vmem>>
    %dma_start3A_847 = tpu.memref_squeeze %dma_start3A_846 : memref<1x8x2048xf32, #tpu.memory_space<vmem>> -> memref<8x2048xf32, #tpu.memory_space<vmem>>
    tpu.enqueue_dma source(%dma_start3A_847 : memref<8x2048xf32, #tpu.memory_space<vmem>>) target(%dma_start3A_843 : memref<8x2048xf32, #tpu.memory_space<hbm>>) target_semaphore(%arg11 : memref<!tpu.dma_semaphore, #tpu.memory_space<semaphore_mem>>)
    %add3A_848 = arith.constant 2048 : i32
    %add3A_849 = arith.addi %add3A_848, %add3A_834 : i32
    %dma_start3A_850 = arith.constant 1 : i32
    %dma_start3A_851 = arith.constant 0 : i32
    %dma_start3A_852 = arith.constant 0 : i32
    %dma_start3A_853 = tpu.memref_slice %arg6[%dma_start3A_850, %dma_start3A_851, %dma_start3A_852] : memref<2x8x2048xf32, #tpu.memory_space<vmem>> -> memref<1x8x2048xf32, #tpu.memory_space<vmem>>
    %dma_start3A_854 = tpu.memref_squeeze %dma_start3A_853 : memref<1x8x2048xf32, #tpu.memory_space<vmem>> -> memref<8x2048xf32, #tpu.memory_space<vmem>>
    %dma_start3A_855 = arith.constant 0 : i32
    %dma_start3A_856 = tpu.memref_slice %arg4[%add3A_849, %dma_start3A_855] : memref<4096x2048xf32, #tpu.memory_space<hbm>> -> memref<8x2048xf32, #tpu.memory_space<hbm>>
    %dma_start3A_857 = arith.constant 0 : i32
    %dma_start3A_858 = tpu.memref_slice %arg4[%add3A_849, %dma_start3A_857] : memref<4096x2048xf32, #tpu.memory_space<hbm>> -> memref<8x2048xf32, #tpu.memory_space<hbm>>
    %dma_start3A_859 = arith.constant 0 : i32
    %dma_start3A_860 = arith.constant 0 : i32
    %dma_start3A_861 = tpu.memref_slice %arg6[%dma_start3A_850, %dma_start3A_859, %dma_start3A_860] : memref<2x8x2048xf32, #tpu.memory_space<vmem>> -> memref<1x8x2048xf32, #tpu.memory_space<vmem>>
    %dma_start3A_862 = tpu.memref_squeeze %dma_start3A_861 : memref<1x8x2048xf32, #tpu.memory_space<vmem>> -> memref<8x2048xf32, #tpu.memory_space<vmem>>
    tpu.enqueue_dma source(%dma_start3A_862 : memref<8x2048xf32, #tpu.memory_space<vmem>>) target(%dma_start3A_858 : memref<8x2048xf32, #tpu.memory_space<hbm>>) target_semaphore(%arg11 : memref<!tpu.dma_semaphore, #tpu.memory_space<semaphore_mem>>)
    %dma_wait3A_863 = arith.constant 1 : i32
    %dma_wait3A_864 = arith.constant 0 : i32
    %dma_wait3A_865 = arith.constant 0 : i32
    %dma_wait3A_866 = tpu.memref_slice %arg5[%dma_wait3A_863, %dma_wait3A_864, %dma_wait3A_865] : memref<2x8x2048xf32, #tpu.memory_space<vmem>> -> memref<1x8x2048xf32, #tpu.memory_space<vmem>>
    %dma_wait3A_867 = tpu.memref_squeeze %dma_wait3A_866 : memref<1x8x2048xf32, #tpu.memory_space<vmem>> -> memref<8x2048xf32, #tpu.memory_space<vmem>>
    %dma_wait3A_868 = arith.constant 0 : i32
    %dma_wait3A_869 = tpu.memref_slice %arg4[%add3A_834, %dma_wait3A_868] : memref<4096x2048xf32, #tpu.memory_space<hbm>> -> memref<8x2048xf32, #tpu.memory_space<hbm>>
    %dma_wait3A_870 = arith.constant 0 : i32
    %dma_wait3A_871 = tpu.memref_slice %arg4[%add3A_834, %dma_wait3A_870] : memref<4096x2048xf32, #tpu.memory_space<hbm>> -> memref<8x2048xf32, #tpu.memory_space<hbm>>
    %dma_wait3A_872 = arith.constant 0 : i32
    %dma_wait3A_873 = arith.constant 0 : i32
    %dma_wait3A_874 = tpu.memref_slice %arg5[%dma_wait3A_863, %dma_wait3A_872, %dma_wait3A_873] : memref<2x8x2048xf32, #tpu.memory_space<vmem>> -> memref<1x8x2048xf32, #tpu.memory_space<vmem>>
    %dma_wait3A_875 = tpu.memref_squeeze %dma_wait3A_874 : memref<1x8x2048xf32, #tpu.memory_space<vmem>> -> memref<8x2048xf32, #tpu.memory_space<vmem>>
    tpu.wait_dma2 semaphore(%arg11 : memref<!tpu.dma_semaphore, #tpu.memory_space<semaphore_mem>>) src(%dma_wait3A_875 : memref<8x2048xf32, #tpu.memory_space<vmem>>) dst(%dma_wait3A_871 : memref<8x2048xf32, #tpu.memory_space<hbm>>)
    %dma_wait3A_876 = arith.constant 1 : i32
    %dma_wait3A_877 = arith.constant 0 : i32
    %dma_wait3A_878 = arith.constant 0 : i32
    %dma_wait3A_879 = tpu.memref_slice %arg6[%dma_wait3A_876, %dma_wait3A_877, %dma_wait3A_878] : memref<2x8x2048xf32, #tpu.memory_space<vmem>> -> memref<1x8x2048xf32, #tpu.memory_space<vmem>>
    %dma_wait3A_880 = tpu.memref_squeeze %dma_wait3A_879 : memref<1x8x2048xf32, #tpu.memory_space<vmem>> -> memref<8x2048xf32, #tpu.memory_space<vmem>>
    %dma_wait3A_881 = arith.constant 0 : i32
    %dma_wait3A_882 = tpu.memref_slice %arg4[%add3A_849, %dma_wait3A_881] : memref<4096x2048xf32, #tpu.memory_space<hbm>> -> memref<8x2048xf32, #tpu.memory_space<hbm>>
    %dma_wait3A_883 = arith.constant 0 : i32
    %dma_wait3A_884 = tpu.memref_slice %arg4[%add3A_849, %dma_wait3A_883] : memref<4096x2048xf32, #tpu.memory_space<hbm>> -> memref<8x2048xf32, #tpu.memory_space<hbm>>
    %dma_wait3A_885 = arith.constant 0 : i32
    %dma_wait3A_886 = arith.constant 0 : i32
    %dma_wait3A_887 = tpu.memref_slice %arg6[%dma_wait3A_876, %dma_wait3A_885, %dma_wait3A_886] : memref<2x8x2048xf32, #tpu.memory_space<vmem>> -> memref<1x8x2048xf32, #tpu.memory_space<vmem>>
    %dma_wait3A_888 = tpu.memref_squeeze %dma_wait3A_887 : memref<1x8x2048xf32, #tpu.memory_space<vmem>> -> memref<8x2048xf32, #tpu.memory_space<vmem>>
    tpu.wait_dma2 semaphore(%arg11 : memref<!tpu.dma_semaphore, #tpu.memory_space<semaphore_mem>>) src(%dma_wait3A_888 : memref<8x2048xf32, #tpu.memory_space<vmem>>) dst(%dma_wait3A_884 : memref<8x2048xf32, #tpu.memory_space<hbm>>)
    %add3A_889 = arith.constant 56 : i32
    %add3A_890 = arith.addi %mul3A_2, %add3A_889 : i32
    %dma_start3A_891 = arith.constant 1 : i32
    %dma_start3A_892 = arith.constant 0 : i32
    %dma_start3A_893 = arith.constant 0 : i32
    %dma_start3A_894 = tpu.memref_slice %arg7[%dma_start3A_891, %dma_start3A_892, %dma_start3A_893] : memref<2x8x2048xf32, #tpu.memory_space<vmem>> -> memref<1x8x2048xf32, #tpu.memory_space<vmem>>
    %dma_start3A_895 = tpu.memref_squeeze %dma_start3A_894 : memref<1x8x2048xf32, #tpu.memory_space<vmem>> -> memref<8x2048xf32, #tpu.memory_space<vmem>>
    %dma_start3A_896 = arith.constant 0 : i32
    %dma_start3A_897 = tpu.memref_slice %arg3[%add3A_890, %dma_start3A_896] : memref<2048x2048xf32, #tpu.memory_space<hbm>> -> memref<8x2048xf32, #tpu.memory_space<hbm>>
    %dma_start3A_898 = arith.constant 0 : i32
    %dma_start3A_899 = arith.constant 0 : i32
    %dma_start3A_900 = tpu.memref_slice %arg7[%dma_start3A_891, %dma_start3A_898, %dma_start3A_899] : memref<2x8x2048xf32, #tpu.memory_space<vmem>> -> memref<1x8x2048xf32, #tpu.memory_space<vmem>>
    %dma_start3A_901 = tpu.memref_squeeze %dma_start3A_900 : memref<1x8x2048xf32, #tpu.memory_space<vmem>> -> memref<8x2048xf32, #tpu.memory_space<vmem>>
    %dma_start3A_902 = arith.constant 0 : i32
    %dma_start3A_903 = tpu.memref_slice %arg3[%add3A_890, %dma_start3A_902] : memref<2048x2048xf32, #tpu.memory_space<hbm>> -> memref<8x2048xf32, #tpu.memory_space<hbm>>
    tpu.enqueue_dma source(%dma_start3A_903 : memref<8x2048xf32, #tpu.memory_space<hbm>>) target(%dma_start3A_901 : memref<8x2048xf32, #tpu.memory_space<vmem>>) target_semaphore(%arg9 : memref<!tpu.dma_semaphore, #tpu.memory_space<semaphore_mem>>)
    %dma_start3A_904 = arith.constant 1 : i32
    %dma_start3A_905 = arith.constant 0 : i32
    %dma_start3A_906 = arith.constant 0 : i32
    %dma_start3A_907 = tpu.memref_slice %arg5[%dma_start3A_904, %dma_start3A_905, %dma_start3A_906] : memref<2x8x2048xf32, #tpu.memory_space<vmem>> -> memref<1x8x2048xf32, #tpu.memory_space<vmem>>
    %dma_start3A_908 = tpu.memref_squeeze %dma_start3A_907 : memref<1x8x2048xf32, #tpu.memory_space<vmem>> -> memref<8x2048xf32, #tpu.memory_space<vmem>>
    %dma_start3A_909 = arith.constant 0 : i32
    %dma_start3A_910 = tpu.memref_slice %arg2[%add3A_890, %dma_start3A_909] : memref<4096x2048xf32, #tpu.memory_space<hbm>> -> memref<8x2048xf32, #tpu.memory_space<hbm>>
    %dma_start3A_911 = arith.constant 0 : i32
    %dma_start3A_912 = arith.constant 0 : i32
    %dma_start3A_913 = tpu.memref_slice %arg5[%dma_start3A_904, %dma_start3A_911, %dma_start3A_912] : memref<2x8x2048xf32, #tpu.memory_space<vmem>> -> memref<1x8x2048xf32, #tpu.memory_space<vmem>>
    %dma_start3A_914 = tpu.memref_squeeze %dma_start3A_913 : memref<1x8x2048xf32, #tpu.memory_space<vmem>> -> memref<8x2048xf32, #tpu.memory_space<vmem>>
    %dma_start3A_915 = arith.constant 0 : i32
    %dma_start3A_916 = tpu.memref_slice %arg2[%add3A_890, %dma_start3A_915] : memref<4096x2048xf32, #tpu.memory_space<hbm>> -> memref<8x2048xf32, #tpu.memory_space<hbm>>
    tpu.enqueue_dma source(%dma_start3A_916 : memref<8x2048xf32, #tpu.memory_space<hbm>>) target(%dma_start3A_914 : memref<8x2048xf32, #tpu.memory_space<vmem>>) target_semaphore(%arg9 : memref<!tpu.dma_semaphore, #tpu.memory_space<semaphore_mem>>)
    %add3A_917 = arith.constant 2048 : i32
    %add3A_918 = arith.addi %add3A_917, %add3A_890 : i32
    %dma_start3A_919 = arith.constant 1 : i32
    %dma_start3A_920 = arith.constant 0 : i32
    %dma_start3A_921 = arith.constant 0 : i32
    %dma_start3A_922 = tpu.memref_slice %arg6[%dma_start3A_919, %dma_start3A_920, %dma_start3A_921] : memref<2x8x2048xf32, #tpu.memory_space<vmem>> -> memref<1x8x2048xf32, #tpu.memory_space<vmem>>
    %dma_start3A_923 = tpu.memref_squeeze %dma_start3A_922 : memref<1x8x2048xf32, #tpu.memory_space<vmem>> -> memref<8x2048xf32, #tpu.memory_space<vmem>>
    %dma_start3A_924 = arith.constant 0 : i32
    %dma_start3A_925 = tpu.memref_slice %arg2[%add3A_918, %dma_start3A_924] : memref<4096x2048xf32, #tpu.memory_space<hbm>> -> memref<8x2048xf32, #tpu.memory_space<hbm>>
    %dma_start3A_926 = arith.constant 0 : i32
    %dma_start3A_927 = arith.constant 0 : i32
    %dma_start3A_928 = tpu.memref_slice %arg6[%dma_start3A_919, %dma_start3A_926, %dma_start3A_927] : memref<2x8x2048xf32, #tpu.memory_space<vmem>> -> memref<1x8x2048xf32, #tpu.memory_space<vmem>>
    %dma_start3A_929 = tpu.memref_squeeze %dma_start3A_928 : memref<1x8x2048xf32, #tpu.memory_space<vmem>> -> memref<8x2048xf32, #tpu.memory_space<vmem>>
    %dma_start3A_930 = arith.constant 0 : i32
    %dma_start3A_931 = tpu.memref_slice %arg2[%add3A_918, %dma_start3A_930] : memref<4096x2048xf32, #tpu.memory_space<hbm>> -> memref<8x2048xf32, #tpu.memory_space<hbm>>
    tpu.enqueue_dma source(%dma_start3A_931 : memref<8x2048xf32, #tpu.memory_space<hbm>>) target(%dma_start3A_929 : memref<8x2048xf32, #tpu.memory_space<vmem>>) target_semaphore(%arg9 : memref<!tpu.dma_semaphore, #tpu.memory_space<semaphore_mem>>)
    %dma_wait3A_932 = arith.constant 0 : i32
    %dma_wait3A_933 = arith.constant 0 : i32
    %dma_wait3A_934 = arith.constant 0 : i32
    %dma_wait3A_935 = tpu.memref_slice %arg7[%dma_wait3A_932, %dma_wait3A_933, %dma_wait3A_934] : memref<2x8x2048xf32, #tpu.memory_space<vmem>> -> memref<1x8x2048xf32, #tpu.memory_space<vmem>>
    %dma_wait3A_936 = tpu.memref_squeeze %dma_wait3A_935 : memref<1x8x2048xf32, #tpu.memory_space<vmem>> -> memref<8x2048xf32, #tpu.memory_space<vmem>>
    %dma_wait3A_937 = arith.constant 0 : i32
    %dma_wait3A_938 = tpu.memref_slice %arg3[%add3A_749, %dma_wait3A_937] : memref<2048x2048xf32, #tpu.memory_space<hbm>> -> memref<8x2048xf32, #tpu.memory_space<hbm>>
    %dma_wait3A_939 = arith.constant 0 : i32
    %dma_wait3A_940 = arith.constant 0 : i32
    %dma_wait3A_941 = tpu.memref_slice %arg7[%dma_wait3A_932, %dma_wait3A_939, %dma_wait3A_940] : memref<2x8x2048xf32, #tpu.memory_space<vmem>> -> memref<1x8x2048xf32, #tpu.memory_space<vmem>>
    %dma_wait3A_942 = tpu.memref_squeeze %dma_wait3A_941 : memref<1x8x2048xf32, #tpu.memory_space<vmem>> -> memref<8x2048xf32, #tpu.memory_space<vmem>>
    %dma_wait3A_943 = arith.constant 0 : i32
    %dma_wait3A_944 = tpu.memref_slice %arg3[%add3A_749, %dma_wait3A_943] : memref<2048x2048xf32, #tpu.memory_space<hbm>> -> memref<8x2048xf32, #tpu.memory_space<hbm>>
    tpu.wait_dma2 semaphore(%arg8 : memref<!tpu.dma_semaphore, #tpu.memory_space<semaphore_mem>>) src(%dma_wait3A_944 : memref<8x2048xf32, #tpu.memory_space<hbm>>) dst(%dma_wait3A_942 : memref<8x2048xf32, #tpu.memory_space<vmem>>)
    %dma_wait3A_945 = arith.constant 0 : i32
    %dma_wait3A_946 = arith.constant 0 : i32
    %dma_wait3A_947 = arith.constant 0 : i32
    %dma_wait3A_948 = tpu.memref_slice %arg5[%dma_wait3A_945, %dma_wait3A_946, %dma_wait3A_947] : memref<2x8x2048xf32, #tpu.memory_space<vmem>> -> memref<1x8x2048xf32, #tpu.memory_space<vmem>>
    %dma_wait3A_949 = tpu.memref_squeeze %dma_wait3A_948 : memref<1x8x2048xf32, #tpu.memory_space<vmem>> -> memref<8x2048xf32, #tpu.memory_space<vmem>>
    %dma_wait3A_950 = arith.constant 0 : i32
    %dma_wait3A_951 = tpu.memref_slice %arg2[%add3A_749, %dma_wait3A_950] : memref<4096x2048xf32, #tpu.memory_space<hbm>> -> memref<8x2048xf32, #tpu.memory_space<hbm>>
    %dma_wait3A_952 = arith.constant 0 : i32
    %dma_wait3A_953 = arith.constant 0 : i32
    %dma_wait3A_954 = tpu.memref_slice %arg5[%dma_wait3A_945, %dma_wait3A_952, %dma_wait3A_953] : memref<2x8x2048xf32, #tpu.memory_space<vmem>> -> memref<1x8x2048xf32, #tpu.memory_space<vmem>>
    %dma_wait3A_955 = tpu.memref_squeeze %dma_wait3A_954 : memref<1x8x2048xf32, #tpu.memory_space<vmem>> -> memref<8x2048xf32, #tpu.memory_space<vmem>>
    %dma_wait3A_956 = arith.constant 0 : i32
    %dma_wait3A_957 = tpu.memref_slice %arg2[%add3A_749, %dma_wait3A_956] : memref<4096x2048xf32, #tpu.memory_space<hbm>> -> memref<8x2048xf32, #tpu.memory_space<hbm>>
    tpu.wait_dma2 semaphore(%arg8 : memref<!tpu.dma_semaphore, #tpu.memory_space<semaphore_mem>>) src(%dma_wait3A_957 : memref<8x2048xf32, #tpu.memory_space<hbm>>) dst(%dma_wait3A_955 : memref<8x2048xf32, #tpu.memory_space<vmem>>)
    %dma_wait3A_958 = arith.constant 0 : i32
    %dma_wait3A_959 = arith.constant 0 : i32
    %dma_wait3A_960 = arith.constant 0 : i32
    %dma_wait3A_961 = tpu.memref_slice %arg6[%dma_wait3A_958, %dma_wait3A_959, %dma_wait3A_960] : memref<2x8x2048xf32, #tpu.memory_space<vmem>> -> memref<1x8x2048xf32, #tpu.memory_space<vmem>>
    %dma_wait3A_962 = tpu.memref_squeeze %dma_wait3A_961 : memref<1x8x2048xf32, #tpu.memory_space<vmem>> -> memref<8x2048xf32, #tpu.memory_space<vmem>>
    %dma_wait3A_963 = arith.constant 0 : i32
    %dma_wait3A_964 = tpu.memref_slice %arg2[%add3A_777, %dma_wait3A_963] : memref<4096x2048xf32, #tpu.memory_space<hbm>> -> memref<8x2048xf32, #tpu.memory_space<hbm>>
    %dma_wait3A_965 = arith.constant 0 : i32
    %dma_wait3A_966 = arith.constant 0 : i32
    %dma_wait3A_967 = tpu.memref_slice %arg6[%dma_wait3A_958, %dma_wait3A_965, %dma_wait3A_966] : memref<2x8x2048xf32, #tpu.memory_space<vmem>> -> memref<1x8x2048xf32, #tpu.memory_space<vmem>>
    %dma_wait3A_968 = tpu.memref_squeeze %dma_wait3A_967 : memref<1x8x2048xf32, #tpu.memory_space<vmem>> -> memref<8x2048xf32, #tpu.memory_space<vmem>>
    %dma_wait3A_969 = arith.constant 0 : i32
    %dma_wait3A_970 = tpu.memref_slice %arg2[%add3A_777, %dma_wait3A_969] : memref<4096x2048xf32, #tpu.memory_space<hbm>> -> memref<8x2048xf32, #tpu.memory_space<hbm>>
    tpu.wait_dma2 semaphore(%arg8 : memref<!tpu.dma_semaphore, #tpu.memory_space<semaphore_mem>>) src(%dma_wait3A_970 : memref<8x2048xf32, #tpu.memory_space<hbm>>) dst(%dma_wait3A_968 : memref<8x2048xf32, #tpu.memory_space<vmem>>)
    %parallel_loop3A_971 = arith.constant 0 : i32
    %parallel_loop3A_972 = arith.constant 2048 : i32
    %parallel_loop3A_973 = arith.constant 16 : i32
    scf.for %parallel_loop3A_1128 = %parallel_loop3A_971 to %parallel_loop3A_972 step %parallel_loop3A_973  : i32 {
      %parallel_loop3A_1129 = arith.constant 0 : i32
      %parallel_loop3A_1130 = arith.constant 0 : i32
      %parallel_loop3A_1131 = arith.index_cast %parallel_loop3A_1129 : i32 to index
      %parallel_loop3A_1132 = arith.index_cast %parallel_loop3A_1130 : i32 to index
      %parallel_loop3A_1133 = arith.index_cast %parallel_loop3A_1128 : i32 to index
      %parallel_loop3A_1134 = tpu.vector_load %arg7[%parallel_loop3A_1131, %parallel_loop3A_1132, %parallel_loop3A_1133] {strides = array<i32>} : memref<2x8x2048xf32, #tpu.memory_space<vmem>>, vector<1x1x16xf32>,
      %parallel_loop3A_1135 = vector.shape_cast %parallel_loop3A_1134 : vector<1x1x16xf32> to vector<16xf32>
      %parallel_loop3A_1136 = arith.constant 0 : i32
      %parallel_loop3A_1137 = arith.constant 0 : i32
      %parallel_loop3A_1138 = arith.index_cast %parallel_loop3A_1136 : i32 to index
      %parallel_loop3A_1139 = arith.index_cast %parallel_loop3A_1137 : i32 to index
      %parallel_loop3A_1140 = arith.index_cast %parallel_loop3A_1128 : i32 to index
      %parallel_loop3A_1141 = tpu.vector_load %arg5[%parallel_loop3A_1138, %parallel_loop3A_1139, %parallel_loop3A_1140] {strides = array<i32>} : memref<2x8x2048xf32, #tpu.memory_space<vmem>>, vector<1x1x16xf32>,
      %parallel_loop3A_1142 = vector.shape_cast %parallel_loop3A_1141 : vector<1x1x16xf32> to vector<16xf32>
      %parallel_loop3A_1143 = vector.shape_cast %parallel_loop3A_1135 : vector<16xf32> to vector<1x1x16xf32>
      tpu.vector_store %arg5[%parallel_loop3A_1138, %parallel_loop3A_1139, %parallel_loop3A_1140], %parallel_loop3A_1143 {add = true, strides = array<i32>} : memref<2x8x2048xf32, #tpu.memory_space<vmem>>, vector<1x1x16xf32>,
      %parallel_loop3A_1144 = arith.constant 0 : i32
      %parallel_loop3A_1145 = arith.constant 0 : i32
      %parallel_loop3A_1146 = arith.index_cast %parallel_loop3A_1144 : i32 to index
      %parallel_loop3A_1147 = arith.index_cast %parallel_loop3A_1145 : i32 to index
      %parallel_loop3A_1148 = arith.index_cast %parallel_loop3A_1128 : i32 to index
      %parallel_loop3A_1149 = tpu.vector_load %arg6[%parallel_loop3A_1146, %parallel_loop3A_1147, %parallel_loop3A_1148] {strides = array<i32>} : memref<2x8x2048xf32, #tpu.memory_space<vmem>>, vector<1x1x16xf32>,
      %parallel_loop3A_1150 = vector.shape_cast %parallel_loop3A_1149 : vector<1x1x16xf32> to vector<16xf32>
      %parallel_loop3A_1151 = vector.shape_cast %parallel_loop3A_1135 : vector<16xf32> to vector<1x1x16xf32>
      tpu.vector_store %arg6[%parallel_loop3A_1146, %parallel_loop3A_1147, %parallel_loop3A_1148], %parallel_loop3A_1151 {add = true, strides = array<i32>} : memref<2x8x2048xf32, #tpu.memory_space<vmem>>, vector<1x1x16xf32>,
      %parallel_loop3A_1152 = arith.constant 0 : i32
      %parallel_loop3A_1153 = arith.constant 1 : i32
      %parallel_loop3A_1154 = arith.index_cast %parallel_loop3A_1152 : i32 to index
      %parallel_loop3A_1155 = arith.index_cast %parallel_loop3A_1153 : i32 to index
      %parallel_loop3A_1156 = arith.index_cast %parallel_loop3A_1128 : i32 to index
      %parallel_loop3A_1157 = tpu.vector_load %arg7[%parallel_loop3A_1154, %parallel_loop3A_1155, %parallel_loop3A_1156] {strides = array<i32>} : memref<2x8x2048xf32, #tpu.memory_space<vmem>>, vector<1x1x16xf32>,
      %parallel_loop3A_1158 = vector.shape_cast %parallel_loop3A_1157 : vector<1x1x16xf32> to vector<16xf32>
      %parallel_loop3A_1159 = arith.constant 0 : i32
      %parallel_loop3A_1160 = arith.constant 1 : i32
      %parallel_loop3A_1161 = arith.index_cast %parallel_loop3A_1159 : i32 to index
      %parallel_loop3A_1162 = arith.index_cast %parallel_loop3A_1160 : i32 to index
      %parallel_loop3A_1163 = arith.index_cast %parallel_loop3A_1128 : i32 to index
      %parallel_loop3A_1164 = tpu.vector_load %arg5[%parallel_loop3A_1161, %parallel_loop3A_1162, %parallel_loop3A_1163] {strides = array<i32>} : memref<2x8x2048xf32, #tpu.memory_space<vmem>>, vector<1x1x16xf32>,
      %parallel_loop3A_1165 = vector.shape_cast %parallel_loop3A_1164 : vector<1x1x16xf32> to vector<16xf32>
      %parallel_loop3A_1166 = vector.shape_cast %parallel_loop3A_1158 : vector<16xf32> to vector<1x1x16xf32>
      tpu.vector_store %arg5[%parallel_loop3A_1161, %parallel_loop3A_1162, %parallel_loop3A_1163], %parallel_loop3A_1166 {add = true, strides = array<i32>} : memref<2x8x2048xf32, #tpu.memory_space<vmem>>, vector<1x1x16xf32>,
      %parallel_loop3A_1167 = arith.constant 0 : i32
      %parallel_loop3A_1168 = arith.constant 1 : i32
      %parallel_loop3A_1169 = arith.index_cast %parallel_loop3A_1167 : i32 to index
      %parallel_loop3A_1170 = arith.index_cast %parallel_loop3A_1168 : i32 to index
      %parallel_loop3A_1171 = arith.index_cast %parallel_loop3A_1128 : i32 to index
      %parallel_loop3A_1172 = tpu.vector_load %arg6[%parallel_loop3A_1169, %parallel_loop3A_1170, %parallel_loop3A_1171] {strides = array<i32>} : memref<2x8x2048xf32, #tpu.memory_space<vmem>>, vector<1x1x16xf32>,
      %parallel_loop3A_1173 = vector.shape_cast %parallel_loop3A_1172 : vector<1x1x16xf32> to vector<16xf32>
      %parallel_loop3A_1174 = vector.shape_cast %parallel_loop3A_1158 : vector<16xf32> to vector<1x1x16xf32>
      tpu.vector_store %arg6[%parallel_loop3A_1169, %parallel_loop3A_1170, %parallel_loop3A_1171], %parallel_loop3A_1174 {add = true, strides = array<i32>} : memref<2x8x2048xf32, #tpu.memory_space<vmem>>, vector<1x1x16xf32>,
      %parallel_loop3A_1175 = arith.constant 0 : i32
      %parallel_loop3A_1176 = arith.constant 2 : i32
      %parallel_loop3A_1177 = arith.index_cast %parallel_loop3A_1175 : i32 to index
      %parallel_loop3A_1178 = arith.index_cast %parallel_loop3A_1176 : i32 to index
      %parallel_loop3A_1179 = arith.index_cast %parallel_loop3A_1128 : i32 to index
      %parallel_loop3A_1180 = tpu.vector_load %arg7[%parallel_loop3A_1177, %parallel_loop3A_1178, %parallel_loop3A_1179] {strides = array<i32>} : memref<2x8x2048xf32, #tpu.memory_space<vmem>>, vector<1x1x16xf32>,
      %parallel_loop3A_1181 = vector.shape_cast %parallel_loop3A_1180 : vector<1x1x16xf32> to vector<16xf32>
      %parallel_loop3A_1182 = arith.constant 0 : i32
      %parallel_loop3A_1183 = arith.constant 2 : i32
      %parallel_loop3A_1184 = arith.index_cast %parallel_loop3A_1182 : i32 to index
      %parallel_loop3A_1185 = arith.index_cast %parallel_loop3A_1183 : i32 to index
      %parallel_loop3A_1186 = arith.index_cast %parallel_loop3A_1128 : i32 to index
      %parallel_loop3A_1187 = tpu.vector_load %arg5[%parallel_loop3A_1184, %parallel_loop3A_1185, %parallel_loop3A_1186] {strides = array<i32>} : memref<2x8x2048xf32, #tpu.memory_space<vmem>>, vector<1x1x16xf32>,
      %parallel_loop3A_1188 = vector.shape_cast %parallel_loop3A_1187 : vector<1x1x16xf32> to vector<16xf32>
      %parallel_loop3A_1189 = vector.shape_cast %parallel_loop3A_1181 : vector<16xf32> to vector<1x1x16xf32>
      tpu.vector_store %arg5[%parallel_loop3A_1184, %parallel_loop3A_1185, %parallel_loop3A_1186], %parallel_loop3A_1189 {add = true, strides = array<i32>} : memref<2x8x2048xf32, #tpu.memory_space<vmem>>, vector<1x1x16xf32>,
      %parallel_loop3A_1190 = arith.constant 0 : i32
      %parallel_loop3A_1191 = arith.constant 2 : i32
      %parallel_loop3A_1192 = arith.index_cast %parallel_loop3A_1190 : i32 to index
      %parallel_loop3A_1193 = arith.index_cast %parallel_loop3A_1191 : i32 to index
      %parallel_loop3A_1194 = arith.index_cast %parallel_loop3A_1128 : i32 to index
      %parallel_loop3A_1195 = tpu.vector_load %arg6[%parallel_loop3A_1192, %parallel_loop3A_1193, %parallel_loop3A_1194] {strides = array<i32>} : memref<2x8x2048xf32, #tpu.memory_space<vmem>>, vector<1x1x16xf32>,
      %parallel_loop3A_1196 = vector.shape_cast %parallel_loop3A_1195 : vector<1x1x16xf32> to vector<16xf32>
      %parallel_loop3A_1197 = vector.shape_cast %parallel_loop3A_1181 : vector<16xf32> to vector<1x1x16xf32>
      tpu.vector_store %arg6[%parallel_loop3A_1192, %parallel_loop3A_1193, %parallel_loop3A_1194], %parallel_loop3A_1197 {add = true, strides = array<i32>} : memref<2x8x2048xf32, #tpu.memory_space<vmem>>, vector<1x1x16xf32>,
      %parallel_loop3A_1198 = arith.constant 0 : i32
      %parallel_loop3A_1199 = arith.constant 3 : i32
      %parallel_loop3A_1200 = arith.index_cast %parallel_loop3A_1198 : i32 to index
      %parallel_loop3A_1201 = arith.index_cast %parallel_loop3A_1199 : i32 to index
      %parallel_loop3A_1202 = arith.index_cast %parallel_loop3A_1128 : i32 to index
      %parallel_loop3A_1203 = tpu.vector_load %arg7[%parallel_loop3A_1200, %parallel_loop3A_1201, %parallel_loop3A_1202] {strides = array<i32>} : memref<2x8x2048xf32, #tpu.memory_space<vmem>>, vector<1x1x16xf32>,
      %parallel_loop3A_1204 = vector.shape_cast %parallel_loop3A_1203 : vector<1x1x16xf32> to vector<16xf32>
      %parallel_loop3A_1205 = arith.constant 0 : i32
      %parallel_loop3A_1206 = arith.constant 3 : i32
      %parallel_loop3A_1207 = arith.index_cast %parallel_loop3A_1205 : i32 to index
      %parallel_loop3A_1208 = arith.index_cast %parallel_loop3A_1206 : i32 to index
      %parallel_loop3A_1209 = arith.index_cast %parallel_loop3A_1128 : i32 to index
      %parallel_loop3A_1210 = tpu.vector_load %arg5[%parallel_loop3A_1207, %parallel_loop3A_1208, %parallel_loop3A_1209] {strides = array<i32>} : memref<2x8x2048xf32, #tpu.memory_space<vmem>>, vector<1x1x16xf32>,
      %parallel_loop3A_1211 = vector.shape_cast %parallel_loop3A_1210 : vector<1x1x16xf32> to vector<16xf32>
      %parallel_loop3A_1212 = vector.shape_cast %parallel_loop3A_1204 : vector<16xf32> to vector<1x1x16xf32>
      tpu.vector_store %arg5[%parallel_loop3A_1207, %parallel_loop3A_1208, %parallel_loop3A_1209], %parallel_loop3A_1212 {add = true, strides = array<i32>} : memref<2x8x2048xf32, #tpu.memory_space<vmem>>, vector<1x1x16xf32>,
      %parallel_loop3A_1213 = arith.constant 0 : i32
      %parallel_loop3A_1214 = arith.constant 3 : i32
      %parallel_loop3A_1215 = arith.index_cast %parallel_loop3A_1213 : i32 to index
      %parallel_loop3A_1216 = arith.index_cast %parallel_loop3A_1214 : i32 to index
      %parallel_loop3A_1217 = arith.index_cast %parallel_loop3A_1128 : i32 to index
      %parallel_loop3A_1218 = tpu.vector_load %arg6[%parallel_loop3A_1215, %parallel_loop3A_1216, %parallel_loop3A_1217] {strides = array<i32>} : memref<2x8x2048xf32, #tpu.memory_space<vmem>>, vector<1x1x16xf32>,
      %parallel_loop3A_1219 = vector.shape_cast %parallel_loop3A_1218 : vector<1x1x16xf32> to vector<16xf32>
      %parallel_loop3A_1220 = vector.shape_cast %parallel_loop3A_1204 : vector<16xf32> to vector<1x1x16xf32>
      tpu.vector_store %arg6[%parallel_loop3A_1215, %parallel_loop3A_1216, %parallel_loop3A_1217], %parallel_loop3A_1220 {add = true, strides = array<i32>} : memref<2x8x2048xf32, #tpu.memory_space<vmem>>, vector<1x1x16xf32>,
      %parallel_loop3A_1221 = arith.constant 0 : i32
      %parallel_loop3A_1222 = arith.constant 4 : i32
      %parallel_loop3A_1223 = arith.index_cast %parallel_loop3A_1221 : i32 to index
      %parallel_loop3A_1224 = arith.index_cast %parallel_loop3A_1222 : i32 to index
      %parallel_loop3A_1225 = arith.index_cast %parallel_loop3A_1128 : i32 to index
      %parallel_loop3A_1226 = tpu.vector_load %arg7[%parallel_loop3A_1223, %parallel_loop3A_1224, %parallel_loop3A_1225] {strides = array<i32>} : memref<2x8x2048xf32, #tpu.memory_space<vmem>>, vector<1x1x16xf32>,
      %parallel_loop3A_1227 = vector.shape_cast %parallel_loop3A_1226 : vector<1x1x16xf32> to vector<16xf32>
      %parallel_loop3A_1228 = arith.constant 0 : i32
      %parallel_loop3A_1229 = arith.constant 4 : i32
      %parallel_loop3A_1230 = arith.index_cast %parallel_loop3A_1228 : i32 to index
      %parallel_loop3A_1231 = arith.index_cast %parallel_loop3A_1229 : i32 to index
      %parallel_loop3A_1232 = arith.index_cast %parallel_loop3A_1128 : i32 to index
      %parallel_loop3A_1233 = tpu.vector_load %arg5[%parallel_loop3A_1230, %parallel_loop3A_1231, %parallel_loop3A_1232] {strides = array<i32>} : memref<2x8x2048xf32, #tpu.memory_space<vmem>>, vector<1x1x16xf32>,
      %parallel_loop3A_1234 = vector.shape_cast %parallel_loop3A_1233 : vector<1x1x16xf32> to vector<16xf32>
      %parallel_loop3A_1235 = vector.shape_cast %parallel_loop3A_1227 : vector<16xf32> to vector<1x1x16xf32>
      tpu.vector_store %arg5[%parallel_loop3A_1230, %parallel_loop3A_1231, %parallel_loop3A_1232], %parallel_loop3A_1235 {add = true, strides = array<i32>} : memref<2x8x2048xf32, #tpu.memory_space<vmem>>, vector<1x1x16xf32>,
      %parallel_loop3A_1236 = arith.constant 0 : i32
      %parallel_loop3A_1237 = arith.constant 4 : i32
      %parallel_loop3A_1238 = arith.index_cast %parallel_loop3A_1236 : i32 to index
      %parallel_loop3A_1239 = arith.index_cast %parallel_loop3A_1237 : i32 to index
      %parallel_loop3A_1240 = arith.index_cast %parallel_loop3A_1128 : i32 to index
      %parallel_loop3A_1241 = tpu.vector_load %arg6[%parallel_loop3A_1238, %parallel_loop3A_1239, %parallel_loop3A_1240] {strides = array<i32>} : memref<2x8x2048xf32, #tpu.memory_space<vmem>>, vector<1x1x16xf32>,
      %parallel_loop3A_1242 = vector.shape_cast %parallel_loop3A_1241 : vector<1x1x16xf32> to vector<16xf32>
      %parallel_loop3A_1243 = vector.shape_cast %parallel_loop3A_1227 : vector<16xf32> to vector<1x1x16xf32>
      tpu.vector_store %arg6[%parallel_loop3A_1238, %parallel_loop3A_1239, %parallel_loop3A_1240], %parallel_loop3A_1243 {add = true, strides = array<i32>} : memref<2x8x2048xf32, #tpu.memory_space<vmem>>, vector<1x1x16xf32>,
      %parallel_loop3A_1244 = arith.constant 0 : i32
      %parallel_loop3A_1245 = arith.constant 5 : i32
      %parallel_loop3A_1246 = arith.index_cast %parallel_loop3A_1244 : i32 to index
      %parallel_loop3A_1247 = arith.index_cast %parallel_loop3A_1245 : i32 to index
      %parallel_loop3A_1248 = arith.index_cast %parallel_loop3A_1128 : i32 to index
      %parallel_loop3A_1249 = tpu.vector_load %arg7[%parallel_loop3A_1246, %parallel_loop3A_1247, %parallel_loop3A_1248] {strides = array<i32>} : memref<2x8x2048xf32, #tpu.memory_space<vmem>>, vector<1x1x16xf32>,
      %parallel_loop3A_1250 = vector.shape_cast %parallel_loop3A_1249 : vector<1x1x16xf32> to vector<16xf32>
      %parallel_loop3A_1251 = arith.constant 0 : i32
      %parallel_loop3A_1252 = arith.constant 5 : i32
      %parallel_loop3A_1253 = arith.index_cast %parallel_loop3A_1251 : i32 to index
      %parallel_loop3A_1254 = arith.index_cast %parallel_loop3A_1252 : i32 to index
      %parallel_loop3A_1255 = arith.index_cast %parallel_loop3A_1128 : i32 to index
      %parallel_loop3A_1256 = tpu.vector_load %arg5[%parallel_loop3A_1253, %parallel_loop3A_1254, %parallel_loop3A_1255] {strides = array<i32>} : memref<2x8x2048xf32, #tpu.memory_space<vmem>>, vector<1x1x16xf32>,
      %parallel_loop3A_1257 = vector.shape_cast %parallel_loop3A_1256 : vector<1x1x16xf32> to vector<16xf32>
      %parallel_loop3A_1258 = vector.shape_cast %parallel_loop3A_1250 : vector<16xf32> to vector<1x1x16xf32>
      tpu.vector_store %arg5[%parallel_loop3A_1253, %parallel_loop3A_1254, %parallel_loop3A_1255], %parallel_loop3A_1258 {add = true, strides = array<i32>} : memref<2x8x2048xf32, #tpu.memory_space<vmem>>, vector<1x1x16xf32>,
      %parallel_loop3A_1259 = arith.constant 0 : i32
      %parallel_loop3A_1260 = arith.constant 5 : i32
      %parallel_loop3A_1261 = arith.index_cast %parallel_loop3A_1259 : i32 to index
      %parallel_loop3A_1262 = arith.index_cast %parallel_loop3A_1260 : i32 to index
      %parallel_loop3A_1263 = arith.index_cast %parallel_loop3A_1128 : i32 to index
      %parallel_loop3A_1264 = tpu.vector_load %arg6[%parallel_loop3A_1261, %parallel_loop3A_1262, %parallel_loop3A_1263] {strides = array<i32>} : memref<2x8x2048xf32, #tpu.memory_space<vmem>>, vector<1x1x16xf32>,
      %parallel_loop3A_1265 = vector.shape_cast %parallel_loop3A_1264 : vector<1x1x16xf32> to vector<16xf32>
      %parallel_loop3A_1266 = vector.shape_cast %parallel_loop3A_1250 : vector<16xf32> to vector<1x1x16xf32>
      tpu.vector_store %arg6[%parallel_loop3A_1261, %parallel_loop3A_1262, %parallel_loop3A_1263], %parallel_loop3A_1266 {add = true, strides = array<i32>} : memref<2x8x2048xf32, #tpu.memory_space<vmem>>, vector<1x1x16xf32>,
      %parallel_loop3A_1267 = arith.constant 0 : i32
      %parallel_loop3A_1268 = arith.constant 6 : i32
      %parallel_loop3A_1269 = arith.index_cast %parallel_loop3A_1267 : i32 to index
      %parallel_loop3A_1270 = arith.index_cast %parallel_loop3A_1268 : i32 to index
      %parallel_loop3A_1271 = arith.index_cast %parallel_loop3A_1128 : i32 to index
      %parallel_loop3A_1272 = tpu.vector_load %arg7[%parallel_loop3A_1269, %parallel_loop3A_1270, %parallel_loop3A_1271] {strides = array<i32>} : memref<2x8x2048xf32, #tpu.memory_space<vmem>>, vector<1x1x16xf32>,
      %parallel_loop3A_1273 = vector.shape_cast %parallel_loop3A_1272 : vector<1x1x16xf32> to vector<16xf32>
      %parallel_loop3A_1274 = arith.constant 0 : i32
      %parallel_loop3A_1275 = arith.constant 6 : i32
      %parallel_loop3A_1276 = arith.index_cast %parallel_loop3A_1274 : i32 to index
      %parallel_loop3A_1277 = arith.index_cast %parallel_loop3A_1275 : i32 to index
      %parallel_loop3A_1278 = arith.index_cast %parallel_loop3A_1128 : i32 to index
      %parallel_loop3A_1279 = tpu.vector_load %arg5[%parallel_loop3A_1276, %parallel_loop3A_1277, %parallel_loop3A_1278] {strides = array<i32>} : memref<2x8x2048xf32, #tpu.memory_space<vmem>>, vector<1x1x16xf32>,
      %parallel_loop3A_1280 = vector.shape_cast %parallel_loop3A_1279 : vector<1x1x16xf32> to vector<16xf32>
      %parallel_loop3A_1281 = vector.shape_cast %parallel_loop3A_1273 : vector<16xf32> to vector<1x1x16xf32>
      tpu.vector_store %arg5[%parallel_loop3A_1276, %parallel_loop3A_1277, %parallel_loop3A_1278], %parallel_loop3A_1281 {add = true, strides = array<i32>} : memref<2x8x2048xf32, #tpu.memory_space<vmem>>, vector<1x1x16xf32>,
      %parallel_loop3A_1282 = arith.constant 0 : i32
      %parallel_loop3A_1283 = arith.constant 6 : i32
      %parallel_loop3A_1284 = arith.index_cast %parallel_loop3A_1282 : i32 to index
      %parallel_loop3A_1285 = arith.index_cast %parallel_loop3A_1283 : i32 to index
      %parallel_loop3A_1286 = arith.index_cast %parallel_loop3A_1128 : i32 to index
      %parallel_loop3A_1287 = tpu.vector_load %arg6[%parallel_loop3A_1284, %parallel_loop3A_1285, %parallel_loop3A_1286] {strides = array<i32>} : memref<2x8x2048xf32, #tpu.memory_space<vmem>>, vector<1x1x16xf32>,
      %parallel_loop3A_1288 = vector.shape_cast %parallel_loop3A_1287 : vector<1x1x16xf32> to vector<16xf32>
      %parallel_loop3A_1289 = vector.shape_cast %parallel_loop3A_1273 : vector<16xf32> to vector<1x1x16xf32>
      tpu.vector_store %arg6[%parallel_loop3A_1284, %parallel_loop3A_1285, %parallel_loop3A_1286], %parallel_loop3A_1289 {add = true, strides = array<i32>} : memref<2x8x2048xf32, #tpu.memory_space<vmem>>, vector<1x1x16xf32>,
      %parallel_loop3A_1290 = arith.constant 0 : i32
      %parallel_loop3A_1291 = arith.constant 7 : i32
      %parallel_loop3A_1292 = arith.index_cast %parallel_loop3A_1290 : i32 to index
      %parallel_loop3A_1293 = arith.index_cast %parallel_loop3A_1291 : i32 to index
      %parallel_loop3A_1294 = arith.index_cast %parallel_loop3A_1128 : i32 to index
      %parallel_loop3A_1295 = tpu.vector_load %arg7[%parallel_loop3A_1292, %parallel_loop3A_1293, %parallel_loop3A_1294] {strides = array<i32>} : memref<2x8x2048xf32, #tpu.memory_space<vmem>>, vector<1x1x16xf32>,
      %parallel_loop3A_1296 = vector.shape_cast %parallel_loop3A_1295 : vector<1x1x16xf32> to vector<16xf32>
      %parallel_loop3A_1297 = arith.constant 0 : i32
      %parallel_loop3A_1298 = arith.constant 7 : i32
      %parallel_loop3A_1299 = arith.index_cast %parallel_loop3A_1297 : i32 to index
      %parallel_loop3A_1300 = arith.index_cast %parallel_loop3A_1298 : i32 to index
      %parallel_loop3A_1301 = arith.index_cast %parallel_loop3A_1128 : i32 to index
      %parallel_loop3A_1302 = tpu.vector_load %arg5[%parallel_loop3A_1299, %parallel_loop3A_1300, %parallel_loop3A_1301] {strides = array<i32>} : memref<2x8x2048xf32, #tpu.memory_space<vmem>>, vector<1x1x16xf32>,
      %parallel_loop3A_1303 = vector.shape_cast %parallel_loop3A_1302 : vector<1x1x16xf32> to vector<16xf32>
      %parallel_loop3A_1304 = vector.shape_cast %parallel_loop3A_1296 : vector<16xf32> to vector<1x1x16xf32>
      tpu.vector_store %arg5[%parallel_loop3A_1299, %parallel_loop3A_1300, %parallel_loop3A_1301], %parallel_loop3A_1304 {add = true, strides = array<i32>} : memref<2x8x2048xf32, #tpu.memory_space<vmem>>, vector<1x1x16xf32>,
      %parallel_loop3A_1305 = arith.constant 0 : i32
      %parallel_loop3A_1306 = arith.constant 7 : i32
      %parallel_loop3A_1307 = arith.index_cast %parallel_loop3A_1305 : i32 to index
      %parallel_loop3A_1308 = arith.index_cast %parallel_loop3A_1306 : i32 to index
      %parallel_loop3A_1309 = arith.index_cast %parallel_loop3A_1128 : i32 to index
      %parallel_loop3A_1310 = tpu.vector_load %arg6[%parallel_loop3A_1307, %parallel_loop3A_1308, %parallel_loop3A_1309] {strides = array<i32>} : memref<2x8x2048xf32, #tpu.memory_space<vmem>>, vector<1x1x16xf32>,
      %parallel_loop3A_1311 = vector.shape_cast %parallel_loop3A_1310 : vector<1x1x16xf32> to vector<16xf32>
      %parallel_loop3A_1312 = vector.shape_cast %parallel_loop3A_1296 : vector<16xf32> to vector<1x1x16xf32>
      tpu.vector_store %arg6[%parallel_loop3A_1307, %parallel_loop3A_1308, %parallel_loop3A_1309], %parallel_loop3A_1312 {add = true, strides = array<i32>} : memref<2x8x2048xf32, #tpu.memory_space<vmem>>, vector<1x1x16xf32>,
    } {sc.loop_unroll_factor = 2 : i64, sc.parallel_access}
    %add3A_974 = arith.constant 48 : i32
    %add3A_975 = arith.addi %mul3A_2, %add3A_974 : i32
    %dma_start3A_976 = arith.constant 0 : i32
    %dma_start3A_977 = arith.constant 0 : i32
    %dma_start3A_978 = arith.constant 0 : i32
    %dma_start3A_979 = tpu.memref_slice %arg5[%dma_start3A_976, %dma_start3A_977, %dma_start3A_978] : memref<2x8x2048xf32, #tpu.memory_space<vmem>> -> memref<1x8x2048xf32, #tpu.memory_space<vmem>>
    %dma_start3A_980 = tpu.memref_squeeze %dma_start3A_979 : memref<1x8x2048xf32, #tpu.memory_space<vmem>> -> memref<8x2048xf32, #tpu.memory_space<vmem>>
    %dma_start3A_981 = arith.constant 0 : i32
    %dma_start3A_982 = tpu.memref_slice %arg4[%add3A_975, %dma_start3A_981] : memref<4096x2048xf32, #tpu.memory_space<hbm>> -> memref<8x2048xf32, #tpu.memory_space<hbm>>
    %dma_start3A_983 = arith.constant 0 : i32
    %dma_start3A_984 = tpu.memref_slice %arg4[%add3A_975, %dma_start3A_983] : memref<4096x2048xf32, #tpu.memory_space<hbm>> -> memref<8x2048xf32, #tpu.memory_space<hbm>>
    %dma_start3A_985 = arith.constant 0 : i32
    %dma_start3A_986 = arith.constant 0 : i32
    %dma_start3A_987 = tpu.memref_slice %arg5[%dma_start3A_976, %dma_start3A_985, %dma_start3A_986] : memref<2x8x2048xf32, #tpu.memory_space<vmem>> -> memref<1x8x2048xf32, #tpu.memory_space<vmem>>
    %dma_start3A_988 = tpu.memref_squeeze %dma_start3A_987 : memref<1x8x2048xf32, #tpu.memory_space<vmem>> -> memref<8x2048xf32, #tpu.memory_space<vmem>>
    tpu.enqueue_dma source(%dma_start3A_988 : memref<8x2048xf32, #tpu.memory_space<vmem>>) target(%dma_start3A_984 : memref<8x2048xf32, #tpu.memory_space<hbm>>) target_semaphore(%arg10 : memref<!tpu.dma_semaphore, #tpu.memory_space<semaphore_mem>>)
    %add3A_989 = arith.constant 2048 : i32
    %add3A_990 = arith.addi %add3A_989, %add3A_975 : i32
    %dma_start3A_991 = arith.constant 0 : i32
    %dma_start3A_992 = arith.constant 0 : i32
    %dma_start3A_993 = arith.constant 0 : i32
    %dma_start3A_994 = tpu.memref_slice %arg6[%dma_start3A_991, %dma_start3A_992, %dma_start3A_993] : memref<2x8x2048xf32, #tpu.memory_space<vmem>> -> memref<1x8x2048xf32, #tpu.memory_space<vmem>>
    %dma_start3A_995 = tpu.memref_squeeze %dma_start3A_994 : memref<1x8x2048xf32, #tpu.memory_space<vmem>> -> memref<8x2048xf32, #tpu.memory_space<vmem>>
    %dma_start3A_996 = arith.constant 0 : i32
    %dma_start3A_997 = tpu.memref_slice %arg4[%add3A_990, %dma_start3A_996] : memref<4096x2048xf32, #tpu.memory_space<hbm>> -> memref<8x2048xf32, #tpu.memory_space<hbm>>
    %dma_start3A_998 = arith.constant 0 : i32
    %dma_start3A_999 = tpu.memref_slice %arg4[%add3A_990, %dma_start3A_998] : memref<4096x2048xf32, #tpu.memory_space<hbm>> -> memref<8x2048xf32, #tpu.memory_space<hbm>>
    %dma_start3A_1000 = arith.constant 0 : i32
    %dma_start3A_1001 = arith.constant 0 : i32
    %dma_start3A_1002 = tpu.memref_slice %arg6[%dma_start3A_991, %dma_start3A_1000, %dma_start3A_1001] : memref<2x8x2048xf32, #tpu.memory_space<vmem>> -> memref<1x8x2048xf32, #tpu.memory_space<vmem>>
    %dma_start3A_1003 = tpu.memref_squeeze %dma_start3A_1002 : memref<1x8x2048xf32, #tpu.memory_space<vmem>> -> memref<8x2048xf32, #tpu.memory_space<vmem>>
    tpu.enqueue_dma source(%dma_start3A_1003 : memref<8x2048xf32, #tpu.memory_space<vmem>>) target(%dma_start3A_999 : memref<8x2048xf32, #tpu.memory_space<hbm>>) target_semaphore(%arg10 : memref<!tpu.dma_semaphore, #tpu.memory_space<semaphore_mem>>)
    %dma_wait3A_1004 = arith.constant 1 : i32
    %dma_wait3A_1005 = arith.constant 0 : i32
    %dma_wait3A_1006 = arith.constant 0 : i32
    %dma_wait3A_1007 = tpu.memref_slice %arg7[%dma_wait3A_1004, %dma_wait3A_1005, %dma_wait3A_1006] : memref<2x8x2048xf32, #tpu.memory_space<vmem>> -> memref<1x8x2048xf32, #tpu.memory_space<vmem>>
    %dma_wait3A_1008 = tpu.memref_squeeze %dma_wait3A_1007 : memref<1x8x2048xf32, #tpu.memory_space<vmem>> -> memref<8x2048xf32, #tpu.memory_space<vmem>>
    %dma_wait3A_1009 = arith.constant 0 : i32
    %dma_wait3A_1010 = tpu.memref_slice %arg3[%add3A_890, %dma_wait3A_1009] : memref<2048x2048xf32, #tpu.memory_space<hbm>> -> memref<8x2048xf32, #tpu.memory_space<hbm>>
    %dma_wait3A_1011 = arith.constant 0 : i32
    %dma_wait3A_1012 = arith.constant 0 : i32
    %dma_wait3A_1013 = tpu.memref_slice %arg7[%dma_wait3A_1004, %dma_wait3A_1011, %dma_wait3A_1012] : memref<2x8x2048xf32, #tpu.memory_space<vmem>> -> memref<1x8x2048xf32, #tpu.memory_space<vmem>>
    %dma_wait3A_1014 = tpu.memref_squeeze %dma_wait3A_1013 : memref<1x8x2048xf32, #tpu.memory_space<vmem>> -> memref<8x2048xf32, #tpu.memory_space<vmem>>
    %dma_wait3A_1015 = arith.constant 0 : i32
    %dma_wait3A_1016 = tpu.memref_slice %arg3[%add3A_890, %dma_wait3A_1015] : memref<2048x2048xf32, #tpu.memory_space<hbm>> -> memref<8x2048xf32, #tpu.memory_space<hbm>>
    tpu.wait_dma2 semaphore(%arg9 : memref<!tpu.dma_semaphore, #tpu.memory_space<semaphore_mem>>) src(%dma_wait3A_1016 : memref<8x2048xf32, #tpu.memory_space<hbm>>) dst(%dma_wait3A_1014 : memref<8x2048xf32, #tpu.memory_space<vmem>>)
    %dma_wait3A_1017 = arith.constant 1 : i32
    %dma_wait3A_1018 = arith.constant 0 : i32
    %dma_wait3A_1019 = arith.constant 0 : i32
    %dma_wait3A_1020 = tpu.memref_slice %arg5[%dma_wait3A_1017, %dma_wait3A_1018, %dma_wait3A_1019] : memref<2x8x2048xf32, #tpu.memory_space<vmem>> -> memref<1x8x2048xf32, #tpu.memory_space<vmem>>
    %dma_wait3A_1021 = tpu.memref_squeeze %dma_wait3A_1020 : memref<1x8x2048xf32, #tpu.memory_space<vmem>> -> memref<8x2048xf32, #tpu.memory_space<vmem>>
    %dma_wait3A_1022 = arith.constant 0 : i32
    %dma_wait3A_1023 = tpu.memref_slice %arg2[%add3A_890, %dma_wait3A_1022] : memref<4096x2048xf32, #tpu.memory_space<hbm>> -> memref<8x2048xf32, #tpu.memory_space<hbm>>
    %dma_wait3A_1024 = arith.constant 0 : i32
    %dma_wait3A_1025 = arith.constant 0 : i32
    %dma_wait3A_1026 = tpu.memref_slice %arg5[%dma_wait3A_1017, %dma_wait3A_1024, %dma_wait3A_1025] : memref<2x8x2048xf32, #tpu.memory_space<vmem>> -> memref<1x8x2048xf32, #tpu.memory_space<vmem>>
    %dma_wait3A_1027 = tpu.memref_squeeze %dma_wait3A_1026 : memref<1x8x2048xf32, #tpu.memory_space<vmem>> -> memref<8x2048xf32, #tpu.memory_space<vmem>>
    %dma_wait3A_1028 = arith.constant 0 : i32
    %dma_wait3A_1029 = tpu.memref_slice %arg2[%add3A_890, %dma_wait3A_1028] : memref<4096x2048xf32, #tpu.memory_space<hbm>> -> memref<8x2048xf32, #tpu.memory_space<hbm>>
    tpu.wait_dma2 semaphore(%arg9 : memref<!tpu.dma_semaphore, #tpu.memory_space<semaphore_mem>>) src(%dma_wait3A_1029 : memref<8x2048xf32, #tpu.memory_space<hbm>>) dst(%dma_wait3A_1027 : memref<8x2048xf32, #tpu.memory_space<vmem>>)
    %dma_wait3A_1030 = arith.constant 1 : i32
    %dma_wait3A_1031 = arith.constant 0 : i32
    %dma_wait3A_1032 = arith.constant 0 : i32
    %dma_wait3A_1033 = tpu.memref_slice %arg6[%dma_wait3A_1030, %dma_wait3A_1031, %dma_wait3A_1032] : memref<2x8x2048xf32, #tpu.memory_space<vmem>> -> memref<1x8x2048xf32, #tpu.memory_space<vmem>>
    %dma_wait3A_1034 = tpu.memref_squeeze %dma_wait3A_1033 : memref<1x8x2048xf32, #tpu.memory_space<vmem>> -> memref<8x2048xf32, #tpu.memory_space<vmem>>
    %dma_wait3A_1035 = arith.constant 0 : i32
    %dma_wait3A_1036 = tpu.memref_slice %arg2[%add3A_918, %dma_wait3A_1035] : memref<4096x2048xf32, #tpu.memory_space<hbm>> -> memref<8x2048xf32, #tpu.memory_space<hbm>>
    %dma_wait3A_1037 = arith.constant 0 : i32
    %dma_wait3A_1038 = arith.constant 0 : i32
    %dma_wait3A_1039 = tpu.memref_slice %arg6[%dma_wait3A_1030, %dma_wait3A_1037, %dma_wait3A_1038] : memref<2x8x2048xf32, #tpu.memory_space<vmem>> -> memref<1x8x2048xf32, #tpu.memory_space<vmem>>
    %dma_wait3A_1040 = tpu.memref_squeeze %dma_wait3A_1039 : memref<1x8x2048xf32, #tpu.memory_space<vmem>> -> memref<8x2048xf32, #tpu.memory_space<vmem>>
    %dma_wait3A_1041 = arith.constant 0 : i32
    %dma_wait3A_1042 = tpu.memref_slice %arg2[%add3A_918, %dma_wait3A_1041] : memref<4096x2048xf32, #tpu.memory_space<hbm>> -> memref<8x2048xf32, #tpu.memory_space<hbm>>
    tpu.wait_dma2 semaphore(%arg9 : memref<!tpu.dma_semaphore, #tpu.memory_space<semaphore_mem>>) src(%dma_wait3A_1042 : memref<8x2048xf32, #tpu.memory_space<hbm>>) dst(%dma_wait3A_1040 : memref<8x2048xf32, #tpu.memory_space<vmem>>)
    %parallel_loop3A_1043 = arith.constant 0 : i32
    %parallel_loop3A_1044 = arith.constant 2048 : i32
    %parallel_loop3A_1045 = arith.constant 16 : i32
    scf.for %parallel_loop3A_1128 = %parallel_loop3A_1043 to %parallel_loop3A_1044 step %parallel_loop3A_1045  : i32 {
      %parallel_loop3A_1129 = arith.constant 1 : i32
      %parallel_loop3A_1130 = arith.constant 0 : i32
      %parallel_loop3A_1131 = arith.index_cast %parallel_loop3A_1129 : i32 to index
      %parallel_loop3A_1132 = arith.index_cast %parallel_loop3A_1130 : i32 to index
      %parallel_loop3A_1133 = arith.index_cast %parallel_loop3A_1128 : i32 to index
      %parallel_loop3A_1134 = tpu.vector_load %arg7[%parallel_loop3A_1131, %parallel_loop3A_1132, %parallel_loop3A_1133] {strides = array<i32>} : memref<2x8x2048xf32, #tpu.memory_space<vmem>>, vector<1x1x16xf32>,
      %parallel_loop3A_1135 = vector.shape_cast %parallel_loop3A_1134 : vector<1x1x16xf32> to vector<16xf32>
      %parallel_loop3A_1136 = arith.constant 1 : i32
      %parallel_loop3A_1137 = arith.constant 0 : i32
      %parallel_loop3A_1138 = arith.index_cast %parallel_loop3A_1136 : i32 to index
      %parallel_loop3A_1139 = arith.index_cast %parallel_loop3A_1137 : i32 to index
      %parallel_loop3A_1140 = arith.index_cast %parallel_loop3A_1128 : i32 to index
      %parallel_loop3A_1141 = tpu.vector_load %arg5[%parallel_loop3A_1138, %parallel_loop3A_1139, %parallel_loop3A_1140] {strides = array<i32>} : memref<2x8x2048xf32, #tpu.memory_space<vmem>>, vector<1x1x16xf32>,
      %parallel_loop3A_1142 = vector.shape_cast %parallel_loop3A_1141 : vector<1x1x16xf32> to vector<16xf32>
      %parallel_loop3A_1143 = vector.shape_cast %parallel_loop3A_1135 : vector<16xf32> to vector<1x1x16xf32>
      tpu.vector_store %arg5[%parallel_loop3A_1138, %parallel_loop3A_1139, %parallel_loop3A_1140], %parallel_loop3A_1143 {add = true, strides = array<i32>} : memref<2x8x2048xf32, #tpu.memory_space<vmem>>, vector<1x1x16xf32>,
      %parallel_loop3A_1144 = arith.constant 1 : i32
      %parallel_loop3A_1145 = arith.constant 0 : i32
      %parallel_loop3A_1146 = arith.index_cast %parallel_loop3A_1144 : i32 to index
      %parallel_loop3A_1147 = arith.index_cast %parallel_loop3A_1145 : i32 to index
      %parallel_loop3A_1148 = arith.index_cast %parallel_loop3A_1128 : i32 to index
      %parallel_loop3A_1149 = tpu.vector_load %arg6[%parallel_loop3A_1146, %parallel_loop3A_1147, %parallel_loop3A_1148] {strides = array<i32>} : memref<2x8x2048xf32, #tpu.memory_space<vmem>>, vector<1x1x16xf32>,
      %parallel_loop3A_1150 = vector.shape_cast %parallel_loop3A_1149 : vector<1x1x16xf32> to vector<16xf32>
      %parallel_loop3A_1151 = vector.shape_cast %parallel_loop3A_1135 : vector<16xf32> to vector<1x1x16xf32>
      tpu.vector_store %arg6[%parallel_loop3A_1146, %parallel_loop3A_1147, %parallel_loop3A_1148], %parallel_loop3A_1151 {add = true, strides = array<i32>} : memref<2x8x2048xf32, #tpu.memory_space<vmem>>, vector<1x1x16xf32>,
      %parallel_loop3A_1152 = arith.constant 1 : i32
      %parallel_loop3A_1153 = arith.constant 1 : i32
      %parallel_loop3A_1154 = arith.index_cast %parallel_loop3A_1152 : i32 to index
      %parallel_loop3A_1155 = arith.index_cast %parallel_loop3A_1153 : i32 to index
      %parallel_loop3A_1156 = arith.index_cast %parallel_loop3A_1128 : i32 to index
      %parallel_loop3A_1157 = tpu.vector_load %arg7[%parallel_loop3A_1154, %parallel_loop3A_1155, %parallel_loop3A_1156] {strides = array<i32>} : memref<2x8x2048xf32, #tpu.memory_space<vmem>>, vector<1x1x16xf32>,
      %parallel_loop3A_1158 = vector.shape_cast %parallel_loop3A_1157 : vector<1x1x16xf32> to vector<16xf32>
      %parallel_loop3A_1159 = arith.constant 1 : i32
      %parallel_loop3A_1160 = arith.constant 1 : i32
      %parallel_loop3A_1161 = arith.index_cast %parallel_loop3A_1159 : i32 to index
      %parallel_loop3A_1162 = arith.index_cast %parallel_loop3A_1160 : i32 to index
      %parallel_loop3A_1163 = arith.index_cast %parallel_loop3A_1128 : i32 to index
      %parallel_loop3A_1164 = tpu.vector_load %arg5[%parallel_loop3A_1161, %parallel_loop3A_1162, %parallel_loop3A_1163] {strides = array<i32>} : memref<2x8x2048xf32, #tpu.memory_space<vmem>>, vector<1x1x16xf32>,
      %parallel_loop3A_1165 = vector.shape_cast %parallel_loop3A_1164 : vector<1x1x16xf32> to vector<16xf32>
      %parallel_loop3A_1166 = vector.shape_cast %parallel_loop3A_1158 : vector<16xf32> to vector<1x1x16xf32>
      tpu.vector_store %arg5[%parallel_loop3A_1161, %parallel_loop3A_1162, %parallel_loop3A_1163], %parallel_loop3A_1166 {add = true, strides = array<i32>} : memref<2x8x2048xf32, #tpu.memory_space<vmem>>, vector<1x1x16xf32>,
      %parallel_loop3A_1167 = arith.constant 1 : i32
      %parallel_loop3A_1168 = arith.constant 1 : i32
      %parallel_loop3A_1169 = arith.index_cast %parallel_loop3A_1167 : i32 to index
      %parallel_loop3A_1170 = arith.index_cast %parallel_loop3A_1168 : i32 to index
      %parallel_loop3A_1171 = arith.index_cast %parallel_loop3A_1128 : i32 to index
      %parallel_loop3A_1172 = tpu.vector_load %arg6[%parallel_loop3A_1169, %parallel_loop3A_1170, %parallel_loop3A_1171] {strides = array<i32>} : memref<2x8x2048xf32, #tpu.memory_space<vmem>>, vector<1x1x16xf32>,
      %parallel_loop3A_1173 = vector.shape_cast %parallel_loop3A_1172 : vector<1x1x16xf32> to vector<16xf32>
      %parallel_loop3A_1174 = vector.shape_cast %parallel_loop3A_1158 : vector<16xf32> to vector<1x1x16xf32>
      tpu.vector_store %arg6[%parallel_loop3A_1169, %parallel_loop3A_1170, %parallel_loop3A_1171], %parallel_loop3A_1174 {add = true, strides = array<i32>} : memref<2x8x2048xf32, #tpu.memory_space<vmem>>, vector<1x1x16xf32>,
      %parallel_loop3A_1175 = arith.constant 1 : i32
      %parallel_loop3A_1176 = arith.constant 2 : i32
      %parallel_loop3A_1177 = arith.index_cast %parallel_loop3A_1175 : i32 to index
      %parallel_loop3A_1178 = arith.index_cast %parallel_loop3A_1176 : i32 to index
      %parallel_loop3A_1179 = arith.index_cast %parallel_loop3A_1128 : i32 to index
      %parallel_loop3A_1180 = tpu.vector_load %arg7[%parallel_loop3A_1177, %parallel_loop3A_1178, %parallel_loop3A_1179] {strides = array<i32>} : memref<2x8x2048xf32, #tpu.memory_space<vmem>>, vector<1x1x16xf32>,
      %parallel_loop3A_1181 = vector.shape_cast %parallel_loop3A_1180 : vector<1x1x16xf32> to vector<16xf32>
      %parallel_loop3A_1182 = arith.constant 1 : i32
      %parallel_loop3A_1183 = arith.constant 2 : i32
      %parallel_loop3A_1184 = arith.index_cast %parallel_loop3A_1182 : i32 to index
      %parallel_loop3A_1185 = arith.index_cast %parallel_loop3A_1183 : i32 to index
      %parallel_loop3A_1186 = arith.index_cast %parallel_loop3A_1128 : i32 to index
      %parallel_loop3A_1187 = tpu.vector_load %arg5[%parallel_loop3A_1184, %parallel_loop3A_1185, %parallel_loop3A_1186] {strides = array<i32>} : memref<2x8x2048xf32, #tpu.memory_space<vmem>>, vector<1x1x16xf32>,
      %parallel_loop3A_1188 = vector.shape_cast %parallel_loop3A_1187 : vector<1x1x16xf32> to vector<16xf32>
      %parallel_loop3A_1189 = vector.shape_cast %parallel_loop3A_1181 : vector<16xf32> to vector<1x1x16xf32>
      tpu.vector_store %arg5[%parallel_loop3A_1184, %parallel_loop3A_1185, %parallel_loop3A_1186], %parallel_loop3A_1189 {add = true, strides = array<i32>} : memref<2x8x2048xf32, #tpu.memory_space<vmem>>, vector<1x1x16xf32>,
      %parallel_loop3A_1190 = arith.constant 1 : i32
      %parallel_loop3A_1191 = arith.constant 2 : i32
      %parallel_loop3A_1192 = arith.index_cast %parallel_loop3A_1190 : i32 to index
      %parallel_loop3A_1193 = arith.index_cast %parallel_loop3A_1191 : i32 to index
      %parallel_loop3A_1194 = arith.index_cast %parallel_loop3A_1128 : i32 to index
      %parallel_loop3A_1195 = tpu.vector_load %arg6[%parallel_loop3A_1192, %parallel_loop3A_1193, %parallel_loop3A_1194] {strides = array<i32>} : memref<2x8x2048xf32, #tpu.memory_space<vmem>>, vector<1x1x16xf32>,
      %parallel_loop3A_1196 = vector.shape_cast %parallel_loop3A_1195 : vector<1x1x16xf32> to vector<16xf32>
      %parallel_loop3A_1197 = vector.shape_cast %parallel_loop3A_1181 : vector<16xf32> to vector<1x1x16xf32>
      tpu.vector_store %arg6[%parallel_loop3A_1192, %parallel_loop3A_1193, %parallel_loop3A_1194], %parallel_loop3A_1197 {add = true, strides = array<i32>} : memref<2x8x2048xf32, #tpu.memory_space<vmem>>, vector<1x1x16xf32>,
      %parallel_loop3A_1198 = arith.constant 1 : i32
      %parallel_loop3A_1199 = arith.constant 3 : i32
      %parallel_loop3A_1200 = arith.index_cast %parallel_loop3A_1198 : i32 to index
      %parallel_loop3A_1201 = arith.index_cast %parallel_loop3A_1199 : i32 to index
      %parallel_loop3A_1202 = arith.index_cast %parallel_loop3A_1128 : i32 to index
      %parallel_loop3A_1203 = tpu.vector_load %arg7[%parallel_loop3A_1200, %parallel_loop3A_1201, %parallel_loop3A_1202] {strides = array<i32>} : memref<2x8x2048xf32, #tpu.memory_space<vmem>>, vector<1x1x16xf32>,
      %parallel_loop3A_1204 = vector.shape_cast %parallel_loop3A_1203 : vector<1x1x16xf32> to vector<16xf32>
      %parallel_loop3A_1205 = arith.constant 1 : i32
      %parallel_loop3A_1206 = arith.constant 3 : i32
      %parallel_loop3A_1207 = arith.index_cast %parallel_loop3A_1205 : i32 to index
      %parallel_loop3A_1208 = arith.index_cast %parallel_loop3A_1206 : i32 to index
      %parallel_loop3A_1209 = arith.index_cast %parallel_loop3A_1128 : i32 to index
      %parallel_loop3A_1210 = tpu.vector_load %arg5[%parallel_loop3A_1207, %parallel_loop3A_1208, %parallel_loop3A_1209] {strides = array<i32>} : memref<2x8x2048xf32, #tpu.memory_space<vmem>>, vector<1x1x16xf32>,
      %parallel_loop3A_1211 = vector.shape_cast %parallel_loop3A_1210 : vector<1x1x16xf32> to vector<16xf32>
      %parallel_loop3A_1212 = vector.shape_cast %parallel_loop3A_1204 : vector<16xf32> to vector<1x1x16xf32>
      tpu.vector_store %arg5[%parallel_loop3A_1207, %parallel_loop3A_1208, %parallel_loop3A_1209], %parallel_loop3A_1212 {add = true, strides = array<i32>} : memref<2x8x2048xf32, #tpu.memory_space<vmem>>, vector<1x1x16xf32>,
      %parallel_loop3A_1213 = arith.constant 1 : i32
      %parallel_loop3A_1214 = arith.constant 3 : i32
      %parallel_loop3A_1215 = arith.index_cast %parallel_loop3A_1213 : i32 to index
      %parallel_loop3A_1216 = arith.index_cast %parallel_loop3A_1214 : i32 to index
      %parallel_loop3A_1217 = arith.index_cast %parallel_loop3A_1128 : i32 to index
      %parallel_loop3A_1218 = tpu.vector_load %arg6[%parallel_loop3A_1215, %parallel_loop3A_1216, %parallel_loop3A_1217] {strides = array<i32>} : memref<2x8x2048xf32, #tpu.memory_space<vmem>>, vector<1x1x16xf32>,
      %parallel_loop3A_1219 = vector.shape_cast %parallel_loop3A_1218 : vector<1x1x16xf32> to vector<16xf32>
      %parallel_loop3A_1220 = vector.shape_cast %parallel_loop3A_1204 : vector<16xf32> to vector<1x1x16xf32>
      tpu.vector_store %arg6[%parallel_loop3A_1215, %parallel_loop3A_1216, %parallel_loop3A_1217], %parallel_loop3A_1220 {add = true, strides = array<i32>} : memref<2x8x2048xf32, #tpu.memory_space<vmem>>, vector<1x1x16xf32>,
      %parallel_loop3A_1221 = arith.constant 1 : i32
      %parallel_loop3A_1222 = arith.constant 4 : i32
      %parallel_loop3A_1223 = arith.index_cast %parallel_loop3A_1221 : i32 to index
      %parallel_loop3A_1224 = arith.index_cast %parallel_loop3A_1222 : i32 to index
      %parallel_loop3A_1225 = arith.index_cast %parallel_loop3A_1128 : i32 to index
      %parallel_loop3A_1226 = tpu.vector_load %arg7[%parallel_loop3A_1223, %parallel_loop3A_1224, %parallel_loop3A_1225] {strides = array<i32>} : memref<2x8x2048xf32, #tpu.memory_space<vmem>>, vector<1x1x16xf32>,
      %parallel_loop3A_1227 = vector.shape_cast %parallel_loop3A_1226 : vector<1x1x16xf32> to vector<16xf32>
      %parallel_loop3A_1228 = arith.constant 1 : i32
      %parallel_loop3A_1229 = arith.constant 4 : i32
      %parallel_loop3A_1230 = arith.index_cast %parallel_loop3A_1228 : i32 to index
      %parallel_loop3A_1231 = arith.index_cast %parallel_loop3A_1229 : i32 to index
      %parallel_loop3A_1232 = arith.index_cast %parallel_loop3A_1128 : i32 to index
      %parallel_loop3A_1233 = tpu.vector_load %arg5[%parallel_loop3A_1230, %parallel_loop3A_1231, %parallel_loop3A_1232] {strides = array<i32>} : memref<2x8x2048xf32, #tpu.memory_space<vmem>>, vector<1x1x16xf32>,
      %parallel_loop3A_1234 = vector.shape_cast %parallel_loop3A_1233 : vector<1x1x16xf32> to vector<16xf32>
      %parallel_loop3A_1235 = vector.shape_cast %parallel_loop3A_1227 : vector<16xf32> to vector<1x1x16xf32>
      tpu.vector_store %arg5[%parallel_loop3A_1230, %parallel_loop3A_1231, %parallel_loop3A_1232], %parallel_loop3A_1235 {add = true, strides = array<i32>} : memref<2x8x2048xf32, #tpu.memory_space<vmem>>, vector<1x1x16xf32>,
      %parallel_loop3A_1236 = arith.constant 1 : i32
      %parallel_loop3A_1237 = arith.constant 4 : i32
      %parallel_loop3A_1238 = arith.index_cast %parallel_loop3A_1236 : i32 to index
      %parallel_loop3A_1239 = arith.index_cast %parallel_loop3A_1237 : i32 to index
      %parallel_loop3A_1240 = arith.index_cast %parallel_loop3A_1128 : i32 to index
      %parallel_loop3A_1241 = tpu.vector_load %arg6[%parallel_loop3A_1238, %parallel_loop3A_1239, %parallel_loop3A_1240] {strides = array<i32>} : memref<2x8x2048xf32, #tpu.memory_space<vmem>>, vector<1x1x16xf32>,
      %parallel_loop3A_1242 = vector.shape_cast %parallel_loop3A_1241 : vector<1x1x16xf32> to vector<16xf32>
      %parallel_loop3A_1243 = vector.shape_cast %parallel_loop3A_1227 : vector<16xf32> to vector<1x1x16xf32>
      tpu.vector_store %arg6[%parallel_loop3A_1238, %parallel_loop3A_1239, %parallel_loop3A_1240], %parallel_loop3A_1243 {add = true, strides = array<i32>} : memref<2x8x2048xf32, #tpu.memory_space<vmem>>, vector<1x1x16xf32>,
      %parallel_loop3A_1244 = arith.constant 1 : i32
      %parallel_loop3A_1245 = arith.constant 5 : i32
      %parallel_loop3A_1246 = arith.index_cast %parallel_loop3A_1244 : i32 to index
      %parallel_loop3A_1247 = arith.index_cast %parallel_loop3A_1245 : i32 to index
      %parallel_loop3A_1248 = arith.index_cast %parallel_loop3A_1128 : i32 to index
      %parallel_loop3A_1249 = tpu.vector_load %arg7[%parallel_loop3A_1246, %parallel_loop3A_1247, %parallel_loop3A_1248] {strides = array<i32>} : memref<2x8x2048xf32, #tpu.memory_space<vmem>>, vector<1x1x16xf32>,
      %parallel_loop3A_1250 = vector.shape_cast %parallel_loop3A_1249 : vector<1x1x16xf32> to vector<16xf32>
      %parallel_loop3A_1251 = arith.constant 1 : i32
      %parallel_loop3A_1252 = arith.constant 5 : i32
      %parallel_loop3A_1253 = arith.index_cast %parallel_loop3A_1251 : i32 to index
      %parallel_loop3A_1254 = arith.index_cast %parallel_loop3A_1252 : i32 to index
      %parallel_loop3A_1255 = arith.index_cast %parallel_loop3A_1128 : i32 to index
      %parallel_loop3A_1256 = tpu.vector_load %arg5[%parallel_loop3A_1253, %parallel_loop3A_1254, %parallel_loop3A_1255] {strides = array<i32>} : memref<2x8x2048xf32, #tpu.memory_space<vmem>>, vector<1x1x16xf32>,
      %parallel_loop3A_1257 = vector.shape_cast %parallel_loop3A_1256 : vector<1x1x16xf32> to vector<16xf32>
      %parallel_loop3A_1258 = vector.shape_cast %parallel_loop3A_1250 : vector<16xf32> to vector<1x1x16xf32>
      tpu.vector_store %arg5[%parallel_loop3A_1253, %parallel_loop3A_1254, %parallel_loop3A_1255], %parallel_loop3A_1258 {add = true, strides = array<i32>} : memref<2x8x2048xf32, #tpu.memory_space<vmem>>, vector<1x1x16xf32>,
      %parallel_loop3A_1259 = arith.constant 1 : i32
      %parallel_loop3A_1260 = arith.constant 5 : i32
      %parallel_loop3A_1261 = arith.index_cast %parallel_loop3A_1259 : i32 to index
      %parallel_loop3A_1262 = arith.index_cast %parallel_loop3A_1260 : i32 to index
      %parallel_loop3A_1263 = arith.index_cast %parallel_loop3A_1128 : i32 to index
      %parallel_loop3A_1264 = tpu.vector_load %arg6[%parallel_loop3A_1261, %parallel_loop3A_1262, %parallel_loop3A_1263] {strides = array<i32>} : memref<2x8x2048xf32, #tpu.memory_space<vmem>>, vector<1x1x16xf32>,
      %parallel_loop3A_1265 = vector.shape_cast %parallel_loop3A_1264 : vector<1x1x16xf32> to vector<16xf32>
      %parallel_loop3A_1266 = vector.shape_cast %parallel_loop3A_1250 : vector<16xf32> to vector<1x1x16xf32>
      tpu.vector_store %arg6[%parallel_loop3A_1261, %parallel_loop3A_1262, %parallel_loop3A_1263], %parallel_loop3A_1266 {add = true, strides = array<i32>} : memref<2x8x2048xf32, #tpu.memory_space<vmem>>, vector<1x1x16xf32>,
      %parallel_loop3A_1267 = arith.constant 1 : i32
      %parallel_loop3A_1268 = arith.constant 6 : i32
      %parallel_loop3A_1269 = arith.index_cast %parallel_loop3A_1267 : i32 to index
      %parallel_loop3A_1270 = arith.index_cast %parallel_loop3A_1268 : i32 to index
      %parallel_loop3A_1271 = arith.index_cast %parallel_loop3A_1128 : i32 to index
      %parallel_loop3A_1272 = tpu.vector_load %arg7[%parallel_loop3A_1269, %parallel_loop3A_1270, %parallel_loop3A_1271] {strides = array<i32>} : memref<2x8x2048xf32, #tpu.memory_space<vmem>>, vector<1x1x16xf32>,
      %parallel_loop3A_1273 = vector.shape_cast %parallel_loop3A_1272 : vector<1x1x16xf32> to vector<16xf32>
      %parallel_loop3A_1274 = arith.constant 1 : i32
      %parallel_loop3A_1275 = arith.constant 6 : i32
      %parallel_loop3A_1276 = arith.index_cast %parallel_loop3A_1274 : i32 to index
      %parallel_loop3A_1277 = arith.index_cast %parallel_loop3A_1275 : i32 to index
      %parallel_loop3A_1278 = arith.index_cast %parallel_loop3A_1128 : i32 to index
      %parallel_loop3A_1279 = tpu.vector_load %arg5[%parallel_loop3A_1276, %parallel_loop3A_1277, %parallel_loop3A_1278] {strides = array<i32>} : memref<2x8x2048xf32, #tpu.memory_space<vmem>>, vector<1x1x16xf32>,
      %parallel_loop3A_1280 = vector.shape_cast %parallel_loop3A_1279 : vector<1x1x16xf32> to vector<16xf32>
      %parallel_loop3A_1281 = vector.shape_cast %parallel_loop3A_1273 : vector<16xf32> to vector<1x1x16xf32>
      tpu.vector_store %arg5[%parallel_loop3A_1276, %parallel_loop3A_1277, %parallel_loop3A_1278], %parallel_loop3A_1281 {add = true, strides = array<i32>} : memref<2x8x2048xf32, #tpu.memory_space<vmem>>, vector<1x1x16xf32>,
      %parallel_loop3A_1282 = arith.constant 1 : i32
      %parallel_loop3A_1283 = arith.constant 6 : i32
      %parallel_loop3A_1284 = arith.index_cast %parallel_loop3A_1282 : i32 to index
      %parallel_loop3A_1285 = arith.index_cast %parallel_loop3A_1283 : i32 to index
      %parallel_loop3A_1286 = arith.index_cast %parallel_loop3A_1128 : i32 to index
      %parallel_loop3A_1287 = tpu.vector_load %arg6[%parallel_loop3A_1284, %parallel_loop3A_1285, %parallel_loop3A_1286] {strides = array<i32>} : memref<2x8x2048xf32, #tpu.memory_space<vmem>>, vector<1x1x16xf32>,
      %parallel_loop3A_1288 = vector.shape_cast %parallel_loop3A_1287 : vector<1x1x16xf32> to vector<16xf32>
      %parallel_loop3A_1289 = vector.shape_cast %parallel_loop3A_1273 : vector<16xf32> to vector<1x1x16xf32>
      tpu.vector_store %arg6[%parallel_loop3A_1284, %parallel_loop3A_1285, %parallel_loop3A_1286], %parallel_loop3A_1289 {add = true, strides = array<i32>} : memref<2x8x2048xf32, #tpu.memory_space<vmem>>, vector<1x1x16xf32>,
      %parallel_loop3A_1290 = arith.constant 1 : i32
      %parallel_loop3A_1291 = arith.constant 7 : i32
      %parallel_loop3A_1292 = arith.index_cast %parallel_loop3A_1290 : i32 to index
      %parallel_loop3A_1293 = arith.index_cast %parallel_loop3A_1291 : i32 to index
      %parallel_loop3A_1294 = arith.index_cast %parallel_loop3A_1128 : i32 to index
      %parallel_loop3A_1295 = tpu.vector_load %arg7[%parallel_loop3A_1292, %parallel_loop3A_1293, %parallel_loop3A_1294] {strides = array<i32>} : memref<2x8x2048xf32, #tpu.memory_space<vmem>>, vector<1x1x16xf32>,
      %parallel_loop3A_1296 = vector.shape_cast %parallel_loop3A_1295 : vector<1x1x16xf32> to vector<16xf32>
      %parallel_loop3A_1297 = arith.constant 1 : i32
      %parallel_loop3A_1298 = arith.constant 7 : i32
      %parallel_loop3A_1299 = arith.index_cast %parallel_loop3A_1297 : i32 to index
      %parallel_loop3A_1300 = arith.index_cast %parallel_loop3A_1298 : i32 to index
      %parallel_loop3A_1301 = arith.index_cast %parallel_loop3A_1128 : i32 to index
      %parallel_loop3A_1302 = tpu.vector_load %arg5[%parallel_loop3A_1299, %parallel_loop3A_1300, %parallel_loop3A_1301] {strides = array<i32>} : memref<2x8x2048xf32, #tpu.memory_space<vmem>>, vector<1x1x16xf32>,
      %parallel_loop3A_1303 = vector.shape_cast %parallel_loop3A_1302 : vector<1x1x16xf32> to vector<16xf32>
      %parallel_loop3A_1304 = vector.shape_cast %parallel_loop3A_1296 : vector<16xf32> to vector<1x1x16xf32>
      tpu.vector_store %arg5[%parallel_loop3A_1299, %parallel_loop3A_1300, %parallel_loop3A_1301], %parallel_loop3A_1304 {add = true, strides = array<i32>} : memref<2x8x2048xf32, #tpu.memory_space<vmem>>, vector<1x1x16xf32>,
      %parallel_loop3A_1305 = arith.constant 1 : i32
      %parallel_loop3A_1306 = arith.constant 7 : i32
      %parallel_loop3A_1307 = arith.index_cast %parallel_loop3A_1305 : i32 to index
      %parallel_loop3A_1308 = arith.index_cast %parallel_loop3A_1306 : i32 to index
      %parallel_loop3A_1309 = arith.index_cast %parallel_loop3A_1128 : i32 to index
      %parallel_loop3A_1310 = tpu.vector_load %arg6[%parallel_loop3A_1307, %parallel_loop3A_1308, %parallel_loop3A_1309] {strides = array<i32>} : memref<2x8x2048xf32, #tpu.memory_space<vmem>>, vector<1x1x16xf32>,
      %parallel_loop3A_1311 = vector.shape_cast %parallel_loop3A_1310 : vector<1x1x16xf32> to vector<16xf32>
      %parallel_loop3A_1312 = vector.shape_cast %parallel_loop3A_1296 : vector<16xf32> to vector<1x1x16xf32>
      tpu.vector_store %arg6[%parallel_loop3A_1307, %parallel_loop3A_1308, %parallel_loop3A_1309], %parallel_loop3A_1312 {add = true, strides = array<i32>} : memref<2x8x2048xf32, #tpu.memory_space<vmem>>, vector<1x1x16xf32>,
    } {sc.loop_unroll_factor = 2 : i64, sc.parallel_access}
    %add3A_1046 = arith.constant 56 : i32
    %add3A_1047 = arith.addi %mul3A_2, %add3A_1046 : i32
    %dma_start3A_1048 = arith.constant 1 : i32
    %dma_start3A_1049 = arith.constant 0 : i32
    %dma_start3A_1050 = arith.constant 0 : i32
    %dma_start3A_1051 = tpu.memref_slice %arg5[%dma_start3A_1048, %dma_start3A_1049, %dma_start3A_1050] : memref<2x8x2048xf32, #tpu.memory_space<vmem>> -> memref<1x8x2048xf32, #tpu.memory_space<vmem>>
    %dma_start3A_1052 = tpu.memref_squeeze %dma_start3A_1051 : memref<1x8x2048xf32, #tpu.memory_space<vmem>> -> memref<8x2048xf32, #tpu.memory_space<vmem>>
    %dma_start3A_1053 = arith.constant 0 : i32
    %dma_start3A_1054 = tpu.memref_slice %arg4[%add3A_1047, %dma_start3A_1053] : memref<4096x2048xf32, #tpu.memory_space<hbm>> -> memref<8x2048xf32, #tpu.memory_space<hbm>>
    %dma_start3A_1055 = arith.constant 0 : i32
    %dma_start3A_1056 = tpu.memref_slice %arg4[%add3A_1047, %dma_start3A_1055] : memref<4096x2048xf32, #tpu.memory_space<hbm>> -> memref<8x2048xf32, #tpu.memory_space<hbm>>
    %dma_start3A_1057 = arith.constant 0 : i32
    %dma_start3A_1058 = arith.constant 0 : i32
    %dma_start3A_1059 = tpu.memref_slice %arg5[%dma_start3A_1048, %dma_start3A_1057, %dma_start3A_1058] : memref<2x8x2048xf32, #tpu.memory_space<vmem>> -> memref<1x8x2048xf32, #tpu.memory_space<vmem>>
    %dma_start3A_1060 = tpu.memref_squeeze %dma_start3A_1059 : memref<1x8x2048xf32, #tpu.memory_space<vmem>> -> memref<8x2048xf32, #tpu.memory_space<vmem>>
    tpu.enqueue_dma source(%dma_start3A_1060 : memref<8x2048xf32, #tpu.memory_space<vmem>>) target(%dma_start3A_1056 : memref<8x2048xf32, #tpu.memory_space<hbm>>) target_semaphore(%arg11 : memref<!tpu.dma_semaphore, #tpu.memory_space<semaphore_mem>>)
    %add3A_1061 = arith.constant 2048 : i32
    %add3A_1062 = arith.addi %add3A_1061, %add3A_1047 : i32
    %dma_start3A_1063 = arith.constant 1 : i32
    %dma_start3A_1064 = arith.constant 0 : i32
    %dma_start3A_1065 = arith.constant 0 : i32
    %dma_start3A_1066 = tpu.memref_slice %arg6[%dma_start3A_1063, %dma_start3A_1064, %dma_start3A_1065] : memref<2x8x2048xf32, #tpu.memory_space<vmem>> -> memref<1x8x2048xf32, #tpu.memory_space<vmem>>
    %dma_start3A_1067 = tpu.memref_squeeze %dma_start3A_1066 : memref<1x8x2048xf32, #tpu.memory_space<vmem>> -> memref<8x2048xf32, #tpu.memory_space<vmem>>
    %dma_start3A_1068 = arith.constant 0 : i32
    %dma_start3A_1069 = tpu.memref_slice %arg4[%add3A_1062, %dma_start3A_1068] : memref<4096x2048xf32, #tpu.memory_space<hbm>> -> memref<8x2048xf32, #tpu.memory_space<hbm>>
    %dma_start3A_1070 = arith.constant 0 : i32
    %dma_start3A_1071 = tpu.memref_slice %arg4[%add3A_1062, %dma_start3A_1070] : memref<4096x2048xf32, #tpu.memory_space<hbm>> -> memref<8x2048xf32, #tpu.memory_space<hbm>>
    %dma_start3A_1072 = arith.constant 0 : i32
    %dma_start3A_1073 = arith.constant 0 : i32
    %dma_start3A_1074 = tpu.memref_slice %arg6[%dma_start3A_1063, %dma_start3A_1072, %dma_start3A_1073] : memref<2x8x2048xf32, #tpu.memory_space<vmem>> -> memref<1x8x2048xf32, #tpu.memory_space<vmem>>
    %dma_start3A_1075 = tpu.memref_squeeze %dma_start3A_1074 : memref<1x8x2048xf32, #tpu.memory_space<vmem>> -> memref<8x2048xf32, #tpu.memory_space<vmem>>
    tpu.enqueue_dma source(%dma_start3A_1075 : memref<8x2048xf32, #tpu.memory_space<vmem>>) target(%dma_start3A_1071 : memref<8x2048xf32, #tpu.memory_space<hbm>>) target_semaphore(%arg11 : memref<!tpu.dma_semaphore, #tpu.memory_space<semaphore_mem>>)
    %dma_wait3A_1076 = arith.constant 0 : i32
    %dma_wait3A_1077 = arith.constant 0 : i32
    %dma_wait3A_1078 = arith.constant 0 : i32
    %dma_wait3A_1079 = tpu.memref_slice %arg5[%dma_wait3A_1076, %dma_wait3A_1077, %dma_wait3A_1078] : memref<2x8x2048xf32, #tpu.memory_space<vmem>> -> memref<1x8x2048xf32, #tpu.memory_space<vmem>>
    %dma_wait3A_1080 = tpu.memref_squeeze %dma_wait3A_1079 : memref<1x8x2048xf32, #tpu.memory_space<vmem>> -> memref<8x2048xf32, #tpu.memory_space<vmem>>
    %dma_wait3A_1081 = arith.constant 0 : i32
    %dma_wait3A_1082 = tpu.memref_slice %arg4[%add3A_975, %dma_wait3A_1081] : memref<4096x2048xf32, #tpu.memory_space<hbm>> -> memref<8x2048xf32, #tpu.memory_space<hbm>>
    %dma_wait3A_1083 = arith.constant 0 : i32
    %dma_wait3A_1084 = tpu.memref_slice %arg4[%add3A_975, %dma_wait3A_1083] : memref<4096x2048xf32, #tpu.memory_space<hbm>> -> memref<8x2048xf32, #tpu.memory_space<hbm>>
    %dma_wait3A_1085 = arith.constant 0 : i32
    %dma_wait3A_1086 = arith.constant 0 : i32
    %dma_wait3A_1087 = tpu.memref_slice %arg5[%dma_wait3A_1076, %dma_wait3A_1085, %dma_wait3A_1086] : memref<2x8x2048xf32, #tpu.memory_space<vmem>> -> memref<1x8x2048xf32, #tpu.memory_space<vmem>>
    %dma_wait3A_1088 = tpu.memref_squeeze %dma_wait3A_1087 : memref<1x8x2048xf32, #tpu.memory_space<vmem>> -> memref<8x2048xf32, #tpu.memory_space<vmem>>
    tpu.wait_dma2 semaphore(%arg10 : memref<!tpu.dma_semaphore, #tpu.memory_space<semaphore_mem>>) src(%dma_wait3A_1088 : memref<8x2048xf32, #tpu.memory_space<vmem>>) dst(%dma_wait3A_1084 : memref<8x2048xf32, #tpu.memory_space<hbm>>)
    %dma_wait3A_1089 = arith.constant 0 : i32
    %dma_wait3A_1090 = arith.constant 0 : i32
    %dma_wait3A_1091 = arith.constant 0 : i32
    %dma_wait3A_1092 = tpu.memref_slice %arg6[%dma_wait3A_1089, %dma_wait3A_1090, %dma_wait3A_1091] : memref<2x8x2048xf32, #tpu.memory_space<vmem>> -> memref<1x8x2048xf32, #tpu.memory_space<vmem>>
    %dma_wait3A_1093 = tpu.memref_squeeze %dma_wait3A_1092 : memref<1x8x2048xf32, #tpu.memory_space<vmem>> -> memref<8x2048xf32, #tpu.memory_space<vmem>>
    %dma_wait3A_1094 = arith.constant 0 : i32
    %dma_wait3A_1095 = tpu.memref_slice %arg4[%add3A_990, %dma_wait3A_1094] : memref<4096x2048xf32, #tpu.memory_space<hbm>> -> memref<8x2048xf32, #tpu.memory_space<hbm>>
    %dma_wait3A_1096 = arith.constant 0 : i32
    %dma_wait3A_1097 = tpu.memref_slice %arg4[%add3A_990, %dma_wait3A_1096] : memref<4096x2048xf32, #tpu.memory_space<hbm>> -> memref<8x2048xf32, #tpu.memory_space<hbm>>
    %dma_wait3A_1098 = arith.constant 0 : i32
    %dma_wait3A_1099 = arith.constant 0 : i32
    %dma_wait3A_1100 = tpu.memref_slice %arg6[%dma_wait3A_1089, %dma_wait3A_1098, %dma_wait3A_1099] : memref<2x8x2048xf32, #tpu.memory_space<vmem>> -> memref<1x8x2048xf32, #tpu.memory_space<vmem>>
    %dma_wait3A_1101 = tpu.memref_squeeze %dma_wait3A_1100 : memref<1x8x2048xf32, #tpu.memory_space<vmem>> -> memref<8x2048xf32, #tpu.memory_space<vmem>>
    tpu.wait_dma2 semaphore(%arg10 : memref<!tpu.dma_semaphore, #tpu.memory_space<semaphore_mem>>) src(%dma_wait3A_1101 : memref<8x2048xf32, #tpu.memory_space<vmem>>) dst(%dma_wait3A_1097 : memref<8x2048xf32, #tpu.memory_space<hbm>>)
    %dma_wait3A_1102 = arith.constant 1 : i32
    %dma_wait3A_1103 = arith.constant 0 : i32
    %dma_wait3A_1104 = arith.constant 0 : i32
    %dma_wait3A_1105 = tpu.memref_slice %arg5[%dma_wait3A_1102, %dma_wait3A_1103, %dma_wait3A_1104] : memref<2x8x2048xf32, #tpu.memory_space<vmem>> -> memref<1x8x2048xf32, #tpu.memory_space<vmem>>
    %dma_wait3A_1106 = tpu.memref_squeeze %dma_wait3A_1105 : memref<1x8x2048xf32, #tpu.memory_space<vmem>> -> memref<8x2048xf32, #tpu.memory_space<vmem>>
    %dma_wait3A_1107 = arith.constant 0 : i32
    %dma_wait3A_1108 = tpu.memref_slice %arg4[%add3A_1047, %dma_wait3A_1107] : memref<4096x2048xf32, #tpu.memory_space<hbm>> -> memref<8x2048xf32, #tpu.memory_space<hbm>>
    %dma_wait3A_1109 = arith.constant 0 : i32
    %dma_wait3A_1110 = tpu.memref_slice %arg4[%add3A_1047, %dma_wait3A_1109] : memref<4096x2048xf32, #tpu.memory_space<hbm>> -> memref<8x2048xf32, #tpu.memory_space<hbm>>
    %dma_wait3A_1111 = arith.constant 0 : i32
    %dma_wait3A_1112 = arith.constant 0 : i32
    %dma_wait3A_1113 = tpu.memref_slice %arg5[%dma_wait3A_1102, %dma_wait3A_1111, %dma_wait3A_1112] : memref<2x8x2048xf32, #tpu.memory_space<vmem>> -> memref<1x8x2048xf32, #tpu.memory_space<vmem>>
    %dma_wait3A_1114 = tpu.memref_squeeze %dma_wait3A_1113 : memref<1x8x2048xf32, #tpu.memory_space<vmem>> -> memref<8x2048xf32, #tpu.memory_space<vmem>>
    tpu.wait_dma2 semaphore(%arg11 : memref<!tpu.dma_semaphore, #tpu.memory_space<semaphore_mem>>) src(%dma_wait3A_1114 : memref<8x2048xf32, #tpu.memory_space<vmem>>) dst(%dma_wait3A_1110 : memref<8x2048xf32, #tpu.memory_space<hbm>>)
    %dma_wait3A_1115 = arith.constant 1 : i32
    %dma_wait3A_1116 = arith.constant 0 : i32
    %dma_wait3A_1117 = arith.constant 0 : i32
    %dma_wait3A_1118 = tpu.memref_slice %arg6[%dma_wait3A_1115, %dma_wait3A_1116, %dma_wait3A_1117] : memref<2x8x2048xf32, #tpu.memory_space<vmem>> -> memref<1x8x2048xf32, #tpu.memory_space<vmem>>
    %dma_wait3A_1119 = tpu.memref_squeeze %dma_wait3A_1118 : memref<1x8x2048xf32, #tpu.memory_space<vmem>> -> memref<8x2048xf32, #tpu.memory_space<vmem>>
    %dma_wait3A_1120 = arith.constant 0 : i32
    %dma_wait3A_1121 = tpu.memref_slice %arg4[%add3A_1062, %dma_wait3A_1120] : memref<4096x2048xf32, #tpu.memory_space<hbm>> -> memref<8x2048xf32, #tpu.memory_space<hbm>>
    %dma_wait3A_1122 = arith.constant 0 : i32
    %dma_wait3A_1123 = tpu.memref_slice %arg4[%add3A_1062, %dma_wait3A_1122] : memref<4096x2048xf32, #tpu.memory_space<hbm>> -> memref<8x2048xf32, #tpu.memory_space<hbm>>
    %dma_wait3A_1124 = arith.constant 0 : i32
    %dma_wait3A_1125 = arith.constant 0 : i32
    %dma_wait3A_1126 = tpu.memref_slice %arg6[%dma_wait3A_1115, %dma_wait3A_1124, %dma_wait3A_1125] : memref<2x8x2048xf32, #tpu.memory_space<vmem>> -> memref<1x8x2048xf32, #tpu.memory_space<vmem>>
    %dma_wait3A_1127 = tpu.memref_squeeze %dma_wait3A_1126 : memref<1x8x2048xf32, #tpu.memory_space<vmem>> -> memref<8x2048xf32, #tpu.memory_space<vmem>>
    tpu.wait_dma2 semaphore(%arg11 : memref<!tpu.dma_semaphore, #tpu.memory_space<semaphore_mem>>) src(%dma_wait3A_1127 : memref<8x2048xf32, #tpu.memory_space<vmem>>) dst(%dma_wait3A_1123 : memref<8x2048xf32, #tpu.memory_space<hbm>>)
    return
  }
}

</mosaic_0001>

<sc_bundles>
// kernel: kernel.3.cloned.1.call-start
scs
__scs_entry_jumppad:
0x0: {  	(pc) =	sbr.rel $0x88, $3  }
0x1: {  	(tag) =	ssettag $0x0;
	lr =	simm.s32 $0x1  }
0x2: {  	[smem:$0x3F9F] =	sst lr;
	_ =	strace $0xD0000000  }
0x3: {  	_ = 	snop  }
0x4: {  	_ = 	snop  }
0x5: {  	_ = 	snop  }
0x6: {  	_ = 	snop  }
0x7: {  	_ = 	snop  }
__scs_overlays_trampoline_lowered:
0x8: {  	[smem:$0x3FAE] =	sst s0  }
0x9: {  	[smem:$0x3FAF] =	sst s1  }
0xa: {  	[smem:$0x3FB0] =	sst s2  }
0xb: {  	[smem:$0x3FB1] =	sst s3  }
0xc: {  	[smem:$0x3FB2] =	sst s4  }
0xd: {  	[smem:$0x3FB3] =	sst s5  }
0xe: {  	[smem:$0x3FB4] =	sst s6  }
0xf: {  	[smem:$0x3FB5] =	sst s7  }
0x10: {  	[smem:$0x3FB6] =	sst s8  }
0x11: {  	[smem:$0x3FB7] =	sst s9;
	s0 =	simm.s32 @!p0 $0x0  }
0x12: {  	s1 =	sld [smem:$0x3F9D];
	s0 =	simm.s32 @p0 $0x1  }
0x13: {  	[smem:$0x3FB8] =	sst s0;
	s0 =	simm.s32 @!p1 $0x0  }
0x14: {  	s2 =	sld [smem:$0x3F9C];
	s0 =	simm.s32 @p1 $0x1  }
0x15: {  	[smem:$0x3FB9] =	sst s0;
	s0 =	simm.s32 @!p2 $0x0  }
0x16: {  	s3 =	sld [smem:$0x3FDB];
	s0 =	simm.s32 @p2 $0x1  }
0x17: {  	s4 =	simm.s32 $0x1BF5;
	[smem:$0x3FBB] =	sst s0  }
0x18: {  	s0 =	sld [smem:$0x3F9E];
	_ =	swait.ge [sflag:s4], $0x0  }
0x19: {  	s7 =	sld [smem:$0x3F9F]  }
0x1a: {  	s8 =	sadd.s32 $0xFFFFE003, lr  }
0x1b: {  	s9 =	sadd.s32 $0xFFFFFEF7, lr;
	s5 =	simm.s32 $0xFFFFFFFF;
	p2 =	slt.u32 s8, $0xFFFFF086  }
0x1c: {  	p1 =	slt.u32 s9, $0xF7A;
	s5 =	simm.s32 @!p2 $0x0  }
0x1d: {  	s5 =	simm.s32 @p1 $0x1;
	p0 =	seq.s32 s7, s2  }
0x1e: {  	s7 =	smul.u32 @!p0 $0xF7A, s2;
	p2 =	seq.s32 @!p0 s5, $0x0  }
0x1f: {  	s9 =	smul.u32 $0xF7A, s1;
	s8 =	simm.s32 @!p0 $0x1BF5;
	p2 =	por !p2, p0  }
0x20: {  	[sflag:s8] =	ssyncset.s32 @!p0 $0xFFFFF086;
	s6 =	sadd.s32 @!p0 s3, s7;
	s7 =	simm.s32 @!p0 $0x108  }
0x21: {  	s3 =	sadd.s32 s3, s9;
	s6 =	sadd.s32 @!p0 $0x88, s6;
	s7 =	simm.s32 @p2 $0x1082  }
0x22: {  	[simem:s7], [sflag:s8] =	dma.local @!p0 [hbm:s6], $0xF7A  }
0x23: {  	s9 =	sor.u32 $0xD0000000, s2;
	s6 =	simm.s32 $0x108;
	_ =	swait.ge @!p0 [sflag:s8], $0x0  }
0x24: {  	s3 =	sadd.s32 $0x88, s3;
	s6 =	simm.s32 @!p1 $0x1082;
	[sflag:s4] =	ssyncset.s32 $0xFFFFF086  }
0x25: {  	[simem:s6], [sflag:s4] =	dma.local [hbm:s3], $0xF7A  }
0x26: {  	[smem:$0x3F9F] =	sst s1;
	(tag) =	ssettag s2;
	_ =	strace s9  }
0x27: {  	s1 =	sld [smem:$0x3FAF]  }
0x28: {  	s2 =	sld [smem:$0x3FB0]  }
0x29: {  	s4 =	sld [smem:$0x3FB2]  }
0x2a: {  	p0 =	seq.s32 s5, $0x0;
	s5 =	sld [smem:$0x3FB3]  }
0x2b: {  	s6 =	sld [smem:$0x3FB4]  }
0x2c: {  	s7 =	sld [smem:$0x3FB5]  }
0x2d: {  	s3 =	simm.s32 $0x108;
	s8 =	sld [smem:$0x3FB6]  }
0x2e: {  	s3 =	simm.s32 @!p0 $0x1082;
	s9 =	sld [smem:$0x3FB7]  }
0x2f: {  	lr =	sadd.s32 s0, s3;
	s0 =	sld [smem:$0x3FAE]  }
0x30: {  	s3 =	sld [smem:$0x3FB1]  }
0x31: {  	[smem:$0x3FBA] =	sst s10  }
0x32: {  	s10 =	sld [smem:$0x3FB8];
	_ =	sdelay $0x3  }
0x33: {  	p0 =	seq.s32 s10, $0x1;
	s10 =	sld [smem:$0x3FBA];
	_ =	sdelay $0x3  }
0x34: {  	[smem:$0x3FBA] =	sst s10  }
0x35: {  	s10 =	sld [smem:$0x3FB9];
	_ =	sdelay $0x3  }
0x36: {  	p1 =	seq.s32 s10, $0x1;
	s10 =	sld [smem:$0x3FBA];
	_ =	sdelay $0x3  }
0x37: {  	[smem:$0x3FBA] =	sst s10  }
0x38: {  	s10 =	sld [smem:$0x3FBB]  }
0x39: {  	_ = 	snop;
	(pc) =	sbr.ind lr, $3  }
0x3a: {  	_ = 	snop  }
0x3b: {  	_ = 	snop  }
0x3c: {  	p2 =	seq.s32 s10, $0x1;
	s10 =	sld [smem:$0x3FBA]  }
0x3d: {  	_ =	shalt  }
0x3e: {  	_ =	shalt  }
0x3f: {  	_ =	shalt  }
0x40: {  	_ =	shalt  }
0x41: {  	_ =	shalt  }
0x42: {  	_ =	shalt  }
0x43: {  	_ =	shalt  }
0x44: {  	_ =	shalt  }
0x45: {  	_ =	shalt  }
0x46: {  	_ =	shalt  }
0x47: {  	_ =	shalt  }
0x48: {  	_ =	shalt  }
0x49: {  	_ =	shalt  }
0x4a: {  	_ =	shalt  }
0x4b: {  	_ =	shalt  }
0x4c: {  	_ =	shalt  }
0x4d: {  	_ =	shalt  }
0x4e: {  	_ =	shalt  }
0x4f: {  	_ =	shalt  }
0x50: {  	_ =	shalt  }
0x51: {  	_ =	shalt  }
0x52: {  	_ =	shalt  }
0x53: {  	_ =	shalt  }
0x54: {  	_ =	shalt  }
0x55: {  	_ =	shalt  }
0x56: {  	_ =	shalt  }
0x57: {  	_ =	shalt  }
0x58: {  	_ =	shalt  }
0x59: {  	_ =	shalt  }
0x5a: {  	_ =	shalt  }
0x5b: {  	_ =	shalt  }
0x5c: {  	_ =	shalt  }
0x5d: {  	_ =	shalt  }
0x5e: {  	_ =	shalt  }
0x5f: {  	_ =	shalt  }
0x60: {  	_ =	shalt  }
0x61: {  	_ =	shalt  }
0x62: {  	_ =	shalt  }
0x63: {  	_ =	shalt  }
0x64: {  	_ =	shalt  }
0x65: {  	_ =	shalt  }
0x66: {  	_ =	shalt  }
0x67: {  	_ =	shalt  }
0x68: {  	_ =	shalt  }
0x69: {  	_ =	shalt  }
0x6a: {  	_ =	shalt  }
0x6b: {  	_ =	shalt  }
0x6c: {  	_ =	shalt  }
0x6d: {  	_ =	shalt  }
0x6e: {  	_ =	shalt  }
0x6f: {  	_ =	shalt  }
0x70: {  	_ =	shalt  }
0x71: {  	_ =	shalt  }
0x72: {  	_ =	shalt  }
0x73: {  	_ =	shalt  }
0x74: {  	_ =	shalt  }
0x75: {  	_ =	shalt  }
0x76: {  	_ =	shalt  }
0x77: {  	_ =	shalt  }
0x78: {  	_ =	shalt  }
0x79: {  	_ =	shalt  }
0x7a: {  	_ =	shalt  }
0x7b: {  	_ =	shalt  }
0x7c: {  	_ =	shalt  }
0x7d: {  	_ =	shalt  }
0x7e: {  	_ =	shalt  }
0x7f: {  	_ =	shalt  }
0x80: {  	_ =	shalt  }
0x81: {  	_ =	shalt  }
0x82: {  	_ =	shalt  }
0x83: {  	_ =	shalt  }
0x84: {  	_ =	shalt  }
0x85: {  	_ =	shalt  }
0x86: {  	_ =	shalt  }
0x87: {  	_ =	shalt  }
.Lfunc_end0:
.L_simem_size_0:
called_computation_lowered:
.L_overlay_start_0:
0x88: {  	s2 =	sld [smem:$0x3FD9]  }
0x89: {  	s3 =	sld [smem:$0x3FFE];
	_ =	sdelay $0x1  }
0x8a: {  	s1 =	srdreg.scid  }
0x8b: {  	s0 =	sand.u32 $0x1, s1  }
0x8c: {  	s18 =	sshll.u32 s0, $0xA;
	s2 =	sadd.s32 s3, s2  }
0x8d: {  	s2 =	sadd.s32 s2, s18  }
0x8e: {  	[smem:$0x3FC6] =	sst s2  }
0x8f: {  	_ = 	snop  }
0x90: {  	s2 =	sld [smem:$0x3FC9]  }
0x91: {  	s19 =	sld [smem:$0x3FC8]  }
0x92: {  	s4 =	sld [smem:$0x3FD0];
	(tm) =	ssettm $0x1  }
0x93: {  	s5 =	sld [smem:$0x3FFB];
	_ =	sdelay $0x3  }
0x94: {  	_ =	strace s5  }
0x95: {  	s5 =	sld [smem:$0x3FFC];
	_ =	sdelay $0x3  }
0x96: {  	_ =	strace s5  }
0x97: {  	s5 =	sld [smem:$0x3FFD];
	_ =	sdelay $0x3  }
0x98: {  	_ =	strace s5  }
0x99: {  	_ =	strace $0x8FFFFFFF  }
0x9a: {  	s20 =	sld [smem:$0x3FDB];
	_ =	sdelay $0x1  }
0x9b: {  	s6 =	simm.s32 $_scs_section_size  }
0x9c: {  	s7 =	simm.s32 $_size__tile_overlayer_lowered;
	s8 =	simm.s32 $_tile_overlayer_lowered  }
0x9d: {  	s23 =	simm.s32 $0x1BFF;
	s22 =	sshll.u32 s8, $0x1;
	s5 =	sadd.s32 s6, s20  }
0x9e: {  	s9 =	simm.s32 $0x0;
	s21 =	sshll.u32 s7, $0x1;
	s7 =	sadd.s32 s22, s5  }
0x9f: {  	[timem:s9], [sflag:s23] =	dma.local [hbm:s7], s21  }
0xa0: {  	_ =	swait.ge [sflag:s23], s21  }
0xa1: {  	s6 =	ssub.s32 $0x0, s21;
	[sflag:s23] =	ssyncset.done $0x0  }
0xa2: {  	[sflag:s23] =	ssyncadd.s32 s6;
	_ =	sdelay $0x1  }
0xa3: {  	s24 =	simm.s32 $0x1B8B  }
0xa4: {  	_ =	swait.ge [sflag:s24], $0x1  }
0xa5: {  	[sflag:s24] =	ssyncset.done $0x0  }
0xa6: {  	s25 =	simm.s32 $0x1B8E;
	[sflag:s24] =	ssyncadd.s32 $0xFFFFFFFF  }
0xa7: {  	s26 =	simm.s32 $execute0_lowered;
	[smem:$0x3FD2] =	sst s25  }
0xa8: {  	s6 =	sshll.u32 s26, $0x1;
	_ =	strace $0x80000046;
	[dreg:$0x1] =	wrdreg $0xFFFFFFFF  }
0xa9: {  	s28 =	simm.s32 $_size_execute0_lowered;
	s5 =	sadd.s32 s5, s6;
	[dreg:$0x0] =	wrdreg $0x0  }
0xaa: {  	s6 =	sshll.u32 s28, $0x1;
	[dreg:$0x2] =	wrdreg s5  }
0xab: {  	[dreg:$0x3] =	wrdreg s6  }
0xac: {  	[dreg:$0x4] =	wrdreg $0xC0  }
0xad: {  	_ =	task [dreg:s9], $0x5FFFF  }
0xae: {  	[dreg:$0x1] =	wrdreg $0xFFFFFFFF  }
0xaf: {  	[dreg:$0x0] =	wrdreg $0x60  }
0xb0: {  	[dreg:$0x2] =	wrdreg s2  }
0xb1: {  	[dreg:$0x3] =	wrdreg s19  }
0xb2: {  	[dreg:$0x4] =	wrdreg s4  }
0xb3: {  	[dreg:$0x5] =	wrdreg $0x9  }
0xb4: {  	_ =	task.clear_ibuf [dreg:s9], $0x6FFFF;
	_ =	strace $0x90000046  }
0xb5: {  	s29 =	simm.s32 $0x9;
	_ =	strace $0x80000048  }
0xb6: {  	_ =	swait.ge [sflag:s29], $0x1  }
0xb7: {  	[sflag:s29] =	ssyncadd.s32 $0xFFFFFFFF  }
0xb8: {  	_ =	strace $0x90000048  }
0xb9: {  	_ =	sfence  }
0xba: {  	s30 =	sld [smem:$0x0];
	_ =	sdelay $0x2  }
0xbb: {  	s31 =	sshll.u32 s1, $0xD;
	s1 =	sshrl.u32 s1, $0x2  }
0xbc: {  	s3 =	sand.u32 $0x4000, s31;
	s1 =	sadd.s32 s1, s30  }
0xbd: {  	s0 =	sor.u32 s3, s0;
	s1 =	sshll.u32 s1, $0x11  }
0xbe: {  	s0 =	sor.u32 s1, s0  }
0xbf: {  	s0 =	sadd.s32 $0x8F2B, s0  }
0xc0: {  	[sflag:s0] =	ssyncadd.remote.s32 $0x1  }
0xc1: {  	_ =	sfence.sel $0xFFFF  }
0xc2: {  	[dreg:$0x0] =	wrdreg $0xFFFFFFFF;
	(pc) =	sbr.abs _section_cstart, $3  }
0xc3: {  	[dreg:$0x1] =	wrdreg $0xFFFFFFFF  }
0xc4: {  	_ =	task.clear_ibuf [dreg:s9], $0x2FFFF;
	_ =	strace $0x9FFFFFFF  }
0xc5: {  	(tm) =	ssettm $0x7FFFFFFF  }
tec
execute0_lowered:
.L_overlay_start_1:
0x0: {  	(tag) =	ssettag $0x1  }
0x1: {  	s4 =	srdreg.scid  }
0x2: {  	s2 =	rddreg [dreg:$0x0];
	s6 =	stileid.u32;
	s4 =	sand.u32 $0x1, s4  }
0x3: {  	s6 =	sshll.u32 s6, $0xF;
	s5 =	ssub.s32 $0x2, s4;
	s4 =	sshll.u32 s4, $0xE  }
0x4: {  	s3 =	rddreg [dreg:$0x1];
	s4 =	sor.u32 s4, s6  }
0x5: {  	s0 =	rddreg [dreg:$0x2];
	s1 =	simm.s32 $0x0;
	s6 =	sor.u32 $0x80000, s4  }
0x6: {  	[smem:$0x7FF] =	sst s1;
	s14 =	sor.u32 $0x800, s4;
	s8 =	sadd.s32 s2, s6  }
0x7: {  	s15 =	sadd.s32 s3, s14;
	[dreg:$0x4] =	wrdreg s8  }
0x8: {  	s16 =	sor.u32 $0x80800, s4;
	s9 =	sadd.s32 s2, s14;
	[dreg:$0x5] =	wrdreg s15  }
0x9: {  	s17 =	sadd.s32 s2, s16;
	[dreg:$0x6] =	wrdreg s9  }
0xa: {  	s18 =	sor.u32 $0x1000, s4;
	s6 =	sadd.s32 s0, s6;
	[dreg:$0x7] =	wrdreg s17  }
0xb: {  	s19 =	sadd.s32 s3, s18;
	[dreg:$0x8] =	wrdreg s6  }
0xc: {  	s20 =	sor.u32 $0x81000, s4;
	s10 =	sadd.s32 s2, s18;
	[dreg:$0x9] =	wrdreg s19  }
0xd: {  	s7 =	sshrl.u32 s5, $0x1;
	s21 =	sadd.s32 s2, s20;
	[dreg:$0xa] =	wrdreg s10  }
0xe: {  	s5 =	ssub.s32 s5, s7;
	s7 =	sadd.s32 s0, s14;
	[dreg:$0xb] =	wrdreg s21  }
0xf: {  	s23 =	sor.u32 $0x1800, s4;
	s22 =	sadd.s32 s0, s16;
	[dreg:$0xc] =	wrdreg s7  }
0x10: {  	s25 =	sadd.s32 s3, s23;
	[dreg:$0xd] =	wrdreg s22  }
0x11: {  	s24 =	sor.u32 $0x81800, s4;
	s26 =	sadd.s32 s2, s23;
	[dreg:$0xe] =	wrdreg s25  }
0x12: {  	s29 =	sor.u32 $0x2000, s4;
	s28 =	sadd.s32 s2, s24;
	[dreg:$0xf] =	wrdreg s26  }
0x13: {  	s30 =	sadd.s32 s3, s29;
	[dreg:$0x10] =	wrdreg s28  }
0x14: {  	s11 =	sor.u32 $0x2800, s4;
	s31 =	sadd.s32 s0, s24;
	[dreg:$0x13] =	wrdreg s30  }
0x15: {  	s12 =	sadd.s32 s3, s11;
	[dreg:$0x15] =	wrdreg s31  }
0x16: {  	s13 =	sadd.s32 s2, s11;
	[dreg:$0x1a] =	wrdreg s12  }
0x17: {  	s9 =	sadd.s32 s0, s18;
	[dreg:$0x1b] =	wrdreg s13  }
0x18: {  	s6 =	sadd.s32 s0, s20;
	[dreg:$0x11] =	wrdreg s9  }
0x19: {  	s7 =	sadd.s32 s0, s23;
	[dreg:$0x12] =	wrdreg s6  }
0x1a: {  	s14 =	sor.u32 $0x82800, s4;
	s8 =	sadd.s32 s2, s29;
	[dreg:$0x14] =	wrdreg s7  }
0x1b: {  	s15 =	sadd.s32 s2, s14;
	[dreg:$0x16] =	wrdreg s8  }
0x1c: {  	s16 =	sadd.s32 s0, s14;
	[dreg:$0x1d] =	wrdreg s15  }
0x1d: {  	s17 =	sadd.s32 s3, s4;
	[dreg:$0x1e] =	wrdreg s16  }
0x1e: {  	s21 =	sadd.s32 s2, s4;
	[dreg:$0x1f] =	wrdreg s17  }
0x1f: {  	s22 =	sadd.s32 s0, s4;
	[smem:$0x7F3] =	sst s21  }
0x20: {  	s18 =	sor.u32 $0x3000, s4;
	s6 =	sadd.s32 s0, s29;
	[smem:$0x7F4] =	sst s22  }
0x21: {  	s19 =	sor.u32 $0x3800, s4;
	s20 =	sadd.s32 s3, s18;
	[dreg:$0x17] =	wrdreg s6  }
0x22: {  	s3 =	sadd.s32 s3, s19;
	[smem:$0x7F1] =	sst s20  }
0x23: {  	s23 =	sor.u32 $0x83000, s4;
	s24 =	sadd.s32 s2, s18;
	[smem:$0x7F2] =	sst s3  }
0x24: {  	s31 =	smax.u32 s5, $0x1;
	s25 =	sadd.s32 s2, s23;
	[smem:$0x7F5] =	sst s24  }
0x25: {  	s13 =	simm.s32 $0x10000;
	s26 =	sadd.s32 s2, s19;
	[smem:$0x7F6] =	sst s25  }
0x26: {  	s14 =	simm.s32 $0x8000;
	s28 =	sadd.s32 s0, s18;
	[smem:$0x7F7] =	sst s26  }
0x27: {  	s9 =	sor.u32 $0x82000, s4;
	s29 =	sadd.s32 s0, s23;
	[smem:$0x7F9] =	sst s28  }
0x28: {  	s4 =	sor.u32 $0x83800, s4;
	s30 =	sadd.s32 s0, s19;
	[smem:$0x7FA] =	sst s29  }
0x29: {  	s15 =	simm.s32 $0x14000;
	s10 =	sadd.s32 s2, s9;
	[smem:$0x7FB] =	sst s30  }
0x2a: {  	s16 =	simm.s32 $0x4000;
	s6 =	sadd.s32 s0, s9;
	[dreg:$0x18] =	wrdreg s10  }
0x2b: {  	s17 =	simm.s32 $0xC000;
	s2 =	sadd.s32 s2, s4;
	[dreg:$0x19] =	wrdreg s6  }
0x2c: {  	s18 =	simm.s32 $0x1;
	s6 =	sadd.s32 s0, s11;
	[smem:$0x7F8] =	sst s2  }
0x2d: {  	s19 =	simm.s32 $0x3;
	s0 =	sadd.s32 s0, s4;
	[dreg:$0x1c] =	wrdreg s6  }
0x2e: {  	s21 =	simm.s32 $0x4;
	s22 =	simm.s32 $0x0;
	[smem:$0x7FC] =	sst s0  }
0x2f: {  	s20 =	simm.s32 $0x2;
	_ =	strace $0x80000047;
	[smem:$0x7FD] =	sst s31  }
.LBB2_1:
0x30: {  	s0 =	rddreg [dreg:$0x1f]  }
0x31: {  	s6 =	sld [smem:$0x7F3]  }
0x32: {  	[tilespmem:s13], [sflag:$0x1] =	stream.linear.gather [hbm4b:s0+s1], $0x4000, $0x38;
	[tilespmem:$0x18000] =	vst v63  }
0x33: {  	_ = 	snop  }
0x34: {  	[tilespmem:s1], [sflag:$0x1] =	stream.linear.gather [hbm4b:s6+s1], $0x4000, $0x38;
	[tilespmem:$0x18000] =	vst v63  }
0x35: {  	s7 =	rddreg [dreg:$0x4]  }
0x36: {  	[tilespmem:s14], [sflag:$0x1] =	stream.linear.gather [hbm4b:s7+s1], $0x4000, $0x38;
	[tilespmem:$0x18000] =	vst v63  }
0x37: {  	s8 =	rddreg [dreg:$0x5]  }
0x38: {  	[tilespmem:s15], [sflag:$0x2] =	stream.linear.gather [hbm4b:s8+s1], $0x4000, $0x38;
	[tilespmem:$0x18000] =	vst v63  }
0x39: {  	s9 =	rddreg [dreg:$0x6]  }
0x3a: {  	[tilespmem:s16], [sflag:$0x2] =	stream.linear.gather [hbm4b:s9+s1], $0x4000, $0x38;
	[tilespmem:$0x18000] =	vst v63  }
0x3b: {  	s10 =	rddreg [dreg:$0x7]  }
0x3c: {  	[tilespmem:s17], [sflag:$0x2] =	stream.linear.gather [hbm4b:s10+s1], $0x4000, $0x38;
	[tilespmem:$0x18000] =	vst v63  }
0x3d: {  	_ =	swait.ge [sflag:s18], $0x4000  }
0x3e: {  	[sflag:s18] =	ssyncset.done $0x0  }
0x3f: {  	[sflag:s18] =	ssyncadd.s32 $0xFFFFC000  }
0x40: {  	_ =	swait.ge [sflag:s18], $0x4000  }
0x41: {  	[sflag:s18] =	ssyncset.done $0x0  }
0x42: {  	[sflag:s18] =	ssyncadd.s32 $0xFFFFC000  }
0x43: {  	s23 =	simm.s32 $0x0;
	_ =	swait.ge [sflag:s18], $0x4000  }
0x44: {  	s2 =	sand.u32 $0x3C00, s1;
	s11 =	sand.u32 $0x60, s23;
	[sflag:s18] =	ssyncset.done $0x0  }
0x45: {  	s0 =	sor.u32 s11, s2;
	[sflag:s18] =	ssyncadd.s32 $0xFFFFC000  }
0x46: {  	v0 =	vld [tilespmem:s0+$0x10010];
	_ =	sdelay $0x2  }
0x47: {  	v1 =	vld [tilespmem:s0+$0x10000]  }
0x48: {  	s2 =	sor.u32 $0x10, s0  }
0x49: {  	s12 =	sor.u32 $0x8010, s0;
	[tilespmem:s2+$0x0] =	vst.add.f32.msk $0xffff, v0  }
0x4a: {  	[tilespmem:s12+$0x0] =	vst.add.f32.msk $0xffff, v0  }
0x4b: {  	v0 =	vld [tilespmem:s0+$0x10090]  }
0x4c: {  	s24 =	sor.u32 $0x8000, s0;
	[tilespmem:s0+$0x0] =	vst.add.f32.msk $0xffff, v1  }
0x4d: {  	[tilespmem:s24+$0x0] =	vst.add.f32.msk $0xffff, v1  }
0x4e: {  	v1 =	vld [tilespmem:s0+$0x10080]  }
0x4f: {  	s25 =	sor.u32 $0x90, s0  }
0x50: {  	s26 =	sor.u32 $0x8090, s0;
	[tilespmem:s25+$0x0] =	vst.add.f32.msk $0xffff, v0  }
0x51: {  	[tilespmem:s26+$0x0] =	vst.add.f32.msk $0xffff, v0  }
0x52: {  	s30 =	sor.u32 $0x80, s0;
	v0 =	vld [tilespmem:s0+$0x10110]  }
0x53: {  	s3 =	sor.u32 $0x8080, s0;
	[tilespmem:s30+$0x0] =	vst.add.f32.msk $0xffff, v1  }
0x54: {  	[tilespmem:s3+$0x0] =	vst.add.f32.msk $0xffff, v1  }
0x55: {  	v1 =	vld [tilespmem:s0+$0x10100]  }
0x56: {  	s3 =	sor.u32 $0x110, s0  }
0x57: {  	s4 =	sor.u32 $0x8110, s0;
	[tilespmem:s3+$0x0] =	vst.add.f32.msk $0xffff, v0  }
0x58: {  	[tilespmem:s4+$0x0] =	vst.add.f32.msk $0xffff, v0  }
0x59: {  	s5 =	sor.u32 $0x100, s0;
	v0 =	vld [tilespmem:s0+$0x10190]  }
0x5a: {  	s6 =	sor.u32 $0x8100, s0;
	[tilespmem:s5+$0x0] =	vst.add.f32.msk $0xffff, v1  }
0x5b: {  	[tilespmem:s6+$0x0] =	vst.add.f32.msk $0xffff, v1  }
0x5c: {  	v1 =	vld [tilespmem:s0+$0x10180]  }
0x5d: {  	s7 =	sor.u32 $0x190, s0  }
0x5e: {  	s8 =	sor.u32 $0x8190, s0;
	[tilespmem:s7+$0x0] =	vst.add.f32.msk $0xffff, v0  }
0x5f: {  	[tilespmem:s8+$0x0] =	vst.add.f32.msk $0xffff, v0  }
0x60: {  	s9 =	sor.u32 $0x180, s0;
	v0 =	vld [tilespmem:s0+$0x10210]  }
0x61: {  	s10 =	sor.u32 $0x8180, s0;
	[tilespmem:s9+$0x0] =	vst.add.f32.msk $0xffff, v1  }
0x62: {  	[tilespmem:s10+$0x0] =	vst.add.f32.msk $0xffff, v1  }
0x63: {  	v1 =	vld [tilespmem:s0+$0x10200]  }
0x64: {  	s11 =	sor.u32 $0x210, s0  }
0x65: {  	s12 =	sor.u32 $0x8210, s0;
	[tilespmem:s11+$0x0] =	vst.add.f32.msk $0xffff, v0  }
0x66: {  	[tilespmem:s12+$0x0] =	vst.add.f32.msk $0xffff, v0  }
0x67: {  	s24 =	sor.u32 $0x200, s0;
	v2 =	vld [tilespmem:s0+$0x10290]  }
0x68: {  	s25 =	sor.u32 $0x8200, s0;
	[tilespmem:s24+$0x0] =	vst.add.f32.msk $0xffff, v1  }
0x69: {  	s26 =	sand.u32 $0x3, s1;
	[tilespmem:s25+$0x0] =	vst.add.f32.msk $0xffff, v1  }
0x6a: {  	s2 =	sshll.u32 s26, $0x5;
	v0 =	vld [tilespmem:s0+$0x10280]  }
0x6b: {  	s30 =	sor.u32 $0x290, s0;
	s4 =	sadd.s32 $0x0, s2  }
0x6c: {  	s29 =	sor.u32 $0x280, s0;
	s5 =	sor.u32 $0x8290, s0;
	s2 =	sadd.s32 $0x10, s4;
	[tilespmem:s30+$0x0] =	vst.add.f32.msk $0xffff, v2  }
0x6d: {  	s28 =	sor.u32 $0x8280, s0;
	s3 =	sor.u32 $0x300, s4;
	s31 =	sor.u32 $0x300, s2;
	[tilespmem:s5+$0x0] =	vst.add.f32.msk $0xffff, v2  }
0x6e: {  	s26 =	sor.u32 $0x380, s4;
	s24 =	simm.s32 $0x0;
	s25 =	simm.s32 $0x0;
	v1 =	vld [tilespmem:s31+$0x10000]  }
.LBB2_2:
0x6f: {  	s23 =	sadd.s32 $0x20, s23;
	[tilespmem:s29+$0x0] =	vst.add.f32.msk $0xffff, v0;
	s24 =	sadd.s32 $0x100, s24  }
0x70: {  	s0 =	sand.u32 $0x60, s23;
	s4 =	sand.u32 $0x3C00, s24;
	p0 =	slt.u32 s23, $0x7E0;
	[tilespmem:s28+$0x0] =	vst.add.f32.msk $0xffff, v0  }
0x71: {  	s30 =	sor.u32 s0, s4;
	v0 =	vld [tilespmem:s3+$0x10000]  }
0x72: {  	s6 =	sor.u32 $0x8000, s30;
	s7 =	sor.u32 $0x80, s30;
	s8 =	sor.u32 $0x8080, s30;
	v2 =	vld [tilespmem:s30+$0x10010]  }
0x73: {  	s9 =	sor.u32 $0x100, s30;
	s10 =	sor.u32 $0x8100, s30;
	s4 =	sor.u32 $0x180, s30;
	[tilespmem:s31+$0x0] =	vst.add.f32.msk $0xffff, v1  }
0x74: {  	s5 =	sor.u32 $0x8180, s30;
	s0 =	sor.u32 $0x200, s30;
	[tilespmem:s31+$0x8000] =	vst.add.f32.msk $0xffff, v1;
	s31 =	sor.u32 $0x380, s2  }
0x75: {  	s29 =	sor.u32 $0x280, s30;
	s28 =	sor.u32 $0x8280, s30;
	s2 =	sor.u32 $0x8200, s30;
	v1 =	vld [tilespmem:s31+$0x10000]  }
0x76: {  	v3 =	vld [tilespmem:s30+$0x10000]  }
0x77: {  	s11 =	sor.u32 $0x10, s30;
	[tilespmem:s3+$0x0] =	vst.add.f32.msk $0xffff, v0  }
0x78: {  	[tilespmem:s11+$0x0] =	vst.add.f32.msk $0xffff, v2;
	s11 =	sor.u32 $0x8010, s30  }
0x79: {  	[tilespmem:s11+$0x0] =	vst.add.f32.msk $0xffff, v2  }
0x7a: {  	[tilespmem:s31+$0x8000] =	vst.add.f32.msk $0xffff, v1  }
0x7b: {  	v2 =	vld [tilespmem:s30+$0x10090]  }
0x7c: {  	[tilespmem:s30+$0x0] =	vst.add.f32.msk $0xffff, v3  }
0x7d: {  	[tilespmem:s6+$0x0] =	vst.add.f32.msk $0xffff, v3  }
0x7e: {  	v3 =	vld [tilespmem:s30+$0x10080]  }
0x7f: {  	s6 =	sor.u32 $0x90, s30;
	[tilespmem:s3+$0x8000] =	vst.add.f32.msk $0xffff, v0  }
0x80: {  	s3 =	sor.u32 $0x8090, s30;
	[tilespmem:s6+$0x0] =	vst.add.f32.msk $0xffff, v2  }
0x81: {  	[tilespmem:s3+$0x0] =	vst.add.f32.msk $0xffff, v2  }
0x82: {  	v0 =	vld [tilespmem:s30+$0x10110]  }
0x83: {  	[tilespmem:s7+$0x0] =	vst.add.f32.msk $0xffff, v3  }
0x84: {  	[tilespmem:s8+$0x0] =	vst.add.f32.msk $0xffff, v3  }
0x85: {  	v2 =	vld [tilespmem:s30+$0x10100]  }
0x86: {  	s3 =	sor.u32 $0x110, s30;
	v3 =	vld [tilespmem:s26+$0x10000]  }
0x87: {  	[tilespmem:s3+$0x0] =	vst.add.f32.msk $0xffff, v0;
	s3 =	sor.u32 $0x8110, s30  }
0x88: {  	[tilespmem:s3+$0x0] =	vst.add.f32.msk $0xffff, v0  }
0x89: {  	v0 =	vld [tilespmem:s30+$0x10190]  }
0x8a: {  	[tilespmem:s9+$0x0] =	vst.add.f32.msk $0xffff, v2  }
0x8b: {  	[tilespmem:s10+$0x0] =	vst.add.f32.msk $0xffff, v2  }
0x8c: {  	v2 =	vld [tilespmem:s30+$0x10180]  }
0x8d: {  	s3 =	sor.u32 $0x190, s30;
	[tilespmem:s26+$0x0] =	vst.add.f32.msk $0xffff, v3  }
0x8e: {  	[tilespmem:s3+$0x0] =	vst.add.f32.msk $0xffff, v0;
	s3 =	sor.u32 $0x8190, s30  }
0x8f: {  	[tilespmem:s3+$0x0] =	vst.add.f32.msk $0xffff, v0  }
0x90: {  	v0 =	vld [tilespmem:s30+$0x10210]  }
0x91: {  	[tilespmem:s4+$0x0] =	vst.add.f32.msk $0xffff, v2  }
0x92: {  	[tilespmem:s5+$0x0] =	vst.add.f32.msk $0xffff, v2  }
0x93: {  	v2 =	vld [tilespmem:s30+$0x10200]  }
0x94: {  	s3 =	sor.u32 $0x210, s30;
	[tilespmem:s26+$0x8000] =	vst.add.f32.msk $0xffff, v3  }
0x95: {  	[tilespmem:s3+$0x0] =	vst.add.f32.msk $0xffff, v0;
	s3 =	sor.u32 $0x8210, s30  }
0x96: {  	[tilespmem:s3+$0x0] =	vst.add.f32.msk $0xffff, v0  }
0x97: {  	v3 =	vld [tilespmem:s30+$0x10290]  }
0x98: {  	s25 =	sadd.s32 $0x1, s25;
	[tilespmem:s0+$0x0] =	vst.add.f32.msk $0xffff, v2  }
0x99: {  	s0 =	sand.u32 $0x3, s25;
	[tilespmem:s2+$0x0] =	vst.add.f32.msk $0xffff, v2  }
.Ltmp0:
0x9a: {  	s0 =	sshll.u32 s0, $0x5;
	v0 =	vld [tilespmem:s30+$0x10280];
	(pc) =	sbr.rel @p0 .LBB2_2-.Ltmp0, $4  }
0x9b: {  	s2 =	sor.u32 $0x290, s30;
	s0 =	sadd.s32 s0, s24;
	[tilespmem:s31+$0x0] =	vst.add.f32.msk $0xffff, v1  }
0x9c: {  	s4 =	sor.u32 $0x8290, s30;
	s3 =	sor.u32 $0x300, s0;
	[tilespmem:s2+$0x0] =	vst.add.f32.msk $0xffff, v3;
	s2 =	sadd.s32 $0x10, s0  }
0x9d: {  	s26 =	sor.u32 $0x380, s0;
	[tilespmem:s4+$0x0] =	vst.add.f32.msk $0xffff, v3;
	s31 =	sor.u32 $0x300, s2  }
0x9e: {  	v1 =	vld [tilespmem:s31+$0x10000]  }
0x9f: {  	[tilespmem:s29+$0x0] =	vst.add.f32.msk $0xffff, v0  }
0xa0: {  	[tilespmem:s28+$0x0] =	vst.add.f32.msk $0xffff, v0  }
0xa1: {  	v0 =	vld [tilespmem:s3+$0x10000];
	_ =	sdelay $0x1  }
0xa2: {  	[tilespmem:s31+$0x0] =	vst.add.f32.msk $0xffff, v1  }
0xa3: {  	s0 =	sor.u32 $0x380, s2;
	[tilespmem:s31+$0x8000] =	vst.add.f32.msk $0xffff, v1  }
0xa4: {  	v1 =	vld [tilespmem:s0+$0x10000]  }
0xa5: {  	[tilespmem:s3+$0x0] =	vst.add.f32.msk $0xffff, v0  }
0xa6: {  	[tilespmem:s3+$0x8000] =	vst.add.f32.msk $0xffff, v0  }
0xa7: {  	v0 =	vld [tilespmem:s26+$0x10000];
	_ =	sdelay $0x2  }
0xa8: {  	[tilespmem:s0+$0x8000] =	vst.add.f32.msk $0xffff, v1  }
0xa9: {  	[tilespmem:s0+$0x0] =	vst.add.f32.msk $0xffff, v1  }
0xaa: {  	[tilespmem:s26+$0x0] =	vst.add.f32.msk $0xffff, v0  }
0xab: {  	[tilespmem:s26+$0x8000] =	vst.add.f32.msk $0xffff, v0  }
0xac: {  	s0 =	sld [smem:$0x7F4];
	_ =	sdelay $0x1  }
0xad: {  	s23 =	simm.s32 $0x0  }
0xae: {  	[hbm4b:s0+s23] =	stream.linear.scatter [tilespmem:s23], [sflag:$0x3], $0x4000, $0x38;
	[tilespmem:$0x18000] =	vst v63  }
0xaf: {  	s3 =	rddreg [dreg:$0x8]  }
0xb0: {  	[hbm4b:s3+s23] =	stream.linear.scatter [tilespmem:s14], [sflag:$0x3], $0x4000, $0x38;
	[tilespmem:$0x18000] =	vst v63  }
0xb1: {  	_ =	swait.ge [sflag:s19], $0x4000  }
0xb2: {  	[sflag:s19] =	ssyncset.done $0x0  }
0xb3: {  	[sflag:s19] =	ssyncadd.s32 $0xFFFFC000  }
0xb4: {  	_ =	swait.ge [sflag:s19], $0x4000  }
0xb5: {  	[sflag:s19] =	ssyncset.done $0x0  }
0xb6: {  	s4 =	rddreg [dreg:$0x9];
	[sflag:s19] =	ssyncadd.s32 $0xFFFFC000  }
0xb7: {  	[tilespmem:s13], [sflag:$0x1] =	stream.linear.gather [hbm4b:s4+s23], $0x4000, $0x38;
	[tilespmem:$0x18000] =	vst v63  }
0xb8: {  	s5 =	rddreg [dreg:$0xa]  }
0xb9: {  	[tilespmem:s23], [sflag:$0x1] =	stream.linear.gather [hbm4b:s5+s23], $0x4000, $0x38;
	[tilespmem:$0x18000] =	vst v63  }
0xba: {  	s6 =	rddreg [dreg:$0xb]  }
0xbb: {  	[tilespmem:s14], [sflag:$0x1] =	stream.linear.gather [hbm4b:s6+s23], $0x4000, $0x38;
	[tilespmem:$0x18000] =	vst v63  }
0xbc: {  	_ =	swait.ge [sflag:s20], $0x4000  }
0xbd: {  	[sflag:s20] =	ssyncset.done $0x0  }
0xbe: {  	[sflag:s20] =	ssyncadd.s32 $0xFFFFC000  }
0xbf: {  	_ =	swait.ge [sflag:s20], $0x4000  }
0xc0: {  	[sflag:s20] =	ssyncset.done $0x0  }
0xc1: {  	[sflag:s20] =	ssyncadd.s32 $0xFFFFC000  }
0xc2: {  	s24 =	simm.s32 $0x0;
	_ =	swait.ge [sflag:s20], $0x4000  }
0xc3: {  	s7 =	sand.u32 $0x60, s24;
	s8 =	sand.u32 $0x3C00, s23;
	[sflag:s20] =	ssyncset.done $0x0  }
0xc4: {  	s2 =	sor.u32 s7, s8;
	[sflag:s20] =	ssyncadd.s32 $0xFFFFC000  }
0xc5: {  	v0 =	vld [tilespmem:s2+$0x14010];
	_ =	sdelay $0x2  }
0xc6: {  	v1 =	vld [tilespmem:s2+$0x14000]  }
0xc7: {  	s0 =	sor.u32 $0x4010, s2  }
0xc8: {  	s9 =	sor.u32 $0xC010, s2;
	[tilespmem:s0+$0x0] =	vst.add.f32.msk $0xffff, v0  }
0xc9: {  	[tilespmem:s9+$0x0] =	vst.add.f32.msk $0xffff, v0  }
0xca: {  	s10 =	sor.u32 $0x4000, s2;
	v0 =	vld [tilespmem:s2+$0x14090]  }
0xcb: {  	s11 =	sor.u32 $0xC000, s2;
	[tilespmem:s10+$0x0] =	vst.add.f32.msk $0xffff, v1  }
0xcc: {  	[tilespmem:s11+$0x0] =	vst.add.f32.msk $0xffff, v1  }
0xcd: {  	v1 =	vld [tilespmem:s2+$0x14080]  }
0xce: {  	s12 =	sor.u32 $0x4090, s2  }
0xcf: {  	s25 =	sor.u32 $0xC090, s2;
	[tilespmem:s12+$0x0] =	vst.add.f32.msk $0xffff, v0  }
0xd0: {  	[tilespmem:s25+$0x0] =	vst.add.f32.msk $0xffff, v0  }
0xd1: {  	s26 =	sor.u32 $0x4080, s2;
	v0 =	vld [tilespmem:s2+$0x14110]  }
0xd2: {  	s30 =	sor.u32 $0xC080, s2;
	[tilespmem:s26+$0x0] =	vst.add.f32.msk $0xffff, v1  }
0xd3: {  	[tilespmem:s30+$0x0] =	vst.add.f32.msk $0xffff, v1  }
0xd4: {  	v1 =	vld [tilespmem:s2+$0x14100]  }
0xd5: {  	s31 =	sor.u32 $0x4110, s2  }
0xd6: {  	s3 =	sor.u32 $0xC110, s2;
	[tilespmem:s31+$0x0] =	vst.add.f32.msk $0xffff, v0  }
0xd7: {  	[tilespmem:s3+$0x0] =	vst.add.f32.msk $0xffff, v0  }
0xd8: {  	s4 =	sor.u32 $0x4100, s2;
	v0 =	vld [tilespmem:s2+$0x14190]  }
0xd9: {  	s5 =	sor.u32 $0xC100, s2;
	[tilespmem:s4+$0x0] =	vst.add.f32.msk $0xffff, v1  }
0xda: {  	[tilespmem:s5+$0x0] =	vst.add.f32.msk $0xffff, v1  }
0xdb: {  	v1 =	vld [tilespmem:s2+$0x14180]  }
0xdc: {  	s6 =	sor.u32 $0x4190, s2  }
0xdd: {  	s7 =	sor.u32 $0xC190, s2;
	[tilespmem:s6+$0x0] =	vst.add.f32.msk $0xffff, v0  }
0xde: {  	[tilespmem:s7+$0x0] =	vst.add.f32.msk $0xffff, v0  }
0xdf: {  	s8 =	sor.u32 $0x4180, s2;
	v0 =	vld [tilespmem:s2+$0x14210]  }
0xe0: {  	s9 =	sor.u32 $0xC180, s2;
	[tilespmem:s8+$0x0] =	vst.add.f32.msk $0xffff, v1  }
0xe1: {  	[tilespmem:s9+$0x0] =	vst.add.f32.msk $0xffff, v1  }
0xe2: {  	v1 =	vld [tilespmem:s2+$0x14200]  }
0xe3: {  	s10 =	sor.u32 $0x4210, s2  }
0xe4: {  	s11 =	sor.u32 $0xC210, s2;
	[tilespmem:s10+$0x0] =	vst.add.f32.msk $0xffff, v0  }
0xe5: {  	[tilespmem:s11+$0x0] =	vst.add.f32.msk $0xffff, v0  }
0xe6: {  	s12 =	sor.u32 $0x4200, s2;
	v2 =	vld [tilespmem:s2+$0x14290]  }
0xe7: {  	s25 =	sor.u32 $0xC200, s2;
	[tilespmem:s12+$0x0] =	vst.add.f32.msk $0xffff, v1  }
0xe8: {  	s26 =	sand.u32 $0x3, s23;
	[tilespmem:s25+$0x0] =	vst.add.f32.msk $0xffff, v1  }
0xe9: {  	s0 =	sshll.u32 s26, $0x5;
	v0 =	vld [tilespmem:s2+$0x14280]  }
0xea: {  	s30 =	sor.u32 $0x4290, s2;
	s4 =	sadd.s32 $0x0, s0  }
0xeb: {  	s31 =	sor.u32 $0xC290, s2;
	s0 =	sadd.s32 $0x10, s4;
	[tilespmem:s30+$0x0] =	vst.add.f32.msk $0xffff, v2  }
0xec: {  	s29 =	sor.u32 $0x4280, s2;
	s28 =	sor.u32 $0xC280, s2;
	s2 =	sor.u32 $0x4300, s0;
	[tilespmem:s31+$0x0] =	vst.add.f32.msk $0xffff, v2  }
0xed: {  	s3 =	sor.u32 $0x4300, s4;
	s26 =	sor.u32 $0x4380, s4;
	s25 =	simm.s32 $0x0;
	v1 =	vld [tilespmem:s2+$0x10000]  }
.LBB2_4:
0xee: {  	s24 =	sadd.s32 $0x20, s24;
	[tilespmem:s29+$0x0] =	vst.add.f32.msk $0xffff, v0;
	s23 =	sadd.s32 $0x100, s23  }
0xef: {  	s4 =	sand.u32 $0x60, s24;
	s5 =	sand.u32 $0x3C00, s23;
	p0 =	slt.u32 s24, $0x7E0;
	[tilespmem:s28+$0x0] =	vst.add.f32.msk $0xffff, v0  }
0xf0: {  	s30 =	sor.u32 s4, s5;
	v0 =	vld [tilespmem:s3+$0x10000]  }
0xf1: {  	s6 =	sor.u32 $0x4000, s30;
	s7 =	sor.u32 $0xC000, s30;
	s8 =	sor.u32 $0x4080, s30;
	v2 =	vld [tilespmem:s30+$0x14010]  }
0xf2: {  	s9 =	sor.u32 $0xC080, s30;
	s10 =	sor.u32 $0x4100, s30;
	s11 =	sor.u32 $0xC100, s30;
	[tilespmem:s2+$0x0] =	vst.add.f32.msk $0xffff, v1  }
0xf3: {  	s31 =	sor.u32 $0x4380, s0;
	s5 =	sor.u32 $0x4180, s30;
	s4 =	sor.u32 $0xC180, s30;
	[tilespmem:s2+$0x8000] =	vst.add.f32.msk $0xffff, v1  }
0xf4: {  	s0 =	sor.u32 $0xC200, s30;
	s29 =	sor.u32 $0x4280, s30;
	s2 =	sor.u32 $0x4200, s30;
	v1 =	vld [tilespmem:s31+$0x10000]  }
0xf5: {  	s28 =	sor.u32 $0xC280, s30;
	v3 =	vld [tilespmem:s30+$0x14000]  }
0xf6: {  	s12 =	sor.u32 $0x4010, s30;
	[tilespmem:s3+$0x0] =	vst.add.f32.msk $0xffff, v0  }
0xf7: {  	[tilespmem:s12+$0x0] =	vst.add.f32.msk $0xffff, v2;
	s12 =	sor.u32 $0xC010, s30  }
0xf8: {  	[tilespmem:s12+$0x0] =	vst.add.f32.msk $0xffff, v2  }
0xf9: {  	[tilespmem:s31+$0x8000] =	vst.add.f32.msk $0xffff, v1  }
0xfa: {  	v2 =	vld [tilespmem:s30+$0x14090]  }
0xfb: {  	[tilespmem:s6+$0x0] =	vst.add.f32.msk $0xffff, v3  }
0xfc: {  	[tilespmem:s7+$0x0] =	vst.add.f32.msk $0xffff, v3  }
0xfd: {  	v3 =	vld [tilespmem:s30+$0x14080]  }
0xfe: {  	s6 =	sor.u32 $0x4090, s30;
	[tilespmem:s3+$0x8000] =	vst.add.f32.msk $0xffff, v0  }
0xff: {  	s3 =	sor.u32 $0xC090, s30;
	[tilespmem:s6+$0x0] =	vst.add.f32.msk $0xffff, v2  }
0x100: {  	[tilespmem:s3+$0x0] =	vst.add.f32.msk $0xffff, v2  }
0x101: {  	v0 =	vld [tilespmem:s30+$0x14110]  }
0x102: {  	[tilespmem:s8+$0x0] =	vst.add.f32.msk $0xffff, v3  }
0x103: {  	[tilespmem:s9+$0x0] =	vst.add.f32.msk $0xffff, v3  }
0x104: {  	v2 =	vld [tilespmem:s30+$0x14100]  }
0x105: {  	s3 =	sor.u32 $0x4110, s30;
	v3 =	vld [tilespmem:s26+$0x10000]  }
0x106: {  	[tilespmem:s3+$0x0] =	vst.add.f32.msk $0xffff, v0;
	s3 =	sor.u32 $0xC110, s30  }
0x107: {  	[tilespmem:s3+$0x0] =	vst.add.f32.msk $0xffff, v0  }
0x108: {  	v0 =	vld [tilespmem:s30+$0x14190]  }
0x109: {  	[tilespmem:s10+$0x0] =	vst.add.f32.msk $0xffff, v2  }
0x10a: {  	[tilespmem:s11+$0x0] =	vst.add.f32.msk $0xffff, v2  }
0x10b: {  	v2 =	vld [tilespmem:s30+$0x14180]  }
0x10c: {  	s3 =	sor.u32 $0x4190, s30;
	[tilespmem:s26+$0x0] =	vst.add.f32.msk $0xffff, v3  }
0x10d: {  	[tilespmem:s3+$0x0] =	vst.add.f32.msk $0xffff, v0;
	s3 =	sor.u32 $0xC190, s30  }
0x10e: {  	[tilespmem:s3+$0x0] =	vst.add.f32.msk $0xffff, v0  }
0x10f: {  	v0 =	vld [tilespmem:s30+$0x14210]  }
0x110: {  	[tilespmem:s5+$0x0] =	vst.add.f32.msk $0xffff, v2  }
0x111: {  	[tilespmem:s4+$0x0] =	vst.add.f32.msk $0xffff, v2  }
0x112: {  	v2 =	vld [tilespmem:s30+$0x14200]  }
0x113: {  	s3 =	sor.u32 $0x4210, s30;
	[tilespmem:s26+$0x8000] =	vst.add.f32.msk $0xffff, v3  }
0x114: {  	[tilespmem:s3+$0x0] =	vst.add.f32.msk $0xffff, v0;
	s3 =	sor.u32 $0xC210, s30  }
0x115: {  	[tilespmem:s3+$0x0] =	vst.add.f32.msk $0xffff, v0  }
0x116: {  	v3 =	vld [tilespmem:s30+$0x14290]  }
0x117: {  	s25 =	sadd.s32 $0x1, s25;
	[tilespmem:s2+$0x0] =	vst.add.f32.msk $0xffff, v2  }
0x118: {  	s2 =	sand.u32 $0x3, s25;
	[tilespmem:s0+$0x0] =	vst.add.f32.msk $0xffff, v2  }
.Ltmp1:
0x119: {  	s0 =	sshll.u32 s2, $0x5;
	v0 =	vld [tilespmem:s30+$0x14280];
	(pc) =	sbr.rel @p0 .LBB2_4-.Ltmp1, $4  }
0x11a: {  	s2 =	sadd.s32 s0, s23;
	s0 =	sor.u32 $0x4290, s30;
	[tilespmem:s31+$0x0] =	vst.add.f32.msk $0xffff, v1  }
0x11b: {  	s4 =	sor.u32 $0xC290, s30;
	s3 =	sor.u32 $0x4300, s2;
	[tilespmem:s0+$0x0] =	vst.add.f32.msk $0xffff, v3;
	s0 =	sadd.s32 $0x10, s2  }
0x11c: {  	s26 =	sor.u32 $0x4380, s2;
	[tilespmem:s4+$0x0] =	vst.add.f32.msk $0xffff, v3;
	s2 =	sor.u32 $0x4300, s0  }
0x11d: {  	v1 =	vld [tilespmem:s2+$0x10000]  }
0x11e: {  	[tilespmem:s29+$0x0] =	vst.add.f32.msk $0xffff, v0  }
0x11f: {  	[tilespmem:s28+$0x0] =	vst.add.f32.msk $0xffff, v0  }
0x120: {  	v0 =	vld [tilespmem:s3+$0x10000];
	_ =	sdelay $0x1  }
0x121: {  	[tilespmem:s2+$0x0] =	vst.add.f32.msk $0xffff, v1  }
0x122: {  	s0 =	sor.u32 $0x4380, s0;
	[tilespmem:s2+$0x8000] =	vst.add.f32.msk $0xffff, v1  }
0x123: {  	v1 =	vld [tilespmem:s0+$0x10000]  }
0x124: {  	[tilespmem:s3+$0x0] =	vst.add.f32.msk $0xffff, v0  }
0x125: {  	[tilespmem:s3+$0x8000] =	vst.add.f32.msk $0xffff, v0  }
0x126: {  	v0 =	vld [tilespmem:s26+$0x10000];
	_ =	sdelay $0x2  }
0x127: {  	[tilespmem:s0+$0x8000] =	vst.add.f32.msk $0xffff, v1  }
0x128: {  	[tilespmem:s0+$0x0] =	vst.add.f32.msk $0xffff, v1  }
0x129: {  	[tilespmem:s26+$0x0] =	vst.add.f32.msk $0xffff, v0  }
0x12a: {  	[tilespmem:s26+$0x8000] =	vst.add.f32.msk $0xffff, v0  }
0x12b: {  	s23 =	simm.s32 $0x0;
	s0 =	rddreg [dreg:$0xc]  }
0x12c: {  	[hbm4b:s0+s23] =	stream.linear.scatter [tilespmem:s16], [sflag:$0x4], $0x4000, $0x38;
	[tilespmem:$0x18000] =	vst v63  }
0x12d: {  	s2 =	rddreg [dreg:$0xd]  }
0x12e: {  	[hbm4b:s2+s23] =	stream.linear.scatter [tilespmem:s17], [sflag:$0x4], $0x4000, $0x38;
	[tilespmem:$0x18000] =	vst v63  }
0x12f: {  	_ =	swait.ge [sflag:s21], $0x4000  }
0x130: {  	[sflag:s21] =	ssyncset.done $0x0  }
0x131: {  	[sflag:s21] =	ssyncadd.s32 $0xFFFFC000  }
0x132: {  	_ =	swait.ge [sflag:s21], $0x4000  }
0x133: {  	[sflag:s21] =	ssyncset.done $0x0  }
0x134: {  	s3 =	rddreg [dreg:$0xe];
	[sflag:s21] =	ssyncadd.s32 $0xFFFFC000  }
0x135: {  	[tilespmem:s15], [sflag:$0x2] =	stream.linear.gather [hbm4b:s3+s23], $0x4000, $0x38;
	[tilespmem:$0x18000] =	vst v63  }
0x136: {  	s4 =	rddreg [dreg:$0xf]  }
0x137: {  	[tilespmem:s16], [sflag:$0x2] =	stream.linear.gather [hbm4b:s4+s23], $0x4000, $0x38;
	[tilespmem:$0x18000] =	vst v63  }
0x138: {  	s5 =	rddreg [dreg:$0x10]  }
0x139: {  	[tilespmem:s17], [sflag:$0x2] =	stream.linear.gather [hbm4b:s5+s23], $0x4000, $0x38;
	[tilespmem:$0x18000] =	vst v63  }
0x13a: {  	_ =	swait.ge [sflag:s18], $0x4000  }
0x13b: {  	[sflag:s18] =	ssyncset.done $0x0  }
0x13c: {  	[sflag:s18] =	ssyncadd.s32 $0xFFFFC000  }
0x13d: {  	_ =	swait.ge [sflag:s18], $0x4000  }
0x13e: {  	[sflag:s18] =	ssyncset.done $0x0  }
0x13f: {  	[sflag:s18] =	ssyncadd.s32 $0xFFFFC000  }
0x140: {  	s24 =	simm.s32 $0x0;
	_ =	swait.ge [sflag:s18], $0x4000  }
0x141: {  	s6 =	sand.u32 $0x60, s24;
	s7 =	sand.u32 $0x3C00, s23;
	[sflag:s18] =	ssyncset.done $0x0  }
0x142: {  	s0 =	sor.u32 s6, s7;
	[sflag:s18] =	ssyncadd.s32 $0xFFFFC000  }
0x143: {  	v0 =	vld [tilespmem:s0+$0x10010];
	_ =	sdelay $0x2  }
0x144: {  	v1 =	vld [tilespmem:s0+$0x10000]  }
0x145: {  	s2 =	sor.u32 $0x10, s0  }
0x146: {  	s8 =	sor.u32 $0x8010, s0;
	[tilespmem:s2+$0x0] =	vst.add.f32.msk $0xffff, v0  }
0x147: {  	[tilespmem:s8+$0x0] =	vst.add.f32.msk $0xffff, v0  }
0x148: {  	v0 =	vld [tilespmem:s0+$0x10090]  }
0x149: {  	s9 =	sor.u32 $0x8000, s0;
	[tilespmem:s0+$0x0] =	vst.add.f32.msk $0xffff, v1  }
0x14a: {  	[tilespmem:s9+$0x0] =	vst.add.f32.msk $0xffff, v1  }
0x14b: {  	v1 =	vld [tilespmem:s0+$0x10080]  }
0x14c: {  	s10 =	sor.u32 $0x90, s0  }
0x14d: {  	s11 =	sor.u32 $0x8090, s0;
	[tilespmem:s10+$0x0] =	vst.add.f32.msk $0xffff, v0  }
0x14e: {  	[tilespmem:s11+$0x0] =	vst.add.f32.msk $0xffff, v0  }
0x14f: {  	s12 =	sor.u32 $0x80, s0;
	v0 =	vld [tilespmem:s0+$0x10110]  }
0x150: {  	s25 =	sor.u32 $0x8080, s0;
	[tilespmem:s12+$0x0] =	vst.add.f32.msk $0xffff, v1  }
0x151: {  	[tilespmem:s25+$0x0] =	vst.add.f32.msk $0xffff, v1  }
0x152: {  	v1 =	vld [tilespmem:s0+$0x10100]  }
0x153: {  	s26 =	sor.u32 $0x110, s0  }
0x154: {  	s30 =	sor.u32 $0x8110, s0;
	[tilespmem:s26+$0x0] =	vst.add.f32.msk $0xffff, v0  }
0x155: {  	[tilespmem:s30+$0x0] =	vst.add.f32.msk $0xffff, v0  }
0x156: {  	s3 =	sor.u32 $0x100, s0;
	v0 =	vld [tilespmem:s0+$0x10190]  }
0x157: {  	s4 =	sor.u32 $0x8100, s0;
	[tilespmem:s3+$0x0] =	vst.add.f32.msk $0xffff, v1  }
0x158: {  	[tilespmem:s4+$0x0] =	vst.add.f32.msk $0xffff, v1  }
0x159: {  	v1 =	vld [tilespmem:s0+$0x10180]  }
0x15a: {  	s5 =	sor.u32 $0x190, s0  }
0x15b: {  	s6 =	sor.u32 $0x8190, s0;
	[tilespmem:s5+$0x0] =	vst.add.f32.msk $0xffff, v0  }
0x15c: {  	[tilespmem:s6+$0x0] =	vst.add.f32.msk $0xffff, v0  }
0x15d: {  	s7 =	sor.u32 $0x180, s0;
	v0 =	vld [tilespmem:s0+$0x10210]  }
0x15e: {  	s8 =	sor.u32 $0x8180, s0;
	[tilespmem:s7+$0x0] =	vst.add.f32.msk $0xffff, v1  }
0x15f: {  	[tilespmem:s8+$0x0] =	vst.add.f32.msk $0xffff, v1  }
0x160: {  	v1 =	vld [tilespmem:s0+$0x10200]  }
0x161: {  	s9 =	sor.u32 $0x210, s0  }
0x162: {  	s10 =	sor.u32 $0x8210, s0;
	[tilespmem:s9+$0x0] =	vst.add.f32.msk $0xffff, v0  }
0x163: {  	[tilespmem:s10+$0x0] =	vst.add.f32.msk $0xffff, v0  }
0x164: {  	s11 =	sor.u32 $0x200, s0;
	v2 =	vld [tilespmem:s0+$0x10290]  }
0x165: {  	s12 =	sor.u32 $0x8200, s0;
	[tilespmem:s11+$0x0] =	vst.add.f32.msk $0xffff, v1  }
0x166: {  	s25 =	sand.u32 $0x3, s23;
	[tilespmem:s12+$0x0] =	vst.add.f32.msk $0xffff, v1  }
0x167: {  	s2 =	sshll.u32 s25, $0x5;
	v0 =	vld [tilespmem:s0+$0x10280]  }
0x168: {  	s26 =	sor.u32 $0x290, s0;
	s4 =	sadd.s32 $0x0, s2  }
0x169: {  	s30 =	sor.u32 $0x8290, s0;
	s2 =	sadd.s32 $0x10, s4;
	[tilespmem:s26+$0x0] =	vst.add.f32.msk $0xffff, v2  }
0x16a: {  	s29 =	sor.u32 $0x280, s0;
	s28 =	sor.u32 $0x8280, s0;
	s31 =	sor.u32 $0x300, s2;
	[tilespmem:s30+$0x0] =	vst.add.f32.msk $0xffff, v2  }
0x16b: {  	s25 =	simm.s32 $0x0;
	s3 =	sor.u32 $0x300, s4;
	s26 =	sor.u32 $0x380, s4;
	v1 =	vld [tilespmem:s31+$0x10000]  }
.LBB2_6:
0x16c: {  	s24 =	sadd.s32 $0x20, s24;
	[tilespmem:s29+$0x0] =	vst.add.f32.msk $0xffff, v0;
	s23 =	sadd.s32 $0x100, s23  }
0x16d: {  	s0 =	sand.u32 $0x60, s24;
	s4 =	sand.u32 $0x3C00, s23;
	p0 =	slt.u32 s24, $0x7E0;
	[tilespmem:s28+$0x0] =	vst.add.f32.msk $0xffff, v0  }
0x16e: {  	s30 =	sor.u32 s0, s4;
	v0 =	vld [tilespmem:s3+$0x10000]  }
0x16f: {  	s6 =	sor.u32 $0x8000, s30;
	s7 =	sor.u32 $0x80, s30;
	s8 =	sor.u32 $0x8080, s30;
	v2 =	vld [tilespmem:s30+$0x10010]  }
0x170: {  	s9 =	sor.u32 $0x100, s30;
	s10 =	sor.u32 $0x8100, s30;
	s4 =	sor.u32 $0x180, s30;
	[tilespmem:s31+$0x0] =	vst.add.f32.msk $0xffff, v1  }
0x171: {  	s5 =	sor.u32 $0x8180, s30;
	s0 =	sor.u32 $0x200, s30;
	[tilespmem:s31+$0x8000] =	vst.add.f32.msk $0xffff, v1;
	s31 =	sor.u32 $0x380, s2  }
0x172: {  	s29 =	sor.u32 $0x280, s30;
	s28 =	sor.u32 $0x8280, s30;
	s2 =	sor.u32 $0x8200, s30;
	v1 =	vld [tilespmem:s31+$0x10000]  }
0x173: {  	v3 =	vld [tilespmem:s30+$0x10000]  }
0x174: {  	s11 =	sor.u32 $0x10, s30;
	[tilespmem:s3+$0x0] =	vst.add.f32.msk $0xffff, v0  }
0x175: {  	[tilespmem:s11+$0x0] =	vst.add.f32.msk $0xffff, v2;
	s11 =	sor.u32 $0x8010, s30  }
0x176: {  	[tilespmem:s11+$0x0] =	vst.add.f32.msk $0xffff, v2  }
0x177: {  	[tilespmem:s31+$0x8000] =	vst.add.f32.msk $0xffff, v1  }
0x178: {  	v2 =	vld [tilespmem:s30+$0x10090]  }
0x179: {  	[tilespmem:s30+$0x0] =	vst.add.f32.msk $0xffff, v3  }
0x17a: {  	[tilespmem:s6+$0x0] =	vst.add.f32.msk $0xffff, v3  }
0x17b: {  	v3 =	vld [tilespmem:s30+$0x10080]  }
0x17c: {  	s6 =	sor.u32 $0x90, s30;
	[tilespmem:s3+$0x8000] =	vst.add.f32.msk $0xffff, v0  }
0x17d: {  	s3 =	sor.u32 $0x8090, s30;
	[tilespmem:s6+$0x0] =	vst.add.f32.msk $0xffff, v2  }
0x17e: {  	[tilespmem:s3+$0x0] =	vst.add.f32.msk $0xffff, v2  }
0x17f: {  	v0 =	vld [tilespmem:s30+$0x10110]  }
0x180: {  	[tilespmem:s7+$0x0] =	vst.add.f32.msk $0xffff, v3  }
0x181: {  	[tilespmem:s8+$0x0] =	vst.add.f32.msk $0xffff, v3  }
0x182: {  	v2 =	vld [tilespmem:s30+$0x10100]  }
0x183: {  	s3 =	sor.u32 $0x110, s30;
	v3 =	vld [tilespmem:s26+$0x10000]  }
0x184: {  	[tilespmem:s3+$0x0] =	vst.add.f32.msk $0xffff, v0;
	s3 =	sor.u32 $0x8110, s30  }
0x185: {  	[tilespmem:s3+$0x0] =	vst.add.f32.msk $0xffff, v0  }
0x186: {  	v0 =	vld [tilespmem:s30+$0x10190]  }
0x187: {  	[tilespmem:s9+$0x0] =	vst.add.f32.msk $0xffff, v2  }
0x188: {  	[tilespmem:s10+$0x0] =	vst.add.f32.msk $0xffff, v2  }
0x189: {  	v2 =	vld [tilespmem:s30+$0x10180]  }
0x18a: {  	s3 =	sor.u32 $0x190, s30;
	[tilespmem:s26+$0x0] =	vst.add.f32.msk $0xffff, v3  }
0x18b: {  	[tilespmem:s3+$0x0] =	vst.add.f32.msk $0xffff, v0;
	s3 =	sor.u32 $0x8190, s30  }
0x18c: {  	[tilespmem:s3+$0x0] =	vst.add.f32.msk $0xffff, v0  }
0x18d: {  	v0 =	vld [tilespmem:s30+$0x10210]  }
0x18e: {  	[tilespmem:s4+$0x0] =	vst.add.f32.msk $0xffff, v2  }
0x18f: {  	[tilespmem:s5+$0x0] =	vst.add.f32.msk $0xffff, v2  }
0x190: {  	v2 =	vld [tilespmem:s30+$0x10200]  }
0x191: {  	s3 =	sor.u32 $0x210, s30;
	[tilespmem:s26+$0x8000] =	vst.add.f32.msk $0xffff, v3  }
0x192: {  	[tilespmem:s3+$0x0] =	vst.add.f32.msk $0xffff, v0;
	s3 =	sor.u32 $0x8210, s30  }
0x193: {  	[tilespmem:s3+$0x0] =	vst.add.f32.msk $0xffff, v0  }
0x194: {  	v3 =	vld [tilespmem:s30+$0x10290]  }
0x195: {  	s25 =	sadd.s32 $0x1, s25;
	[tilespmem:s0+$0x0] =	vst.add.f32.msk $0xffff, v2  }
0x196: {  	s0 =	sand.u32 $0x3, s25;
	[tilespmem:s2+$0x0] =	vst.add.f32.msk $0xffff, v2  }
.Ltmp2:
0x197: {  	s0 =	sshll.u32 s0, $0x5;
	v0 =	vld [tilespmem:s30+$0x10280];
	(pc) =	sbr.rel @p0 .LBB2_6-.Ltmp2, $4  }
0x198: {  	s2 =	sor.u32 $0x290, s30;
	s0 =	sadd.s32 s0, s23;
	[tilespmem:s31+$0x0] =	vst.add.f32.msk $0xffff, v1  }
0x199: {  	s4 =	sor.u32 $0x8290, s30;
	s3 =	sor.u32 $0x300, s0;
	[tilespmem:s2+$0x0] =	vst.add.f32.msk $0xffff, v3;
	s2 =	sadd.s32 $0x10, s0  }
0x19a: {  	s26 =	sor.u32 $0x380, s0;
	[tilespmem:s4+$0x0] =	vst.add.f32.msk $0xffff, v3;
	s31 =	sor.u32 $0x300, s2  }
0x19b: {  	v1 =	vld [tilespmem:s31+$0x10000]  }
0x19c: {  	[tilespmem:s29+$0x0] =	vst.add.f32.msk $0xffff, v0  }
0x19d: {  	[tilespmem:s28+$0x0] =	vst.add.f32.msk $0xffff, v0  }
0x19e: {  	v0 =	vld [tilespmem:s3+$0x10000];
	_ =	sdelay $0x1  }
0x19f: {  	[tilespmem:s31+$0x0] =	vst.add.f32.msk $0xffff, v1  }
0x1a0: {  	s0 =	sor.u32 $0x380, s2;
	[tilespmem:s31+$0x8000] =	vst.add.f32.msk $0xffff, v1  }
0x1a1: {  	v1 =	vld [tilespmem:s0+$0x10000]  }
0x1a2: {  	[tilespmem:s3+$0x0] =	vst.add.f32.msk $0xffff, v0  }
0x1a3: {  	[tilespmem:s3+$0x8000] =	vst.add.f32.msk $0xffff, v0  }
0x1a4: {  	v0 =	vld [tilespmem:s26+$0x10000];
	_ =	sdelay $0x2  }
0x1a5: {  	[tilespmem:s0+$0x8000] =	vst.add.f32.msk $0xffff, v1  }
0x1a6: {  	[tilespmem:s0+$0x0] =	vst.add.f32.msk $0xffff, v1  }
0x1a7: {  	[tilespmem:s26+$0x0] =	vst.add.f32.msk $0xffff, v0  }
0x1a8: {  	[tilespmem:s26+$0x8000] =	vst.add.f32.msk $0xffff, v0  }
0x1a9: {  	s23 =	simm.s32 $0x0;
	s0 =	rddreg [dreg:$0x11]  }
0x1aa: {  	[hbm4b:s0+s23] =	stream.linear.scatter [tilespmem:s23], [sflag:$0x3], $0x4000, $0x38;
	[tilespmem:$0x18000] =	vst v63  }
0x1ab: {  	s3 =	rddreg [dreg:$0x12]  }
0x1ac: {  	[hbm4b:s3+s23] =	stream.linear.scatter [tilespmem:s14], [sflag:$0x3], $0x4000, $0x38;
	[tilespmem:$0x18000] =	vst v63  }
0x1ad: {  	_ =	swait.ge [sflag:s19], $0x4000  }
0x1ae: {  	[sflag:s19] =	ssyncset.done $0x0  }
0x1af: {  	[sflag:s19] =	ssyncadd.s32 $0xFFFFC000  }
0x1b0: {  	_ =	swait.ge [sflag:s19], $0x4000  }
0x1b1: {  	[sflag:s19] =	ssyncset.done $0x0  }
0x1b2: {  	s4 =	rddreg [dreg:$0x13];
	[sflag:s19] =	ssyncadd.s32 $0xFFFFC000  }
0x1b3: {  	[tilespmem:s13], [sflag:$0x1] =	stream.linear.gather [hbm4b:s4+s23], $0x4000, $0x38;
	[tilespmem:$0x18000] =	vst v63  }
0x1b4: {  	s5 =	rddreg [dreg:$0x16]  }
0x1b5: {  	[tilespmem:s23], [sflag:$0x1] =	stream.linear.gather [hbm4b:s5+s23], $0x4000, $0x38;
	[tilespmem:$0x18000] =	vst v63  }
0x1b6: {  	s6 =	rddreg [dreg:$0x18]  }
0x1b7: {  	[tilespmem:s14], [sflag:$0x1] =	stream.linear.gather [hbm4b:s6+s23], $0x4000, $0x38;
	[tilespmem:$0x18000] =	vst v63  }
0x1b8: {  	_ =	swait.ge [sflag:s20], $0x4000  }
0x1b9: {  	[sflag:s20] =	ssyncset.done $0x0  }
0x1ba: {  	[sflag:s20] =	ssyncadd.s32 $0xFFFFC000  }
0x1bb: {  	_ =	swait.ge [sflag:s20], $0x4000  }
0x1bc: {  	[sflag:s20] =	ssyncset.done $0x0  }
0x1bd: {  	[sflag:s20] =	ssyncadd.s32 $0xFFFFC000  }
0x1be: {  	s24 =	simm.s32 $0x0;
	_ =	swait.ge [sflag:s20], $0x4000  }
0x1bf: {  	s7 =	sand.u32 $0x60, s24;
	s8 =	sand.u32 $0x3C00, s23;
	[sflag:s20] =	ssyncset.done $0x0  }
0x1c0: {  	s2 =	sor.u32 s7, s8;
	[sflag:s20] =	ssyncadd.s32 $0xFFFFC000  }
0x1c1: {  	v0 =	vld [tilespmem:s2+$0x14010];
	_ =	sdelay $0x2  }
0x1c2: {  	v1 =	vld [tilespmem:s2+$0x14000]  }
0x1c3: {  	s0 =	sor.u32 $0x4010, s2  }
0x1c4: {  	s9 =	sor.u32 $0xC010, s2;
	[tilespmem:s0+$0x0] =	vst.add.f32.msk $0xffff, v0  }
0x1c5: {  	[tilespmem:s9+$0x0] =	vst.add.f32.msk $0xffff, v0  }
0x1c6: {  	s10 =	sor.u32 $0x4000, s2;
	v0 =	vld [tilespmem:s2+$0x14090]  }
0x1c7: {  	s11 =	sor.u32 $0xC000, s2;
	[tilespmem:s10+$0x0] =	vst.add.f32.msk $0xffff, v1  }
0x1c8: {  	[tilespmem:s11+$0x0] =	vst.add.f32.msk $0xffff, v1  }
0x1c9: {  	v1 =	vld [tilespmem:s2+$0x14080]  }
0x1ca: {  	s12 =	sor.u32 $0x4090, s2  }
0x1cb: {  	s25 =	sor.u32 $0xC090, s2;
	[tilespmem:s12+$0x0] =	vst.add.f32.msk $0xffff, v0  }
0x1cc: {  	[tilespmem:s25+$0x0] =	vst.add.f32.msk $0xffff, v0  }
0x1cd: {  	s26 =	sor.u32 $0x4080, s2;
	v0 =	vld [tilespmem:s2+$0x14110]  }
0x1ce: {  	s30 =	sor.u32 $0xC080, s2;
	[tilespmem:s26+$0x0] =	vst.add.f32.msk $0xffff, v1  }
0x1cf: {  	[tilespmem:s30+$0x0] =	vst.add.f32.msk $0xffff, v1  }
0x1d0: {  	v1 =	vld [tilespmem:s2+$0x14100]  }
0x1d1: {  	s31 =	sor.u32 $0x4110, s2  }
0x1d2: {  	s3 =	sor.u32 $0xC110, s2;
	[tilespmem:s31+$0x0] =	vst.add.f32.msk $0xffff, v0  }
0x1d3: {  	[tilespmem:s3+$0x0] =	vst.add.f32.msk $0xffff, v0  }
0x1d4: {  	s4 =	sor.u32 $0x4100, s2;
	v0 =	vld [tilespmem:s2+$0x14190]  }
0x1d5: {  	s5 =	sor.u32 $0xC100, s2;
	[tilespmem:s4+$0x0] =	vst.add.f32.msk $0xffff, v1  }
0x1d6: {  	[tilespmem:s5+$0x0] =	vst.add.f32.msk $0xffff, v1  }
0x1d7: {  	v1 =	vld [tilespmem:s2+$0x14180]  }
0x1d8: {  	s6 =	sor.u32 $0x4190, s2  }
0x1d9: {  	s7 =	sor.u32 $0xC190, s2;
	[tilespmem:s6+$0x0] =	vst.add.f32.msk $0xffff, v0  }
0x1da: {  	[tilespmem:s7+$0x0] =	vst.add.f32.msk $0xffff, v0  }
0x1db: {  	s8 =	sor.u32 $0x4180, s2;
	v0 =	vld [tilespmem:s2+$0x14210]  }
0x1dc: {  	s9 =	sor.u32 $0xC180, s2;
	[tilespmem:s8+$0x0] =	vst.add.f32.msk $0xffff, v1  }
0x1dd: {  	[tilespmem:s9+$0x0] =	vst.add.f32.msk $0xffff, v1  }
0x1de: {  	v1 =	vld [tilespmem:s2+$0x14200]  }
0x1df: {  	s10 =	sor.u32 $0x4210, s2  }
0x1e0: {  	s11 =	sor.u32 $0xC210, s2;
	[tilespmem:s10+$0x0] =	vst.add.f32.msk $0xffff, v0  }
0x1e1: {  	[tilespmem:s11+$0x0] =	vst.add.f32.msk $0xffff, v0  }
0x1e2: {  	s12 =	sor.u32 $0x4200, s2;
	v2 =	vld [tilespmem:s2+$0x14290]  }
0x1e3: {  	s25 =	sor.u32 $0xC200, s2;
	[tilespmem:s12+$0x0] =	vst.add.f32.msk $0xffff, v1  }
0x1e4: {  	s26 =	sand.u32 $0x3, s23;
	[tilespmem:s25+$0x0] =	vst.add.f32.msk $0xffff, v1  }
0x1e5: {  	s0 =	sshll.u32 s26, $0x5;
	v0 =	vld [tilespmem:s2+$0x14280]  }
0x1e6: {  	s30 =	sor.u32 $0x4290, s2;
	s4 =	sadd.s32 $0x0, s0  }
0x1e7: {  	s31 =	sor.u32 $0xC290, s2;
	s0 =	sadd.s32 $0x10, s4;
	[tilespmem:s30+$0x0] =	vst.add.f32.msk $0xffff, v2  }
0x1e8: {  	s29 =	sor.u32 $0x4280, s2;
	s28 =	sor.u32 $0xC280, s2;
	s2 =	sor.u32 $0x4300, s0;
	[tilespmem:s31+$0x0] =	vst.add.f32.msk $0xffff, v2  }
0x1e9: {  	s3 =	sor.u32 $0x4300, s4;
	s26 =	sor.u32 $0x4380, s4;
	s25 =	simm.s32 $0x0;
	v1 =	vld [tilespmem:s2+$0x10000]  }
.LBB2_8:
0x1ea: {  	s24 =	sadd.s32 $0x20, s24;
	[tilespmem:s29+$0x0] =	vst.add.f32.msk $0xffff, v0;
	s23 =	sadd.s32 $0x100, s23  }
0x1eb: {  	s4 =	sand.u32 $0x60, s24;
	s5 =	sand.u32 $0x3C00, s23;
	p0 =	slt.u32 s24, $0x7E0;
	[tilespmem:s28+$0x0] =	vst.add.f32.msk $0xffff, v0  }
0x1ec: {  	s30 =	sor.u32 s4, s5;
	v0 =	vld [tilespmem:s3+$0x10000]  }
0x1ed: {  	s6 =	sor.u32 $0x4000, s30;
	s7 =	sor.u32 $0xC000, s30;
	s8 =	sor.u32 $0x4080, s30;
	v2 =	vld [tilespmem:s30+$0x14010]  }
0x1ee: {  	s9 =	sor.u32 $0xC080, s30;
	s10 =	sor.u32 $0x4100, s30;
	s11 =	sor.u32 $0xC100, s30;
	[tilespmem:s2+$0x0] =	vst.add.f32.msk $0xffff, v1  }
0x1ef: {  	s31 =	sor.u32 $0x4380, s0;
	s5 =	sor.u32 $0x4180, s30;
	s4 =	sor.u32 $0xC180, s30;
	[tilespmem:s2+$0x8000] =	vst.add.f32.msk $0xffff, v1  }
0x1f0: {  	s0 =	sor.u32 $0xC200, s30;
	s29 =	sor.u32 $0x4280, s30;
	s2 =	sor.u32 $0x4200, s30;
	v1 =	vld [tilespmem:s31+$0x10000]  }
0x1f1: {  	s28 =	sor.u32 $0xC280, s30;
	v3 =	vld [tilespmem:s30+$0x14000]  }
0x1f2: {  	s12 =	sor.u32 $0x4010, s30;
	[tilespmem:s3+$0x0] =	vst.add.f32.msk $0xffff, v0  }
0x1f3: {  	[tilespmem:s12+$0x0] =	vst.add.f32.msk $0xffff, v2;
	s12 =	sor.u32 $0xC010, s30  }
0x1f4: {  	[tilespmem:s12+$0x0] =	vst.add.f32.msk $0xffff, v2  }
0x1f5: {  	[tilespmem:s31+$0x8000] =	vst.add.f32.msk $0xffff, v1  }
0x1f6: {  	v2 =	vld [tilespmem:s30+$0x14090]  }
0x1f7: {  	[tilespmem:s6+$0x0] =	vst.add.f32.msk $0xffff, v3  }
0x1f8: {  	[tilespmem:s7+$0x0] =	vst.add.f32.msk $0xffff, v3  }
0x1f9: {  	v3 =	vld [tilespmem:s30+$0x14080]  }
0x1fa: {  	s6 =	sor.u32 $0x4090, s30;
	[tilespmem:s3+$0x8000] =	vst.add.f32.msk $0xffff, v0  }
0x1fb: {  	s3 =	sor.u32 $0xC090, s30;
	[tilespmem:s6+$0x0] =	vst.add.f32.msk $0xffff, v2  }
0x1fc: {  	[tilespmem:s3+$0x0] =	vst.add.f32.msk $0xffff, v2  }
0x1fd: {  	v0 =	vld [tilespmem:s30+$0x14110]  }
0x1fe: {  	[tilespmem:s8+$0x0] =	vst.add.f32.msk $0xffff, v3  }
0x1ff: {  	[tilespmem:s9+$0x0] =	vst.add.f32.msk $0xffff, v3  }
0x200: {  	v2 =	vld [tilespmem:s30+$0x14100]  }
0x201: {  	s3 =	sor.u32 $0x4110, s30;
	v3 =	vld [tilespmem:s26+$0x10000]  }
0x202: {  	[tilespmem:s3+$0x0] =	vst.add.f32.msk $0xffff, v0;
	s3 =	sor.u32 $0xC110, s30  }
0x203: {  	[tilespmem:s3+$0x0] =	vst.add.f32.msk $0xffff, v0  }
0x204: {  	v0 =	vld [tilespmem:s30+$0x14190]  }
0x205: {  	[tilespmem:s10+$0x0] =	vst.add.f32.msk $0xffff, v2  }
0x206: {  	[tilespmem:s11+$0x0] =	vst.add.f32.msk $0xffff, v2  }
0x207: {  	v2 =	vld [tilespmem:s30+$0x14180]  }
0x208: {  	s3 =	sor.u32 $0x4190, s30;
	[tilespmem:s26+$0x0] =	vst.add.f32.msk $0xffff, v3  }
0x209: {  	[tilespmem:s3+$0x0] =	vst.add.f32.msk $0xffff, v0;
	s3 =	sor.u32 $0xC190, s30  }
0x20a: {  	[tilespmem:s3+$0x0] =	vst.add.f32.msk $0xffff, v0  }
0x20b: {  	v0 =	vld [tilespmem:s30+$0x14210]  }
0x20c: {  	[tilespmem:s5+$0x0] =	vst.add.f32.msk $0xffff, v2  }
0x20d: {  	[tilespmem:s4+$0x0] =	vst.add.f32.msk $0xffff, v2  }
0x20e: {  	v2 =	vld [tilespmem:s30+$0x14200]  }
0x20f: {  	s3 =	sor.u32 $0x4210, s30;
	[tilespmem:s26+$0x8000] =	vst.add.f32.msk $0xffff, v3  }
0x210: {  	[tilespmem:s3+$0x0] =	vst.add.f32.msk $0xffff, v0;
	s3 =	sor.u32 $0xC210, s30  }
0x211: {  	[tilespmem:s3+$0x0] =	vst.add.f32.msk $0xffff, v0  }
0x212: {  	v3 =	vld [tilespmem:s30+$0x14290]  }
0x213: {  	s25 =	sadd.s32 $0x1, s25;
	[tilespmem:s2+$0x0] =	vst.add.f32.msk $0xffff, v2  }
0x214: {  	s2 =	sand.u32 $0x3, s25;
	[tilespmem:s0+$0x0] =	vst.add.f32.msk $0xffff, v2  }
.Ltmp3:
0x215: {  	s0 =	sshll.u32 s2, $0x5;
	v0 =	vld [tilespmem:s30+$0x14280];
	(pc) =	sbr.rel @p0 .LBB2_8-.Ltmp3, $4  }
0x216: {  	s2 =	sadd.s32 s0, s23;
	s0 =	sor.u32 $0x4290, s30;
	[tilespmem:s31+$0x0] =	vst.add.f32.msk $0xffff, v1  }
0x217: {  	s4 =	sor.u32 $0xC290, s30;
	s3 =	sor.u32 $0x4300, s2;
	[tilespmem:s0+$0x0] =	vst.add.f32.msk $0xffff, v3;
	s0 =	sadd.s32 $0x10, s2  }
0x218: {  	s26 =	sor.u32 $0x4380, s2;
	[tilespmem:s4+$0x0] =	vst.add.f32.msk $0xffff, v3;
	s2 =	sor.u32 $0x4300, s0  }
0x219: {  	v1 =	vld [tilespmem:s2+$0x10000]  }
0x21a: {  	[tilespmem:s29+$0x0] =	vst.add.f32.msk $0xffff, v0  }
0x21b: {  	[tilespmem:s28+$0x0] =	vst.add.f32.msk $0xffff, v0  }
0x21c: {  	v0 =	vld [tilespmem:s3+$0x10000];
	_ =	sdelay $0x1  }
0x21d: {  	[tilespmem:s2+$0x0] =	vst.add.f32.msk $0xffff, v1  }
0x21e: {  	s0 =	sor.u32 $0x4380, s0;
	[tilespmem:s2+$0x8000] =	vst.add.f32.msk $0xffff, v1  }
0x21f: {  	v1 =	vld [tilespmem:s0+$0x10000]  }
0x220: {  	[tilespmem:s3+$0x0] =	vst.add.f32.msk $0xffff, v0  }
0x221: {  	[tilespmem:s3+$0x8000] =	vst.add.f32.msk $0xffff, v0  }
0x222: {  	v0 =	vld [tilespmem:s26+$0x10000];
	_ =	sdelay $0x2  }
0x223: {  	[tilespmem:s0+$0x8000] =	vst.add.f32.msk $0xffff, v1  }
0x224: {  	[tilespmem:s0+$0x0] =	vst.add.f32.msk $0xffff, v1  }
0x225: {  	[tilespmem:s26+$0x0] =	vst.add.f32.msk $0xffff, v0  }
0x226: {  	[tilespmem:s26+$0x8000] =	vst.add.f32.msk $0xffff, v0  }
0x227: {  	s23 =	simm.s32 $0x0;
	s0 =	rddreg [dreg:$0x14]  }
0x228: {  	[hbm4b:s0+s23] =	stream.linear.scatter [tilespmem:s16], [sflag:$0x4], $0x4000, $0x38;
	[tilespmem:$0x18000] =	vst v63  }
0x229: {  	s2 =	rddreg [dreg:$0x15]  }
0x22a: {  	[hbm4b:s2+s23] =	stream.linear.scatter [tilespmem:s17], [sflag:$0x4], $0x4000, $0x38;
	[tilespmem:$0x18000] =	vst v63  }
0x22b: {  	_ =	swait.ge [sflag:s21], $0x4000  }
0x22c: {  	[sflag:s21] =	ssyncset.done $0x0  }
0x22d: {  	[sflag:s21] =	ssyncadd.s32 $0xFFFFC000  }
0x22e: {  	_ =	swait.ge [sflag:s21], $0x4000  }
0x22f: {  	[sflag:s21] =	ssyncset.done $0x0  }
0x230: {  	s3 =	rddreg [dreg:$0x1a];
	[sflag:s21] =	ssyncadd.s32 $0xFFFFC000  }
0x231: {  	[tilespmem:s15], [sflag:$0x2] =	stream.linear.gather [hbm4b:s3+s23], $0x4000, $0x38;
	[tilespmem:$0x18000] =	vst v63  }
0x232: {  	s4 =	rddreg [dreg:$0x1b]  }
0x233: {  	[tilespmem:s16], [sflag:$0x2] =	stream.linear.gather [hbm4b:s4+s23], $0x4000, $0x38;
	[tilespmem:$0x18000] =	vst v63  }
0x234: {  	s5 =	rddreg [dreg:$0x1d]  }
0x235: {  	[tilespmem:s17], [sflag:$0x2] =	stream.linear.gather [hbm4b:s5+s23], $0x4000, $0x38;
	[tilespmem:$0x18000] =	vst v63  }
0x236: {  	_ =	swait.ge [sflag:s18], $0x4000  }
0x237: {  	[sflag:s18] =	ssyncset.done $0x0  }
0x238: {  	[sflag:s18] =	ssyncadd.s32 $0xFFFFC000  }
0x239: {  	_ =	swait.ge [sflag:s18], $0x4000  }
0x23a: {  	[sflag:s18] =	ssyncset.done $0x0  }
0x23b: {  	[sflag:s18] =	ssyncadd.s32 $0xFFFFC000  }
0x23c: {  	s24 =	simm.s32 $0x0;
	_ =	swait.ge [sflag:s18], $0x4000  }
0x23d: {  	s6 =	sand.u32 $0x60, s24;
	s7 =	sand.u32 $0x3C00, s23;
	[sflag:s18] =	ssyncset.done $0x0  }
0x23e: {  	s0 =	sor.u32 s6, s7;
	[sflag:s18] =	ssyncadd.s32 $0xFFFFC000  }
0x23f: {  	v0 =	vld [tilespmem:s0+$0x10010];
	_ =	sdelay $0x2  }
0x240: {  	v1 =	vld [tilespmem:s0+$0x10000]  }
0x241: {  	s2 =	sor.u32 $0x10, s0  }
0x242: {  	s8 =	sor.u32 $0x8010, s0;
	[tilespmem:s2+$0x0] =	vst.add.f32.msk $0xffff, v0  }
0x243: {  	[tilespmem:s8+$0x0] =	vst.add.f32.msk $0xffff, v0  }
0x244: {  	v0 =	vld [tilespmem:s0+$0x10090]  }
0x245: {  	s9 =	sor.u32 $0x8000, s0;
	[tilespmem:s0+$0x0] =	vst.add.f32.msk $0xffff, v1  }
0x246: {  	[tilespmem:s9+$0x0] =	vst.add.f32.msk $0xffff, v1  }
0x247: {  	v1 =	vld [tilespmem:s0+$0x10080]  }
0x248: {  	s10 =	sor.u32 $0x90, s0  }
0x249: {  	s11 =	sor.u32 $0x8090, s0;
	[tilespmem:s10+$0x0] =	vst.add.f32.msk $0xffff, v0  }
0x24a: {  	[tilespmem:s11+$0x0] =	vst.add.f32.msk $0xffff, v0  }
0x24b: {  	s12 =	sor.u32 $0x80, s0;
	v0 =	vld [tilespmem:s0+$0x10110]  }
0x24c: {  	s25 =	sor.u32 $0x8080, s0;
	[tilespmem:s12+$0x0] =	vst.add.f32.msk $0xffff, v1  }
0x24d: {  	[tilespmem:s25+$0x0] =	vst.add.f32.msk $0xffff, v1  }
0x24e: {  	v1 =	vld [tilespmem:s0+$0x10100]  }
0x24f: {  	s26 =	sor.u32 $0x110, s0  }
0x250: {  	s30 =	sor.u32 $0x8110, s0;
	[tilespmem:s26+$0x0] =	vst.add.f32.msk $0xffff, v0  }
0x251: {  	[tilespmem:s30+$0x0] =	vst.add.f32.msk $0xffff, v0  }
0x252: {  	s3 =	sor.u32 $0x100, s0;
	v0 =	vld [tilespmem:s0+$0x10190]  }
0x253: {  	s4 =	sor.u32 $0x8100, s0;
	[tilespmem:s3+$0x0] =	vst.add.f32.msk $0xffff, v1  }
0x254: {  	[tilespmem:s4+$0x0] =	vst.add.f32.msk $0xffff, v1  }
0x255: {  	v1 =	vld [tilespmem:s0+$0x10180]  }
0x256: {  	s5 =	sor.u32 $0x190, s0  }
0x257: {  	s6 =	sor.u32 $0x8190, s0;
	[tilespmem:s5+$0x0] =	vst.add.f32.msk $0xffff, v0  }
0x258: {  	[tilespmem:s6+$0x0] =	vst.add.f32.msk $0xffff, v0  }
0x259: {  	s7 =	sor.u32 $0x180, s0;
	v0 =	vld [tilespmem:s0+$0x10210]  }
0x25a: {  	s8 =	sor.u32 $0x8180, s0;
	[tilespmem:s7+$0x0] =	vst.add.f32.msk $0xffff, v1  }
0x25b: {  	[tilespmem:s8+$0x0] =	vst.add.f32.msk $0xffff, v1  }
0x25c: {  	v1 =	vld [tilespmem:s0+$0x10200]  }
0x25d: {  	s9 =	sor.u32 $0x210, s0  }
0x25e: {  	s10 =	sor.u32 $0x8210, s0;
	[tilespmem:s9+$0x0] =	vst.add.f32.msk $0xffff, v0  }
0x25f: {  	[tilespmem:s10+$0x0] =	vst.add.f32.msk $0xffff, v0  }
0x260: {  	s11 =	sor.u32 $0x200, s0;
	v2 =	vld [tilespmem:s0+$0x10290]  }
0x261: {  	s12 =	sor.u32 $0x8200, s0;
	[tilespmem:s11+$0x0] =	vst.add.f32.msk $0xffff, v1  }
0x262: {  	s25 =	sand.u32 $0x3, s23;
	[tilespmem:s12+$0x0] =	vst.add.f32.msk $0xffff, v1  }
0x263: {  	s2 =	sshll.u32 s25, $0x5;
	v0 =	vld [tilespmem:s0+$0x10280]  }
0x264: {  	s26 =	sor.u32 $0x290, s0;
	s4 =	sadd.s32 $0x0, s2  }
0x265: {  	s30 =	sor.u32 $0x8290, s0;
	s2 =	sadd.s32 $0x10, s4;
	[tilespmem:s26+$0x0] =	vst.add.f32.msk $0xffff, v2  }
0x266: {  	s29 =	sor.u32 $0x280, s0;
	s28 =	sor.u32 $0x8280, s0;
	s31 =	sor.u32 $0x300, s2;
	[tilespmem:s30+$0x0] =	vst.add.f32.msk $0xffff, v2  }
0x267: {  	s25 =	simm.s32 $0x0;
	s3 =	sor.u32 $0x300, s4;
	s26 =	sor.u32 $0x380, s4;
	v1 =	vld [tilespmem:s31+$0x10000]  }
.LBB2_10:
0x268: {  	s24 =	sadd.s32 $0x20, s24;
	[tilespmem:s29+$0x0] =	vst.add.f32.msk $0xffff, v0;
	s23 =	sadd.s32 $0x100, s23  }
0x269: {  	s0 =	sand.u32 $0x60, s24;
	s4 =	sand.u32 $0x3C00, s23;
	p0 =	slt.u32 s24, $0x7E0;
	[tilespmem:s28+$0x0] =	vst.add.f32.msk $0xffff, v0  }
0x26a: {  	s30 =	sor.u32 s0, s4;
	v0 =	vld [tilespmem:s3+$0x10000]  }
0x26b: {  	s6 =	sor.u32 $0x8000, s30;
	s7 =	sor.u32 $0x80, s30;
	s8 =	sor.u32 $0x8080, s30;
	v2 =	vld [tilespmem:s30+$0x10010]  }
0x26c: {  	s9 =	sor.u32 $0x100, s30;
	s10 =	sor.u32 $0x8100, s30;
	s4 =	sor.u32 $0x180, s30;
	[tilespmem:s31+$0x0] =	vst.add.f32.msk $0xffff, v1  }
0x26d: {  	s5 =	sor.u32 $0x8180, s30;
	s0 =	sor.u32 $0x200, s30;
	[tilespmem:s31+$0x8000] =	vst.add.f32.msk $0xffff, v1;
	s31 =	sor.u32 $0x380, s2  }
0x26e: {  	s29 =	sor.u32 $0x280, s30;
	s28 =	sor.u32 $0x8280, s30;
	s2 =	sor.u32 $0x8200, s30;
	v1 =	vld [tilespmem:s31+$0x10000]  }
0x26f: {  	v3 =	vld [tilespmem:s30+$0x10000]  }
0x270: {  	s11 =	sor.u32 $0x10, s30;
	[tilespmem:s3+$0x0] =	vst.add.f32.msk $0xffff, v0  }
0x271: {  	[tilespmem:s11+$0x0] =	vst.add.f32.msk $0xffff, v2;
	s11 =	sor.u32 $0x8010, s30  }
0x272: {  	[tilespmem:s11+$0x0] =	vst.add.f32.msk $0xffff, v2  }
0x273: {  	[tilespmem:s31+$0x8000] =	vst.add.f32.msk $0xffff, v1  }
0x274: {  	v2 =	vld [tilespmem:s30+$0x10090]  }
0x275: {  	[tilespmem:s30+$0x0] =	vst.add.f32.msk $0xffff, v3  }
0x276: {  	[tilespmem:s6+$0x0] =	vst.add.f32.msk $0xffff, v3  }
0x277: {  	v3 =	vld [tilespmem:s30+$0x10080]  }
0x278: {  	s6 =	sor.u32 $0x90, s30;
	[tilespmem:s3+$0x8000] =	vst.add.f32.msk $0xffff, v0  }
0x279: {  	s3 =	sor.u32 $0x8090, s30;
	[tilespmem:s6+$0x0] =	vst.add.f32.msk $0xffff, v2  }
0x27a: {  	[tilespmem:s3+$0x0] =	vst.add.f32.msk $0xffff, v2  }
0x27b: {  	v0 =	vld [tilespmem:s30+$0x10110]  }
0x27c: {  	[tilespmem:s7+$0x0] =	vst.add.f32.msk $0xffff, v3  }
0x27d: {  	[tilespmem:s8+$0x0] =	vst.add.f32.msk $0xffff, v3  }
0x27e: {  	v2 =	vld [tilespmem:s30+$0x10100]  }
0x27f: {  	s3 =	sor.u32 $0x110, s30;
	v3 =	vld [tilespmem:s26+$0x10000]  }
0x280: {  	[tilespmem:s3+$0x0] =	vst.add.f32.msk $0xffff, v0;
	s3 =	sor.u32 $0x8110, s30  }
0x281: {  	[tilespmem:s3+$0x0] =	vst.add.f32.msk $0xffff, v0  }
0x282: {  	v0 =	vld [tilespmem:s30+$0x10190]  }
0x283: {  	[tilespmem:s9+$0x0] =	vst.add.f32.msk $0xffff, v2  }
0x284: {  	[tilespmem:s10+$0x0] =	vst.add.f32.msk $0xffff, v2  }
0x285: {  	v2 =	vld [tilespmem:s30+$0x10180]  }
0x286: {  	s3 =	sor.u32 $0x190, s30;
	[tilespmem:s26+$0x0] =	vst.add.f32.msk $0xffff, v3  }
0x287: {  	[tilespmem:s3+$0x0] =	vst.add.f32.msk $0xffff, v0;
	s3 =	sor.u32 $0x8190, s30  }
0x288: {  	[tilespmem:s3+$0x0] =	vst.add.f32.msk $0xffff, v0  }
0x289: {  	v0 =	vld [tilespmem:s30+$0x10210]  }
0x28a: {  	[tilespmem:s4+$0x0] =	vst.add.f32.msk $0xffff, v2  }
0x28b: {  	[tilespmem:s5+$0x0] =	vst.add.f32.msk $0xffff, v2  }
0x28c: {  	v2 =	vld [tilespmem:s30+$0x10200]  }
0x28d: {  	s3 =	sor.u32 $0x210, s30;
	[tilespmem:s26+$0x8000] =	vst.add.f32.msk $0xffff, v3  }
0x28e: {  	[tilespmem:s3+$0x0] =	vst.add.f32.msk $0xffff, v0;
	s3 =	sor.u32 $0x8210, s30  }
0x28f: {  	[tilespmem:s3+$0x0] =	vst.add.f32.msk $0xffff, v0  }
0x290: {  	v3 =	vld [tilespmem:s30+$0x10290]  }
0x291: {  	s25 =	sadd.s32 $0x1, s25;
	[tilespmem:s0+$0x0] =	vst.add.f32.msk $0xffff, v2  }
0x292: {  	s0 =	sand.u32 $0x3, s25;
	[tilespmem:s2+$0x0] =	vst.add.f32.msk $0xffff, v2  }
.Ltmp4:
0x293: {  	s0 =	sshll.u32 s0, $0x5;
	v0 =	vld [tilespmem:s30+$0x10280];
	(pc) =	sbr.rel @p0 .LBB2_10-.Ltmp4, $4  }
0x294: {  	s2 =	sor.u32 $0x290, s30;
	s0 =	sadd.s32 s0, s23;
	[tilespmem:s31+$0x0] =	vst.add.f32.msk $0xffff, v1  }
0x295: {  	s4 =	sor.u32 $0x8290, s30;
	s3 =	sor.u32 $0x300, s0;
	[tilespmem:s2+$0x0] =	vst.add.f32.msk $0xffff, v3;
	s2 =	sadd.s32 $0x10, s0  }
0x296: {  	s26 =	sor.u32 $0x380, s0;
	[tilespmem:s4+$0x0] =	vst.add.f32.msk $0xffff, v3;
	s31 =	sor.u32 $0x300, s2  }
0x297: {  	v1 =	vld [tilespmem:s31+$0x10000]  }
0x298: {  	[tilespmem:s29+$0x0] =	vst.add.f32.msk $0xffff, v0  }
0x299: {  	[tilespmem:s28+$0x0] =	vst.add.f32.msk $0xffff, v0  }
0x29a: {  	v0 =	vld [tilespmem:s3+$0x10000];
	_ =	sdelay $0x1  }
0x29b: {  	[tilespmem:s31+$0x0] =	vst.add.f32.msk $0xffff, v1  }
0x29c: {  	s0 =	sor.u32 $0x380, s2;
	[tilespmem:s31+$0x8000] =	vst.add.f32.msk $0xffff, v1  }
0x29d: {  	v1 =	vld [tilespmem:s0+$0x10000]  }
0x29e: {  	[tilespmem:s3+$0x0] =	vst.add.f32.msk $0xffff, v0  }
0x29f: {  	[tilespmem:s3+$0x8000] =	vst.add.f32.msk $0xffff, v0  }
0x2a0: {  	v0 =	vld [tilespmem:s26+$0x10000];
	_ =	sdelay $0x2  }
0x2a1: {  	[tilespmem:s0+$0x8000] =	vst.add.f32.msk $0xffff, v1  }
0x2a2: {  	[tilespmem:s0+$0x0] =	vst.add.f32.msk $0xffff, v1  }
0x2a3: {  	[tilespmem:s26+$0x0] =	vst.add.f32.msk $0xffff, v0  }
0x2a4: {  	[tilespmem:s26+$0x8000] =	vst.add.f32.msk $0xffff, v0  }
0x2a5: {  	s23 =	simm.s32 $0x0;
	s0 =	rddreg [dreg:$0x17]  }
0x2a6: {  	[hbm4b:s0+s23] =	stream.linear.scatter [tilespmem:s23], [sflag:$0x3], $0x4000, $0x38;
	[tilespmem:$0x18000] =	vst v63  }
0x2a7: {  	s3 =	rddreg [dreg:$0x19]  }
0x2a8: {  	[hbm4b:s3+s23] =	stream.linear.scatter [tilespmem:s14], [sflag:$0x3], $0x4000, $0x38;
	[tilespmem:$0x18000] =	vst v63  }
0x2a9: {  	_ =	swait.ge [sflag:s19], $0x4000  }
0x2aa: {  	[sflag:s19] =	ssyncset.done $0x0  }
0x2ab: {  	[sflag:s19] =	ssyncadd.s32 $0xFFFFC000  }
0x2ac: {  	_ =	swait.ge [sflag:s19], $0x4000  }
0x2ad: {  	s4 =	sld [smem:$0x7F1]  }
0x2ae: {  	[sflag:s19] =	ssyncset.done $0x0  }
0x2af: {  	s5 =	sld [smem:$0x7F5];
	[sflag:s19] =	ssyncadd.s32 $0xFFFFC000  }
0x2b0: {  	[tilespmem:s13], [sflag:$0x1] =	stream.linear.gather [hbm4b:s4+s23], $0x4000, $0x38;
	[tilespmem:$0x18000] =	vst v63  }
0x2b1: {  	s6 =	sld [smem:$0x7F6]  }
0x2b2: {  	[tilespmem:s23], [sflag:$0x1] =	stream.linear.gather [hbm4b:s5+s23], $0x4000, $0x38;
	[tilespmem:$0x18000] =	vst v63  }
0x2b3: {  	_ = 	snop  }
0x2b4: {  	[tilespmem:s14], [sflag:$0x1] =	stream.linear.gather [hbm4b:s6+s23], $0x4000, $0x38;
	[tilespmem:$0x18000] =	vst v63  }
0x2b5: {  	_ =	swait.ge [sflag:s20], $0x4000  }
0x2b6: {  	[sflag:s20] =	ssyncset.done $0x0  }
0x2b7: {  	[sflag:s20] =	ssyncadd.s32 $0xFFFFC000  }
0x2b8: {  	_ =	swait.ge [sflag:s20], $0x4000  }
0x2b9: {  	[sflag:s20] =	ssyncset.done $0x0  }
0x2ba: {  	[sflag:s20] =	ssyncadd.s32 $0xFFFFC000  }
0x2bb: {  	s24 =	simm.s32 $0x0;
	_ =	swait.ge [sflag:s20], $0x4000  }
0x2bc: {  	s7 =	sand.u32 $0x60, s24;
	s8 =	sand.u32 $0x3C00, s23;
	[sflag:s20] =	ssyncset.done $0x0  }
0x2bd: {  	s2 =	sor.u32 s7, s8;
	[sflag:s20] =	ssyncadd.s32 $0xFFFFC000  }
0x2be: {  	v0 =	vld [tilespmem:s2+$0x14010];
	_ =	sdelay $0x2  }
0x2bf: {  	v1 =	vld [tilespmem:s2+$0x14000]  }
0x2c0: {  	s0 =	sor.u32 $0x4010, s2  }
0x2c1: {  	s9 =	sor.u32 $0xC010, s2;
	[tilespmem:s0+$0x0] =	vst.add.f32.msk $0xffff, v0  }
0x2c2: {  	[tilespmem:s9+$0x0] =	vst.add.f32.msk $0xffff, v0  }
0x2c3: {  	s10 =	sor.u32 $0x4000, s2;
	v0 =	vld [tilespmem:s2+$0x14090]  }
0x2c4: {  	s11 =	sor.u32 $0xC000, s2;
	[tilespmem:s10+$0x0] =	vst.add.f32.msk $0xffff, v1  }
0x2c5: {  	[tilespmem:s11+$0x0] =	vst.add.f32.msk $0xffff, v1  }
0x2c6: {  	v1 =	vld [tilespmem:s2+$0x14080]  }
0x2c7: {  	s12 =	sor.u32 $0x4090, s2  }
0x2c8: {  	s25 =	sor.u32 $0xC090, s2;
	[tilespmem:s12+$0x0] =	vst.add.f32.msk $0xffff, v0  }
0x2c9: {  	[tilespmem:s25+$0x0] =	vst.add.f32.msk $0xffff, v0  }
0x2ca: {  	s26 =	sor.u32 $0x4080, s2;
	v0 =	vld [tilespmem:s2+$0x14110]  }
0x2cb: {  	s30 =	sor.u32 $0xC080, s2;
	[tilespmem:s26+$0x0] =	vst.add.f32.msk $0xffff, v1  }
0x2cc: {  	[tilespmem:s30+$0x0] =	vst.add.f32.msk $0xffff, v1  }
0x2cd: {  	v1 =	vld [tilespmem:s2+$0x14100]  }
0x2ce: {  	s31 =	sor.u32 $0x4110, s2  }
0x2cf: {  	s3 =	sor.u32 $0xC110, s2;
	[tilespmem:s31+$0x0] =	vst.add.f32.msk $0xffff, v0  }
0x2d0: {  	[tilespmem:s3+$0x0] =	vst.add.f32.msk $0xffff, v0  }
0x2d1: {  	s4 =	sor.u32 $0x4100, s2;
	v0 =	vld [tilespmem:s2+$0x14190]  }
0x2d2: {  	s5 =	sor.u32 $0xC100, s2;
	[tilespmem:s4+$0x0] =	vst.add.f32.msk $0xffff, v1  }
0x2d3: {  	[tilespmem:s5+$0x0] =	vst.add.f32.msk $0xffff, v1  }
0x2d4: {  	v1 =	vld [tilespmem:s2+$0x14180]  }
0x2d5: {  	s6 =	sor.u32 $0x4190, s2  }
0x2d6: {  	s7 =	sor.u32 $0xC190, s2;
	[tilespmem:s6+$0x0] =	vst.add.f32.msk $0xffff, v0  }
0x2d7: {  	[tilespmem:s7+$0x0] =	vst.add.f32.msk $0xffff, v0  }
0x2d8: {  	s8 =	sor.u32 $0x4180, s2;
	v0 =	vld [tilespmem:s2+$0x14210]  }
0x2d9: {  	s9 =	sor.u32 $0xC180, s2;
	[tilespmem:s8+$0x0] =	vst.add.f32.msk $0xffff, v1  }
0x2da: {  	[tilespmem:s9+$0x0] =	vst.add.f32.msk $0xffff, v1  }
0x2db: {  	v1 =	vld [tilespmem:s2+$0x14200]  }
0x2dc: {  	s10 =	sor.u32 $0x4210, s2  }
0x2dd: {  	s11 =	sor.u32 $0xC210, s2;
	[tilespmem:s10+$0x0] =	vst.add.f32.msk $0xffff, v0  }
0x2de: {  	[tilespmem:s11+$0x0] =	vst.add.f32.msk $0xffff, v0  }
0x2df: {  	s12 =	sor.u32 $0x4200, s2;
	v2 =	vld [tilespmem:s2+$0x14290]  }
0x2e0: {  	s25 =	sor.u32 $0xC200, s2;
	[tilespmem:s12+$0x0] =	vst.add.f32.msk $0xffff, v1  }
0x2e1: {  	s26 =	sand.u32 $0x3, s23;
	[tilespmem:s25+$0x0] =	vst.add.f32.msk $0xffff, v1  }
0x2e2: {  	s0 =	sshll.u32 s26, $0x5;
	v0 =	vld [tilespmem:s2+$0x14280]  }
0x2e3: {  	s30 =	sor.u32 $0x4290, s2;
	s4 =	sadd.s32 $0x0, s0  }
0x2e4: {  	s31 =	sor.u32 $0xC290, s2;
	s0 =	sadd.s32 $0x10, s4;
	[tilespmem:s30+$0x0] =	vst.add.f32.msk $0xffff, v2  }
0x2e5: {  	s29 =	sor.u32 $0x4280, s2;
	s28 =	sor.u32 $0xC280, s2;
	s2 =	sor.u32 $0x4300, s0;
	[tilespmem:s31+$0x0] =	vst.add.f32.msk $0xffff, v2  }
0x2e6: {  	s3 =	sor.u32 $0x4300, s4;
	s26 =	sor.u32 $0x4380, s4;
	s25 =	simm.s32 $0x0;
	v1 =	vld [tilespmem:s2+$0x10000]  }
.LBB2_12:
0x2e7: {  	s24 =	sadd.s32 $0x20, s24;
	[tilespmem:s29+$0x0] =	vst.add.f32.msk $0xffff, v0;
	s23 =	sadd.s32 $0x100, s23  }
0x2e8: {  	s4 =	sand.u32 $0x60, s24;
	s5 =	sand.u32 $0x3C00, s23;
	p0 =	slt.u32 s24, $0x7E0;
	[tilespmem:s28+$0x0] =	vst.add.f32.msk $0xffff, v0  }
0x2e9: {  	s30 =	sor.u32 s4, s5;
	v0 =	vld [tilespmem:s3+$0x10000]  }
0x2ea: {  	s6 =	sor.u32 $0x4000, s30;
	s7 =	sor.u32 $0xC000, s30;
	s8 =	sor.u32 $0x4080, s30;
	v2 =	vld [tilespmem:s30+$0x14010]  }
0x2eb: {  	s9 =	sor.u32 $0xC080, s30;
	s10 =	sor.u32 $0x4100, s30;
	s11 =	sor.u32 $0xC100, s30;
	[tilespmem:s2+$0x0] =	vst.add.f32.msk $0xffff, v1  }
0x2ec: {  	s31 =	sor.u32 $0x4380, s0;
	s5 =	sor.u32 $0x4180, s30;
	s4 =	sor.u32 $0xC180, s30;
	[tilespmem:s2+$0x8000] =	vst.add.f32.msk $0xffff, v1  }
0x2ed: {  	s0 =	sor.u32 $0xC200, s30;
	s29 =	sor.u32 $0x4280, s30;
	s2 =	sor.u32 $0x4200, s30;
	v1 =	vld [tilespmem:s31+$0x10000]  }
0x2ee: {  	s28 =	sor.u32 $0xC280, s30;
	v3 =	vld [tilespmem:s30+$0x14000]  }
0x2ef: {  	s12 =	sor.u32 $0x4010, s30;
	[tilespmem:s3+$0x0] =	vst.add.f32.msk $0xffff, v0  }
0x2f0: {  	[tilespmem:s12+$0x0] =	vst.add.f32.msk $0xffff, v2;
	s12 =	sor.u32 $0xC010, s30  }
0x2f1: {  	[tilespmem:s12+$0x0] =	vst.add.f32.msk $0xffff, v2  }
0x2f2: {  	[tilespmem:s31+$0x8000] =	vst.add.f32.msk $0xffff, v1  }
0x2f3: {  	v2 =	vld [tilespmem:s30+$0x14090]  }
0x2f4: {  	[tilespmem:s6+$0x0] =	vst.add.f32.msk $0xffff, v3  }
0x2f5: {  	[tilespmem:s7+$0x0] =	vst.add.f32.msk $0xffff, v3  }
0x2f6: {  	v3 =	vld [tilespmem:s30+$0x14080]  }
0x2f7: {  	s6 =	sor.u32 $0x4090, s30;
	[tilespmem:s3+$0x8000] =	vst.add.f32.msk $0xffff, v0  }
0x2f8: {  	s3 =	sor.u32 $0xC090, s30;
	[tilespmem:s6+$0x0] =	vst.add.f32.msk $0xffff, v2  }
0x2f9: {  	[tilespmem:s3+$0x0] =	vst.add.f32.msk $0xffff, v2  }
0x2fa: {  	v0 =	vld [tilespmem:s30+$0x14110]  }
0x2fb: {  	[tilespmem:s8+$0x0] =	vst.add.f32.msk $0xffff, v3  }
0x2fc: {  	[tilespmem:s9+$0x0] =	vst.add.f32.msk $0xffff, v3  }
0x2fd: {  	v2 =	vld [tilespmem:s30+$0x14100]  }
0x2fe: {  	s3 =	sor.u32 $0x4110, s30;
	v3 =	vld [tilespmem:s26+$0x10000]  }
0x2ff: {  	[tilespmem:s3+$0x0] =	vst.add.f32.msk $0xffff, v0;
	s3 =	sor.u32 $0xC110, s30  }
0x300: {  	[tilespmem:s3+$0x0] =	vst.add.f32.msk $0xffff, v0  }
0x301: {  	v0 =	vld [tilespmem:s30+$0x14190]  }
0x302: {  	[tilespmem:s10+$0x0] =	vst.add.f32.msk $0xffff, v2  }
0x303: {  	[tilespmem:s11+$0x0] =	vst.add.f32.msk $0xffff, v2  }
0x304: {  	v2 =	vld [tilespmem:s30+$0x14180]  }
0x305: {  	s3 =	sor.u32 $0x4190, s30;
	[tilespmem:s26+$0x0] =	vst.add.f32.msk $0xffff, v3  }
0x306: {  	[tilespmem:s3+$0x0] =	vst.add.f32.msk $0xffff, v0;
	s3 =	sor.u32 $0xC190, s30  }
0x307: {  	[tilespmem:s3+$0x0] =	vst.add.f32.msk $0xffff, v0  }
0x308: {  	v0 =	vld [tilespmem:s30+$0x14210]  }
0x309: {  	[tilespmem:s5+$0x0] =	vst.add.f32.msk $0xffff, v2  }
0x30a: {  	[tilespmem:s4+$0x0] =	vst.add.f32.msk $0xffff, v2  }
0x30b: {  	v2 =	vld [tilespmem:s30+$0x14200]  }
0x30c: {  	s3 =	sor.u32 $0x4210, s30;
	[tilespmem:s26+$0x8000] =	vst.add.f32.msk $0xffff, v3  }
0x30d: {  	[tilespmem:s3+$0x0] =	vst.add.f32.msk $0xffff, v0;
	s3 =	sor.u32 $0xC210, s30  }
0x30e: {  	[tilespmem:s3+$0x0] =	vst.add.f32.msk $0xffff, v0  }
0x30f: {  	v3 =	vld [tilespmem:s30+$0x14290]  }
0x310: {  	s25 =	sadd.s32 $0x1, s25;
	[tilespmem:s2+$0x0] =	vst.add.f32.msk $0xffff, v2  }
0x311: {  	s2 =	sand.u32 $0x3, s25;
	[tilespmem:s0+$0x0] =	vst.add.f32.msk $0xffff, v2  }
.Ltmp5:
0x312: {  	s0 =	sshll.u32 s2, $0x5;
	v0 =	vld [tilespmem:s30+$0x14280];
	(pc) =	sbr.rel @p0 .LBB2_12-.Ltmp5, $4  }
0x313: {  	s2 =	sadd.s32 s0, s23;
	s0 =	sor.u32 $0x4290, s30;
	[tilespmem:s31+$0x0] =	vst.add.f32.msk $0xffff, v1  }
0x314: {  	s4 =	sor.u32 $0xC290, s30;
	s3 =	sor.u32 $0x4300, s2;
	[tilespmem:s0+$0x0] =	vst.add.f32.msk $0xffff, v3;
	s0 =	sadd.s32 $0x10, s2  }
0x315: {  	s26 =	sor.u32 $0x4380, s2;
	[tilespmem:s4+$0x0] =	vst.add.f32.msk $0xffff, v3;
	s2 =	sor.u32 $0x4300, s0  }
0x316: {  	v1 =	vld [tilespmem:s2+$0x10000]  }
0x317: {  	[tilespmem:s29+$0x0] =	vst.add.f32.msk $0xffff, v0  }
0x318: {  	[tilespmem:s28+$0x0] =	vst.add.f32.msk $0xffff, v0  }
0x319: {  	v0 =	vld [tilespmem:s3+$0x10000];
	_ =	sdelay $0x1  }
0x31a: {  	[tilespmem:s2+$0x0] =	vst.add.f32.msk $0xffff, v1  }
0x31b: {  	s0 =	sor.u32 $0x4380, s0;
	[tilespmem:s2+$0x8000] =	vst.add.f32.msk $0xffff, v1  }
0x31c: {  	v1 =	vld [tilespmem:s0+$0x10000]  }
0x31d: {  	[tilespmem:s3+$0x0] =	vst.add.f32.msk $0xffff, v0  }
0x31e: {  	[tilespmem:s3+$0x8000] =	vst.add.f32.msk $0xffff, v0  }
0x31f: {  	v0 =	vld [tilespmem:s26+$0x10000];
	_ =	sdelay $0x2  }
0x320: {  	[tilespmem:s0+$0x8000] =	vst.add.f32.msk $0xffff, v1  }
0x321: {  	[tilespmem:s0+$0x0] =	vst.add.f32.msk $0xffff, v1  }
0x322: {  	[tilespmem:s26+$0x0] =	vst.add.f32.msk $0xffff, v0  }
0x323: {  	[tilespmem:s26+$0x8000] =	vst.add.f32.msk $0xffff, v0  }
0x324: {  	s23 =	simm.s32 $0x0;
	s0 =	rddreg [dreg:$0x1c]  }
0x325: {  	[hbm4b:s0+s23] =	stream.linear.scatter [tilespmem:s16], [sflag:$0x4], $0x4000, $0x38;
	[tilespmem:$0x18000] =	vst v63  }
0x326: {  	s2 =	rddreg [dreg:$0x1e]  }
0x327: {  	[hbm4b:s2+s23] =	stream.linear.scatter [tilespmem:s17], [sflag:$0x4], $0x4000, $0x38;
	[tilespmem:$0x18000] =	vst v63  }
0x328: {  	_ =	swait.ge [sflag:s21], $0x4000  }
0x329: {  	[sflag:s21] =	ssyncset.done $0x0  }
0x32a: {  	[sflag:s21] =	ssyncadd.s32 $0xFFFFC000  }
0x32b: {  	_ =	swait.ge [sflag:s21], $0x4000  }
0x32c: {  	s3 =	sld [smem:$0x7F2]  }
0x32d: {  	[sflag:s21] =	ssyncset.done $0x0  }
0x32e: {  	s4 =	sld [smem:$0x7F7];
	[sflag:s21] =	ssyncadd.s32 $0xFFFFC000  }
0x32f: {  	[tilespmem:s15], [sflag:$0x2] =	stream.linear.gather [hbm4b:s3+s23], $0x4000, $0x38;
	[tilespmem:$0x18000] =	vst v63  }
0x330: {  	s5 =	sld [smem:$0x7F8]  }
0x331: {  	[tilespmem:s16], [sflag:$0x2] =	stream.linear.gather [hbm4b:s4+s23], $0x4000, $0x38;
	[tilespmem:$0x18000] =	vst v63  }
0x332: {  	_ = 	snop  }
0x333: {  	[tilespmem:s17], [sflag:$0x2] =	stream.linear.gather [hbm4b:s5+s23], $0x4000, $0x38;
	[tilespmem:$0x18000] =	vst v63  }
0x334: {  	_ =	swait.ge [sflag:s18], $0x4000  }
0x335: {  	[sflag:s18] =	ssyncset.done $0x0  }
0x336: {  	[sflag:s18] =	ssyncadd.s32 $0xFFFFC000  }
0x337: {  	_ =	swait.ge [sflag:s18], $0x4000  }
0x338: {  	[sflag:s18] =	ssyncset.done $0x0  }
0x339: {  	[sflag:s18] =	ssyncadd.s32 $0xFFFFC000  }
0x33a: {  	s24 =	simm.s32 $0x0;
	_ =	swait.ge [sflag:s18], $0x4000  }
0x33b: {  	s6 =	sand.u32 $0x60, s24;
	s7 =	sand.u32 $0x3C00, s23;
	[sflag:s18] =	ssyncset.done $0x0  }
0x33c: {  	s0 =	sor.u32 s6, s7;
	[sflag:s18] =	ssyncadd.s32 $0xFFFFC000  }
0x33d: {  	v0 =	vld [tilespmem:s0+$0x10010];
	_ =	sdelay $0x2  }
0x33e: {  	v1 =	vld [tilespmem:s0+$0x10000]  }
0x33f: {  	s2 =	sor.u32 $0x10, s0  }
0x340: {  	s8 =	sor.u32 $0x8010, s0;
	[tilespmem:s2+$0x0] =	vst.add.f32.msk $0xffff, v0  }
0x341: {  	[tilespmem:s8+$0x0] =	vst.add.f32.msk $0xffff, v0  }
0x342: {  	v0 =	vld [tilespmem:s0+$0x10090]  }
0x343: {  	s9 =	sor.u32 $0x8000, s0;
	[tilespmem:s0+$0x0] =	vst.add.f32.msk $0xffff, v1  }
0x344: {  	[tilespmem:s9+$0x0] =	vst.add.f32.msk $0xffff, v1  }
0x345: {  	v1 =	vld [tilespmem:s0+$0x10080]  }
0x346: {  	s10 =	sor.u32 $0x90, s0  }
0x347: {  	s11 =	sor.u32 $0x8090, s0;
	[tilespmem:s10+$0x0] =	vst.add.f32.msk $0xffff, v0  }
0x348: {  	[tilespmem:s11+$0x0] =	vst.add.f32.msk $0xffff, v0  }
0x349: {  	s12 =	sor.u32 $0x80, s0;
	v0 =	vld [tilespmem:s0+$0x10110]  }
0x34a: {  	s25 =	sor.u32 $0x8080, s0;
	[tilespmem:s12+$0x0] =	vst.add.f32.msk $0xffff, v1  }
0x34b: {  	[tilespmem:s25+$0x0] =	vst.add.f32.msk $0xffff, v1  }
0x34c: {  	v1 =	vld [tilespmem:s0+$0x10100]  }
0x34d: {  	s26 =	sor.u32 $0x110, s0  }
0x34e: {  	s30 =	sor.u32 $0x8110, s0;
	[tilespmem:s26+$0x0] =	vst.add.f32.msk $0xffff, v0  }
0x34f: {  	[tilespmem:s30+$0x0] =	vst.add.f32.msk $0xffff, v0  }
0x350: {  	s3 =	sor.u32 $0x100, s0;
	v0 =	vld [tilespmem:s0+$0x10190]  }
0x351: {  	s4 =	sor.u32 $0x8100, s0;
	[tilespmem:s3+$0x0] =	vst.add.f32.msk $0xffff, v1  }
0x352: {  	[tilespmem:s4+$0x0] =	vst.add.f32.msk $0xffff, v1  }
0x353: {  	v1 =	vld [tilespmem:s0+$0x10180]  }
0x354: {  	s5 =	sor.u32 $0x190, s0  }
0x355: {  	s6 =	sor.u32 $0x8190, s0;
	[tilespmem:s5+$0x0] =	vst.add.f32.msk $0xffff, v0  }
0x356: {  	[tilespmem:s6+$0x0] =	vst.add.f32.msk $0xffff, v0  }
0x357: {  	s7 =	sor.u32 $0x180, s0;
	v0 =	vld [tilespmem:s0+$0x10210]  }
0x358: {  	s8 =	sor.u32 $0x8180, s0;
	[tilespmem:s7+$0x0] =	vst.add.f32.msk $0xffff, v1  }
0x359: {  	[tilespmem:s8+$0x0] =	vst.add.f32.msk $0xffff, v1  }
0x35a: {  	v1 =	vld [tilespmem:s0+$0x10200]  }
0x35b: {  	s9 =	sor.u32 $0x210, s0  }
0x35c: {  	s10 =	sor.u32 $0x8210, s0;
	[tilespmem:s9+$0x0] =	vst.add.f32.msk $0xffff, v0  }
0x35d: {  	[tilespmem:s10+$0x0] =	vst.add.f32.msk $0xffff, v0  }
0x35e: {  	s11 =	sor.u32 $0x200, s0;
	v2 =	vld [tilespmem:s0+$0x10290]  }
0x35f: {  	s12 =	sor.u32 $0x8200, s0;
	[tilespmem:s11+$0x0] =	vst.add.f32.msk $0xffff, v1  }
0x360: {  	s25 =	sand.u32 $0x3, s23;
	[tilespmem:s12+$0x0] =	vst.add.f32.msk $0xffff, v1  }
0x361: {  	s2 =	sshll.u32 s25, $0x5;
	v0 =	vld [tilespmem:s0+$0x10280]  }
0x362: {  	s26 =	sor.u32 $0x290, s0;
	s4 =	sadd.s32 $0x0, s2  }
0x363: {  	s30 =	sor.u32 $0x8290, s0;
	s2 =	sadd.s32 $0x10, s4;
	[tilespmem:s26+$0x0] =	vst.add.f32.msk $0xffff, v2  }
0x364: {  	s29 =	sor.u32 $0x280, s0;
	s28 =	sor.u32 $0x8280, s0;
	s31 =	sor.u32 $0x300, s2;
	[tilespmem:s30+$0x0] =	vst.add.f32.msk $0xffff, v2  }
0x365: {  	s25 =	simm.s32 $0x0;
	s3 =	sor.u32 $0x300, s4;
	s26 =	sor.u32 $0x380, s4;
	v1 =	vld [tilespmem:s31+$0x10000]  }
.LBB2_14:
0x366: {  	s24 =	sadd.s32 $0x20, s24;
	[tilespmem:s29+$0x0] =	vst.add.f32.msk $0xffff, v0;
	s23 =	sadd.s32 $0x100, s23  }
0x367: {  	s0 =	sand.u32 $0x60, s24;
	s4 =	sand.u32 $0x3C00, s23;
	p0 =	slt.u32 s24, $0x7E0;
	[tilespmem:s28+$0x0] =	vst.add.f32.msk $0xffff, v0  }
0x368: {  	s30 =	sor.u32 s0, s4;
	v0 =	vld [tilespmem:s3+$0x10000]  }
0x369: {  	s6 =	sor.u32 $0x8000, s30;
	s7 =	sor.u32 $0x80, s30;
	s8 =	sor.u32 $0x8080, s30;
	v2 =	vld [tilespmem:s30+$0x10010]  }
0x36a: {  	s9 =	sor.u32 $0x100, s30;
	s10 =	sor.u32 $0x8100, s30;
	s4 =	sor.u32 $0x180, s30;
	[tilespmem:s31+$0x0] =	vst.add.f32.msk $0xffff, v1  }
0x36b: {  	s5 =	sor.u32 $0x8180, s30;
	s0 =	sor.u32 $0x200, s30;
	[tilespmem:s31+$0x8000] =	vst.add.f32.msk $0xffff, v1;
	s31 =	sor.u32 $0x380, s2  }
0x36c: {  	s29 =	sor.u32 $0x280, s30;
	s28 =	sor.u32 $0x8280, s30;
	s2 =	sor.u32 $0x8200, s30;
	v1 =	vld [tilespmem:s31+$0x10000]  }
0x36d: {  	v3 =	vld [tilespmem:s30+$0x10000]  }
0x36e: {  	s11 =	sor.u32 $0x10, s30;
	[tilespmem:s3+$0x0] =	vst.add.f32.msk $0xffff, v0  }
0x36f: {  	[tilespmem:s11+$0x0] =	vst.add.f32.msk $0xffff, v2;
	s11 =	sor.u32 $0x8010, s30  }
0x370: {  	[tilespmem:s11+$0x0] =	vst.add.f32.msk $0xffff, v2  }
0x371: {  	[tilespmem:s31+$0x8000] =	vst.add.f32.msk $0xffff, v1  }
0x372: {  	v2 =	vld [tilespmem:s30+$0x10090]  }
0x373: {  	[tilespmem:s30+$0x0] =	vst.add.f32.msk $0xffff, v3  }
0x374: {  	[tilespmem:s6+$0x0] =	vst.add.f32.msk $0xffff, v3  }
0x375: {  	v3 =	vld [tilespmem:s30+$0x10080]  }
0x376: {  	s6 =	sor.u32 $0x90, s30;
	[tilespmem:s3+$0x8000] =	vst.add.f32.msk $0xffff, v0  }
0x377: {  	s3 =	sor.u32 $0x8090, s30;
	[tilespmem:s6+$0x0] =	vst.add.f32.msk $0xffff, v2  }
0x378: {  	[tilespmem:s3+$0x0] =	vst.add.f32.msk $0xffff, v2  }
0x379: {  	v0 =	vld [tilespmem:s30+$0x10110]  }
0x37a: {  	[tilespmem:s7+$0x0] =	vst.add.f32.msk $0xffff, v3  }
0x37b: {  	[tilespmem:s8+$0x0] =	vst.add.f32.msk $0xffff, v3  }
0x37c: {  	v2 =	vld [tilespmem:s30+$0x10100]  }
0x37d: {  	s3 =	sor.u32 $0x110, s30;
	v3 =	vld [tilespmem:s26+$0x10000]  }
0x37e: {  	[tilespmem:s3+$0x0] =	vst.add.f32.msk $0xffff, v0;
	s3 =	sor.u32 $0x8110, s30  }
0x37f: {  	[tilespmem:s3+$0x0] =	vst.add.f32.msk $0xffff, v0  }
0x380: {  	v0 =	vld [tilespmem:s30+$0x10190]  }
0x381: {  	[tilespmem:s9+$0x0] =	vst.add.f32.msk $0xffff, v2  }
0x382: {  	[tilespmem:s10+$0x0] =	vst.add.f32.msk $0xffff, v2  }
0x383: {  	v2 =	vld [tilespmem:s30+$0x10180]  }
0x384: {  	s3 =	sor.u32 $0x190, s30;
	[tilespmem:s26+$0x0] =	vst.add.f32.msk $0xffff, v3  }
0x385: {  	[tilespmem:s3+$0x0] =	vst.add.f32.msk $0xffff, v0;
	s3 =	sor.u32 $0x8190, s30  }
0x386: {  	[tilespmem:s3+$0x0] =	vst.add.f32.msk $0xffff, v0  }
0x387: {  	v0 =	vld [tilespmem:s30+$0x10210]  }
0x388: {  	[tilespmem:s4+$0x0] =	vst.add.f32.msk $0xffff, v2  }
0x389: {  	[tilespmem:s5+$0x0] =	vst.add.f32.msk $0xffff, v2  }
0x38a: {  	v2 =	vld [tilespmem:s30+$0x10200]  }
0x38b: {  	s3 =	sor.u32 $0x210, s30;
	[tilespmem:s26+$0x8000] =	vst.add.f32.msk $0xffff, v3  }
0x38c: {  	[tilespmem:s3+$0x0] =	vst.add.f32.msk $0xffff, v0;
	s3 =	sor.u32 $0x8210, s30  }
0x38d: {  	[tilespmem:s3+$0x0] =	vst.add.f32.msk $0xffff, v0  }
0x38e: {  	v3 =	vld [tilespmem:s30+$0x10290]  }
0x38f: {  	s25 =	sadd.s32 $0x1, s25;
	[tilespmem:s0+$0x0] =	vst.add.f32.msk $0xffff, v2  }
0x390: {  	s0 =	sand.u32 $0x3, s25;
	[tilespmem:s2+$0x0] =	vst.add.f32.msk $0xffff, v2  }
.Ltmp6:
0x391: {  	s0 =	sshll.u32 s0, $0x5;
	v0 =	vld [tilespmem:s30+$0x10280];
	(pc) =	sbr.rel @p0 .LBB2_14-.Ltmp6, $4  }
0x392: {  	s2 =	sor.u32 $0x290, s30;
	s0 =	sadd.s32 s0, s23;
	[tilespmem:s31+$0x0] =	vst.add.f32.msk $0xffff, v1  }
0x393: {  	s4 =	sor.u32 $0x8290, s30;
	s3 =	sor.u32 $0x300, s0;
	[tilespmem:s2+$0x0] =	vst.add.f32.msk $0xffff, v3;
	s2 =	sadd.s32 $0x10, s0  }
0x394: {  	s26 =	sor.u32 $0x380, s0;
	[tilespmem:s4+$0x0] =	vst.add.f32.msk $0xffff, v3;
	s31 =	sor.u32 $0x300, s2  }
0x395: {  	v1 =	vld [tilespmem:s31+$0x10000]  }
0x396: {  	[tilespmem:s29+$0x0] =	vst.add.f32.msk $0xffff, v0  }
0x397: {  	[tilespmem:s28+$0x0] =	vst.add.f32.msk $0xffff, v0  }
0x398: {  	v0 =	vld [tilespmem:s3+$0x10000];
	_ =	sdelay $0x1  }
0x399: {  	[tilespmem:s31+$0x0] =	vst.add.f32.msk $0xffff, v1  }
0x39a: {  	s0 =	sor.u32 $0x380, s2;
	[tilespmem:s31+$0x8000] =	vst.add.f32.msk $0xffff, v1  }
0x39b: {  	v1 =	vld [tilespmem:s0+$0x10000]  }
0x39c: {  	[tilespmem:s3+$0x0] =	vst.add.f32.msk $0xffff, v0  }
0x39d: {  	[tilespmem:s3+$0x8000] =	vst.add.f32.msk $0xffff, v0  }
0x39e: {  	v0 =	vld [tilespmem:s26+$0x10000];
	_ =	sdelay $0x2  }
0x39f: {  	[tilespmem:s0+$0x8000] =	vst.add.f32.msk $0xffff, v1  }
0x3a0: {  	[tilespmem:s0+$0x0] =	vst.add.f32.msk $0xffff, v1  }
0x3a1: {  	[tilespmem:s26+$0x0] =	vst.add.f32.msk $0xffff, v0  }
0x3a2: {  	[tilespmem:s26+$0x8000] =	vst.add.f32.msk $0xffff, v0  }
0x3a3: {  	s0 =	sld [smem:$0x7F9];
	_ =	sdelay $0x1  }
0x3a4: {  	s23 =	simm.s32 $0x0;
	s6 =	sld [smem:$0x7FA]  }
0x3a5: {  	[hbm4b:s0+s23] =	stream.linear.scatter [tilespmem:s23], [sflag:$0x3], $0x4000, $0x38;
	[tilespmem:$0x18000] =	vst v63  }
0x3a6: {  	_ = 	snop  }
0x3a7: {  	[hbm4b:s6+s23] =	stream.linear.scatter [tilespmem:s14], [sflag:$0x3], $0x4000, $0x38;
	[tilespmem:$0x18000] =	vst v63  }
0x3a8: {  	_ =	swait.ge [sflag:s20], $0x4000  }
0x3a9: {  	[sflag:s20] =	ssyncset.done $0x0  }
0x3aa: {  	[sflag:s20] =	ssyncadd.s32 $0xFFFFC000  }
0x3ab: {  	_ =	swait.ge [sflag:s20], $0x4000  }
0x3ac: {  	[sflag:s20] =	ssyncset.done $0x0  }
0x3ad: {  	[sflag:s20] =	ssyncadd.s32 $0xFFFFC000  }
0x3ae: {  	s24 =	simm.s32 $0x0;
	_ =	swait.ge [sflag:s20], $0x4000  }
0x3af: {  	s7 =	sand.u32 $0x60, s24;
	s8 =	sand.u32 $0x3C00, s23;
	[sflag:s20] =	ssyncset.done $0x0  }
0x3b0: {  	s2 =	sor.u32 s7, s8;
	[sflag:s20] =	ssyncadd.s32 $0xFFFFC000  }
0x3b1: {  	v0 =	vld [tilespmem:s2+$0x14010];
	_ =	sdelay $0x2  }
0x3b2: {  	v1 =	vld [tilespmem:s2+$0x14000]  }
0x3b3: {  	s0 =	sor.u32 $0x4010, s2  }
0x3b4: {  	s9 =	sor.u32 $0xC010, s2;
	[tilespmem:s0+$0x0] =	vst.add.f32.msk $0xffff, v0  }
0x3b5: {  	[tilespmem:s9+$0x0] =	vst.add.f32.msk $0xffff, v0  }
0x3b6: {  	s10 =	sor.u32 $0x4000, s2;
	v0 =	vld [tilespmem:s2+$0x14090]  }
0x3b7: {  	s11 =	sor.u32 $0xC000, s2;
	[tilespmem:s10+$0x0] =	vst.add.f32.msk $0xffff, v1  }
0x3b8: {  	[tilespmem:s11+$0x0] =	vst.add.f32.msk $0xffff, v1  }
0x3b9: {  	v1 =	vld [tilespmem:s2+$0x14080]  }
0x3ba: {  	s12 =	sor.u32 $0x4090, s2  }
0x3bb: {  	s25 =	sor.u32 $0xC090, s2;
	[tilespmem:s12+$0x0] =	vst.add.f32.msk $0xffff, v0  }
0x3bc: {  	[tilespmem:s25+$0x0] =	vst.add.f32.msk $0xffff, v0  }
0x3bd: {  	s26 =	sor.u32 $0x4080, s2;
	v0 =	vld [tilespmem:s2+$0x14110]  }
0x3be: {  	s30 =	sor.u32 $0xC080, s2;
	[tilespmem:s26+$0x0] =	vst.add.f32.msk $0xffff, v1  }
0x3bf: {  	[tilespmem:s30+$0x0] =	vst.add.f32.msk $0xffff, v1  }
0x3c0: {  	v1 =	vld [tilespmem:s2+$0x14100]  }
0x3c1: {  	s31 =	sor.u32 $0x4110, s2  }
0x3c2: {  	s3 =	sor.u32 $0xC110, s2;
	[tilespmem:s31+$0x0] =	vst.add.f32.msk $0xffff, v0  }
0x3c3: {  	[tilespmem:s3+$0x0] =	vst.add.f32.msk $0xffff, v0  }
0x3c4: {  	s4 =	sor.u32 $0x4100, s2;
	v0 =	vld [tilespmem:s2+$0x14190]  }
0x3c5: {  	s5 =	sor.u32 $0xC100, s2;
	[tilespmem:s4+$0x0] =	vst.add.f32.msk $0xffff, v1  }
0x3c6: {  	[tilespmem:s5+$0x0] =	vst.add.f32.msk $0xffff, v1  }
0x3c7: {  	v1 =	vld [tilespmem:s2+$0x14180]  }
0x3c8: {  	s6 =	sor.u32 $0x4190, s2  }
0x3c9: {  	s7 =	sor.u32 $0xC190, s2;
	[tilespmem:s6+$0x0] =	vst.add.f32.msk $0xffff, v0  }
0x3ca: {  	[tilespmem:s7+$0x0] =	vst.add.f32.msk $0xffff, v0  }
0x3cb: {  	s8 =	sor.u32 $0x4180, s2;
	v0 =	vld [tilespmem:s2+$0x14210]  }
0x3cc: {  	s9 =	sor.u32 $0xC180, s2;
	[tilespmem:s8+$0x0] =	vst.add.f32.msk $0xffff, v1  }
0x3cd: {  	[tilespmem:s9+$0x0] =	vst.add.f32.msk $0xffff, v1  }
0x3ce: {  	v1 =	vld [tilespmem:s2+$0x14200]  }
0x3cf: {  	s10 =	sor.u32 $0x4210, s2  }
0x3d0: {  	s11 =	sor.u32 $0xC210, s2;
	[tilespmem:s10+$0x0] =	vst.add.f32.msk $0xffff, v0  }
0x3d1: {  	[tilespmem:s11+$0x0] =	vst.add.f32.msk $0xffff, v0  }
0x3d2: {  	s12 =	sor.u32 $0x4200, s2;
	v2 =	vld [tilespmem:s2+$0x14290]  }
0x3d3: {  	s25 =	sor.u32 $0xC200, s2;
	[tilespmem:s12+$0x0] =	vst.add.f32.msk $0xffff, v1  }
0x3d4: {  	s26 =	sand.u32 $0x3, s23;
	[tilespmem:s25+$0x0] =	vst.add.f32.msk $0xffff, v1  }
0x3d5: {  	s0 =	sshll.u32 s26, $0x5;
	v0 =	vld [tilespmem:s2+$0x14280]  }
0x3d6: {  	s30 =	sor.u32 $0x4290, s2;
	s4 =	sadd.s32 $0x0, s0  }
0x3d7: {  	s31 =	sor.u32 $0xC290, s2;
	s0 =	sadd.s32 $0x10, s4;
	[tilespmem:s30+$0x0] =	vst.add.f32.msk $0xffff, v2  }
0x3d8: {  	s29 =	sor.u32 $0x4280, s2;
	s28 =	sor.u32 $0xC280, s2;
	s2 =	sor.u32 $0x4300, s0;
	[tilespmem:s31+$0x0] =	vst.add.f32.msk $0xffff, v2  }
0x3d9: {  	s3 =	sor.u32 $0x4300, s4;
	s26 =	sor.u32 $0x4380, s4;
	s25 =	simm.s32 $0x0;
	v1 =	vld [tilespmem:s2+$0x10000]  }
.LBB2_16:
0x3da: {  	s24 =	sadd.s32 $0x20, s24;
	[tilespmem:s29+$0x0] =	vst.add.f32.msk $0xffff, v0;
	s23 =	sadd.s32 $0x100, s23  }
0x3db: {  	s4 =	sand.u32 $0x60, s24;
	s5 =	sand.u32 $0x3C00, s23;
	p0 =	slt.u32 s24, $0x7E0;
	[tilespmem:s28+$0x0] =	vst.add.f32.msk $0xffff, v0  }
0x3dc: {  	s30 =	sor.u32 s4, s5;
	v0 =	vld [tilespmem:s3+$0x10000]  }
0x3dd: {  	s6 =	sor.u32 $0x4000, s30;
	s7 =	sor.u32 $0xC000, s30;
	s8 =	sor.u32 $0x4080, s30;
	v2 =	vld [tilespmem:s30+$0x14010]  }
0x3de: {  	s9 =	sor.u32 $0xC080, s30;
	s10 =	sor.u32 $0x4100, s30;
	s11 =	sor.u32 $0xC100, s30;
	[tilespmem:s2+$0x0] =	vst.add.f32.msk $0xffff, v1  }
0x3df: {  	s31 =	sor.u32 $0x4380, s0;
	s5 =	sor.u32 $0x4180, s30;
	s4 =	sor.u32 $0xC180, s30;
	[tilespmem:s2+$0x8000] =	vst.add.f32.msk $0xffff, v1  }
0x3e0: {  	s0 =	sor.u32 $0xC200, s30;
	s29 =	sor.u32 $0x4280, s30;
	s2 =	sor.u32 $0x4200, s30;
	v1 =	vld [tilespmem:s31+$0x10000]  }
0x3e1: {  	s28 =	sor.u32 $0xC280, s30;
	v3 =	vld [tilespmem:s30+$0x14000]  }
0x3e2: {  	s12 =	sor.u32 $0x4010, s30;
	[tilespmem:s3+$0x0] =	vst.add.f32.msk $0xffff, v0  }
0x3e3: {  	[tilespmem:s12+$0x0] =	vst.add.f32.msk $0xffff, v2;
	s12 =	sor.u32 $0xC010, s30  }
0x3e4: {  	[tilespmem:s12+$0x0] =	vst.add.f32.msk $0xffff, v2  }
0x3e5: {  	[tilespmem:s31+$0x8000] =	vst.add.f32.msk $0xffff, v1  }
0x3e6: {  	v2 =	vld [tilespmem:s30+$0x14090]  }
0x3e7: {  	[tilespmem:s6+$0x0] =	vst.add.f32.msk $0xffff, v3  }
0x3e8: {  	[tilespmem:s7+$0x0] =	vst.add.f32.msk $0xffff, v3  }
0x3e9: {  	v3 =	vld [tilespmem:s30+$0x14080]  }
0x3ea: {  	s6 =	sor.u32 $0x4090, s30;
	[tilespmem:s3+$0x8000] =	vst.add.f32.msk $0xffff, v0  }
0x3eb: {  	s3 =	sor.u32 $0xC090, s30;
	[tilespmem:s6+$0x0] =	vst.add.f32.msk $0xffff, v2  }
0x3ec: {  	[tilespmem:s3+$0x0] =	vst.add.f32.msk $0xffff, v2  }
0x3ed: {  	v0 =	vld [tilespmem:s30+$0x14110]  }
0x3ee: {  	[tilespmem:s8+$0x0] =	vst.add.f32.msk $0xffff, v3  }
0x3ef: {  	[tilespmem:s9+$0x0] =	vst.add.f32.msk $0xffff, v3  }
0x3f0: {  	v2 =	vld [tilespmem:s30+$0x14100]  }
0x3f1: {  	s3 =	sor.u32 $0x4110, s30;
	v3 =	vld [tilespmem:s26+$0x10000]  }
0x3f2: {  	[tilespmem:s3+$0x0] =	vst.add.f32.msk $0xffff, v0;
	s3 =	sor.u32 $0xC110, s30  }
0x3f3: {  	[tilespmem:s3+$0x0] =	vst.add.f32.msk $0xffff, v0  }
0x3f4: {  	v0 =	vld [tilespmem:s30+$0x14190]  }
0x3f5: {  	[tilespmem:s10+$0x0] =	vst.add.f32.msk $0xffff, v2  }
0x3f6: {  	[tilespmem:s11+$0x0] =	vst.add.f32.msk $0xffff, v2  }
0x3f7: {  	v2 =	vld [tilespmem:s30+$0x14180]  }
0x3f8: {  	s3 =	sor.u32 $0x4190, s30;
	[tilespmem:s26+$0x0] =	vst.add.f32.msk $0xffff, v3  }
0x3f9: {  	[tilespmem:s3+$0x0] =	vst.add.f32.msk $0xffff, v0;
	s3 =	sor.u32 $0xC190, s30  }
0x3fa: {  	[tilespmem:s3+$0x0] =	vst.add.f32.msk $0xffff, v0  }
0x3fb: {  	v0 =	vld [tilespmem:s30+$0x14210]  }
0x3fc: {  	[tilespmem:s5+$0x0] =	vst.add.f32.msk $0xffff, v2  }
0x3fd: {  	[tilespmem:s4+$0x0] =	vst.add.f32.msk $0xffff, v2  }
0x3fe: {  	v2 =	vld [tilespmem:s30+$0x14200]  }
0x3ff: {  	s3 =	sor.u32 $0x4210, s30;
	[tilespmem:s26+$0x8000] =	vst.add.f32.msk $0xffff, v3  }
0x400: {  	[tilespmem:s3+$0x0] =	vst.add.f32.msk $0xffff, v0;
	s3 =	sor.u32 $0xC210, s30  }
0x401: {  	[tilespmem:s3+$0x0] =	vst.add.f32.msk $0xffff, v0  }
0x402: {  	v3 =	vld [tilespmem:s30+$0x14290]  }
0x403: {  	s25 =	sadd.s32 $0x1, s25;
	[tilespmem:s2+$0x0] =	vst.add.f32.msk $0xffff, v2  }
0x404: {  	s2 =	sand.u32 $0x3, s25;
	[tilespmem:s0+$0x0] =	vst.add.f32.msk $0xffff, v2  }
.Ltmp7:
0x405: {  	s0 =	sshll.u32 s2, $0x5;
	v0 =	vld [tilespmem:s30+$0x14280];
	(pc) =	sbr.rel @p0 .LBB2_16-.Ltmp7, $4  }
0x406: {  	s2 =	sadd.s32 s0, s23;
	s0 =	sor.u32 $0x4290, s30;
	[tilespmem:s31+$0x0] =	vst.add.f32.msk $0xffff, v1  }
0x407: {  	s4 =	sor.u32 $0xC290, s30;
	s3 =	sor.u32 $0x4300, s2;
	[tilespmem:s0+$0x0] =	vst.add.f32.msk $0xffff, v3;
	s0 =	sadd.s32 $0x10, s2  }
0x408: {  	s26 =	sor.u32 $0x4380, s2;
	[tilespmem:s4+$0x0] =	vst.add.f32.msk $0xffff, v3;
	s2 =	sor.u32 $0x4300, s0  }
0x409: {  	v1 =	vld [tilespmem:s2+$0x10000]  }
0x40a: {  	[tilespmem:s29+$0x0] =	vst.add.f32.msk $0xffff, v0  }
0x40b: {  	[tilespmem:s28+$0x0] =	vst.add.f32.msk $0xffff, v0  }
0x40c: {  	v0 =	vld [tilespmem:s3+$0x10000];
	_ =	sdelay $0x1  }
0x40d: {  	[tilespmem:s2+$0x0] =	vst.add.f32.msk $0xffff, v1  }
0x40e: {  	s0 =	sor.u32 $0x4380, s0;
	[tilespmem:s2+$0x8000] =	vst.add.f32.msk $0xffff, v1  }
0x40f: {  	v1 =	vld [tilespmem:s0+$0x10000]  }
0x410: {  	[tilespmem:s3+$0x0] =	vst.add.f32.msk $0xffff, v0  }
0x411: {  	[tilespmem:s3+$0x8000] =	vst.add.f32.msk $0xffff, v0  }
0x412: {  	v0 =	vld [tilespmem:s26+$0x10000];
	_ =	sdelay $0x2  }
0x413: {  	[tilespmem:s0+$0x8000] =	vst.add.f32.msk $0xffff, v1  }
0x414: {  	[tilespmem:s0+$0x0] =	vst.add.f32.msk $0xffff, v1  }
0x415: {  	[tilespmem:s26+$0x0] =	vst.add.f32.msk $0xffff, v0  }
0x416: {  	[tilespmem:s26+$0x8000] =	vst.add.f32.msk $0xffff, v0  }
0x417: {  	s0 =	sld [smem:$0x7FB];
	_ =	sdelay $0x1  }
0x418: {  	s30 =	sld [smem:$0x7FC]  }
0x419: {  	[hbm4b:s0+s1] =	stream.linear.scatter [tilespmem:s16], [sflag:$0x4], $0x4000, $0x38;
	[tilespmem:$0x18000] =	vst v63  }
0x41a: {  	_ = 	snop  }
0x41b: {  	[hbm4b:s30+s1] =	stream.linear.scatter [tilespmem:s17], [sflag:$0x4], $0x4000, $0x38;
	[tilespmem:$0x18000] =	vst v63  }
0x41c: {  	_ =	swait.ge [sflag:s19], $0x4000  }
0x41d: {  	[sflag:s19] =	ssyncset.done $0x0  }
0x41e: {  	[sflag:s19] =	ssyncadd.s32 $0xFFFFC000  }
0x41f: {  	_ =	swait.ge [sflag:s19], $0x4000  }
0x420: {  	[sflag:s19] =	ssyncset.done $0x0  }
0x421: {  	[sflag:s19] =	ssyncadd.s32 $0xFFFFC000  }
0x422: {  	_ =	swait.ge [sflag:s21], $0x4000  }
0x423: {  	[sflag:s21] =	ssyncset.done $0x0  }
0x424: {  	[sflag:s21] =	ssyncadd.s32 $0xFFFFC000  }
0x425: {  	_ =	swait.ge [sflag:s21], $0x4000  }
0x426: {  	s31 =	sld [smem:$0x7FD];
	_ =	sdelay $0x1  }
0x427: {  	s22 =	sadd.s32 $0x1, s22  }
0x428: {  	p0 =	sne.s32 s22, s31  }
.Ltmp8:
0x429: {  	_ = 	snop;
	(pc) =	sbr.rel @p0 .LBB2_1-.Ltmp8, $3  }
0x42a: {  	_ =	sdelay $0x1  }
0x42b: {  	[sflag:s21] =	ssyncset.done $0x0  }
0x42c: {  	[sflag:s21] =	ssyncadd.s32 $0xFFFFC000  }
0x42d: {  	_ =	sfence.sel $0x180000  }
0x42e: {  	[bflag:$0x0] =	sbarrier.arrive $0xFFFF  }
0x42f: {  	_ =	strace $0x90000047  }
0x430: {  	s0 =	stileid.u32;
	[bflag:$0x2] =	sbarrier.arrive $0xFFFF  }
0x431: {  	p0 =	sne.s32 s0, $0x0;
	s0 =	rddreg [dreg:$0x3]  }
0x432: {  	s0 =	sadd.s32 @!p0 $0x100000, s0  }
0x433: {  	[sflag:s0] =	ssyncadd.tile.s32 @!p0 $0x1;
	_ =	shalt  }
.Lfunc_end2:
_tile_overlayer_lowered:
.L_overlay_start_2:
0x434: {  	(tag) =	ssettag $0x2  }
0x435: {  	s0 =	rddreg [dreg:$0x0];
	s2 =	stileid.u32  }
0x436: {  	s1 =	rddreg [dreg:$0x1];
	p0 =	sne.s32 s2, $0x0  }
0x437: {  	s3 =	rddreg [dreg:$0x2];
	[bflag:$0x3] =	sbarrier.arrive $0xFFFF;
	s2 =	simm.s32 @!p0 $0x1C05  }
0x438: {  	[timem:s3], [sflag:s2] =	dma.local @!p0 [hbm:s0], s1  }
0x439: {  	s0 =	simm.s32 @!p0 $0x5  }
0x43a: {  	_ =	swait.ge @!p0 [sflag:s0], s1  }
0x43b: {  	s1 =	ssub.s32 @!p0 $0x0, s1;
	[sflag:s0] =	ssyncset.done @!p0 $0x0  }
0x43c: {  	[sflag:s0] =	ssyncadd.s32 @!p0 s1  }
0x43d: {  	[bflag:$0x3] =	sbarrier.arrive $0xFFFF  }
0x43e: {  	_ =	shalt  }

</sc_bundles>
